<compile_context>
chip_gen: v7x
topology: tpu7x:2x2x1
jax: 0.10.2.dev20260603
libtpu: 0.0.44.dev20260713+nightly
codegen_flags: <defaults>
</compile_context>

<pallas_src>
import functools

import jax
import jax.numpy as jnp
from jax import lax
from jax.experimental import pallas as pl
from jax.experimental.pallas import tpu as pltpu
from jax.experimental.pallas import tpu_sc as plsc

GRID = 8
GV = GRID ** 3
EPS = 1e-5
B = 32
N = 4096
F = 128


def _mlp_body(pts_ref, w1_ref, b1_ref, g1_ref, be1_ref, w2_ref, b2_ref,
              g2_ref, be2_ref, feat_ref):
    rs = jnp.float32(1.0) * jax.lax.rsqrt(jnp.float32(1.0 + EPS))
    s1 = g1_ref[...] * rs
    w1f = w1_ref[...] * s1
    b1f = b1_ref[...] * s1 + be1_ref[...]
    s2 = g2_ref[...] * rs
    w2f = w2_ref[...] * s2
    b2f = b2_ref[...] * s2 + be2_ref[...]
    p = pts_ref[...]
    x = jnp.dot(p, w1f, preferred_element_type=jnp.float32)
    x = jnp.maximum(x + b1f, 0.0)
    y = jnp.dot(x, w2f, preferred_element_type=jnp.float32)
    feat_ref[...] = jnp.maximum(y + b2f, 0.0)


def _point_mlp(points2d, w1, b1, g1, be1, w2, b2, g2, be2):
    full = lambda shape: pl.BlockSpec(shape, lambda b: tuple(0 for _ in shape))
    return pl.pallas_call(
        _mlp_body,
        grid=(B,),
        in_specs=[
            pl.BlockSpec((N, 3), lambda b: (b, 0)),
            full((3, 64)), full((1, 64)), full((1, 64)), full((1, 64)),
            full((64, 128)), full((1, 128)), full((1, 128)), full((1, 128)),
        ],
        out_specs=pl.BlockSpec((N, F), lambda b: (b, 0)),
        out_shape=jax.ShapeDtypeStruct((B * N, F), jnp.float32),
    )(points2d, w1, b1, g1, be1, w2, b2, g2, be2)


PCHUNK = 128
NCHUNK = N // PCHUNK
LANES = 16
FG = F // LANES


def _scatter_body(pts_ref, feat_ref, gf_ref, pts_v, fb0, fb1, sem0, sem1,
                  gf_v):
    fbufs = (fb0, fb1)
    sems = (sem0, sem1)

    wid = lax.axis_index("s") * 2 + lax.axis_index("c")

    pltpu.sync_copy(pts_ref.at[wid], pts_v)

    zeros = jnp.zeros((LANES,), jnp.float32)

    def _init_step(i, _):
        for j in range(FG):
            gf_v[pl.ds(i * F + j * LANES, LANES)] = zeros
        return _

    lax.fori_loop(0, GV, _init_step, None)

    def _start(k, par):
        off = pl.multiple_of((wid * N + k * PCHUNK) * F, PCHUNK * F)
        pltpu.make_async_copy(
            feat_ref.at[pl.ds(off, PCHUNK * F)],
            fbufs[par], sems[par]).start()

    _start(0, 0)
    _start(1, 1)

    cmax = jnp.full((LANES,), GRID - 1, jnp.int32)
    czero = jnp.zeros((LANES,), jnp.int32)
    scale = jnp.full((LANES,), jnp.float32(GRID - 1e-5), jnp.float32)

    def _chunk2_step(k2, _):
        for par in range(2):
            k = k2 * 2 + par
            buf, sem = fbufs[par], sems[par]
            pltpu.make_async_copy(
                feat_ref.at[pl.ds(0, PCHUNK * F)], buf, sem).wait()

            def _group_step(g, _):
                gbase = k * PCHUNK + g * LANES

                def cell(comp):
                    v = pts_v[pl.ds(comp * N + gbase, LANES)]
                    t = ((v + 1.0) * 0.5) * scale
                    return jnp.minimum(jnp.maximum(t.astype(jnp.int32),
                                                   czero), cmax)

                cvec = (cell(0) * (GRID * GRID) + cell(1) * GRID
                        + cell(2)) * F
                for t in range(LANES):
                    c = pl.multiple_of(cvec[t], F)
                    pbase = (g * LANES + t) * F
                    fs = [buf[pl.ds(pbase + j * LANES, LANES)]
                          for j in range(FG)]
                    gcur = [gf_v[pl.ds(c + j * LANES, LANES)]
                            for j in range(FG)]
                    for j in range(FG):
                        gf_v[pl.ds(c + j * LANES, LANES)] = jnp.maximum(
                            gcur[j], fs[j])
                return _

            lax.fori_loop(0, PCHUNK // LANES, _group_step, None)

            @pl.when(k + 2 < NCHUNK)
            def _():
                _start(k + 2, par)
        return _

    lax.fori_loop(0, NCHUNK // 2, _chunk2_step, None)

    pltpu.sync_copy(gf_v, gf_ref.at[wid])


def _sc_grid_pool(pts, feat):
    return pl.kernel(
        _scatter_body,
        out_type=jax.ShapeDtypeStruct((B, GV * F), jnp.float32),
        mesh=plsc.VectorSubcoreMesh(core_axis_name="c", subcore_axis_name="s"),
        scratch_types=(
            [pltpu.VMEM((3 * N,), jnp.float32)]
            + [pltpu.VMEM((PCHUNK * F,), jnp.float32)] * 2
            + [pltpu.SemaphoreType.DMA] * 2
            + [pltpu.VMEM((GV * F,), jnp.float32)]
        ),
    )(pts, feat)


KBLK = 4096
NKB = GV * F // KBLK


def _head_body(gf_ref, wf1_ref, bf1_ref, g3_ref, be3_ref, wf2_ref, bf2_ref,
               g4_ref, be4_ref, wf3_ref, bf3_ref, out_ref, acc_ref):
    k = pl.program_id(0)

    @pl.when(k == 0)
    def _():
        acc_ref[...] = jnp.zeros_like(acc_ref)

    acc_ref[...] += jnp.dot(gf_ref[...], wf1_ref[...],
                            preferred_element_type=jnp.float32)

    @pl.when(k == NKB - 1)
    def _():
        rs = jnp.float32(1.0) * jax.lax.rsqrt(jnp.float32(1.0 + EPS))
        s3 = g3_ref[...] * rs
        s4 = g4_ref[...] * rs
        h = jnp.maximum((acc_ref[...] + bf1_ref[...]) * s3 + be3_ref[...],
                        0.0)
        h2 = jnp.dot(h, wf2_ref[...], preferred_element_type=jnp.float32)
        h2 = jnp.maximum((h2 + bf2_ref[...]) * s4 + be4_ref[...], 0.0)
        out_ref[...] = jnp.dot(h2, wf3_ref[...],
                               preferred_element_type=jnp.float32) + bf3_ref[...]


def _head(gf, wf1, bf1, g3, be3, wf2, bf2, g4, be4, wf3, bf3):
    full = lambda shape: pl.BlockSpec(shape, lambda k: tuple(0 for _ in shape))
    return pl.pallas_call(
        _head_body,
        grid=(NKB,),
        in_specs=[
            pl.BlockSpec((B, KBLK), lambda k: (0, k)),
            pl.BlockSpec((KBLK, 512), lambda k: (k, 0)),
            full((1, 512)), full((1, 512)), full((1, 512)),
            full((512, 256)), full((1, 256)), full((1, 256)), full((1, 256)),
            full((256, 40)), full((1, 40)),
        ],
        out_specs=pl.BlockSpec((B, 40), lambda k: (0, 0)),
        out_shape=jax.ShapeDtypeStruct((B, 40), jnp.float32),
        scratch_shapes=[pltpu.VMEM((B, 512), jnp.float32)],
    )(gf, wf1, bf1, g3, be3, wf2, bf2, g4, be4, wf3, bf3)


def kernel(points, w1, b1, g1, be1, w2, b2, g2, be2,
           wf1, bf1, g3, be3, wf2, bf2, g4, be4, wf3, bf3):
    points2d = points.reshape(B * N, 3)
    feat = _point_mlp(points2d, w1, b1[None, :], g1[None, :], be1[None, :],
                      w2, b2[None, :], g2[None, :], be2[None, :])

    ptst = points.transpose(0, 2, 1).reshape(B, 3 * N)
    gf = _sc_grid_pool(ptst, feat.reshape(-1))

    return _head(gf, wf1, bf1[None, :], g3[None, :], be3[None, :], wf2,
                 bf2[None, :], g4[None, :], be4[None, :], wf3, bf3[None, :])

# --- scband reference (transcript-rebuilt; emitter-appended) ---
"""Pipeline reference for scband-simplified-point-net-46076409152323 (READ-ONLY COPY).

The authoritative reference and input builder live on the scoring server;
editing this copy changes nothing except your own understanding.
"""

import jax, jax.numpy as jnp
import numpy as np

GRID = 8
GV = GRID ** 3  # 512
EPS = 1e-5


def _bn_eval(x, gamma, beta):
    # BatchNorm1d in eval mode with fresh running stats (mean=0, var=1)
    return x * (gamma / jnp.sqrt(1.0 + EPS)) + beta


def setup_inputs(seed: int = 0) -> dict:
    key = jax.random.key(seed)
    ks = jax.random.split(key, 8)
    B, N = 32, 4096
    d = {}
    d['points'] = jax.random.uniform(ks[0], (B, N, 3), minval=-1.0, maxval=1.0, dtype=jnp.float32)
    d['w1'] = jax.random.normal(ks[1], (3, 64), dtype=jnp.float32) * 0.3
    d['b1'] = jnp.zeros((64,), jnp.float32)
    d['g1'] = jnp.ones((64,), jnp.float32)
    d['be1'] = jnp.zeros((64,), jnp.float32)
    d['w2'] = jax.random.normal(ks[2], (64, 128), dtype=jnp.float32) * 0.1
    d['b2'] = jnp.zeros((128,), jnp.float32)
    d['g2'] = jnp.ones((128,), jnp.float32)
    d['be2'] = jnp.zeros((128,), jnp.float32)
    d['wf1'] = jax.random.normal(ks[3], (GV * 128, 512), dtype=jnp.float32) * 0.004
    d['bf1'] = jnp.zeros((512,), jnp.float32)
    d['g3'] = jnp.ones((512,), jnp.float32)
    d['be3'] = jnp.zeros((512,), jnp.float32)
    d['wf2'] = jax.random.normal(ks[4], (512, 256), dtype=jnp.float32) * 0.04
    d['bf2'] = jnp.zeros((256,), jnp.float32)
    d['g4'] = jnp.ones((256,), jnp.float32)
    d['be4'] = jnp.zeros((256,), jnp.float32)
    d['wf3'] = jax.random.normal(ks[5], (256, 40), dtype=jnp.float32) * 0.06
    d['bf3'] = jnp.zeros((40,), jnp.float32)
    return d


def reference(points, w1, b1, g1, be1, w2, b2, g2, be2,
              wf1, bf1, g3, be3, wf2, bf2, g4, be4, wf3, bf3):
    B, N, _ = points.shape
    # point MLPs
    x = points @ w1 + b1
    x = _bn_eval(x, g1, be1)
    x = jax.nn.relu(x)
    x = x @ w2 + b2
    x = _bn_eval(x, g2, be2)
    point_features = jax.nn.relu(x)  # (B, N, 128)
    # grid pooling via segment_max (scatter_reduce amax, include_self=False)
    normalized = (points + 1.0) / 2.0
    grid_idx = (normalized * (GRID - 1e-5)).astype(jnp.int32)
    grid_idx = jnp.clip(grid_idx, 0, GRID - 1)
    flat_idx = grid_idx[..., 0] * GRID * GRID + grid_idx[..., 1] * GRID + grid_idx[..., 2]  # (B, N)
    seg = (flat_idx + jnp.arange(B, dtype=jnp.int32)[:, None] * GV).reshape(-1)
    gf = jax.ops.segment_max(point_features.reshape(B * N, -1), seg, num_segments=B * GV)
    gf = jnp.where(jnp.isinf(gf), jnp.zeros_like(gf), gf)  # empty cells -> 0
    x = gf.reshape(B, GV * 128)
    # classifier head (eval mode: dropout = identity)
    x = x @ wf1 + bf1
    x = _bn_eval(x, g3, be3)
    x = jax.nn.relu(x)
    x = x @ wf2 + bf2
    x = _bn_eval(x, g4, be4)
    x = jax.nn.relu(x)
    logits = x @ wf3 + bf3
    return logits

if __name__ == "__main__":
    import jax
    _d = setup_inputs()
    print(jax.jit(kernel)(*tuple(_d.values())))

</pallas_src>

<mosaic_0001>
#map = affine_map<(d0, d1) -> (0, 0)>
#map1 = affine_map<(d0, d1) -> (0)>
module attributes {stable_mosaic.version = 14 : i64} {
  func.func @_scatter_body(%arg0: i32, %arg1: i32, %arg2: memref<32x12288xf32, #tpu.memory_space<hbm>>, %arg3: memref<16777216xf32, #tpu.memory_space<hbm>>, %arg4: memref<32x65536xf32, #tpu.memory_space<hbm>>, %arg5: memref<12288xf32, #tpu.memory_space<vmem>>, %arg6: memref<16384xf32, #tpu.memory_space<vmem>>, %arg7: memref<16384xf32, #tpu.memory_space<vmem>>, %arg8: memref<!tpu.dma_semaphore, #tpu.memory_space<semaphore_mem>>, %arg9: memref<!tpu.dma_semaphore, #tpu.memory_space<semaphore_mem>>, %arg10: memref<65536xf32, #tpu.memory_space<vmem>>) attributes {dimension_semantics = [#tpu.dimension_semantics<core_parallel>, #tpu.dimension_semantics<subcore_parallel>], iteration_bounds = array<i64: 2, 16>, scalar_prefetch = 0 : i64, scratch_operands = 6 : i64, tpu.core_type = #tpu.core_type<sc_vector_subcore>, window_params = [{transform_indices = #map}, {transform_indices = #map1}, {transform_indices = #map}]} {
    %mul3A = arith.constant 2 : i32
    %mul3A_0 = arith.muli %arg1, %mul3A : i32
    %add3A = arith.addi %mul3A_0, %arg0 : i32
    "tpu.region"() ({
      %run_scoped3A = tpu.sem_alloc : memref<!tpu.dma_semaphore, #tpu.memory_space<semaphore_mem>>
      %dma_start3A_33 = arith.constant 0 : i32
      %dma_start3A_34 = tpu.memref_slice %arg2[%add3A, %dma_start3A_33] : memref<32x12288xf32, #tpu.memory_space<hbm>> -> memref<1x12288xf32, #tpu.memory_space<hbm>>
      %dma_start3A_35 = tpu.memref_squeeze %dma_start3A_34 : memref<1x12288xf32, #tpu.memory_space<hbm>> -> memref<12288xf32, #tpu.memory_space<hbm>>
      %dma_start3A_36 = arith.constant 0 : i32
      %dma_start3A_37 = tpu.memref_slice %arg2[%add3A, %dma_start3A_36] : memref<32x12288xf32, #tpu.memory_space<hbm>> -> memref<1x12288xf32, #tpu.memory_space<hbm>>
      %dma_start3A_38 = tpu.memref_squeeze %dma_start3A_37 : memref<1x12288xf32, #tpu.memory_space<hbm>> -> memref<12288xf32, #tpu.memory_space<hbm>>
      tpu.enqueue_dma source(%dma_start3A_38 : memref<12288xf32, #tpu.memory_space<hbm>>) target(%arg5 : memref<12288xf32, #tpu.memory_space<vmem>>) target_semaphore(%run_scoped3A : memref<!tpu.dma_semaphore, #tpu.memory_space<semaphore_mem>>)
      %dma_wait3A = arith.constant 0 : i32
      %dma_wait3A_39 = tpu.memref_slice %arg2[%add3A, %dma_wait3A] : memref<32x12288xf32, #tpu.memory_space<hbm>> -> memref<1x12288xf32, #tpu.memory_space<hbm>>
      %dma_wait3A_40 = tpu.memref_squeeze %dma_wait3A_39 : memref<1x12288xf32, #tpu.memory_space<hbm>> -> memref<12288xf32, #tpu.memory_space<hbm>>
      %dma_wait3A_41 = arith.constant 0 : i32
      %dma_wait3A_42 = tpu.memref_slice %arg2[%add3A, %dma_wait3A_41] : memref<32x12288xf32, #tpu.memory_space<hbm>> -> memref<1x12288xf32, #tpu.memory_space<hbm>>
      %dma_wait3A_43 = tpu.memref_squeeze %dma_wait3A_42 : memref<1x12288xf32, #tpu.memory_space<hbm>> -> memref<12288xf32, #tpu.memory_space<hbm>>
      tpu.wait_dma2 semaphore(%run_scoped3A : memref<!tpu.dma_semaphore, #tpu.memory_space<semaphore_mem>>) src(%dma_wait3A_43 : memref<12288xf32, #tpu.memory_space<hbm>>) dst(%arg5 : memref<12288xf32, #tpu.memory_space<vmem>>)
      tpu.yield
    }) : () -> ()
    %broadcast_in_dim3A = arith.constant 0.000000e+00 : f32
    %broadcast_in_dim3A_1 = vector.broadcast %broadcast_in_dim3A : f32 to vector<16xf32>
    %scan3A = arith.constant 0 : i32
    %scan3A_2 = arith.constant 512 : i32
    %scan3A_3 = arith.addi %scan3A, %scan3A_2 : i32
    %scan3A_4 = arith.constant 1 : i32
    scf.for %scan3A_33 = %scan3A to %scan3A_3 step %scan3A_4  : i32 {
      %mul3A_34 = arith.constant 128 : i32
      %mul3A_35 = arith.muli %scan3A_33, %mul3A_34 : i32
      %add3A_36 = arith.constant 0 : i32
      %add3A_37 = arith.addi %mul3A_35, %add3A_36 : i32
      %swap3A = arith.index_cast %add3A_37 : i32 to index
      %swap3A_38 = tpu.vector_load %arg10[%swap3A] {strides = array<i32>} : memref<65536xf32, #tpu.memory_space<vmem>>, vector<16xf32>,
      %swap3A_39 = vector.shape_cast %swap3A_38 : vector<16xf32> to vector<16xf32>
      %swap3A_40 = vector.shape_cast %broadcast_in_dim3A_1 : vector<16xf32> to vector<16xf32>
      tpu.vector_store %arg10[%swap3A], %swap3A_40 {strides = array<i32>} : memref<65536xf32, #tpu.memory_space<vmem>>, vector<16xf32>,
      %mul3A_41 = arith.constant 128 : i32
      %mul3A_42 = arith.muli %scan3A_33, %mul3A_41 : i32
      %add3A_43 = arith.constant 16 : i32
      %add3A_44 = arith.addi %mul3A_42, %add3A_43 : i32
      %swap3A_45 = arith.index_cast %add3A_44 : i32 to index
      %swap3A_46 = tpu.vector_load %arg10[%swap3A_45] {strides = array<i32>} : memref<65536xf32, #tpu.memory_space<vmem>>, vector<16xf32>,
      %swap3A_47 = vector.shape_cast %swap3A_46 : vector<16xf32> to vector<16xf32>
      %swap3A_48 = vector.shape_cast %broadcast_in_dim3A_1 : vector<16xf32> to vector<16xf32>
      tpu.vector_store %arg10[%swap3A_45], %swap3A_48 {strides = array<i32>} : memref<65536xf32, #tpu.memory_space<vmem>>, vector<16xf32>,
      %mul3A_49 = arith.constant 128 : i32
      %mul3A_50 = arith.muli %scan3A_33, %mul3A_49 : i32
      %add3A_51 = arith.constant 32 : i32
      %add3A_52 = arith.addi %mul3A_50, %add3A_51 : i32
      %swap3A_53 = arith.index_cast %add3A_52 : i32 to index
      %swap3A_54 = tpu.vector_load %arg10[%swap3A_53] {strides = array<i32>} : memref<65536xf32, #tpu.memory_space<vmem>>, vector<16xf32>,
      %swap3A_55 = vector.shape_cast %swap3A_54 : vector<16xf32> to vector<16xf32>
      %swap3A_56 = vector.shape_cast %broadcast_in_dim3A_1 : vector<16xf32> to vector<16xf32>
      tpu.vector_store %arg10[%swap3A_53], %swap3A_56 {strides = array<i32>} : memref<65536xf32, #tpu.memory_space<vmem>>, vector<16xf32>,
      %mul3A_57 = arith.constant 128 : i32
      %mul3A_58 = arith.muli %scan3A_33, %mul3A_57 : i32
      %add3A_59 = arith.constant 48 : i32
      %add3A_60 = arith.addi %mul3A_58, %add3A_59 : i32
      %swap3A_61 = arith.index_cast %add3A_60 : i32 to index
      %swap3A_62 = tpu.vector_load %arg10[%swap3A_61] {strides = array<i32>} : memref<65536xf32, #tpu.memory_space<vmem>>, vector<16xf32>,
      %swap3A_63 = vector.shape_cast %swap3A_62 : vector<16xf32> to vector<16xf32>
      %swap3A_64 = vector.shape_cast %broadcast_in_dim3A_1 : vector<16xf32> to vector<16xf32>
      tpu.vector_store %arg10[%swap3A_61], %swap3A_64 {strides = array<i32>} : memref<65536xf32, #tpu.memory_space<vmem>>, vector<16xf32>,
      %mul3A_65 = arith.constant 128 : i32
      %mul3A_66 = arith.muli %scan3A_33, %mul3A_65 : i32
      %add3A_67 = arith.constant 64 : i32
      %add3A_68 = arith.addi %mul3A_66, %add3A_67 : i32
      %swap3A_69 = arith.index_cast %add3A_68 : i32 to index
      %swap3A_70 = tpu.vector_load %arg10[%swap3A_69] {strides = array<i32>} : memref<65536xf32, #tpu.memory_space<vmem>>, vector<16xf32>,
      %swap3A_71 = vector.shape_cast %swap3A_70 : vector<16xf32> to vector<16xf32>
      %swap3A_72 = vector.shape_cast %broadcast_in_dim3A_1 : vector<16xf32> to vector<16xf32>
      tpu.vector_store %arg10[%swap3A_69], %swap3A_72 {strides = array<i32>} : memref<65536xf32, #tpu.memory_space<vmem>>, vector<16xf32>,
      %mul3A_73 = arith.constant 128 : i32
      %mul3A_74 = arith.muli %scan3A_33, %mul3A_73 : i32
      %add3A_75 = arith.constant 80 : i32
      %add3A_76 = arith.addi %mul3A_74, %add3A_75 : i32
      %swap3A_77 = arith.index_cast %add3A_76 : i32 to index
      %swap3A_78 = tpu.vector_load %arg10[%swap3A_77] {strides = array<i32>} : memref<65536xf32, #tpu.memory_space<vmem>>, vector<16xf32>,
      %swap3A_79 = vector.shape_cast %swap3A_78 : vector<16xf32> to vector<16xf32>
      %swap3A_80 = vector.shape_cast %broadcast_in_dim3A_1 : vector<16xf32> to vector<16xf32>
      tpu.vector_store %arg10[%swap3A_77], %swap3A_80 {strides = array<i32>} : memref<65536xf32, #tpu.memory_space<vmem>>, vector<16xf32>,
      %mul3A_81 = arith.constant 128 : i32
      %mul3A_82 = arith.muli %scan3A_33, %mul3A_81 : i32
      %add3A_83 = arith.constant 96 : i32
      %add3A_84 = arith.addi %mul3A_82, %add3A_83 : i32
      %swap3A_85 = arith.index_cast %add3A_84 : i32 to index
      %swap3A_86 = tpu.vector_load %arg10[%swap3A_85] {strides = array<i32>} : memref<65536xf32, #tpu.memory_space<vmem>>, vector<16xf32>,
      %swap3A_87 = vector.shape_cast %swap3A_86 : vector<16xf32> to vector<16xf32>
      %swap3A_88 = vector.shape_cast %broadcast_in_dim3A_1 : vector<16xf32> to vector<16xf32>
      tpu.vector_store %arg10[%swap3A_85], %swap3A_88 {strides = array<i32>} : memref<65536xf32, #tpu.memory_space<vmem>>, vector<16xf32>,
      %mul3A_89 = arith.constant 128 : i32
      %mul3A_90 = arith.muli %scan3A_33, %mul3A_89 : i32
      %add3A_91 = arith.constant 112 : i32
      %add3A_92 = arith.addi %mul3A_90, %add3A_91 : i32
      %swap3A_93 = arith.index_cast %add3A_92 : i32 to index
      %swap3A_94 = tpu.vector_load %arg10[%swap3A_93] {strides = array<i32>} : memref<65536xf32, #tpu.memory_space<vmem>>, vector<16xf32>,
      %swap3A_95 = vector.shape_cast %swap3A_94 : vector<16xf32> to vector<16xf32>
      %swap3A_96 = vector.shape_cast %broadcast_in_dim3A_1 : vector<16xf32> to vector<16xf32>
      tpu.vector_store %arg10[%swap3A_93], %swap3A_96 {strides = array<i32>} : memref<65536xf32, #tpu.memory_space<vmem>>, vector<16xf32>,
    }
    %scan3A_5 = arith.constant 512 : i32
    %mul3A_6 = arith.constant 4096 : i32
    %mul3A_7 = arith.muli %add3A, %mul3A_6 : i32
    %add3A_8 = arith.constant 0 : i32
    %add3A_9 = arith.addi %mul3A_7, %add3A_8 : i32
    %mul3A_10 = arith.constant 128 : i32
    %mul3A_11 = arith.muli %add3A_9, %mul3A_10 : i32
    %multiple_of3A = tpu.assume_multiple %mul3A_11, 16384 : i32
    %dma_start3A = tpu.memref_slice %arg3[%multiple_of3A] : memref<16777216xf32, #tpu.memory_space<hbm>> -> memref<16384xf32, #tpu.memory_space<hbm>>
    %dma_start3A_12 = tpu.memref_slice %arg3[%multiple_of3A] : memref<16777216xf32, #tpu.memory_space<hbm>> -> memref<16384xf32, #tpu.memory_space<hbm>>
    tpu.enqueue_dma source(%dma_start3A_12 : memref<16384xf32, #tpu.memory_space<hbm>>) target(%arg6 : memref<16384xf32, #tpu.memory_space<vmem>>) target_semaphore(%arg8 : memref<!tpu.dma_semaphore, #tpu.memory_space<semaphore_mem>>)
    %mul3A_13 = arith.constant 4096 : i32
    %mul3A_14 = arith.muli %add3A, %mul3A_13 : i32
    %add3A_15 = arith.constant 128 : i32
    %add3A_16 = arith.addi %mul3A_14, %add3A_15 : i32
    %mul3A_17 = arith.constant 128 : i32
    %mul3A_18 = arith.muli %add3A_16, %mul3A_17 : i32
    %multiple_of3A_19 = tpu.assume_multiple %mul3A_18, 16384 : i32
    %dma_start3A_20 = tpu.memref_slice %arg3[%multiple_of3A_19] : memref<16777216xf32, #tpu.memory_space<hbm>> -> memref<16384xf32, #tpu.memory_space<hbm>>
    %dma_start3A_21 = tpu.memref_slice %arg3[%multiple_of3A_19] : memref<16777216xf32, #tpu.memory_space<hbm>> -> memref<16384xf32, #tpu.memory_space<hbm>>
    tpu.enqueue_dma source(%dma_start3A_21 : memref<16384xf32, #tpu.memory_space<hbm>>) target(%arg7 : memref<16384xf32, #tpu.memory_space<vmem>>) target_semaphore(%arg9 : memref<!tpu.dma_semaphore, #tpu.memory_space<semaphore_mem>>)
    %broadcast_in_dim3A_22 = arith.constant 7 : i32
    %broadcast_in_dim3A_23 = vector.broadcast %broadcast_in_dim3A_22 : i32 to vector<16xi32>
    %broadcast_in_dim3A_24 = arith.constant 0 : i32
    %broadcast_in_dim3A_25 = vector.broadcast %broadcast_in_dim3A_24 : i32 to vector<16xi32>
    %broadcast_in_dim3A_26 = arith.constant 7.999990e+00 : f32
    %broadcast_in_dim3A_27 = vector.broadcast %broadcast_in_dim3A_26 : f32 to vector<16xf32>
    %scan3A_28 = arith.constant 0 : i32
    %scan3A_29 = arith.constant 16 : i32
    %scan3A_30 = arith.addi %scan3A_28, %scan3A_29 : i32
    %scan3A_31 = arith.constant 1 : i32
    scf.for %scan3A_33 = %scan3A_28 to %scan3A_30 step %scan3A_31  : i32 {
      %mul3A_34 = arith.constant 2 : i32
      %mul3A_35 = arith.muli %scan3A_33, %mul3A_34 : i32
      %add3A_36 = arith.constant 0 : i32
      %add3A_37 = arith.addi %mul3A_35, %add3A_36 : i32
      %dma_wait3A = arith.constant 0 : i32
      %dma_wait3A_38 = tpu.memref_slice %arg3[%dma_wait3A] : memref<16777216xf32, #tpu.memory_space<hbm>> -> memref<16384xf32, #tpu.memory_space<hbm>>
      %dma_wait3A_39 = arith.constant 0 : i32
      %dma_wait3A_40 = tpu.memref_slice %arg3[%dma_wait3A_39] : memref<16777216xf32, #tpu.memory_space<hbm>> -> memref<16384xf32, #tpu.memory_space<hbm>>
      tpu.wait_dma2 semaphore(%arg8 : memref<!tpu.dma_semaphore, #tpu.memory_space<semaphore_mem>>) src(%dma_wait3A_40 : memref<16384xf32, #tpu.memory_space<hbm>>) dst(%arg6 : memref<16384xf32, #tpu.memory_space<vmem>>)
      %scan3A_41 = arith.constant 0 : i32
      %scan3A_42 = arith.constant 8 : i32
      %scan3A_43 = arith.addi %scan3A_41, %scan3A_42 : i32
      %scan3A_44 = arith.constant 1 : i32
      scf.for %scan3A_70 = %scan3A_41 to %scan3A_43 step %scan3A_44  : i32 {
        %mul3A_71 = arith.constant 128 : i32
        %mul3A_72 = arith.muli %add3A_37, %mul3A_71 : i32
        %mul3A_73 = arith.constant 16 : i32
        %mul3A_74 = arith.muli %scan3A_70, %mul3A_73 : i32
        %add3A_75 = arith.addi %mul3A_72, %mul3A_74 : i32
        %add3A_76 = arith.constant 0 : i32
        %add3A_77 = arith.addi %add3A_76, %add3A_75 : i32
        %get3A = arith.index_cast %add3A_77 : i32 to index
        %get3A_78 = tpu.vector_load %arg5[%get3A] {strides = array<i32>} : memref<12288xf32, #tpu.memory_space<vmem>>, vector<16xf32>,
        %get3A_79 = vector.shape_cast %get3A_78 : vector<16xf32> to vector<16xf32>
        %add3A_80 = arith.constant 1.000000e+00 : f32
        %add3A_81 = vector.broadcast %add3A_80 : f32 to vector<16xf32>
        %add3A_82 = arith.addf %get3A_79, %add3A_81 : vector<16xf32>
        %mul3A_83 = arith.constant 5.000000e-01 : f32
        %mul3A_84 = vector.broadcast %mul3A_83 : f32 to vector<16xf32>
        %mul3A_85 = arith.mulf %add3A_82, %mul3A_84 : vector<16xf32>
        %mul3A_86 = arith.mulf %mul3A_85, %broadcast_in_dim3A_27 : vector<16xf32>
        %convert_element_type3A_87 = arith.fptosi %mul3A_86 : vector<16xf32> to vector<16xi32>
        %max3A = arith.maxsi %convert_element_type3A_87, %broadcast_in_dim3A_25 : vector<16xi32>
        %min3A = arith.minsi %max3A, %broadcast_in_dim3A_23 : vector<16xi32>
        %mul3A_88 = arith.constant 64 : i32
        %mul3A_89 = vector.broadcast %mul3A_88 : i32 to vector<16xi32>
        %mul3A_90 = arith.muli %min3A, %mul3A_89 : vector<16xi32>
        %add3A_91 = arith.constant 4096 : i32
        %add3A_92 = arith.addi %add3A_91, %add3A_75 : i32
        %get3A_93 = arith.index_cast %add3A_92 : i32 to index
        %get3A_94 = tpu.vector_load %arg5[%get3A_93] {strides = array<i32>} : memref<12288xf32, #tpu.memory_space<vmem>>, vector<16xf32>,
        %get3A_95 = vector.shape_cast %get3A_94 : vector<16xf32> to vector<16xf32>
        %add3A_96 = arith.constant 1.000000e+00 : f32
        %add3A_97 = vector.broadcast %add3A_96 : f32 to vector<16xf32>
        %add3A_98 = arith.addf %get3A_95, %add3A_97 : vector<16xf32>
        %mul3A_99 = arith.constant 5.000000e-01 : f32
        %mul3A_100 = vector.broadcast %mul3A_99 : f32 to vector<16xf32>
        %mul3A_101 = arith.mulf %add3A_98, %mul3A_100 : vector<16xf32>
        %mul3A_102 = arith.mulf %mul3A_101, %broadcast_in_dim3A_27 : vector<16xf32>
        %convert_element_type3A_103 = arith.fptosi %mul3A_102 : vector<16xf32> to vector<16xi32>
        %max3A_104 = arith.maxsi %convert_element_type3A_103, %broadcast_in_dim3A_25 : vector<16xi32>
        %min3A_105 = arith.minsi %max3A_104, %broadcast_in_dim3A_23 : vector<16xi32>
        %mul3A_106 = arith.constant 8 : i32
        %mul3A_107 = vector.broadcast %mul3A_106 : i32 to vector<16xi32>
        %mul3A_108 = arith.muli %min3A_105, %mul3A_107 : vector<16xi32>
        %add3A_109 = arith.addi %mul3A_90, %mul3A_108 : vector<16xi32>
        %add3A_110 = arith.constant 8192 : i32
        %add3A_111 = arith.addi %add3A_110, %add3A_75 : i32
        %get3A_112 = arith.index_cast %add3A_111 : i32 to index
        %get3A_113 = tpu.vector_load %arg5[%get3A_112] {strides = array<i32>} : memref<12288xf32, #tpu.memory_space<vmem>>, vector<16xf32>,
        %get3A_114 = vector.shape_cast %get3A_113 : vector<16xf32> to vector<16xf32>
        %add3A_115 = arith.constant 1.000000e+00 : f32
        %add3A_116 = vector.broadcast %add3A_115 : f32 to vector<16xf32>
        %add3A_117 = arith.addf %get3A_114, %add3A_116 : vector<16xf32>
        %mul3A_118 = arith.constant 5.000000e-01 : f32
        %mul3A_119 = vector.broadcast %mul3A_118 : f32 to vector<16xf32>
        %mul3A_120 = arith.mulf %add3A_117, %mul3A_119 : vector<16xf32>
        %mul3A_121 = arith.mulf %mul3A_120, %broadcast_in_dim3A_27 : vector<16xf32>
        %convert_element_type3A_122 = arith.fptosi %mul3A_121 : vector<16xf32> to vector<16xi32>
        %max3A_123 = arith.maxsi %convert_element_type3A_122, %broadcast_in_dim3A_25 : vector<16xi32>
        %min3A_124 = arith.minsi %max3A_123, %broadcast_in_dim3A_23 : vector<16xi32>
        %add3A_125 = arith.addi %add3A_109, %min3A_124 : vector<16xi32>
        %mul3A_126 = arith.constant 128 : i32
        %mul3A_127 = vector.broadcast %mul3A_126 : i32 to vector<16xi32>
        %mul3A_128 = arith.muli %add3A_125, %mul3A_127 : vector<16xi32>
        %slice3A = vector.extract_strided_slice %mul3A_128 {offsets = [0], sizes = [1], strides = [1]} : vector<16xi32> to vector<1xi32>
        %squeeze3A = vector.extract %slice3A[0] : i32 from vector<1xi32>
        %multiple_of3A_129 = tpu.assume_multiple %squeeze3A, 128 : i32
        %mul3A_130 = arith.constant 16 : i32
        %mul3A_131 = arith.muli %scan3A_70, %mul3A_130 : i32
        %add3A_132 = arith.constant 0 : i32
        %add3A_133 = arith.addi %mul3A_131, %add3A_132 : i32
        %mul3A_134 = arith.constant 128 : i32
        %mul3A_135 = arith.muli %add3A_133, %mul3A_134 : i32
        %add3A_136 = arith.constant 0 : i32
        %add3A_137 = arith.addi %mul3A_135, %add3A_136 : i32
        %get3A_138 = arith.index_cast %add3A_137 : i32 to index
        %get3A_139 = tpu.vector_load %arg6[%get3A_138] {strides = array<i32>} : memref<16384xf32, #tpu.memory_space<vmem>>, vector<16xf32>,
        %get3A_140 = vector.shape_cast %get3A_139 : vector<16xf32> to vector<16xf32>
        %add3A_141 = arith.constant 16 : i32
        %add3A_142 = arith.addi %mul3A_135, %add3A_141 : i32
        %get3A_143 = arith.index_cast %add3A_142 : i32 to index
        %get3A_144 = tpu.vector_load %arg6[%get3A_143] {strides = array<i32>} : memref<16384xf32, #tpu.memory_space<vmem>>, vector<16xf32>,
        %get3A_145 = vector.shape_cast %get3A_144 : vector<16xf32> to vector<16xf32>
        %add3A_146 = arith.constant 32 : i32
        %add3A_147 = arith.addi %mul3A_135, %add3A_146 : i32
        %get3A_148 = arith.index_cast %add3A_147 : i32 to index
        %get3A_149 = tpu.vector_load %arg6[%get3A_148] {strides = array<i32>} : memref<16384xf32, #tpu.memory_space<vmem>>, vector<16xf32>,
        %get3A_150 = vector.shape_cast %get3A_149 : vector<16xf32> to vector<16xf32>
        %add3A_151 = arith.constant 48 : i32
        %add3A_152 = arith.addi %mul3A_135, %add3A_151 : i32
        %get3A_153 = arith.index_cast %add3A_152 : i32 to index
        %get3A_154 = tpu.vector_load %arg6[%get3A_153] {strides = array<i32>} : memref<16384xf32, #tpu.memory_space<vmem>>, vector<16xf32>,
        %get3A_155 = vector.shape_cast %get3A_154 : vector<16xf32> to vector<16xf32>
        %add3A_156 = arith.constant 64 : i32
        %add3A_157 = arith.addi %mul3A_135, %add3A_156 : i32
        %get3A_158 = arith.index_cast %add3A_157 : i32 to index
        %get3A_159 = tpu.vector_load %arg6[%get3A_158] {strides = array<i32>} : memref<16384xf32, #tpu.memory_space<vmem>>, vector<16xf32>,
        %get3A_160 = vector.shape_cast %get3A_159 : vector<16xf32> to vector<16xf32>
        %add3A_161 = arith.constant 80 : i32
        %add3A_162 = arith.addi %mul3A_135, %add3A_161 : i32
        %get3A_163 = arith.index_cast %add3A_162 : i32 to index
        %get3A_164 = tpu.vector_load %arg6[%get3A_163] {strides = array<i32>} : memref<16384xf32, #tpu.memory_space<vmem>>, vector<16xf32>,
        %get3A_165 = vector.shape_cast %get3A_164 : vector<16xf32> to vector<16xf32>
        %add3A_166 = arith.constant 96 : i32
        %add3A_167 = arith.addi %mul3A_135, %add3A_166 : i32
        %get3A_168 = arith.index_cast %add3A_167 : i32 to index
        %get3A_169 = tpu.vector_load %arg6[%get3A_168] {strides = array<i32>} : memref<16384xf32, #tpu.memory_space<vmem>>, vector<16xf32>,
        %get3A_170 = vector.shape_cast %get3A_169 : vector<16xf32> to vector<16xf32>
        %add3A_171 = arith.constant 112 : i32
        %add3A_172 = arith.addi %mul3A_135, %add3A_171 : i32
        %get3A_173 = arith.index_cast %add3A_172 : i32 to index
        %get3A_174 = tpu.vector_load %arg6[%get3A_173] {strides = array<i32>} : memref<16384xf32, #tpu.memory_space<vmem>>, vector<16xf32>,
        %get3A_175 = vector.shape_cast %get3A_174 : vector<16xf32> to vector<16xf32>
        %add3A_176 = arith.constant 0 : i32
        %add3A_177 = arith.addi %multiple_of3A_129, %add3A_176 : i32
        %get3A_178 = arith.index_cast %add3A_177 : i32 to index
        %get3A_179 = tpu.vector_load %arg10[%get3A_178] {strides = array<i32>} : memref<65536xf32, #tpu.memory_space<vmem>>, vector<16xf32>,
        %get3A_180 = vector.shape_cast %get3A_179 : vector<16xf32> to vector<16xf32>
        %add3A_181 = arith.constant 16 : i32
        %add3A_182 = arith.addi %multiple_of3A_129, %add3A_181 : i32
        %get3A_183 = arith.index_cast %add3A_182 : i32 to index
        %get3A_184 = tpu.vector_load %arg10[%get3A_183] {strides = array<i32>} : memref<65536xf32, #tpu.memory_space<vmem>>, vector<16xf32>,
        %get3A_185 = vector.shape_cast %get3A_184 : vector<16xf32> to vector<16xf32>
        %add3A_186 = arith.constant 32 : i32
        %add3A_187 = arith.addi %multiple_of3A_129, %add3A_186 : i32
        %get3A_188 = arith.index_cast %add3A_187 : i32 to index
        %get3A_189 = tpu.vector_load %arg10[%get3A_188] {strides = array<i32>} : memref<65536xf32, #tpu.memory_space<vmem>>, vector<16xf32>,
        %get3A_190 = vector.shape_cast %get3A_189 : vector<16xf32> to vector<16xf32>
        %add3A_191 = arith.constant 48 : i32
        %add3A_192 = arith.addi %multiple_of3A_129, %add3A_191 : i32
        %get3A_193 = arith.index_cast %add3A_192 : i32 to index
        %get3A_194 = tpu.vector_load %arg10[%get3A_193] {strides = array<i32>} : memref<65536xf32, #tpu.memory_space<vmem>>, vector<16xf32>,
        %get3A_195 = vector.shape_cast %get3A_194 : vector<16xf32> to vector<16xf32>
        %add3A_196 = arith.constant 64 : i32
        %add3A_197 = arith.addi %multiple_of3A_129, %add3A_196 : i32
        %get3A_198 = arith.index_cast %add3A_197 : i32 to index
        %get3A_199 = tpu.vector_load %arg10[%get3A_198] {strides = array<i32>} : memref<65536xf32, #tpu.memory_space<vmem>>, vector<16xf32>,
        %get3A_200 = vector.shape_cast %get3A_199 : vector<16xf32> to vector<16xf32>
        %add3A_201 = arith.constant 80 : i32
        %add3A_202 = arith.addi %multiple_of3A_129, %add3A_201 : i32
        %get3A_203 = arith.index_cast %add3A_202 : i32 to index
        %get3A_204 = tpu.vector_load %arg10[%get3A_203] {strides = array<i32>} : memref<65536xf32, #tpu.memory_space<vmem>>, vector<16xf32>,
        %get3A_205 = vector.shape_cast %get3A_204 : vector<16xf32> to vector<16xf32>
        %add3A_206 = arith.constant 96 : i32
        %add3A_207 = arith.addi %multiple_of3A_129, %add3A_206 : i32
        %get3A_208 = arith.index_cast %add3A_207 : i32 to index
        %get3A_209 = tpu.vector_load %arg10[%get3A_208] {strides = array<i32>} : memref<65536xf32, #tpu.memory_space<vmem>>, vector<16xf32>,
        %get3A_210 = vector.shape_cast %get3A_209 : vector<16xf32> to vector<16xf32>
        %add3A_211 = arith.constant 112 : i32
        %add3A_212 = arith.addi %multiple_of3A_129, %add3A_211 : i32
        %get3A_213 = arith.index_cast %add3A_212 : i32 to index
        %get3A_214 = tpu.vector_load %arg10[%get3A_213] {strides = array<i32>} : memref<65536xf32, #tpu.memory_space<vmem>>, vector<16xf32>,
        %get3A_215 = vector.shape_cast %get3A_214 : vector<16xf32> to vector<16xf32>
        %max3A_216 = arith.maximumf %get3A_180, %get3A_140 : vector<16xf32>
        %add3A_217 = arith.constant 0 : i32
        %add3A_218 = arith.addi %multiple_of3A_129, %add3A_217 : i32
        %swap3A = arith.index_cast %add3A_218 : i32 to index
        %swap3A_219 = tpu.vector_load %arg10[%swap3A] {strides = array<i32>} : memref<65536xf32, #tpu.memory_space<vmem>>, vector<16xf32>,
        %swap3A_220 = vector.shape_cast %swap3A_219 : vector<16xf32> to vector<16xf32>
        %swap3A_221 = vector.shape_cast %max3A_216 : vector<16xf32> to vector<16xf32>
        tpu.vector_store %arg10[%swap3A], %swap3A_221 {strides = array<i32>} : memref<65536xf32, #tpu.memory_space<vmem>>, vector<16xf32>,
        %max3A_222 = arith.maximumf %get3A_185, %get3A_145 : vector<16xf32>
        %add3A_223 = arith.constant 16 : i32
        %add3A_224 = arith.addi %multiple_of3A_129, %add3A_223 : i32
        %swap3A_225 = arith.index_cast %add3A_224 : i32 to index
        %swap3A_226 = tpu.vector_load %arg10[%swap3A_225] {strides = array<i32>} : memref<65536xf32, #tpu.memory_space<vmem>>, vector<16xf32>,
        %swap3A_227 = vector.shape_cast %swap3A_226 : vector<16xf32> to vector<16xf32>
        %swap3A_228 = vector.shape_cast %max3A_222 : vector<16xf32> to vector<16xf32>
        tpu.vector_store %arg10[%swap3A_225], %swap3A_228 {strides = array<i32>} : memref<65536xf32, #tpu.memory_space<vmem>>, vector<16xf32>,
        %max3A_229 = arith.maximumf %get3A_190, %get3A_150 : vector<16xf32>
        %add3A_230 = arith.constant 32 : i32
        %add3A_231 = arith.addi %multiple_of3A_129, %add3A_230 : i32
        %swap3A_232 = arith.index_cast %add3A_231 : i32 to index
        %swap3A_233 = tpu.vector_load %arg10[%swap3A_232] {strides = array<i32>} : memref<65536xf32, #tpu.memory_space<vmem>>, vector<16xf32>,
        %swap3A_234 = vector.shape_cast %swap3A_233 : vector<16xf32> to vector<16xf32>
        %swap3A_235 = vector.shape_cast %max3A_229 : vector<16xf32> to vector<16xf32>
        tpu.vector_store %arg10[%swap3A_232], %swap3A_235 {strides = array<i32>} : memref<65536xf32, #tpu.memory_space<vmem>>, vector<16xf32>,
        %max3A_236 = arith.maximumf %get3A_195, %get3A_155 : vector<16xf32>
        %add3A_237 = arith.constant 48 : i32
        %add3A_238 = arith.addi %multiple_of3A_129, %add3A_237 : i32
        %swap3A_239 = arith.index_cast %add3A_238 : i32 to index
        %swap3A_240 = tpu.vector_load %arg10[%swap3A_239] {strides = array<i32>} : memref<65536xf32, #tpu.memory_space<vmem>>, vector<16xf32>,
        %swap3A_241 = vector.shape_cast %swap3A_240 : vector<16xf32> to vector<16xf32>
        %swap3A_242 = vector.shape_cast %max3A_236 : vector<16xf32> to vector<16xf32>
        tpu.vector_store %arg10[%swap3A_239], %swap3A_242 {strides = array<i32>} : memref<65536xf32, #tpu.memory_space<vmem>>, vector<16xf32>,
        %max3A_243 = arith.maximumf %get3A_200, %get3A_160 : vector<16xf32>
        %add3A_244 = arith.constant 64 : i32
        %add3A_245 = arith.addi %multiple_of3A_129, %add3A_244 : i32
        %swap3A_246 = arith.index_cast %add3A_245 : i32 to index
        %swap3A_247 = tpu.vector_load %arg10[%swap3A_246] {strides = array<i32>} : memref<65536xf32, #tpu.memory_space<vmem>>, vector<16xf32>,
        %swap3A_248 = vector.shape_cast %swap3A_247 : vector<16xf32> to vector<16xf32>
        %swap3A_249 = vector.shape_cast %max3A_243 : vector<16xf32> to vector<16xf32>
        tpu.vector_store %arg10[%swap3A_246], %swap3A_249 {strides = array<i32>} : memref<65536xf32, #tpu.memory_space<vmem>>, vector<16xf32>,
        %max3A_250 = arith.maximumf %get3A_205, %get3A_165 : vector<16xf32>
        %add3A_251 = arith.constant 80 : i32
        %add3A_252 = arith.addi %multiple_of3A_129, %add3A_251 : i32
        %swap3A_253 = arith.index_cast %add3A_252 : i32 to index
        %swap3A_254 = tpu.vector_load %arg10[%swap3A_253] {strides = array<i32>} : memref<65536xf32, #tpu.memory_space<vmem>>, vector<16xf32>,
        %swap3A_255 = vector.shape_cast %swap3A_254 : vector<16xf32> to vector<16xf32>
        %swap3A_256 = vector.shape_cast %max3A_250 : vector<16xf32> to vector<16xf32>
        tpu.vector_store %arg10[%swap3A_253], %swap3A_256 {strides = array<i32>} : memref<65536xf32, #tpu.memory_space<vmem>>, vector<16xf32>,
        %max3A_257 = arith.maximumf %get3A_210, %get3A_170 : vector<16xf32>
        %add3A_258 = arith.constant 96 : i32
        %add3A_259 = arith.addi %multiple_of3A_129, %add3A_258 : i32
        %swap3A_260 = arith.index_cast %add3A_259 : i32 to index
        %swap3A_261 = tpu.vector_load %arg10[%swap3A_260] {strides = array<i32>} : memref<65536xf32, #tpu.memory_space<vmem>>, vector<16xf32>,
        %swap3A_262 = vector.shape_cast %swap3A_261 : vector<16xf32> to vector<16xf32>
        %swap3A_263 = vector.shape_cast %max3A_257 : vector<16xf32> to vector<16xf32>
        tpu.vector_store %arg10[%swap3A_260], %swap3A_263 {strides = array<i32>} : memref<65536xf32, #tpu.memory_space<vmem>>, vector<16xf32>,
        %max3A_264 = arith.maximumf %get3A_215, %get3A_175 : vector<16xf32>
        %add3A_265 = arith.constant 112 : i32
        %add3A_266 = arith.addi %multiple_of3A_129, %add3A_265 : i32
        %swap3A_267 = arith.index_cast %add3A_266 : i32 to index
        %swap3A_268 = tpu.vector_load %arg10[%swap3A_267] {strides = array<i32>} : memref<65536xf32, #tpu.memory_space<vmem>>, vector<16xf32>,
        %swap3A_269 = vector.shape_cast %swap3A_268 : vector<16xf32> to vector<16xf32>
        %swap3A_270 = vector.shape_cast %max3A_264 : vector<16xf32> to vector<16xf32>
        tpu.vector_store %arg10[%swap3A_267], %swap3A_270 {strides = array<i32>} : memref<65536xf32, #tpu.memory_space<vmem>>, vector<16xf32>,
        %slice3A_271 = vector.extract_strided_slice %mul3A_128 {offsets = [1], sizes = [1], strides = [1]} : vector<16xi32> to vector<1xi32>
        %squeeze3A_272 = vector.extract %slice3A_271[0] : i32 from vector<1xi32>
        %multiple_of3A_273 = tpu.assume_multiple %squeeze3A_272, 128 : i32
        %mul3A_274 = arith.constant 16 : i32
        %mul3A_275 = arith.muli %scan3A_70, %mul3A_274 : i32
        %add3A_276 = arith.constant 1 : i32
        %add3A_277 = arith.addi %mul3A_275, %add3A_276 : i32
        %mul3A_278 = arith.constant 128 : i32
        %mul3A_279 = arith.muli %add3A_277, %mul3A_278 : i32
        %add3A_280 = arith.constant 0 : i32
        %add3A_281 = arith.addi %mul3A_279, %add3A_280 : i32
        %get3A_282 = arith.index_cast %add3A_281 : i32 to index
        %get3A_283 = tpu.vector_load %arg6[%get3A_282] {strides = array<i32>} : memref<16384xf32, #tpu.memory_space<vmem>>, vector<16xf32>,
        %get3A_284 = vector.shape_cast %get3A_283 : vector<16xf32> to vector<16xf32>
        %add3A_285 = arith.constant 16 : i32
        %add3A_286 = arith.addi %mul3A_279, %add3A_285 : i32
        %get3A_287 = arith.index_cast %add3A_286 : i32 to index
        %get3A_288 = tpu.vector_load %arg6[%get3A_287] {strides = array<i32>} : memref<16384xf32, #tpu.memory_space<vmem>>, vector<16xf32>,
        %get3A_289 = vector.shape_cast %get3A_288 : vector<16xf32> to vector<16xf32>
        %add3A_290 = arith.constant 32 : i32
        %add3A_291 = arith.addi %mul3A_279, %add3A_290 : i32
        %get3A_292 = arith.index_cast %add3A_291 : i32 to index
        %get3A_293 = tpu.vector_load %arg6[%get3A_292] {strides = array<i32>} : memref<16384xf32, #tpu.memory_space<vmem>>, vector<16xf32>,
        %get3A_294 = vector.shape_cast %get3A_293 : vector<16xf32> to vector<16xf32>
        %add3A_295 = arith.constant 48 : i32
        %add3A_296 = arith.addi %mul3A_279, %add3A_295 : i32
        %get3A_297 = arith.index_cast %add3A_296 : i32 to index
        %get3A_298 = tpu.vector_load %arg6[%get3A_297] {strides = array<i32>} : memref<16384xf32, #tpu.memory_space<vmem>>, vector<16xf32>,
        %get3A_299 = vector.shape_cast %get3A_298 : vector<16xf32> to vector<16xf32>
        %add3A_300 = arith.constant 64 : i32
        %add3A_301 = arith.addi %mul3A_279, %add3A_300 : i32
        %get3A_302 = arith.index_cast %add3A_301 : i32 to index
        %get3A_303 = tpu.vector_load %arg6[%get3A_302] {strides = array<i32>} : memref<16384xf32, #tpu.memory_space<vmem>>, vector<16xf32>,
        %get3A_304 = vector.shape_cast %get3A_303 : vector<16xf32> to vector<16xf32>
        %add3A_305 = arith.constant 80 : i32
        %add3A_306 = arith.addi %mul3A_279, %add3A_305 : i32
        %get3A_307 = arith.index_cast %add3A_306 : i32 to index
        %get3A_308 = tpu.vector_load %arg6[%get3A_307] {strides = array<i32>} : memref<16384xf32, #tpu.memory_space<vmem>>, vector<16xf32>,
        %get3A_309 = vector.shape_cast %get3A_308 : vector<16xf32> to vector<16xf32>
        %add3A_310 = arith.constant 96 : i32
        %add3A_311 = arith.addi %mul3A_279, %add3A_310 : i32
        %get3A_312 = arith.index_cast %add3A_311 : i32 to index
        %get3A_313 = tpu.vector_load %arg6[%get3A_312] {strides = array<i32>} : memref<16384xf32, #tpu.memory_space<vmem>>, vector<16xf32>,
        %get3A_314 = vector.shape_cast %get3A_313 : vector<16xf32> to vector<16xf32>
        %add3A_315 = arith.constant 112 : i32
        %add3A_316 = arith.addi %mul3A_279, %add3A_315 : i32
        %get3A_317 = arith.index_cast %add3A_316 : i32 to index
        %get3A_318 = tpu.vector_load %arg6[%get3A_317] {strides = array<i32>} : memref<16384xf32, #tpu.memory_space<vmem>>, vector<16xf32>,
        %get3A_319 = vector.shape_cast %get3A_318 : vector<16xf32> to vector<16xf32>
        %add3A_320 = arith.constant 0 : i32
        %add3A_321 = arith.addi %multiple_of3A_273, %add3A_320 : i32
        %get3A_322 = arith.index_cast %add3A_321 : i32 to index
        %get3A_323 = tpu.vector_load %arg10[%get3A_322] {strides = array<i32>} : memref<65536xf32, #tpu.memory_space<vmem>>, vector<16xf32>,
        %get3A_324 = vector.shape_cast %get3A_323 : vector<16xf32> to vector<16xf32>
        %add3A_325 = arith.constant 16 : i32
        %add3A_326 = arith.addi %multiple_of3A_273, %add3A_325 : i32
        %get3A_327 = arith.index_cast %add3A_326 : i32 to index
        %get3A_328 = tpu.vector_load %arg10[%get3A_327] {strides = array<i32>} : memref<65536xf32, #tpu.memory_space<vmem>>, vector<16xf32>,
        %get3A_329 = vector.shape_cast %get3A_328 : vector<16xf32> to vector<16xf32>
        %add3A_330 = arith.constant 32 : i32
        %add3A_331 = arith.addi %multiple_of3A_273, %add3A_330 : i32
        %get3A_332 = arith.index_cast %add3A_331 : i32 to index
        %get3A_333 = tpu.vector_load %arg10[%get3A_332] {strides = array<i32>} : memref<65536xf32, #tpu.memory_space<vmem>>, vector<16xf32>,
        %get3A_334 = vector.shape_cast %get3A_333 : vector<16xf32> to vector<16xf32>
        %add3A_335 = arith.constant 48 : i32
        %add3A_336 = arith.addi %multiple_of3A_273, %add3A_335 : i32
        %get3A_337 = arith.index_cast %add3A_336 : i32 to index
        %get3A_338 = tpu.vector_load %arg10[%get3A_337] {strides = array<i32>} : memref<65536xf32, #tpu.memory_space<vmem>>, vector<16xf32>,
        %get3A_339 = vector.shape_cast %get3A_338 : vector<16xf32> to vector<16xf32>
        %add3A_340 = arith.constant 64 : i32
        %add3A_341 = arith.addi %multiple_of3A_273, %add3A_340 : i32
        %get3A_342 = arith.index_cast %add3A_341 : i32 to index
        %get3A_343 = tpu.vector_load %arg10[%get3A_342] {strides = array<i32>} : memref<65536xf32, #tpu.memory_space<vmem>>, vector<16xf32>,
        %get3A_344 = vector.shape_cast %get3A_343 : vector<16xf32> to vector<16xf32>
        %add3A_345 = arith.constant 80 : i32
        %add3A_346 = arith.addi %multiple_of3A_273, %add3A_345 : i32
        %get3A_347 = arith.index_cast %add3A_346 : i32 to index
        %get3A_348 = tpu.vector_load %arg10[%get3A_347] {strides = array<i32>} : memref<65536xf32, #tpu.memory_space<vmem>>, vector<16xf32>,
        %get3A_349 = vector.shape_cast %get3A_348 : vector<16xf32> to vector<16xf32>
        %add3A_350 = arith.constant 96 : i32
        %add3A_351 = arith.addi %multiple_of3A_273, %add3A_350 : i32
        %get3A_352 = arith.index_cast %add3A_351 : i32 to index
        %get3A_353 = tpu.vector_load %arg10[%get3A_352] {strides = array<i32>} : memref<65536xf32, #tpu.memory_space<vmem>>, vector<16xf32>,
        %get3A_354 = vector.shape_cast %get3A_353 : vector<16xf32> to vector<16xf32>
        %add3A_355 = arith.constant 112 : i32
        %add3A_356 = arith.addi %multiple_of3A_273, %add3A_355 : i32
        %get3A_357 = arith.index_cast %add3A_356 : i32 to index
        %get3A_358 = tpu.vector_load %arg10[%get3A_357] {strides = array<i32>} : memref<65536xf32, #tpu.memory_space<vmem>>, vector<16xf32>,
        %get3A_359 = vector.shape_cast %get3A_358 : vector<16xf32> to vector<16xf32>
        %max3A_360 = arith.maximumf %get3A_324, %get3A_284 : vector<16xf32>
        %add3A_361 = arith.constant 0 : i32
        %add3A_362 = arith.addi %multiple_of3A_273, %add3A_361 : i32
        %swap3A_363 = arith.index_cast %add3A_362 : i32 to index
        %swap3A_364 = tpu.vector_load %arg10[%swap3A_363] {strides = array<i32>} : memref<65536xf32, #tpu.memory_space<vmem>>, vector<16xf32>,
        %swap3A_365 = vector.shape_cast %swap3A_364 : vector<16xf32> to vector<16xf32>
        %swap3A_366 = vector.shape_cast %max3A_360 : vector<16xf32> to vector<16xf32>
        tpu.vector_store %arg10[%swap3A_363], %swap3A_366 {strides = array<i32>} : memref<65536xf32, #tpu.memory_space<vmem>>, vector<16xf32>,
        %max3A_367 = arith.maximumf %get3A_329, %get3A_289 : vector<16xf32>
        %add3A_368 = arith.constant 16 : i32
        %add3A_369 = arith.addi %multiple_of3A_273, %add3A_368 : i32
        %swap3A_370 = arith.index_cast %add3A_369 : i32 to index
        %swap3A_371 = tpu.vector_load %arg10[%swap3A_370] {strides = array<i32>} : memref<65536xf32, #tpu.memory_space<vmem>>, vector<16xf32>,
        %swap3A_372 = vector.shape_cast %swap3A_371 : vector<16xf32> to vector<16xf32>
        %swap3A_373 = vector.shape_cast %max3A_367 : vector<16xf32> to vector<16xf32>
        tpu.vector_store %arg10[%swap3A_370], %swap3A_373 {strides = array<i32>} : memref<65536xf32, #tpu.memory_space<vmem>>, vector<16xf32>,
        %max3A_374 = arith.maximumf %get3A_334, %get3A_294 : vector<16xf32>
        %add3A_375 = arith.constant 32 : i32
        %add3A_376 = arith.addi %multiple_of3A_273, %add3A_375 : i32
        %swap3A_377 = arith.index_cast %add3A_376 : i32 to index
        %swap3A_378 = tpu.vector_load %arg10[%swap3A_377] {strides = array<i32>} : memref<65536xf32, #tpu.memory_space<vmem>>, vector<16xf32>,
        %swap3A_379 = vector.shape_cast %swap3A_378 : vector<16xf32> to vector<16xf32>
        %swap3A_380 = vector.shape_cast %max3A_374 : vector<16xf32> to vector<16xf32>
        tpu.vector_store %arg10[%swap3A_377], %swap3A_380 {strides = array<i32>} : memref<65536xf32, #tpu.memory_space<vmem>>, vector<16xf32>,
        %max3A_381 = arith.maximumf %get3A_339, %get3A_299 : vector<16xf32>
        %add3A_382 = arith.constant 48 : i32
        %add3A_383 = arith.addi %multiple_of3A_273, %add3A_382 : i32
        %swap3A_384 = arith.index_cast %add3A_383 : i32 to index
        %swap3A_385 = tpu.vector_load %arg10[%swap3A_384] {strides = array<i32>} : memref<65536xf32, #tpu.memory_space<vmem>>, vector<16xf32>,
        %swap3A_386 = vector.shape_cast %swap3A_385 : vector<16xf32> to vector<16xf32>
        %swap3A_387 = vector.shape_cast %max3A_381 : vector<16xf32> to vector<16xf32>
        tpu.vector_store %arg10[%swap3A_384], %swap3A_387 {strides = array<i32>} : memref<65536xf32, #tpu.memory_space<vmem>>, vector<16xf32>,
        %max3A_388 = arith.maximumf %get3A_344, %get3A_304 : vector<16xf32>
        %add3A_389 = arith.constant 64 : i32
        %add3A_390 = arith.addi %multiple_of3A_273, %add3A_389 : i32
        %swap3A_391 = arith.index_cast %add3A_390 : i32 to index
        %swap3A_392 = tpu.vector_load %arg10[%swap3A_391] {strides = array<i32>} : memref<65536xf32, #tpu.memory_space<vmem>>, vector<16xf32>,
        %swap3A_393 = vector.shape_cast %swap3A_392 : vector<16xf32> to vector<16xf32>
        %swap3A_394 = vector.shape_cast %max3A_388 : vector<16xf32> to vector<16xf32>
        tpu.vector_store %arg10[%swap3A_391], %swap3A_394 {strides = array<i32>} : memref<65536xf32, #tpu.memory_space<vmem>>, vector<16xf32>,
        %max3A_395 = arith.maximumf %get3A_349, %get3A_309 : vector<16xf32>
        %add3A_396 = arith.constant 80 : i32
        %add3A_397 = arith.addi %multiple_of3A_273, %add3A_396 : i32
        %swap3A_398 = arith.index_cast %add3A_397 : i32 to index
        %swap3A_399 = tpu.vector_load %arg10[%swap3A_398] {strides = array<i32>} : memref<65536xf32, #tpu.memory_space<vmem>>, vector<16xf32>,
        %swap3A_400 = vector.shape_cast %swap3A_399 : vector<16xf32> to vector<16xf32>
        %swap3A_401 = vector.shape_cast %max3A_395 : vector<16xf32> to vector<16xf32>
        tpu.vector_store %arg10[%swap3A_398], %swap3A_401 {strides = array<i32>} : memref<65536xf32, #tpu.memory_space<vmem>>, vector<16xf32>,
        %max3A_402 = arith.maximumf %get3A_354, %get3A_314 : vector<16xf32>
        %add3A_403 = arith.constant 96 : i32
        %add3A_404 = arith.addi %multiple_of3A_273, %add3A_403 : i32
        %swap3A_405 = arith.index_cast %add3A_404 : i32 to index
        %swap3A_406 = tpu.vector_load %arg10[%swap3A_405] {strides = array<i32>} : memref<65536xf32, #tpu.memory_space<vmem>>, vector<16xf32>,
        %swap3A_407 = vector.shape_cast %swap3A_406 : vector<16xf32> to vector<16xf32>
        %swap3A_408 = vector.shape_cast %max3A_402 : vector<16xf32> to vector<16xf32>
        tpu.vector_store %arg10[%swap3A_405], %swap3A_408 {strides = array<i32>} : memref<65536xf32, #tpu.memory_space<vmem>>, vector<16xf32>,
        %max3A_409 = arith.maximumf %get3A_359, %get3A_319 : vector<16xf32>
        %add3A_410 = arith.constant 112 : i32
        %add3A_411 = arith.addi %multiple_of3A_273, %add3A_410 : i32
        %swap3A_412 = arith.index_cast %add3A_411 : i32 to index
        %swap3A_413 = tpu.vector_load %arg10[%swap3A_412] {strides = array<i32>} : memref<65536xf32, #tpu.memory_space<vmem>>, vector<16xf32>,
        %swap3A_414 = vector.shape_cast %swap3A_413 : vector<16xf32> to vector<16xf32>
        %swap3A_415 = vector.shape_cast %max3A_409 : vector<16xf32> to vector<16xf32>
        tpu.vector_store %arg10[%swap3A_412], %swap3A_415 {strides = array<i32>} : memref<65536xf32, #tpu.memory_space<vmem>>, vector<16xf32>,
        %slice3A_416 = vector.extract_strided_slice %mul3A_128 {offsets = [2], sizes = [1], strides = [1]} : vector<16xi32> to vector<1xi32>
        %squeeze3A_417 = vector.extract %slice3A_416[0] : i32 from vector<1xi32>
        %multiple_of3A_418 = tpu.assume_multiple %squeeze3A_417, 128 : i32
        %mul3A_419 = arith.constant 16 : i32
        %mul3A_420 = arith.muli %scan3A_70, %mul3A_419 : i32
        %add3A_421 = arith.constant 2 : i32
        %add3A_422 = arith.addi %mul3A_420, %add3A_421 : i32
        %mul3A_423 = arith.constant 128 : i32
        %mul3A_424 = arith.muli %add3A_422, %mul3A_423 : i32
        %add3A_425 = arith.constant 0 : i32
        %add3A_426 = arith.addi %mul3A_424, %add3A_425 : i32
        %get3A_427 = arith.index_cast %add3A_426 : i32 to index
        %get3A_428 = tpu.vector_load %arg6[%get3A_427] {strides = array<i32>} : memref<16384xf32, #tpu.memory_space<vmem>>, vector<16xf32>,
        %get3A_429 = vector.shape_cast %get3A_428 : vector<16xf32> to vector<16xf32>
        %add3A_430 = arith.constant 16 : i32
        %add3A_431 = arith.addi %mul3A_424, %add3A_430 : i32
        %get3A_432 = arith.index_cast %add3A_431 : i32 to index
        %get3A_433 = tpu.vector_load %arg6[%get3A_432] {strides = array<i32>} : memref<16384xf32, #tpu.memory_space<vmem>>, vector<16xf32>,
        %get3A_434 = vector.shape_cast %get3A_433 : vector<16xf32> to vector<16xf32>
        %add3A_435 = arith.constant 32 : i32
        %add3A_436 = arith.addi %mul3A_424, %add3A_435 : i32
        %get3A_437 = arith.index_cast %add3A_436 : i32 to index
        %get3A_438 = tpu.vector_load %arg6[%get3A_437] {strides = array<i32>} : memref<16384xf32, #tpu.memory_space<vmem>>, vector<16xf32>,
        %get3A_439 = vector.shape_cast %get3A_438 : vector<16xf32> to vector<16xf32>
        %add3A_440 = arith.constant 48 : i32
        %add3A_441 = arith.addi %mul3A_424, %add3A_440 : i32
        %get3A_442 = arith.index_cast %add3A_441 : i32 to index
        %get3A_443 = tpu.vector_load %arg6[%get3A_442] {strides = array<i32>} : memref<16384xf32, #tpu.memory_space<vmem>>, vector<16xf32>,
        %get3A_444 = vector.shape_cast %get3A_443 : vector<16xf32> to vector<16xf32>
        %add3A_445 = arith.constant 64 : i32
        %add3A_446 = arith.addi %mul3A_424, %add3A_445 : i32
        %get3A_447 = arith.index_cast %add3A_446 : i32 to index
        %get3A_448 = tpu.vector_load %arg6[%get3A_447] {strides = array<i32>} : memref<16384xf32, #tpu.memory_space<vmem>>, vector<16xf32>,
        %get3A_449 = vector.shape_cast %get3A_448 : vector<16xf32> to vector<16xf32>
        %add3A_450 = arith.constant 80 : i32
        %add3A_451 = arith.addi %mul3A_424, %add3A_450 : i32
        %get3A_452 = arith.index_cast %add3A_451 : i32 to index
        %get3A_453 = tpu.vector_load %arg6[%get3A_452] {strides = array<i32>} : memref<16384xf32, #tpu.memory_space<vmem>>, vector<16xf32>,
        %get3A_454 = vector.shape_cast %get3A_453 : vector<16xf32> to vector<16xf32>
        %add3A_455 = arith.constant 96 : i32
        %add3A_456 = arith.addi %mul3A_424, %add3A_455 : i32
        %get3A_457 = arith.index_cast %add3A_456 : i32 to index
        %get3A_458 = tpu.vector_load %arg6[%get3A_457] {strides = array<i32>} : memref<16384xf32, #tpu.memory_space<vmem>>, vector<16xf32>,
        %get3A_459 = vector.shape_cast %get3A_458 : vector<16xf32> to vector<16xf32>
        %add3A_460 = arith.constant 112 : i32
        %add3A_461 = arith.addi %mul3A_424, %add3A_460 : i32
        %get3A_462 = arith.index_cast %add3A_461 : i32 to index
        %get3A_463 = tpu.vector_load %arg6[%get3A_462] {strides = array<i32>} : memref<16384xf32, #tpu.memory_space<vmem>>, vector<16xf32>,
        %get3A_464 = vector.shape_cast %get3A_463 : vector<16xf32> to vector<16xf32>
        %add3A_465 = arith.constant 0 : i32
        %add3A_466 = arith.addi %multiple_of3A_418, %add3A_465 : i32
        %get3A_467 = arith.index_cast %add3A_466 : i32 to index
        %get3A_468 = tpu.vector_load %arg10[%get3A_467] {strides = array<i32>} : memref<65536xf32, #tpu.memory_space<vmem>>, vector<16xf32>,
        %get3A_469 = vector.shape_cast %get3A_468 : vector<16xf32> to vector<16xf32>
        %add3A_470 = arith.constant 16 : i32
        %add3A_471 = arith.addi %multiple_of3A_418, %add3A_470 : i32
        %get3A_472 = arith.index_cast %add3A_471 : i32 to index
        %get3A_473 = tpu.vector_load %arg10[%get3A_472] {strides = array<i32>} : memref<65536xf32, #tpu.memory_space<vmem>>, vector<16xf32>,
        %get3A_474 = vector.shape_cast %get3A_473 : vector<16xf32> to vector<16xf32>
        %add3A_475 = arith.constant 32 : i32
        %add3A_476 = arith.addi %multiple_of3A_418, %add3A_475 : i32
        %get3A_477 = arith.index_cast %add3A_476 : i32 to index
        %get3A_478 = tpu.vector_load %arg10[%get3A_477] {strides = array<i32>} : memref<65536xf32, #tpu.memory_space<vmem>>, vector<16xf32>,
        %get3A_479 = vector.shape_cast %get3A_478 : vector<16xf32> to vector<16xf32>
        %add3A_480 = arith.constant 48 : i32
        %add3A_481 = arith.addi %multiple_of3A_418, %add3A_480 : i32
        %get3A_482 = arith.index_cast %add3A_481 : i32 to index
        %get3A_483 = tpu.vector_load %arg10[%get3A_482] {strides = array<i32>} : memref<65536xf32, #tpu.memory_space<vmem>>, vector<16xf32>,
        %get3A_484 = vector.shape_cast %get3A_483 : vector<16xf32> to vector<16xf32>
        %add3A_485 = arith.constant 64 : i32
        %add3A_486 = arith.addi %multiple_of3A_418, %add3A_485 : i32
        %get3A_487 = arith.index_cast %add3A_486 : i32 to index
        %get3A_488 = tpu.vector_load %arg10[%get3A_487] {strides = array<i32>} : memref<65536xf32, #tpu.memory_space<vmem>>, vector<16xf32>,
        %get3A_489 = vector.shape_cast %get3A_488 : vector<16xf32> to vector<16xf32>
        %add3A_490 = arith.constant 80 : i32
        %add3A_491 = arith.addi %multiple_of3A_418, %add3A_490 : i32
        %get3A_492 = arith.index_cast %add3A_491 : i32 to index
        %get3A_493 = tpu.vector_load %arg10[%get3A_492] {strides = array<i32>} : memref<65536xf32, #tpu.memory_space<vmem>>, vector<16xf32>,
        %get3A_494 = vector.shape_cast %get3A_493 : vector<16xf32> to vector<16xf32>
        %add3A_495 = arith.constant 96 : i32
        %add3A_496 = arith.addi %multiple_of3A_418, %add3A_495 : i32
        %get3A_497 = arith.index_cast %add3A_496 : i32 to index
        %get3A_498 = tpu.vector_load %arg10[%get3A_497] {strides = array<i32>} : memref<65536xf32, #tpu.memory_space<vmem>>, vector<16xf32>,
        %get3A_499 = vector.shape_cast %get3A_498 : vector<16xf32> to vector<16xf32>
        %add3A_500 = arith.constant 112 : i32
        %add3A_501 = arith.addi %multiple_of3A_418, %add3A_500 : i32
        %get3A_502 = arith.index_cast %add3A_501 : i32 to index
        %get3A_503 = tpu.vector_load %arg10[%get3A_502] {strides = array<i32>} : memref<65536xf32, #tpu.memory_space<vmem>>, vector<16xf32>,
        %get3A_504 = vector.shape_cast %get3A_503 : vector<16xf32> to vector<16xf32>
        %max3A_505 = arith.maximumf %get3A_469, %get3A_429 : vector<16xf32>
        %add3A_506 = arith.constant 0 : i32
        %add3A_507 = arith.addi %multiple_of3A_418, %add3A_506 : i32
        %swap3A_508 = arith.index_cast %add3A_507 : i32 to index
        %swap3A_509 = tpu.vector_load %arg10[%swap3A_508] {strides = array<i32>} : memref<65536xf32, #tpu.memory_space<vmem>>, vector<16xf32>,
        %swap3A_510 = vector.shape_cast %swap3A_509 : vector<16xf32> to vector<16xf32>
        %swap3A_511 = vector.shape_cast %max3A_505 : vector<16xf32> to vector<16xf32>
        tpu.vector_store %arg10[%swap3A_508], %swap3A_511 {strides = array<i32>} : memref<65536xf32, #tpu.memory_space<vmem>>, vector<16xf32>,
        %max3A_512 = arith.maximumf %get3A_474, %get3A_434 : vector<16xf32>
        %add3A_513 = arith.constant 16 : i32
        %add3A_514 = arith.addi %multiple_of3A_418, %add3A_513 : i32
        %swap3A_515 = arith.index_cast %add3A_514 : i32 to index
        %swap3A_516 = tpu.vector_load %arg10[%swap3A_515] {strides = array<i32>} : memref<65536xf32, #tpu.memory_space<vmem>>, vector<16xf32>,
        %swap3A_517 = vector.shape_cast %swap3A_516 : vector<16xf32> to vector<16xf32>
        %swap3A_518 = vector.shape_cast %max3A_512 : vector<16xf32> to vector<16xf32>
        tpu.vector_store %arg10[%swap3A_515], %swap3A_518 {strides = array<i32>} : memref<65536xf32, #tpu.memory_space<vmem>>, vector<16xf32>,
        %max3A_519 = arith.maximumf %get3A_479, %get3A_439 : vector<16xf32>
        %add3A_520 = arith.constant 32 : i32
        %add3A_521 = arith.addi %multiple_of3A_418, %add3A_520 : i32
        %swap3A_522 = arith.index_cast %add3A_521 : i32 to index
        %swap3A_523 = tpu.vector_load %arg10[%swap3A_522] {strides = array<i32>} : memref<65536xf32, #tpu.memory_space<vmem>>, vector<16xf32>,
        %swap3A_524 = vector.shape_cast %swap3A_523 : vector<16xf32> to vector<16xf32>
        %swap3A_525 = vector.shape_cast %max3A_519 : vector<16xf32> to vector<16xf32>
        tpu.vector_store %arg10[%swap3A_522], %swap3A_525 {strides = array<i32>} : memref<65536xf32, #tpu.memory_space<vmem>>, vector<16xf32>,
        %max3A_526 = arith.maximumf %get3A_484, %get3A_444 : vector<16xf32>
        %add3A_527 = arith.constant 48 : i32
        %add3A_528 = arith.addi %multiple_of3A_418, %add3A_527 : i32
        %swap3A_529 = arith.index_cast %add3A_528 : i32 to index
        %swap3A_530 = tpu.vector_load %arg10[%swap3A_529] {strides = array<i32>} : memref<65536xf32, #tpu.memory_space<vmem>>, vector<16xf32>,
        %swap3A_531 = vector.shape_cast %swap3A_530 : vector<16xf32> to vector<16xf32>
        %swap3A_532 = vector.shape_cast %max3A_526 : vector<16xf32> to vector<16xf32>
        tpu.vector_store %arg10[%swap3A_529], %swap3A_532 {strides = array<i32>} : memref<65536xf32, #tpu.memory_space<vmem>>, vector<16xf32>,
        %max3A_533 = arith.maximumf %get3A_489, %get3A_449 : vector<16xf32>
        %add3A_534 = arith.constant 64 : i32
        %add3A_535 = arith.addi %multiple_of3A_418, %add3A_534 : i32
        %swap3A_536 = arith.index_cast %add3A_535 : i32 to index
        %swap3A_537 = tpu.vector_load %arg10[%swap3A_536] {strides = array<i32>} : memref<65536xf32, #tpu.memory_space<vmem>>, vector<16xf32>,
        %swap3A_538 = vector.shape_cast %swap3A_537 : vector<16xf32> to vector<16xf32>
        %swap3A_539 = vector.shape_cast %max3A_533 : vector<16xf32> to vector<16xf32>
        tpu.vector_store %arg10[%swap3A_536], %swap3A_539 {strides = array<i32>} : memref<65536xf32, #tpu.memory_space<vmem>>, vector<16xf32>,
        %max3A_540 = arith.maximumf %get3A_494, %get3A_454 : vector<16xf32>
        %add3A_541 = arith.constant 80 : i32
        %add3A_542 = arith.addi %multiple_of3A_418, %add3A_541 : i32
        %swap3A_543 = arith.index_cast %add3A_542 : i32 to index
        %swap3A_544 = tpu.vector_load %arg10[%swap3A_543] {strides = array<i32>} : memref<65536xf32, #tpu.memory_space<vmem>>, vector<16xf32>,
        %swap3A_545 = vector.shape_cast %swap3A_544 : vector<16xf32> to vector<16xf32>
        %swap3A_546 = vector.shape_cast %max3A_540 : vector<16xf32> to vector<16xf32>
        tpu.vector_store %arg10[%swap3A_543], %swap3A_546 {strides = array<i32>} : memref<65536xf32, #tpu.memory_space<vmem>>, vector<16xf32>,
        %max3A_547 = arith.maximumf %get3A_499, %get3A_459 : vector<16xf32>
        %add3A_548 = arith.constant 96 : i32
        %add3A_549 = arith.addi %multiple_of3A_418, %add3A_548 : i32
        %swap3A_550 = arith.index_cast %add3A_549 : i32 to index
        %swap3A_551 = tpu.vector_load %arg10[%swap3A_550] {strides = array<i32>} : memref<65536xf32, #tpu.memory_space<vmem>>, vector<16xf32>,
        %swap3A_552 = vector.shape_cast %swap3A_551 : vector<16xf32> to vector<16xf32>
        %swap3A_553 = vector.shape_cast %max3A_547 : vector<16xf32> to vector<16xf32>
        tpu.vector_store %arg10[%swap3A_550], %swap3A_553 {strides = array<i32>} : memref<65536xf32, #tpu.memory_space<vmem>>, vector<16xf32>,
        %max3A_554 = arith.maximumf %get3A_504, %get3A_464 : vector<16xf32>
        %add3A_555 = arith.constant 112 : i32
        %add3A_556 = arith.addi %multiple_of3A_418, %add3A_555 : i32
        %swap3A_557 = arith.index_cast %add3A_556 : i32 to index
        %swap3A_558 = tpu.vector_load %arg10[%swap3A_557] {strides = array<i32>} : memref<65536xf32, #tpu.memory_space<vmem>>, vector<16xf32>,
        %swap3A_559 = vector.shape_cast %swap3A_558 : vector<16xf32> to vector<16xf32>
        %swap3A_560 = vector.shape_cast %max3A_554 : vector<16xf32> to vector<16xf32>
        tpu.vector_store %arg10[%swap3A_557], %swap3A_560 {strides = array<i32>} : memref<65536xf32, #tpu.memory_space<vmem>>, vector<16xf32>,
        %slice3A_561 = vector.extract_strided_slice %mul3A_128 {offsets = [3], sizes = [1], strides = [1]} : vector<16xi32> to vector<1xi32>
        %squeeze3A_562 = vector.extract %slice3A_561[0] : i32 from vector<1xi32>
        %multiple_of3A_563 = tpu.assume_multiple %squeeze3A_562, 128 : i32
        %mul3A_564 = arith.constant 16 : i32
        %mul3A_565 = arith.muli %scan3A_70, %mul3A_564 : i32
        %add3A_566 = arith.constant 3 : i32
        %add3A_567 = arith.addi %mul3A_565, %add3A_566 : i32
        %mul3A_568 = arith.constant 128 : i32
        %mul3A_569 = arith.muli %add3A_567, %mul3A_568 : i32
        %add3A_570 = arith.constant 0 : i32
        %add3A_571 = arith.addi %mul3A_569, %add3A_570 : i32
        %get3A_572 = arith.index_cast %add3A_571 : i32 to index
        %get3A_573 = tpu.vector_load %arg6[%get3A_572] {strides = array<i32>} : memref<16384xf32, #tpu.memory_space<vmem>>, vector<16xf32>,
        %get3A_574 = vector.shape_cast %get3A_573 : vector<16xf32> to vector<16xf32>
        %add3A_575 = arith.constant 16 : i32
        %add3A_576 = arith.addi %mul3A_569, %add3A_575 : i32
        %get3A_577 = arith.index_cast %add3A_576 : i32 to index
        %get3A_578 = tpu.vector_load %arg6[%get3A_577] {strides = array<i32>} : memref<16384xf32, #tpu.memory_space<vmem>>, vector<16xf32>,
        %get3A_579 = vector.shape_cast %get3A_578 : vector<16xf32> to vector<16xf32>
        %add3A_580 = arith.constant 32 : i32
        %add3A_581 = arith.addi %mul3A_569, %add3A_580 : i32
        %get3A_582 = arith.index_cast %add3A_581 : i32 to index
        %get3A_583 = tpu.vector_load %arg6[%get3A_582] {strides = array<i32>} : memref<16384xf32, #tpu.memory_space<vmem>>, vector<16xf32>,
        %get3A_584 = vector.shape_cast %get3A_583 : vector<16xf32> to vector<16xf32>
        %add3A_585 = arith.constant 48 : i32
        %add3A_586 = arith.addi %mul3A_569, %add3A_585 : i32
        %get3A_587 = arith.index_cast %add3A_586 : i32 to index
        %get3A_588 = tpu.vector_load %arg6[%get3A_587] {strides = array<i32>} : memref<16384xf32, #tpu.memory_space<vmem>>, vector<16xf32>,
        %get3A_589 = vector.shape_cast %get3A_588 : vector<16xf32> to vector<16xf32>
        %add3A_590 = arith.constant 64 : i32
        %add3A_591 = arith.addi %mul3A_569, %add3A_590 : i32
        %get3A_592 = arith.index_cast %add3A_591 : i32 to index
        %get3A_593 = tpu.vector_load %arg6[%get3A_592] {strides = array<i32>} : memref<16384xf32, #tpu.memory_space<vmem>>, vector<16xf32>,
        %get3A_594 = vector.shape_cast %get3A_593 : vector<16xf32> to vector<16xf32>
        %add3A_595 = arith.constant 80 : i32
        %add3A_596 = arith.addi %mul3A_569, %add3A_595 : i32
        %get3A_597 = arith.index_cast %add3A_596 : i32 to index
        %get3A_598 = tpu.vector_load %arg6[%get3A_597] {strides = array<i32>} : memref<16384xf32, #tpu.memory_space<vmem>>, vector<16xf32>,
        %get3A_599 = vector.shape_cast %get3A_598 : vector<16xf32> to vector<16xf32>
        %add3A_600 = arith.constant 96 : i32
        %add3A_601 = arith.addi %mul3A_569, %add3A_600 : i32
        %get3A_602 = arith.index_cast %add3A_601 : i32 to index
        %get3A_603 = tpu.vector_load %arg6[%get3A_602] {strides = array<i32>} : memref<16384xf32, #tpu.memory_space<vmem>>, vector<16xf32>,
        %get3A_604 = vector.shape_cast %get3A_603 : vector<16xf32> to vector<16xf32>
        %add3A_605 = arith.constant 112 : i32
        %add3A_606 = arith.addi %mul3A_569, %add3A_605 : i32
        %get3A_607 = arith.index_cast %add3A_606 : i32 to index
        %get3A_608 = tpu.vector_load %arg6[%get3A_607] {strides = array<i32>} : memref<16384xf32, #tpu.memory_space<vmem>>, vector<16xf32>,
        %get3A_609 = vector.shape_cast %get3A_608 : vector<16xf32> to vector<16xf32>
        %add3A_610 = arith.constant 0 : i32
        %add3A_611 = arith.addi %multiple_of3A_563, %add3A_610 : i32
        %get3A_612 = arith.index_cast %add3A_611 : i32 to index
        %get3A_613 = tpu.vector_load %arg10[%get3A_612] {strides = array<i32>} : memref<65536xf32, #tpu.memory_space<vmem>>, vector<16xf32>,
        %get3A_614 = vector.shape_cast %get3A_613 : vector<16xf32> to vector<16xf32>
        %add3A_615 = arith.constant 16 : i32
        %add3A_616 = arith.addi %multiple_of3A_563, %add3A_615 : i32
        %get3A_617 = arith.index_cast %add3A_616 : i32 to index
        %get3A_618 = tpu.vector_load %arg10[%get3A_617] {strides = array<i32>} : memref<65536xf32, #tpu.memory_space<vmem>>, vector<16xf32>,
        %get3A_619 = vector.shape_cast %get3A_618 : vector<16xf32> to vector<16xf32>
        %add3A_620 = arith.constant 32 : i32
        %add3A_621 = arith.addi %multiple_of3A_563, %add3A_620 : i32
        %get3A_622 = arith.index_cast %add3A_621 : i32 to index
        %get3A_623 = tpu.vector_load %arg10[%get3A_622] {strides = array<i32>} : memref<65536xf32, #tpu.memory_space<vmem>>, vector<16xf32>,
        %get3A_624 = vector.shape_cast %get3A_623 : vector<16xf32> to vector<16xf32>
        %add3A_625 = arith.constant 48 : i32
        %add3A_626 = arith.addi %multiple_of3A_563, %add3A_625 : i32
        %get3A_627 = arith.index_cast %add3A_626 : i32 to index
        %get3A_628 = tpu.vector_load %arg10[%get3A_627] {strides = array<i32>} : memref<65536xf32, #tpu.memory_space<vmem>>, vector<16xf32>,
        %get3A_629 = vector.shape_cast %get3A_628 : vector<16xf32> to vector<16xf32>
        %add3A_630 = arith.constant 64 : i32
        %add3A_631 = arith.addi %multiple_of3A_563, %add3A_630 : i32
        %get3A_632 = arith.index_cast %add3A_631 : i32 to index
        %get3A_633 = tpu.vector_load %arg10[%get3A_632] {strides = array<i32>} : memref<65536xf32, #tpu.memory_space<vmem>>, vector<16xf32>,
        %get3A_634 = vector.shape_cast %get3A_633 : vector<16xf32> to vector<16xf32>
        %add3A_635 = arith.constant 80 : i32
        %add3A_636 = arith.addi %multiple_of3A_563, %add3A_635 : i32
        %get3A_637 = arith.index_cast %add3A_636 : i32 to index
        %get3A_638 = tpu.vector_load %arg10[%get3A_637] {strides = array<i32>} : memref<65536xf32, #tpu.memory_space<vmem>>, vector<16xf32>,
        %get3A_639 = vector.shape_cast %get3A_638 : vector<16xf32> to vector<16xf32>
        %add3A_640 = arith.constant 96 : i32
        %add3A_641 = arith.addi %multiple_of3A_563, %add3A_640 : i32
        %get3A_642 = arith.index_cast %add3A_641 : i32 to index
        %get3A_643 = tpu.vector_load %arg10[%get3A_642] {strides = array<i32>} : memref<65536xf32, #tpu.memory_space<vmem>>, vector<16xf32>,
        %get3A_644 = vector.shape_cast %get3A_643 : vector<16xf32> to vector<16xf32>
        %add3A_645 = arith.constant 112 : i32
        %add3A_646 = arith.addi %multiple_of3A_563, %add3A_645 : i32
        %get3A_647 = arith.index_cast %add3A_646 : i32 to index
        %get3A_648 = tpu.vector_load %arg10[%get3A_647] {strides = array<i32>} : memref<65536xf32, #tpu.memory_space<vmem>>, vector<16xf32>,
        %get3A_649 = vector.shape_cast %get3A_648 : vector<16xf32> to vector<16xf32>
        %max3A_650 = arith.maximumf %get3A_614, %get3A_574 : vector<16xf32>
        %add3A_651 = arith.constant 0 : i32
        %add3A_652 = arith.addi %multiple_of3A_563, %add3A_651 : i32
        %swap3A_653 = arith.index_cast %add3A_652 : i32 to index
        %swap3A_654 = tpu.vector_load %arg10[%swap3A_653] {strides = array<i32>} : memref<65536xf32, #tpu.memory_space<vmem>>, vector<16xf32>,
        %swap3A_655 = vector.shape_cast %swap3A_654 : vector<16xf32> to vector<16xf32>
        %swap3A_656 = vector.shape_cast %max3A_650 : vector<16xf32> to vector<16xf32>
        tpu.vector_store %arg10[%swap3A_653], %swap3A_656 {strides = array<i32>} : memref<65536xf32, #tpu.memory_space<vmem>>, vector<16xf32>,
        %max3A_657 = arith.maximumf %get3A_619, %get3A_579 : vector<16xf32>
        %add3A_658 = arith.constant 16 : i32
        %add3A_659 = arith.addi %multiple_of3A_563, %add3A_658 : i32
        %swap3A_660 = arith.index_cast %add3A_659 : i32 to index
        %swap3A_661 = tpu.vector_load %arg10[%swap3A_660] {strides = array<i32>} : memref<65536xf32, #tpu.memory_space<vmem>>, vector<16xf32>,
        %swap3A_662 = vector.shape_cast %swap3A_661 : vector<16xf32> to vector<16xf32>
        %swap3A_663 = vector.shape_cast %max3A_657 : vector<16xf32> to vector<16xf32>
        tpu.vector_store %arg10[%swap3A_660], %swap3A_663 {strides = array<i32>} : memref<65536xf32, #tpu.memory_space<vmem>>, vector<16xf32>,
        %max3A_664 = arith.maximumf %get3A_624, %get3A_584 : vector<16xf32>
        %add3A_665 = arith.constant 32 : i32
        %add3A_666 = arith.addi %multiple_of3A_563, %add3A_665 : i32
        %swap3A_667 = arith.index_cast %add3A_666 : i32 to index
        %swap3A_668 = tpu.vector_load %arg10[%swap3A_667] {strides = array<i32>} : memref<65536xf32, #tpu.memory_space<vmem>>, vector<16xf32>,
        %swap3A_669 = vector.shape_cast %swap3A_668 : vector<16xf32> to vector<16xf32>
        %swap3A_670 = vector.shape_cast %max3A_664 : vector<16xf32> to vector<16xf32>
        tpu.vector_store %arg10[%swap3A_667], %swap3A_670 {strides = array<i32>} : memref<65536xf32, #tpu.memory_space<vmem>>, vector<16xf32>,
        %max3A_671 = arith.maximumf %get3A_629, %get3A_589 : vector<16xf32>
        %add3A_672 = arith.constant 48 : i32
        %add3A_673 = arith.addi %multiple_of3A_563, %add3A_672 : i32
        %swap3A_674 = arith.index_cast %add3A_673 : i32 to index
        %swap3A_675 = tpu.vector_load %arg10[%swap3A_674] {strides = array<i32>} : memref<65536xf32, #tpu.memory_space<vmem>>, vector<16xf32>,
        %swap3A_676 = vector.shape_cast %swap3A_675 : vector<16xf32> to vector<16xf32>
        %swap3A_677 = vector.shape_cast %max3A_671 : vector<16xf32> to vector<16xf32>
        tpu.vector_store %arg10[%swap3A_674], %swap3A_677 {strides = array<i32>} : memref<65536xf32, #tpu.memory_space<vmem>>, vector<16xf32>,
        %max3A_678 = arith.maximumf %get3A_634, %get3A_594 : vector<16xf32>
        %add3A_679 = arith.constant 64 : i32
        %add3A_680 = arith.addi %multiple_of3A_563, %add3A_679 : i32
        %swap3A_681 = arith.index_cast %add3A_680 : i32 to index
        %swap3A_682 = tpu.vector_load %arg10[%swap3A_681] {strides = array<i32>} : memref<65536xf32, #tpu.memory_space<vmem>>, vector<16xf32>,
        %swap3A_683 = vector.shape_cast %swap3A_682 : vector<16xf32> to vector<16xf32>
        %swap3A_684 = vector.shape_cast %max3A_678 : vector<16xf32> to vector<16xf32>
        tpu.vector_store %arg10[%swap3A_681], %swap3A_684 {strides = array<i32>} : memref<65536xf32, #tpu.memory_space<vmem>>, vector<16xf32>,
        %max3A_685 = arith.maximumf %get3A_639, %get3A_599 : vector<16xf32>
        %add3A_686 = arith.constant 80 : i32
        %add3A_687 = arith.addi %multiple_of3A_563, %add3A_686 : i32
        %swap3A_688 = arith.index_cast %add3A_687 : i32 to index
        %swap3A_689 = tpu.vector_load %arg10[%swap3A_688] {strides = array<i32>} : memref<65536xf32, #tpu.memory_space<vmem>>, vector<16xf32>,
        %swap3A_690 = vector.shape_cast %swap3A_689 : vector<16xf32> to vector<16xf32>
        %swap3A_691 = vector.shape_cast %max3A_685 : vector<16xf32> to vector<16xf32>
        tpu.vector_store %arg10[%swap3A_688], %swap3A_691 {strides = array<i32>} : memref<65536xf32, #tpu.memory_space<vmem>>, vector<16xf32>,
        %max3A_692 = arith.maximumf %get3A_644, %get3A_604 : vector<16xf32>
        %add3A_693 = arith.constant 96 : i32
        %add3A_694 = arith.addi %multiple_of3A_563, %add3A_693 : i32
        %swap3A_695 = arith.index_cast %add3A_694 : i32 to index
        %swap3A_696 = tpu.vector_load %arg10[%swap3A_695] {strides = array<i32>} : memref<65536xf32, #tpu.memory_space<vmem>>, vector<16xf32>,
        %swap3A_697 = vector.shape_cast %swap3A_696 : vector<16xf32> to vector<16xf32>
        %swap3A_698 = vector.shape_cast %max3A_692 : vector<16xf32> to vector<16xf32>
        tpu.vector_store %arg10[%swap3A_695], %swap3A_698 {strides = array<i32>} : memref<65536xf32, #tpu.memory_space<vmem>>, vector<16xf32>,
        %max3A_699 = arith.maximumf %get3A_649, %get3A_609 : vector<16xf32>
        %add3A_700 = arith.constant 112 : i32
        %add3A_701 = arith.addi %multiple_of3A_563, %add3A_700 : i32
        %swap3A_702 = arith.index_cast %add3A_701 : i32 to index
        %swap3A_703 = tpu.vector_load %arg10[%swap3A_702] {strides = array<i32>} : memref<65536xf32, #tpu.memory_space<vmem>>, vector<16xf32>,
        %swap3A_704 = vector.shape_cast %swap3A_703 : vector<16xf32> to vector<16xf32>
        %swap3A_705 = vector.shape_cast %max3A_699 : vector<16xf32> to vector<16xf32>
        tpu.vector_store %arg10[%swap3A_702], %swap3A_705 {strides = array<i32>} : memref<65536xf32, #tpu.memory_space<vmem>>, vector<16xf32>,
        %slice3A_706 = vector.extract_strided_slice %mul3A_128 {offsets = [4], sizes = [1], strides = [1]} : vector<16xi32> to vector<1xi32>
        %squeeze3A_707 = vector.extract %slice3A_706[0] : i32 from vector<1xi32>
        %multiple_of3A_708 = tpu.assume_multiple %squeeze3A_707, 128 : i32
        %mul3A_709 = arith.constant 16 : i32
        %mul3A_710 = arith.muli %scan3A_70, %mul3A_709 : i32
        %add3A_711 = arith.constant 4 : i32
        %add3A_712 = arith.addi %mul3A_710, %add3A_711 : i32
        %mul3A_713 = arith.constant 128 : i32
        %mul3A_714 = arith.muli %add3A_712, %mul3A_713 : i32
        %add3A_715 = arith.constant 0 : i32
        %add3A_716 = arith.addi %mul3A_714, %add3A_715 : i32
        %get3A_717 = arith.index_cast %add3A_716 : i32 to index
        %get3A_718 = tpu.vector_load %arg6[%get3A_717] {strides = array<i32>} : memref<16384xf32, #tpu.memory_space<vmem>>, vector<16xf32>,
        %get3A_719 = vector.shape_cast %get3A_718 : vector<16xf32> to vector<16xf32>
        %add3A_720 = arith.constant 16 : i32
        %add3A_721 = arith.addi %mul3A_714, %add3A_720 : i32
        %get3A_722 = arith.index_cast %add3A_721 : i32 to index
        %get3A_723 = tpu.vector_load %arg6[%get3A_722] {strides = array<i32>} : memref<16384xf32, #tpu.memory_space<vmem>>, vector<16xf32>,
        %get3A_724 = vector.shape_cast %get3A_723 : vector<16xf32> to vector<16xf32>
        %add3A_725 = arith.constant 32 : i32
        %add3A_726 = arith.addi %mul3A_714, %add3A_725 : i32
        %get3A_727 = arith.index_cast %add3A_726 : i32 to index
        %get3A_728 = tpu.vector_load %arg6[%get3A_727] {strides = array<i32>} : memref<16384xf32, #tpu.memory_space<vmem>>, vector<16xf32>,
        %get3A_729 = vector.shape_cast %get3A_728 : vector<16xf32> to vector<16xf32>
        %add3A_730 = arith.constant 48 : i32
        %add3A_731 = arith.addi %mul3A_714, %add3A_730 : i32
        %get3A_732 = arith.index_cast %add3A_731 : i32 to index
        %get3A_733 = tpu.vector_load %arg6[%get3A_732] {strides = array<i32>} : memref<16384xf32, #tpu.memory_space<vmem>>, vector<16xf32>,
        %get3A_734 = vector.shape_cast %get3A_733 : vector<16xf32> to vector<16xf32>
        %add3A_735 = arith.constant 64 : i32
        %add3A_736 = arith.addi %mul3A_714, %add3A_735 : i32
        %get3A_737 = arith.index_cast %add3A_736 : i32 to index
        %get3A_738 = tpu.vector_load %arg6[%get3A_737] {strides = array<i32>} : memref<16384xf32, #tpu.memory_space<vmem>>, vector<16xf32>,
        %get3A_739 = vector.shape_cast %get3A_738 : vector<16xf32> to vector<16xf32>
        %add3A_740 = arith.constant 80 : i32
        %add3A_741 = arith.addi %mul3A_714, %add3A_740 : i32
        %get3A_742 = arith.index_cast %add3A_741 : i32 to index
        %get3A_743 = tpu.vector_load %arg6[%get3A_742] {strides = array<i32>} : memref<16384xf32, #tpu.memory_space<vmem>>, vector<16xf32>,
        %get3A_744 = vector.shape_cast %get3A_743 : vector<16xf32> to vector<16xf32>
        %add3A_745 = arith.constant 96 : i32
        %add3A_746 = arith.addi %mul3A_714, %add3A_745 : i32
        %get3A_747 = arith.index_cast %add3A_746 : i32 to index
        %get3A_748 = tpu.vector_load %arg6[%get3A_747] {strides = array<i32>} : memref<16384xf32, #tpu.memory_space<vmem>>, vector<16xf32>,
        %get3A_749 = vector.shape_cast %get3A_748 : vector<16xf32> to vector<16xf32>
        %add3A_750 = arith.constant 112 : i32
        %add3A_751 = arith.addi %mul3A_714, %add3A_750 : i32
        %get3A_752 = arith.index_cast %add3A_751 : i32 to index
        %get3A_753 = tpu.vector_load %arg6[%get3A_752] {strides = array<i32>} : memref<16384xf32, #tpu.memory_space<vmem>>, vector<16xf32>,
        %get3A_754 = vector.shape_cast %get3A_753 : vector<16xf32> to vector<16xf32>
        %add3A_755 = arith.constant 0 : i32
        %add3A_756 = arith.addi %multiple_of3A_708, %add3A_755 : i32
        %get3A_757 = arith.index_cast %add3A_756 : i32 to index
        %get3A_758 = tpu.vector_load %arg10[%get3A_757] {strides = array<i32>} : memref<65536xf32, #tpu.memory_space<vmem>>, vector<16xf32>,
        %get3A_759 = vector.shape_cast %get3A_758 : vector<16xf32> to vector<16xf32>
        %add3A_760 = arith.constant 16 : i32
        %add3A_761 = arith.addi %multiple_of3A_708, %add3A_760 : i32
        %get3A_762 = arith.index_cast %add3A_761 : i32 to index
        %get3A_763 = tpu.vector_load %arg10[%get3A_762] {strides = array<i32>} : memref<65536xf32, #tpu.memory_space<vmem>>, vector<16xf32>,
        %get3A_764 = vector.shape_cast %get3A_763 : vector<16xf32> to vector<16xf32>
        %add3A_765 = arith.constant 32 : i32
        %add3A_766 = arith.addi %multiple_of3A_708, %add3A_765 : i32
        %get3A_767 = arith.index_cast %add3A_766 : i32 to index
        %get3A_768 = tpu.vector_load %arg10[%get3A_767] {strides = array<i32>} : memref<65536xf32, #tpu.memory_space<vmem>>, vector<16xf32>,
        %get3A_769 = vector.shape_cast %get3A_768 : vector<16xf32> to vector<16xf32>
        %add3A_770 = arith.constant 48 : i32
        %add3A_771 = arith.addi %multiple_of3A_708, %add3A_770 : i32
        %get3A_772 = arith.index_cast %add3A_771 : i32 to index
        %get3A_773 = tpu.vector_load %arg10[%get3A_772] {strides = array<i32>} : memref<65536xf32, #tpu.memory_space<vmem>>, vector<16xf32>,
        %get3A_774 = vector.shape_cast %get3A_773 : vector<16xf32> to vector<16xf32>
        %add3A_775 = arith.constant 64 : i32
        %add3A_776 = arith.addi %multiple_of3A_708, %add3A_775 : i32
        %get3A_777 = arith.index_cast %add3A_776 : i32 to index
        %get3A_778 = tpu.vector_load %arg10[%get3A_777] {strides = array<i32>} : memref<65536xf32, #tpu.memory_space<vmem>>, vector<16xf32>,
        %get3A_779 = vector.shape_cast %get3A_778 : vector<16xf32> to vector<16xf32>
        %add3A_780 = arith.constant 80 : i32
        %add3A_781 = arith.addi %multiple_of3A_708, %add3A_780 : i32
        %get3A_782 = arith.index_cast %add3A_781 : i32 to index
        %get3A_783 = tpu.vector_load %arg10[%get3A_782] {strides = array<i32>} : memref<65536xf32, #tpu.memory_space<vmem>>, vector<16xf32>,
        %get3A_784 = vector.shape_cast %get3A_783 : vector<16xf32> to vector<16xf32>
        %add3A_785 = arith.constant 96 : i32
        %add3A_786 = arith.addi %multiple_of3A_708, %add3A_785 : i32
        %get3A_787 = arith.index_cast %add3A_786 : i32 to index
        %get3A_788 = tpu.vector_load %arg10[%get3A_787] {strides = array<i32>} : memref<65536xf32, #tpu.memory_space<vmem>>, vector<16xf32>,
        %get3A_789 = vector.shape_cast %get3A_788 : vector<16xf32> to vector<16xf32>
        %add3A_790 = arith.constant 112 : i32
        %add3A_791 = arith.addi %multiple_of3A_708, %add3A_790 : i32
        %get3A_792 = arith.index_cast %add3A_791 : i32 to index
        %get3A_793 = tpu.vector_load %arg10[%get3A_792] {strides = array<i32>} : memref<65536xf32, #tpu.memory_space<vmem>>, vector<16xf32>,
        %get3A_794 = vector.shape_cast %get3A_793 : vector<16xf32> to vector<16xf32>
        %max3A_795 = arith.maximumf %get3A_759, %get3A_719 : vector<16xf32>
        %add3A_796 = arith.constant 0 : i32
        %add3A_797 = arith.addi %multiple_of3A_708, %add3A_796 : i32
        %swap3A_798 = arith.index_cast %add3A_797 : i32 to index
        %swap3A_799 = tpu.vector_load %arg10[%swap3A_798] {strides = array<i32>} : memref<65536xf32, #tpu.memory_space<vmem>>, vector<16xf32>,
        %swap3A_800 = vector.shape_cast %swap3A_799 : vector<16xf32> to vector<16xf32>
        %swap3A_801 = vector.shape_cast %max3A_795 : vector<16xf32> to vector<16xf32>
        tpu.vector_store %arg10[%swap3A_798], %swap3A_801 {strides = array<i32>} : memref<65536xf32, #tpu.memory_space<vmem>>, vector<16xf32>,
        %max3A_802 = arith.maximumf %get3A_764, %get3A_724 : vector<16xf32>
        %add3A_803 = arith.constant 16 : i32
        %add3A_804 = arith.addi %multiple_of3A_708, %add3A_803 : i32
        %swap3A_805 = arith.index_cast %add3A_804 : i32 to index
        %swap3A_806 = tpu.vector_load %arg10[%swap3A_805] {strides = array<i32>} : memref<65536xf32, #tpu.memory_space<vmem>>, vector<16xf32>,
        %swap3A_807 = vector.shape_cast %swap3A_806 : vector<16xf32> to vector<16xf32>
        %swap3A_808 = vector.shape_cast %max3A_802 : vector<16xf32> to vector<16xf32>
        tpu.vector_store %arg10[%swap3A_805], %swap3A_808 {strides = array<i32>} : memref<65536xf32, #tpu.memory_space<vmem>>, vector<16xf32>,
        %max3A_809 = arith.maximumf %get3A_769, %get3A_729 : vector<16xf32>
        %add3A_810 = arith.constant 32 : i32
        %add3A_811 = arith.addi %multiple_of3A_708, %add3A_810 : i32
        %swap3A_812 = arith.index_cast %add3A_811 : i32 to index
        %swap3A_813 = tpu.vector_load %arg10[%swap3A_812] {strides = array<i32>} : memref<65536xf32, #tpu.memory_space<vmem>>, vector<16xf32>,
        %swap3A_814 = vector.shape_cast %swap3A_813 : vector<16xf32> to vector<16xf32>
        %swap3A_815 = vector.shape_cast %max3A_809 : vector<16xf32> to vector<16xf32>
        tpu.vector_store %arg10[%swap3A_812], %swap3A_815 {strides = array<i32>} : memref<65536xf32, #tpu.memory_space<vmem>>, vector<16xf32>,
        %max3A_816 = arith.maximumf %get3A_774, %get3A_734 : vector<16xf32>
        %add3A_817 = arith.constant 48 : i32
        %add3A_818 = arith.addi %multiple_of3A_708, %add3A_817 : i32
        %swap3A_819 = arith.index_cast %add3A_818 : i32 to index
        %swap3A_820 = tpu.vector_load %arg10[%swap3A_819] {strides = array<i32>} : memref<65536xf32, #tpu.memory_space<vmem>>, vector<16xf32>,
        %swap3A_821 = vector.shape_cast %swap3A_820 : vector<16xf32> to vector<16xf32>
        %swap3A_822 = vector.shape_cast %max3A_816 : vector<16xf32> to vector<16xf32>
        tpu.vector_store %arg10[%swap3A_819], %swap3A_822 {strides = array<i32>} : memref<65536xf32, #tpu.memory_space<vmem>>, vector<16xf32>,
        %max3A_823 = arith.maximumf %get3A_779, %get3A_739 : vector<16xf32>
        %add3A_824 = arith.constant 64 : i32
        %add3A_825 = arith.addi %multiple_of3A_708, %add3A_824 : i32
        %swap3A_826 = arith.index_cast %add3A_825 : i32 to index
        %swap3A_827 = tpu.vector_load %arg10[%swap3A_826] {strides = array<i32>} : memref<65536xf32, #tpu.memory_space<vmem>>, vector<16xf32>,
        %swap3A_828 = vector.shape_cast %swap3A_827 : vector<16xf32> to vector<16xf32>
        %swap3A_829 = vector.shape_cast %max3A_823 : vector<16xf32> to vector<16xf32>
        tpu.vector_store %arg10[%swap3A_826], %swap3A_829 {strides = array<i32>} : memref<65536xf32, #tpu.memory_space<vmem>>, vector<16xf32>,
        %max3A_830 = arith.maximumf %get3A_784, %get3A_744 : vector<16xf32>
        %add3A_831 = arith.constant 80 : i32
        %add3A_832 = arith.addi %multiple_of3A_708, %add3A_831 : i32
        %swap3A_833 = arith.index_cast %add3A_832 : i32 to index
        %swap3A_834 = tpu.vector_load %arg10[%swap3A_833] {strides = array<i32>} : memref<65536xf32, #tpu.memory_space<vmem>>, vector<16xf32>,
        %swap3A_835 = vector.shape_cast %swap3A_834 : vector<16xf32> to vector<16xf32>
        %swap3A_836 = vector.shape_cast %max3A_830 : vector<16xf32> to vector<16xf32>
        tpu.vector_store %arg10[%swap3A_833], %swap3A_836 {strides = array<i32>} : memref<65536xf32, #tpu.memory_space<vmem>>, vector<16xf32>,
        %max3A_837 = arith.maximumf %get3A_789, %get3A_749 : vector<16xf32>
        %add3A_838 = arith.constant 96 : i32
        %add3A_839 = arith.addi %multiple_of3A_708, %add3A_838 : i32
        %swap3A_840 = arith.index_cast %add3A_839 : i32 to index
        %swap3A_841 = tpu.vector_load %arg10[%swap3A_840] {strides = array<i32>} : memref<65536xf32, #tpu.memory_space<vmem>>, vector<16xf32>,
        %swap3A_842 = vector.shape_cast %swap3A_841 : vector<16xf32> to vector<16xf32>
        %swap3A_843 = vector.shape_cast %max3A_837 : vector<16xf32> to vector<16xf32>
        tpu.vector_store %arg10[%swap3A_840], %swap3A_843 {strides = array<i32>} : memref<65536xf32, #tpu.memory_space<vmem>>, vector<16xf32>,
        %max3A_844 = arith.maximumf %get3A_794, %get3A_754 : vector<16xf32>
        %add3A_845 = arith.constant 112 : i32
        %add3A_846 = arith.addi %multiple_of3A_708, %add3A_845 : i32
        %swap3A_847 = arith.index_cast %add3A_846 : i32 to index
        %swap3A_848 = tpu.vector_load %arg10[%swap3A_847] {strides = array<i32>} : memref<65536xf32, #tpu.memory_space<vmem>>, vector<16xf32>,
        %swap3A_849 = vector.shape_cast %swap3A_848 : vector<16xf32> to vector<16xf32>
        %swap3A_850 = vector.shape_cast %max3A_844 : vector<16xf32> to vector<16xf32>
        tpu.vector_store %arg10[%swap3A_847], %swap3A_850 {strides = array<i32>} : memref<65536xf32, #tpu.memory_space<vmem>>, vector<16xf32>,
        %slice3A_851 = vector.extract_strided_slice %mul3A_128 {offsets = [5], sizes = [1], strides = [1]} : vector<16xi32> to vector<1xi32>
        %squeeze3A_852 = vector.extract %slice3A_851[0] : i32 from vector<1xi32>
        %multiple_of3A_853 = tpu.assume_multiple %squeeze3A_852, 128 : i32
        %mul3A_854 = arith.constant 16 : i32
        %mul3A_855 = arith.muli %scan3A_70, %mul3A_854 : i32
        %add3A_856 = arith.constant 5 : i32
        %add3A_857 = arith.addi %mul3A_855, %add3A_856 : i32
        %mul3A_858 = arith.constant 128 : i32
        %mul3A_859 = arith.muli %add3A_857, %mul3A_858 : i32
        %add3A_860 = arith.constant 0 : i32
        %add3A_861 = arith.addi %mul3A_859, %add3A_860 : i32
        %get3A_862 = arith.index_cast %add3A_861 : i32 to index
        %get3A_863 = tpu.vector_load %arg6[%get3A_862] {strides = array<i32>} : memref<16384xf32, #tpu.memory_space<vmem>>, vector<16xf32>,
        %get3A_864 = vector.shape_cast %get3A_863 : vector<16xf32> to vector<16xf32>
        %add3A_865 = arith.constant 16 : i32
        %add3A_866 = arith.addi %mul3A_859, %add3A_865 : i32
        %get3A_867 = arith.index_cast %add3A_866 : i32 to index
        %get3A_868 = tpu.vector_load %arg6[%get3A_867] {strides = array<i32>} : memref<16384xf32, #tpu.memory_space<vmem>>, vector<16xf32>,
        %get3A_869 = vector.shape_cast %get3A_868 : vector<16xf32> to vector<16xf32>
        %add3A_870 = arith.constant 32 : i32
        %add3A_871 = arith.addi %mul3A_859, %add3A_870 : i32
        %get3A_872 = arith.index_cast %add3A_871 : i32 to index
        %get3A_873 = tpu.vector_load %arg6[%get3A_872] {strides = array<i32>} : memref<16384xf32, #tpu.memory_space<vmem>>, vector<16xf32>,
        %get3A_874 = vector.shape_cast %get3A_873 : vector<16xf32> to vector<16xf32>
        %add3A_875 = arith.constant 48 : i32
        %add3A_876 = arith.addi %mul3A_859, %add3A_875 : i32
        %get3A_877 = arith.index_cast %add3A_876 : i32 to index
        %get3A_878 = tpu.vector_load %arg6[%get3A_877] {strides = array<i32>} : memref<16384xf32, #tpu.memory_space<vmem>>, vector<16xf32>,
        %get3A_879 = vector.shape_cast %get3A_878 : vector<16xf32> to vector<16xf32>
        %add3A_880 = arith.constant 64 : i32
        %add3A_881 = arith.addi %mul3A_859, %add3A_880 : i32
        %get3A_882 = arith.index_cast %add3A_881 : i32 to index
        %get3A_883 = tpu.vector_load %arg6[%get3A_882] {strides = array<i32>} : memref<16384xf32, #tpu.memory_space<vmem>>, vector<16xf32>,
        %get3A_884 = vector.shape_cast %get3A_883 : vector<16xf32> to vector<16xf32>
        %add3A_885 = arith.constant 80 : i32
        %add3A_886 = arith.addi %mul3A_859, %add3A_885 : i32
        %get3A_887 = arith.index_cast %add3A_886 : i32 to index
        %get3A_888 = tpu.vector_load %arg6[%get3A_887] {strides = array<i32>} : memref<16384xf32, #tpu.memory_space<vmem>>, vector<16xf32>,
        %get3A_889 = vector.shape_cast %get3A_888 : vector<16xf32> to vector<16xf32>
        %add3A_890 = arith.constant 96 : i32
        %add3A_891 = arith.addi %mul3A_859, %add3A_890 : i32
        %get3A_892 = arith.index_cast %add3A_891 : i32 to index
        %get3A_893 = tpu.vector_load %arg6[%get3A_892] {strides = array<i32>} : memref<16384xf32, #tpu.memory_space<vmem>>, vector<16xf32>,
        %get3A_894 = vector.shape_cast %get3A_893 : vector<16xf32> to vector<16xf32>
        %add3A_895 = arith.constant 112 : i32
        %add3A_896 = arith.addi %mul3A_859, %add3A_895 : i32
        %get3A_897 = arith.index_cast %add3A_896 : i32 to index
        %get3A_898 = tpu.vector_load %arg6[%get3A_897] {strides = array<i32>} : memref<16384xf32, #tpu.memory_space<vmem>>, vector<16xf32>,
        %get3A_899 = vector.shape_cast %get3A_898 : vector<16xf32> to vector<16xf32>
        %add3A_900 = arith.constant 0 : i32
        %add3A_901 = arith.addi %multiple_of3A_853, %add3A_900 : i32
        %get3A_902 = arith.index_cast %add3A_901 : i32 to index
        %get3A_903 = tpu.vector_load %arg10[%get3A_902] {strides = array<i32>} : memref<65536xf32, #tpu.memory_space<vmem>>, vector<16xf32>,
        %get3A_904 = vector.shape_cast %get3A_903 : vector<16xf32> to vector<16xf32>
        %add3A_905 = arith.constant 16 : i32
        %add3A_906 = arith.addi %multiple_of3A_853, %add3A_905 : i32
        %get3A_907 = arith.index_cast %add3A_906 : i32 to index
        %get3A_908 = tpu.vector_load %arg10[%get3A_907] {strides = array<i32>} : memref<65536xf32, #tpu.memory_space<vmem>>, vector<16xf32>,
        %get3A_909 = vector.shape_cast %get3A_908 : vector<16xf32> to vector<16xf32>
        %add3A_910 = arith.constant 32 : i32
        %add3A_911 = arith.addi %multiple_of3A_853, %add3A_910 : i32
        %get3A_912 = arith.index_cast %add3A_911 : i32 to index
        %get3A_913 = tpu.vector_load %arg10[%get3A_912] {strides = array<i32>} : memref<65536xf32, #tpu.memory_space<vmem>>, vector<16xf32>,
        %get3A_914 = vector.shape_cast %get3A_913 : vector<16xf32> to vector<16xf32>
        %add3A_915 = arith.constant 48 : i32
        %add3A_916 = arith.addi %multiple_of3A_853, %add3A_915 : i32
        %get3A_917 = arith.index_cast %add3A_916 : i32 to index
        %get3A_918 = tpu.vector_load %arg10[%get3A_917] {strides = array<i32>} : memref<65536xf32, #tpu.memory_space<vmem>>, vector<16xf32>,
        %get3A_919 = vector.shape_cast %get3A_918 : vector<16xf32> to vector<16xf32>
        %add3A_920 = arith.constant 64 : i32
        %add3A_921 = arith.addi %multiple_of3A_853, %add3A_920 : i32
        %get3A_922 = arith.index_cast %add3A_921 : i32 to index
        %get3A_923 = tpu.vector_load %arg10[%get3A_922] {strides = array<i32>} : memref<65536xf32, #tpu.memory_space<vmem>>, vector<16xf32>,
        %get3A_924 = vector.shape_cast %get3A_923 : vector<16xf32> to vector<16xf32>
        %add3A_925 = arith.constant 80 : i32
        %add3A_926 = arith.addi %multiple_of3A_853, %add3A_925 : i32
        %get3A_927 = arith.index_cast %add3A_926 : i32 to index
        %get3A_928 = tpu.vector_load %arg10[%get3A_927] {strides = array<i32>} : memref<65536xf32, #tpu.memory_space<vmem>>, vector<16xf32>,
        %get3A_929 = vector.shape_cast %get3A_928 : vector<16xf32> to vector<16xf32>
        %add3A_930 = arith.constant 96 : i32
        %add3A_931 = arith.addi %multiple_of3A_853, %add3A_930 : i32
        %get3A_932 = arith.index_cast %add3A_931 : i32 to index
        %get3A_933 = tpu.vector_load %arg10[%get3A_932] {strides = array<i32>} : memref<65536xf32, #tpu.memory_space<vmem>>, vector<16xf32>,
        %get3A_934 = vector.shape_cast %get3A_933 : vector<16xf32> to vector<16xf32>
        %add3A_935 = arith.constant 112 : i32
        %add3A_936 = arith.addi %multiple_of3A_853, %add3A_935 : i32
        %get3A_937 = arith.index_cast %add3A_936 : i32 to index
        %get3A_938 = tpu.vector_load %arg10[%get3A_937] {strides = array<i32>} : memref<65536xf32, #tpu.memory_space<vmem>>, vector<16xf32>,
        %get3A_939 = vector.shape_cast %get3A_938 : vector<16xf32> to vector<16xf32>
        %max3A_940 = arith.maximumf %get3A_904, %get3A_864 : vector<16xf32>
        %add3A_941 = arith.constant 0 : i32
        %add3A_942 = arith.addi %multiple_of3A_853, %add3A_941 : i32
        %swap3A_943 = arith.index_cast %add3A_942 : i32 to index
        %swap3A_944 = tpu.vector_load %arg10[%swap3A_943] {strides = array<i32>} : memref<65536xf32, #tpu.memory_space<vmem>>, vector<16xf32>,
        %swap3A_945 = vector.shape_cast %swap3A_944 : vector<16xf32> to vector<16xf32>
        %swap3A_946 = vector.shape_cast %max3A_940 : vector<16xf32> to vector<16xf32>
        tpu.vector_store %arg10[%swap3A_943], %swap3A_946 {strides = array<i32>} : memref<65536xf32, #tpu.memory_space<vmem>>, vector<16xf32>,
        %max3A_947 = arith.maximumf %get3A_909, %get3A_869 : vector<16xf32>
        %add3A_948 = arith.constant 16 : i32
        %add3A_949 = arith.addi %multiple_of3A_853, %add3A_948 : i32
        %swap3A_950 = arith.index_cast %add3A_949 : i32 to index
        %swap3A_951 = tpu.vector_load %arg10[%swap3A_950] {strides = array<i32>} : memref<65536xf32, #tpu.memory_space<vmem>>, vector<16xf32>,
        %swap3A_952 = vector.shape_cast %swap3A_951 : vector<16xf32> to vector<16xf32>
        %swap3A_953 = vector.shape_cast %max3A_947 : vector<16xf32> to vector<16xf32>
        tpu.vector_store %arg10[%swap3A_950], %swap3A_953 {strides = array<i32>} : memref<65536xf32, #tpu.memory_space<vmem>>, vector<16xf32>,
        %max3A_954 = arith.maximumf %get3A_914, %get3A_874 : vector<16xf32>
        %add3A_955 = arith.constant 32 : i32
        %add3A_956 = arith.addi %multiple_of3A_853, %add3A_955 : i32
        %swap3A_957 = arith.index_cast %add3A_956 : i32 to index
        %swap3A_958 = tpu.vector_load %arg10[%swap3A_957] {strides = array<i32>} : memref<65536xf32, #tpu.memory_space<vmem>>, vector<16xf32>,
        %swap3A_959 = vector.shape_cast %swap3A_958 : vector<16xf32> to vector<16xf32>
        %swap3A_960 = vector.shape_cast %max3A_954 : vector<16xf32> to vector<16xf32>
        tpu.vector_store %arg10[%swap3A_957], %swap3A_960 {strides = array<i32>} : memref<65536xf32, #tpu.memory_space<vmem>>, vector<16xf32>,
        %max3A_961 = arith.maximumf %get3A_919, %get3A_879 : vector<16xf32>
        %add3A_962 = arith.constant 48 : i32
        %add3A_963 = arith.addi %multiple_of3A_853, %add3A_962 : i32
        %swap3A_964 = arith.index_cast %add3A_963 : i32 to index
        %swap3A_965 = tpu.vector_load %arg10[%swap3A_964] {strides = array<i32>} : memref<65536xf32, #tpu.memory_space<vmem>>, vector<16xf32>,
        %swap3A_966 = vector.shape_cast %swap3A_965 : vector<16xf32> to vector<16xf32>
        %swap3A_967 = vector.shape_cast %max3A_961 : vector<16xf32> to vector<16xf32>
        tpu.vector_store %arg10[%swap3A_964], %swap3A_967 {strides = array<i32>} : memref<65536xf32, #tpu.memory_space<vmem>>, vector<16xf32>,
        %max3A_968 = arith.maximumf %get3A_924, %get3A_884 : vector<16xf32>
        %add3A_969 = arith.constant 64 : i32
        %add3A_970 = arith.addi %multiple_of3A_853, %add3A_969 : i32
        %swap3A_971 = arith.index_cast %add3A_970 : i32 to index
        %swap3A_972 = tpu.vector_load %arg10[%swap3A_971] {strides = array<i32>} : memref<65536xf32, #tpu.memory_space<vmem>>, vector<16xf32>,
        %swap3A_973 = vector.shape_cast %swap3A_972 : vector<16xf32> to vector<16xf32>
        %swap3A_974 = vector.shape_cast %max3A_968 : vector<16xf32> to vector<16xf32>
        tpu.vector_store %arg10[%swap3A_971], %swap3A_974 {strides = array<i32>} : memref<65536xf32, #tpu.memory_space<vmem>>, vector<16xf32>,
        %max3A_975 = arith.maximumf %get3A_929, %get3A_889 : vector<16xf32>
        %add3A_976 = arith.constant 80 : i32
        %add3A_977 = arith.addi %multiple_of3A_853, %add3A_976 : i32
        %swap3A_978 = arith.index_cast %add3A_977 : i32 to index
        %swap3A_979 = tpu.vector_load %arg10[%swap3A_978] {strides = array<i32>} : memref<65536xf32, #tpu.memory_space<vmem>>, vector<16xf32>,
        %swap3A_980 = vector.shape_cast %swap3A_979 : vector<16xf32> to vector<16xf32>
        %swap3A_981 = vector.shape_cast %max3A_975 : vector<16xf32> to vector<16xf32>
        tpu.vector_store %arg10[%swap3A_978], %swap3A_981 {strides = array<i32>} : memref<65536xf32, #tpu.memory_space<vmem>>, vector<16xf32>,
        %max3A_982 = arith.maximumf %get3A_934, %get3A_894 : vector<16xf32>
        %add3A_983 = arith.constant 96 : i32
        %add3A_984 = arith.addi %multiple_of3A_853, %add3A_983 : i32
        %swap3A_985 = arith.index_cast %add3A_984 : i32 to index
        %swap3A_986 = tpu.vector_load %arg10[%swap3A_985] {strides = array<i32>} : memref<65536xf32, #tpu.memory_space<vmem>>, vector<16xf32>,
        %swap3A_987 = vector.shape_cast %swap3A_986 : vector<16xf32> to vector<16xf32>
        %swap3A_988 = vector.shape_cast %max3A_982 : vector<16xf32> to vector<16xf32>
        tpu.vector_store %arg10[%swap3A_985], %swap3A_988 {strides = array<i32>} : memref<65536xf32, #tpu.memory_space<vmem>>, vector<16xf32>,
        %max3A_989 = arith.maximumf %get3A_939, %get3A_899 : vector<16xf32>
        %add3A_990 = arith.constant 112 : i32
        %add3A_991 = arith.addi %multiple_of3A_853, %add3A_990 : i32
        %swap3A_992 = arith.index_cast %add3A_991 : i32 to index
        %swap3A_993 = tpu.vector_load %arg10[%swap3A_992] {strides = array<i32>} : memref<65536xf32, #tpu.memory_space<vmem>>, vector<16xf32>,
        %swap3A_994 = vector.shape_cast %swap3A_993 : vector<16xf32> to vector<16xf32>
        %swap3A_995 = vector.shape_cast %max3A_989 : vector<16xf32> to vector<16xf32>
        tpu.vector_store %arg10[%swap3A_992], %swap3A_995 {strides = array<i32>} : memref<65536xf32, #tpu.memory_space<vmem>>, vector<16xf32>,
        %slice3A_996 = vector.extract_strided_slice %mul3A_128 {offsets = [6], sizes = [1], strides = [1]} : vector<16xi32> to vector<1xi32>
        %squeeze3A_997 = vector.extract %slice3A_996[0] : i32 from vector<1xi32>
        %multiple_of3A_998 = tpu.assume_multiple %squeeze3A_997, 128 : i32
        %mul3A_999 = arith.constant 16 : i32
        %mul3A_1000 = arith.muli %scan3A_70, %mul3A_999 : i32
        %add3A_1001 = arith.constant 6 : i32
        %add3A_1002 = arith.addi %mul3A_1000, %add3A_1001 : i32
        %mul3A_1003 = arith.constant 128 : i32
        %mul3A_1004 = arith.muli %add3A_1002, %mul3A_1003 : i32
        %add3A_1005 = arith.constant 0 : i32
        %add3A_1006 = arith.addi %mul3A_1004, %add3A_1005 : i32
        %get3A_1007 = arith.index_cast %add3A_1006 : i32 to index
        %get3A_1008 = tpu.vector_load %arg6[%get3A_1007] {strides = array<i32>} : memref<16384xf32, #tpu.memory_space<vmem>>, vector<16xf32>,
        %get3A_1009 = vector.shape_cast %get3A_1008 : vector<16xf32> to vector<16xf32>
        %add3A_1010 = arith.constant 16 : i32
        %add3A_1011 = arith.addi %mul3A_1004, %add3A_1010 : i32
        %get3A_1012 = arith.index_cast %add3A_1011 : i32 to index
        %get3A_1013 = tpu.vector_load %arg6[%get3A_1012] {strides = array<i32>} : memref<16384xf32, #tpu.memory_space<vmem>>, vector<16xf32>,
        %get3A_1014 = vector.shape_cast %get3A_1013 : vector<16xf32> to vector<16xf32>
        %add3A_1015 = arith.constant 32 : i32
        %add3A_1016 = arith.addi %mul3A_1004, %add3A_1015 : i32
        %get3A_1017 = arith.index_cast %add3A_1016 : i32 to index
        %get3A_1018 = tpu.vector_load %arg6[%get3A_1017] {strides = array<i32>} : memref<16384xf32, #tpu.memory_space<vmem>>, vector<16xf32>,
        %get3A_1019 = vector.shape_cast %get3A_1018 : vector<16xf32> to vector<16xf32>
        %add3A_1020 = arith.constant 48 : i32
        %add3A_1021 = arith.addi %mul3A_1004, %add3A_1020 : i32
        %get3A_1022 = arith.index_cast %add3A_1021 : i32 to index
        %get3A_1023 = tpu.vector_load %arg6[%get3A_1022] {strides = array<i32>} : memref<16384xf32, #tpu.memory_space<vmem>>, vector<16xf32>,
        %get3A_1024 = vector.shape_cast %get3A_1023 : vector<16xf32> to vector<16xf32>
        %add3A_1025 = arith.constant 64 : i32
        %add3A_1026 = arith.addi %mul3A_1004, %add3A_1025 : i32
        %get3A_1027 = arith.index_cast %add3A_1026 : i32 to index
        %get3A_1028 = tpu.vector_load %arg6[%get3A_1027] {strides = array<i32>} : memref<16384xf32, #tpu.memory_space<vmem>>, vector<16xf32>,
        %get3A_1029 = vector.shape_cast %get3A_1028 : vector<16xf32> to vector<16xf32>
        %add3A_1030 = arith.constant 80 : i32
        %add3A_1031 = arith.addi %mul3A_1004, %add3A_1030 : i32
        %get3A_1032 = arith.index_cast %add3A_1031 : i32 to index
        %get3A_1033 = tpu.vector_load %arg6[%get3A_1032] {strides = array<i32>} : memref<16384xf32, #tpu.memory_space<vmem>>, vector<16xf32>,
        %get3A_1034 = vector.shape_cast %get3A_1033 : vector<16xf32> to vector<16xf32>
        %add3A_1035 = arith.constant 96 : i32
        %add3A_1036 = arith.addi %mul3A_1004, %add3A_1035 : i32
        %get3A_1037 = arith.index_cast %add3A_1036 : i32 to index
        %get3A_1038 = tpu.vector_load %arg6[%get3A_1037] {strides = array<i32>} : memref<16384xf32, #tpu.memory_space<vmem>>, vector<16xf32>,
        %get3A_1039 = vector.shape_cast %get3A_1038 : vector<16xf32> to vector<16xf32>
        %add3A_1040 = arith.constant 112 : i32
        %add3A_1041 = arith.addi %mul3A_1004, %add3A_1040 : i32
        %get3A_1042 = arith.index_cast %add3A_1041 : i32 to index
        %get3A_1043 = tpu.vector_load %arg6[%get3A_1042] {strides = array<i32>} : memref<16384xf32, #tpu.memory_space<vmem>>, vector<16xf32>,
        %get3A_1044 = vector.shape_cast %get3A_1043 : vector<16xf32> to vector<16xf32>
        %add3A_1045 = arith.constant 0 : i32
        %add3A_1046 = arith.addi %multiple_of3A_998, %add3A_1045 : i32
        %get3A_1047 = arith.index_cast %add3A_1046 : i32 to index
        %get3A_1048 = tpu.vector_load %arg10[%get3A_1047] {strides = array<i32>} : memref<65536xf32, #tpu.memory_space<vmem>>, vector<16xf32>,
        %get3A_1049 = vector.shape_cast %get3A_1048 : vector<16xf32> to vector<16xf32>
        %add3A_1050 = arith.constant 16 : i32
        %add3A_1051 = arith.addi %multiple_of3A_998, %add3A_1050 : i32
        %get3A_1052 = arith.index_cast %add3A_1051 : i32 to index
        %get3A_1053 = tpu.vector_load %arg10[%get3A_1052] {strides = array<i32>} : memref<65536xf32, #tpu.memory_space<vmem>>, vector<16xf32>,
        %get3A_1054 = vector.shape_cast %get3A_1053 : vector<16xf32> to vector<16xf32>
        %add3A_1055 = arith.constant 32 : i32
        %add3A_1056 = arith.addi %multiple_of3A_998, %add3A_1055 : i32
        %get3A_1057 = arith.index_cast %add3A_1056 : i32 to index
        %get3A_1058 = tpu.vector_load %arg10[%get3A_1057] {strides = array<i32>} : memref<65536xf32, #tpu.memory_space<vmem>>, vector<16xf32>,
        %get3A_1059 = vector.shape_cast %get3A_1058 : vector<16xf32> to vector<16xf32>
        %add3A_1060 = arith.constant 48 : i32
        %add3A_1061 = arith.addi %multiple_of3A_998, %add3A_1060 : i32
        %get3A_1062 = arith.index_cast %add3A_1061 : i32 to index
        %get3A_1063 = tpu.vector_load %arg10[%get3A_1062] {strides = array<i32>} : memref<65536xf32, #tpu.memory_space<vmem>>, vector<16xf32>,
        %get3A_1064 = vector.shape_cast %get3A_1063 : vector<16xf32> to vector<16xf32>
        %add3A_1065 = arith.constant 64 : i32
        %add3A_1066 = arith.addi %multiple_of3A_998, %add3A_1065 : i32
        %get3A_1067 = arith.index_cast %add3A_1066 : i32 to index
        %get3A_1068 = tpu.vector_load %arg10[%get3A_1067] {strides = array<i32>} : memref<65536xf32, #tpu.memory_space<vmem>>, vector<16xf32>,
        %get3A_1069 = vector.shape_cast %get3A_1068 : vector<16xf32> to vector<16xf32>
        %add3A_1070 = arith.constant 80 : i32
        %add3A_1071 = arith.addi %multiple_of3A_998, %add3A_1070 : i32
        %get3A_1072 = arith.index_cast %add3A_1071 : i32 to index
        %get3A_1073 = tpu.vector_load %arg10[%get3A_1072] {strides = array<i32>} : memref<65536xf32, #tpu.memory_space<vmem>>, vector<16xf32>,
        %get3A_1074 = vector.shape_cast %get3A_1073 : vector<16xf32> to vector<16xf32>
        %add3A_1075 = arith.constant 96 : i32
        %add3A_1076 = arith.addi %multiple_of3A_998, %add3A_1075 : i32
        %get3A_1077 = arith.index_cast %add3A_1076 : i32 to index
        %get3A_1078 = tpu.vector_load %arg10[%get3A_1077] {strides = array<i32>} : memref<65536xf32, #tpu.memory_space<vmem>>, vector<16xf32>,
        %get3A_1079 = vector.shape_cast %get3A_1078 : vector<16xf32> to vector<16xf32>
        %add3A_1080 = arith.constant 112 : i32
        %add3A_1081 = arith.addi %multiple_of3A_998, %add3A_1080 : i32
        %get3A_1082 = arith.index_cast %add3A_1081 : i32 to index
        %get3A_1083 = tpu.vector_load %arg10[%get3A_1082] {strides = array<i32>} : memref<65536xf32, #tpu.memory_space<vmem>>, vector<16xf32>,
        %get3A_1084 = vector.shape_cast %get3A_1083 : vector<16xf32> to vector<16xf32>
        %max3A_1085 = arith.maximumf %get3A_1049, %get3A_1009 : vector<16xf32>
        %add3A_1086 = arith.constant 0 : i32
        %add3A_1087 = arith.addi %multiple_of3A_998, %add3A_1086 : i32
        %swap3A_1088 = arith.index_cast %add3A_1087 : i32 to index
        %swap3A_1089 = tpu.vector_load %arg10[%swap3A_1088] {strides = array<i32>} : memref<65536xf32, #tpu.memory_space<vmem>>, vector<16xf32>,
        %swap3A_1090 = vector.shape_cast %swap3A_1089 : vector<16xf32> to vector<16xf32>
        %swap3A_1091 = vector.shape_cast %max3A_1085 : vector<16xf32> to vector<16xf32>
        tpu.vector_store %arg10[%swap3A_1088], %swap3A_1091 {strides = array<i32>} : memref<65536xf32, #tpu.memory_space<vmem>>, vector<16xf32>,
        %max3A_1092 = arith.maximumf %get3A_1054, %get3A_1014 : vector<16xf32>
        %add3A_1093 = arith.constant 16 : i32
        %add3A_1094 = arith.addi %multiple_of3A_998, %add3A_1093 : i32
        %swap3A_1095 = arith.index_cast %add3A_1094 : i32 to index
        %swap3A_1096 = tpu.vector_load %arg10[%swap3A_1095] {strides = array<i32>} : memref<65536xf32, #tpu.memory_space<vmem>>, vector<16xf32>,
        %swap3A_1097 = vector.shape_cast %swap3A_1096 : vector<16xf32> to vector<16xf32>
        %swap3A_1098 = vector.shape_cast %max3A_1092 : vector<16xf32> to vector<16xf32>
        tpu.vector_store %arg10[%swap3A_1095], %swap3A_1098 {strides = array<i32>} : memref<65536xf32, #tpu.memory_space<vmem>>, vector<16xf32>,
        %max3A_1099 = arith.maximumf %get3A_1059, %get3A_1019 : vector<16xf32>
        %add3A_1100 = arith.constant 32 : i32
        %add3A_1101 = arith.addi %multiple_of3A_998, %add3A_1100 : i32
        %swap3A_1102 = arith.index_cast %add3A_1101 : i32 to index
        %swap3A_1103 = tpu.vector_load %arg10[%swap3A_1102] {strides = array<i32>} : memref<65536xf32, #tpu.memory_space<vmem>>, vector<16xf32>,
        %swap3A_1104 = vector.shape_cast %swap3A_1103 : vector<16xf32> to vector<16xf32>
        %swap3A_1105 = vector.shape_cast %max3A_1099 : vector<16xf32> to vector<16xf32>
        tpu.vector_store %arg10[%swap3A_1102], %swap3A_1105 {strides = array<i32>} : memref<65536xf32, #tpu.memory_space<vmem>>, vector<16xf32>,
        %max3A_1106 = arith.maximumf %get3A_1064, %get3A_1024 : vector<16xf32>
        %add3A_1107 = arith.constant 48 : i32
        %add3A_1108 = arith.addi %multiple_of3A_998, %add3A_1107 : i32
        %swap3A_1109 = arith.index_cast %add3A_1108 : i32 to index
        %swap3A_1110 = tpu.vector_load %arg10[%swap3A_1109] {strides = array<i32>} : memref<65536xf32, #tpu.memory_space<vmem>>, vector<16xf32>,
        %swap3A_1111 = vector.shape_cast %swap3A_1110 : vector<16xf32> to vector<16xf32>
        %swap3A_1112 = vector.shape_cast %max3A_1106 : vector<16xf32> to vector<16xf32>
        tpu.vector_store %arg10[%swap3A_1109], %swap3A_1112 {strides = array<i32>} : memref<65536xf32, #tpu.memory_space<vmem>>, vector<16xf32>,
        %max3A_1113 = arith.maximumf %get3A_1069, %get3A_1029 : vector<16xf32>
        %add3A_1114 = arith.constant 64 : i32
        %add3A_1115 = arith.addi %multiple_of3A_998, %add3A_1114 : i32
        %swap3A_1116 = arith.index_cast %add3A_1115 : i32 to index
        %swap3A_1117 = tpu.vector_load %arg10[%swap3A_1116] {strides = array<i32>} : memref<65536xf32, #tpu.memory_space<vmem>>, vector<16xf32>,
        %swap3A_1118 = vector.shape_cast %swap3A_1117 : vector<16xf32> to vector<16xf32>
        %swap3A_1119 = vector.shape_cast %max3A_1113 : vector<16xf32> to vector<16xf32>
        tpu.vector_store %arg10[%swap3A_1116], %swap3A_1119 {strides = array<i32>} : memref<65536xf32, #tpu.memory_space<vmem>>, vector<16xf32>,
        %max3A_1120 = arith.maximumf %get3A_1074, %get3A_1034 : vector<16xf32>
        %add3A_1121 = arith.constant 80 : i32
        %add3A_1122 = arith.addi %multiple_of3A_998, %add3A_1121 : i32
        %swap3A_1123 = arith.index_cast %add3A_1122 : i32 to index
        %swap3A_1124 = tpu.vector_load %arg10[%swap3A_1123] {strides = array<i32>} : memref<65536xf32, #tpu.memory_space<vmem>>, vector<16xf32>,
        %swap3A_1125 = vector.shape_cast %swap3A_1124 : vector<16xf32> to vector<16xf32>
        %swap3A_1126 = vector.shape_cast %max3A_1120 : vector<16xf32> to vector<16xf32>
        tpu.vector_store %arg10[%swap3A_1123], %swap3A_1126 {strides = array<i32>} : memref<65536xf32, #tpu.memory_space<vmem>>, vector<16xf32>,
        %max3A_1127 = arith.maximumf %get3A_1079, %get3A_1039 : vector<16xf32>
        %add3A_1128 = arith.constant 96 : i32
        %add3A_1129 = arith.addi %multiple_of3A_998, %add3A_1128 : i32
        %swap3A_1130 = arith.index_cast %add3A_1129 : i32 to index
        %swap3A_1131 = tpu.vector_load %arg10[%swap3A_1130] {strides = array<i32>} : memref<65536xf32, #tpu.memory_space<vmem>>, vector<16xf32>,
        %swap3A_1132 = vector.shape_cast %swap3A_1131 : vector<16xf32> to vector<16xf32>
        %swap3A_1133 = vector.shape_cast %max3A_1127 : vector<16xf32> to vector<16xf32>
        tpu.vector_store %arg10[%swap3A_1130], %swap3A_1133 {strides = array<i32>} : memref<65536xf32, #tpu.memory_space<vmem>>, vector<16xf32>,
        %max3A_1134 = arith.maximumf %get3A_1084, %get3A_1044 : vector<16xf32>
        %add3A_1135 = arith.constant 112 : i32
        %add3A_1136 = arith.addi %multiple_of3A_998, %add3A_1135 : i32
        %swap3A_1137 = arith.index_cast %add3A_1136 : i32 to index
        %swap3A_1138 = tpu.vector_load %arg10[%swap3A_1137] {strides = array<i32>} : memref<65536xf32, #tpu.memory_space<vmem>>, vector<16xf32>,
        %swap3A_1139 = vector.shape_cast %swap3A_1138 : vector<16xf32> to vector<16xf32>
        %swap3A_1140 = vector.shape_cast %max3A_1134 : vector<16xf32> to vector<16xf32>
        tpu.vector_store %arg10[%swap3A_1137], %swap3A_1140 {strides = array<i32>} : memref<65536xf32, #tpu.memory_space<vmem>>, vector<16xf32>,
        %slice3A_1141 = vector.extract_strided_slice %mul3A_128 {offsets = [7], sizes = [1], strides = [1]} : vector<16xi32> to vector<1xi32>
        %squeeze3A_1142 = vector.extract %slice3A_1141[0] : i32 from vector<1xi32>
        %multiple_of3A_1143 = tpu.assume_multiple %squeeze3A_1142, 128 : i32
        %mul3A_1144 = arith.constant 16 : i32
        %mul3A_1145 = arith.muli %scan3A_70, %mul3A_1144 : i32
        %add3A_1146 = arith.constant 7 : i32
        %add3A_1147 = arith.addi %mul3A_1145, %add3A_1146 : i32
        %mul3A_1148 = arith.constant 128 : i32
        %mul3A_1149 = arith.muli %add3A_1147, %mul3A_1148 : i32
        %add3A_1150 = arith.constant 0 : i32
        %add3A_1151 = arith.addi %mul3A_1149, %add3A_1150 : i32
        %get3A_1152 = arith.index_cast %add3A_1151 : i32 to index
        %get3A_1153 = tpu.vector_load %arg6[%get3A_1152] {strides = array<i32>} : memref<16384xf32, #tpu.memory_space<vmem>>, vector<16xf32>,
        %get3A_1154 = vector.shape_cast %get3A_1153 : vector<16xf32> to vector<16xf32>
        %add3A_1155 = arith.constant 16 : i32
        %add3A_1156 = arith.addi %mul3A_1149, %add3A_1155 : i32
        %get3A_1157 = arith.index_cast %add3A_1156 : i32 to index
        %get3A_1158 = tpu.vector_load %arg6[%get3A_1157] {strides = array<i32>} : memref<16384xf32, #tpu.memory_space<vmem>>, vector<16xf32>,
        %get3A_1159 = vector.shape_cast %get3A_1158 : vector<16xf32> to vector<16xf32>
        %add3A_1160 = arith.constant 32 : i32
        %add3A_1161 = arith.addi %mul3A_1149, %add3A_1160 : i32
        %get3A_1162 = arith.index_cast %add3A_1161 : i32 to index
        %get3A_1163 = tpu.vector_load %arg6[%get3A_1162] {strides = array<i32>} : memref<16384xf32, #tpu.memory_space<vmem>>, vector<16xf32>,
        %get3A_1164 = vector.shape_cast %get3A_1163 : vector<16xf32> to vector<16xf32>
        %add3A_1165 = arith.constant 48 : i32
        %add3A_1166 = arith.addi %mul3A_1149, %add3A_1165 : i32
        %get3A_1167 = arith.index_cast %add3A_1166 : i32 to index
        %get3A_1168 = tpu.vector_load %arg6[%get3A_1167] {strides = array<i32>} : memref<16384xf32, #tpu.memory_space<vmem>>, vector<16xf32>,
        %get3A_1169 = vector.shape_cast %get3A_1168 : vector<16xf32> to vector<16xf32>
        %add3A_1170 = arith.constant 64 : i32
        %add3A_1171 = arith.addi %mul3A_1149, %add3A_1170 : i32
        %get3A_1172 = arith.index_cast %add3A_1171 : i32 to index
        %get3A_1173 = tpu.vector_load %arg6[%get3A_1172] {strides = array<i32>} : memref<16384xf32, #tpu.memory_space<vmem>>, vector<16xf32>,
        %get3A_1174 = vector.shape_cast %get3A_1173 : vector<16xf32> to vector<16xf32>
        %add3A_1175 = arith.constant 80 : i32
        %add3A_1176 = arith.addi %mul3A_1149, %add3A_1175 : i32
        %get3A_1177 = arith.index_cast %add3A_1176 : i32 to index
        %get3A_1178 = tpu.vector_load %arg6[%get3A_1177] {strides = array<i32>} : memref<16384xf32, #tpu.memory_space<vmem>>, vector<16xf32>,
        %get3A_1179 = vector.shape_cast %get3A_1178 : vector<16xf32> to vector<16xf32>
        %add3A_1180 = arith.constant 96 : i32
        %add3A_1181 = arith.addi %mul3A_1149, %add3A_1180 : i32
        %get3A_1182 = arith.index_cast %add3A_1181 : i32 to index
        %get3A_1183 = tpu.vector_load %arg6[%get3A_1182] {strides = array<i32>} : memref<16384xf32, #tpu.memory_space<vmem>>, vector<16xf32>,
        %get3A_1184 = vector.shape_cast %get3A_1183 : vector<16xf32> to vector<16xf32>
        %add3A_1185 = arith.constant 112 : i32
        %add3A_1186 = arith.addi %mul3A_1149, %add3A_1185 : i32
        %get3A_1187 = arith.index_cast %add3A_1186 : i32 to index
        %get3A_1188 = tpu.vector_load %arg6[%get3A_1187] {strides = array<i32>} : memref<16384xf32, #tpu.memory_space<vmem>>, vector<16xf32>,
        %get3A_1189 = vector.shape_cast %get3A_1188 : vector<16xf32> to vector<16xf32>
        %add3A_1190 = arith.constant 0 : i32
        %add3A_1191 = arith.addi %multiple_of3A_1143, %add3A_1190 : i32
        %get3A_1192 = arith.index_cast %add3A_1191 : i32 to index
        %get3A_1193 = tpu.vector_load %arg10[%get3A_1192] {strides = array<i32>} : memref<65536xf32, #tpu.memory_space<vmem>>, vector<16xf32>,
        %get3A_1194 = vector.shape_cast %get3A_1193 : vector<16xf32> to vector<16xf32>
        %add3A_1195 = arith.constant 16 : i32
        %add3A_1196 = arith.addi %multiple_of3A_1143, %add3A_1195 : i32
        %get3A_1197 = arith.index_cast %add3A_1196 : i32 to index
        %get3A_1198 = tpu.vector_load %arg10[%get3A_1197] {strides = array<i32>} : memref<65536xf32, #tpu.memory_space<vmem>>, vector<16xf32>,
        %get3A_1199 = vector.shape_cast %get3A_1198 : vector<16xf32> to vector<16xf32>
        %add3A_1200 = arith.constant 32 : i32
        %add3A_1201 = arith.addi %multiple_of3A_1143, %add3A_1200 : i32
        %get3A_1202 = arith.index_cast %add3A_1201 : i32 to index
        %get3A_1203 = tpu.vector_load %arg10[%get3A_1202] {strides = array<i32>} : memref<65536xf32, #tpu.memory_space<vmem>>, vector<16xf32>,
        %get3A_1204 = vector.shape_cast %get3A_1203 : vector<16xf32> to vector<16xf32>
        %add3A_1205 = arith.constant 48 : i32
        %add3A_1206 = arith.addi %multiple_of3A_1143, %add3A_1205 : i32
        %get3A_1207 = arith.index_cast %add3A_1206 : i32 to index
        %get3A_1208 = tpu.vector_load %arg10[%get3A_1207] {strides = array<i32>} : memref<65536xf32, #tpu.memory_space<vmem>>, vector<16xf32>,
        %get3A_1209 = vector.shape_cast %get3A_1208 : vector<16xf32> to vector<16xf32>
        %add3A_1210 = arith.constant 64 : i32
        %add3A_1211 = arith.addi %multiple_of3A_1143, %add3A_1210 : i32
        %get3A_1212 = arith.index_cast %add3A_1211 : i32 to index
        %get3A_1213 = tpu.vector_load %arg10[%get3A_1212] {strides = array<i32>} : memref<65536xf32, #tpu.memory_space<vmem>>, vector<16xf32>,
        %get3A_1214 = vector.shape_cast %get3A_1213 : vector<16xf32> to vector<16xf32>
        %add3A_1215 = arith.constant 80 : i32
        %add3A_1216 = arith.addi %multiple_of3A_1143, %add3A_1215 : i32
        %get3A_1217 = arith.index_cast %add3A_1216 : i32 to index
        %get3A_1218 = tpu.vector_load %arg10[%get3A_1217] {strides = array<i32>} : memref<65536xf32, #tpu.memory_space<vmem>>, vector<16xf32>,
        %get3A_1219 = vector.shape_cast %get3A_1218 : vector<16xf32> to vector<16xf32>
        %add3A_1220 = arith.constant 96 : i32
        %add3A_1221 = arith.addi %multiple_of3A_1143, %add3A_1220 : i32
        %get3A_1222 = arith.index_cast %add3A_1221 : i32 to index
        %get3A_1223 = tpu.vector_load %arg10[%get3A_1222] {strides = array<i32>} : memref<65536xf32, #tpu.memory_space<vmem>>, vector<16xf32>,
        %get3A_1224 = vector.shape_cast %get3A_1223 : vector<16xf32> to vector<16xf32>
        %add3A_1225 = arith.constant 112 : i32
        %add3A_1226 = arith.addi %multiple_of3A_1143, %add3A_1225 : i32
        %get3A_1227 = arith.index_cast %add3A_1226 : i32 to index
        %get3A_1228 = tpu.vector_load %arg10[%get3A_1227] {strides = array<i32>} : memref<65536xf32, #tpu.memory_space<vmem>>, vector<16xf32>,
        %get3A_1229 = vector.shape_cast %get3A_1228 : vector<16xf32> to vector<16xf32>
        %max3A_1230 = arith.maximumf %get3A_1194, %get3A_1154 : vector<16xf32>
        %add3A_1231 = arith.constant 0 : i32
        %add3A_1232 = arith.addi %multiple_of3A_1143, %add3A_1231 : i32
        %swap3A_1233 = arith.index_cast %add3A_1232 : i32 to index
        %swap3A_1234 = tpu.vector_load %arg10[%swap3A_1233] {strides = array<i32>} : memref<65536xf32, #tpu.memory_space<vmem>>, vector<16xf32>,
        %swap3A_1235 = vector.shape_cast %swap3A_1234 : vector<16xf32> to vector<16xf32>
        %swap3A_1236 = vector.shape_cast %max3A_1230 : vector<16xf32> to vector<16xf32>
        tpu.vector_store %arg10[%swap3A_1233], %swap3A_1236 {strides = array<i32>} : memref<65536xf32, #tpu.memory_space<vmem>>, vector<16xf32>,
        %max3A_1237 = arith.maximumf %get3A_1199, %get3A_1159 : vector<16xf32>
        %add3A_1238 = arith.constant 16 : i32
        %add3A_1239 = arith.addi %multiple_of3A_1143, %add3A_1238 : i32
        %swap3A_1240 = arith.index_cast %add3A_1239 : i32 to index
        %swap3A_1241 = tpu.vector_load %arg10[%swap3A_1240] {strides = array<i32>} : memref<65536xf32, #tpu.memory_space<vmem>>, vector<16xf32>,
        %swap3A_1242 = vector.shape_cast %swap3A_1241 : vector<16xf32> to vector<16xf32>
        %swap3A_1243 = vector.shape_cast %max3A_1237 : vector<16xf32> to vector<16xf32>
        tpu.vector_store %arg10[%swap3A_1240], %swap3A_1243 {strides = array<i32>} : memref<65536xf32, #tpu.memory_space<vmem>>, vector<16xf32>,
        %max3A_1244 = arith.maximumf %get3A_1204, %get3A_1164 : vector<16xf32>
        %add3A_1245 = arith.constant 32 : i32
        %add3A_1246 = arith.addi %multiple_of3A_1143, %add3A_1245 : i32
        %swap3A_1247 = arith.index_cast %add3A_1246 : i32 to index
        %swap3A_1248 = tpu.vector_load %arg10[%swap3A_1247] {strides = array<i32>} : memref<65536xf32, #tpu.memory_space<vmem>>, vector<16xf32>,
        %swap3A_1249 = vector.shape_cast %swap3A_1248 : vector<16xf32> to vector<16xf32>
        %swap3A_1250 = vector.shape_cast %max3A_1244 : vector<16xf32> to vector<16xf32>
        tpu.vector_store %arg10[%swap3A_1247], %swap3A_1250 {strides = array<i32>} : memref<65536xf32, #tpu.memory_space<vmem>>, vector<16xf32>,
        %max3A_1251 = arith.maximumf %get3A_1209, %get3A_1169 : vector<16xf32>
        %add3A_1252 = arith.constant 48 : i32
        %add3A_1253 = arith.addi %multiple_of3A_1143, %add3A_1252 : i32
        %swap3A_1254 = arith.index_cast %add3A_1253 : i32 to index
        %swap3A_1255 = tpu.vector_load %arg10[%swap3A_1254] {strides = array<i32>} : memref<65536xf32, #tpu.memory_space<vmem>>, vector<16xf32>,
        %swap3A_1256 = vector.shape_cast %swap3A_1255 : vector<16xf32> to vector<16xf32>
        %swap3A_1257 = vector.shape_cast %max3A_1251 : vector<16xf32> to vector<16xf32>
        tpu.vector_store %arg10[%swap3A_1254], %swap3A_1257 {strides = array<i32>} : memref<65536xf32, #tpu.memory_space<vmem>>, vector<16xf32>,
        %max3A_1258 = arith.maximumf %get3A_1214, %get3A_1174 : vector<16xf32>
        %add3A_1259 = arith.constant 64 : i32
        %add3A_1260 = arith.addi %multiple_of3A_1143, %add3A_1259 : i32
        %swap3A_1261 = arith.index_cast %add3A_1260 : i32 to index
        %swap3A_1262 = tpu.vector_load %arg10[%swap3A_1261] {strides = array<i32>} : memref<65536xf32, #tpu.memory_space<vmem>>, vector<16xf32>,
        %swap3A_1263 = vector.shape_cast %swap3A_1262 : vector<16xf32> to vector<16xf32>
        %swap3A_1264 = vector.shape_cast %max3A_1258 : vector<16xf32> to vector<16xf32>
        tpu.vector_store %arg10[%swap3A_1261], %swap3A_1264 {strides = array<i32>} : memref<65536xf32, #tpu.memory_space<vmem>>, vector<16xf32>,
        %max3A_1265 = arith.maximumf %get3A_1219, %get3A_1179 : vector<16xf32>
        %add3A_1266 = arith.constant 80 : i32
        %add3A_1267 = arith.addi %multiple_of3A_1143, %add3A_1266 : i32
        %swap3A_1268 = arith.index_cast %add3A_1267 : i32 to index
        %swap3A_1269 = tpu.vector_load %arg10[%swap3A_1268] {strides = array<i32>} : memref<65536xf32, #tpu.memory_space<vmem>>, vector<16xf32>,
        %swap3A_1270 = vector.shape_cast %swap3A_1269 : vector<16xf32> to vector<16xf32>
        %swap3A_1271 = vector.shape_cast %max3A_1265 : vector<16xf32> to vector<16xf32>
        tpu.vector_store %arg10[%swap3A_1268], %swap3A_1271 {strides = array<i32>} : memref<65536xf32, #tpu.memory_space<vmem>>, vector<16xf32>,
        %max3A_1272 = arith.maximumf %get3A_1224, %get3A_1184 : vector<16xf32>
        %add3A_1273 = arith.constant 96 : i32
        %add3A_1274 = arith.addi %multiple_of3A_1143, %add3A_1273 : i32
        %swap3A_1275 = arith.index_cast %add3A_1274 : i32 to index
        %swap3A_1276 = tpu.vector_load %arg10[%swap3A_1275] {strides = array<i32>} : memref<65536xf32, #tpu.memory_space<vmem>>, vector<16xf32>,
        %swap3A_1277 = vector.shape_cast %swap3A_1276 : vector<16xf32> to vector<16xf32>
        %swap3A_1278 = vector.shape_cast %max3A_1272 : vector<16xf32> to vector<16xf32>
        tpu.vector_store %arg10[%swap3A_1275], %swap3A_1278 {strides = array<i32>} : memref<65536xf32, #tpu.memory_space<vmem>>, vector<16xf32>,
        %max3A_1279 = arith.maximumf %get3A_1229, %get3A_1189 : vector<16xf32>
        %add3A_1280 = arith.constant 112 : i32
        %add3A_1281 = arith.addi %multiple_of3A_1143, %add3A_1280 : i32
        %swap3A_1282 = arith.index_cast %add3A_1281 : i32 to index
        %swap3A_1283 = tpu.vector_load %arg10[%swap3A_1282] {strides = array<i32>} : memref<65536xf32, #tpu.memory_space<vmem>>, vector<16xf32>,
        %swap3A_1284 = vector.shape_cast %swap3A_1283 : vector<16xf32> to vector<16xf32>
        %swap3A_1285 = vector.shape_cast %max3A_1279 : vector<16xf32> to vector<16xf32>
        tpu.vector_store %arg10[%swap3A_1282], %swap3A_1285 {strides = array<i32>} : memref<65536xf32, #tpu.memory_space<vmem>>, vector<16xf32>,
        %slice3A_1286 = vector.extract_strided_slice %mul3A_128 {offsets = [8], sizes = [1], strides = [1]} : vector<16xi32> to vector<1xi32>
        %squeeze3A_1287 = vector.extract %slice3A_1286[0] : i32 from vector<1xi32>
        %multiple_of3A_1288 = tpu.assume_multiple %squeeze3A_1287, 128 : i32
        %mul3A_1289 = arith.constant 16 : i32
        %mul3A_1290 = arith.muli %scan3A_70, %mul3A_1289 : i32
        %add3A_1291 = arith.constant 8 : i32
        %add3A_1292 = arith.addi %mul3A_1290, %add3A_1291 : i32
        %mul3A_1293 = arith.constant 128 : i32
        %mul3A_1294 = arith.muli %add3A_1292, %mul3A_1293 : i32
        %add3A_1295 = arith.constant 0 : i32
        %add3A_1296 = arith.addi %mul3A_1294, %add3A_1295 : i32
        %get3A_1297 = arith.index_cast %add3A_1296 : i32 to index
        %get3A_1298 = tpu.vector_load %arg6[%get3A_1297] {strides = array<i32>} : memref<16384xf32, #tpu.memory_space<vmem>>, vector<16xf32>,
        %get3A_1299 = vector.shape_cast %get3A_1298 : vector<16xf32> to vector<16xf32>
        %add3A_1300 = arith.constant 16 : i32
        %add3A_1301 = arith.addi %mul3A_1294, %add3A_1300 : i32
        %get3A_1302 = arith.index_cast %add3A_1301 : i32 to index
        %get3A_1303 = tpu.vector_load %arg6[%get3A_1302] {strides = array<i32>} : memref<16384xf32, #tpu.memory_space<vmem>>, vector<16xf32>,
        %get3A_1304 = vector.shape_cast %get3A_1303 : vector<16xf32> to vector<16xf32>
        %add3A_1305 = arith.constant 32 : i32
        %add3A_1306 = arith.addi %mul3A_1294, %add3A_1305 : i32
        %get3A_1307 = arith.index_cast %add3A_1306 : i32 to index
        %get3A_1308 = tpu.vector_load %arg6[%get3A_1307] {strides = array<i32>} : memref<16384xf32, #tpu.memory_space<vmem>>, vector<16xf32>,
        %get3A_1309 = vector.shape_cast %get3A_1308 : vector<16xf32> to vector<16xf32>
        %add3A_1310 = arith.constant 48 : i32
        %add3A_1311 = arith.addi %mul3A_1294, %add3A_1310 : i32
        %get3A_1312 = arith.index_cast %add3A_1311 : i32 to index
        %get3A_1313 = tpu.vector_load %arg6[%get3A_1312] {strides = array<i32>} : memref<16384xf32, #tpu.memory_space<vmem>>, vector<16xf32>,
        %get3A_1314 = vector.shape_cast %get3A_1313 : vector<16xf32> to vector<16xf32>
        %add3A_1315 = arith.constant 64 : i32
        %add3A_1316 = arith.addi %mul3A_1294, %add3A_1315 : i32
        %get3A_1317 = arith.index_cast %add3A_1316 : i32 to index
        %get3A_1318 = tpu.vector_load %arg6[%get3A_1317] {strides = array<i32>} : memref<16384xf32, #tpu.memory_space<vmem>>, vector<16xf32>,
        %get3A_1319 = vector.shape_cast %get3A_1318 : vector<16xf32> to vector<16xf32>
        %add3A_1320 = arith.constant 80 : i32
        %add3A_1321 = arith.addi %mul3A_1294, %add3A_1320 : i32
        %get3A_1322 = arith.index_cast %add3A_1321 : i32 to index
        %get3A_1323 = tpu.vector_load %arg6[%get3A_1322] {strides = array<i32>} : memref<16384xf32, #tpu.memory_space<vmem>>, vector<16xf32>,
        %get3A_1324 = vector.shape_cast %get3A_1323 : vector<16xf32> to vector<16xf32>
        %add3A_1325 = arith.constant 96 : i32
        %add3A_1326 = arith.addi %mul3A_1294, %add3A_1325 : i32
        %get3A_1327 = arith.index_cast %add3A_1326 : i32 to index
        %get3A_1328 = tpu.vector_load %arg6[%get3A_1327] {strides = array<i32>} : memref<16384xf32, #tpu.memory_space<vmem>>, vector<16xf32>,
        %get3A_1329 = vector.shape_cast %get3A_1328 : vector<16xf32> to vector<16xf32>
        %add3A_1330 = arith.constant 112 : i32
        %add3A_1331 = arith.addi %mul3A_1294, %add3A_1330 : i32
        %get3A_1332 = arith.index_cast %add3A_1331 : i32 to index
        %get3A_1333 = tpu.vector_load %arg6[%get3A_1332] {strides = array<i32>} : memref<16384xf32, #tpu.memory_space<vmem>>, vector<16xf32>,
        %get3A_1334 = vector.shape_cast %get3A_1333 : vector<16xf32> to vector<16xf32>
        %add3A_1335 = arith.constant 0 : i32
        %add3A_1336 = arith.addi %multiple_of3A_1288, %add3A_1335 : i32
        %get3A_1337 = arith.index_cast %add3A_1336 : i32 to index
        %get3A_1338 = tpu.vector_load %arg10[%get3A_1337] {strides = array<i32>} : memref<65536xf32, #tpu.memory_space<vmem>>, vector<16xf32>,
        %get3A_1339 = vector.shape_cast %get3A_1338 : vector<16xf32> to vector<16xf32>
        %add3A_1340 = arith.constant 16 : i32
        %add3A_1341 = arith.addi %multiple_of3A_1288, %add3A_1340 : i32
        %get3A_1342 = arith.index_cast %add3A_1341 : i32 to index
        %get3A_1343 = tpu.vector_load %arg10[%get3A_1342] {strides = array<i32>} : memref<65536xf32, #tpu.memory_space<vmem>>, vector<16xf32>,
        %get3A_1344 = vector.shape_cast %get3A_1343 : vector<16xf32> to vector<16xf32>
        %add3A_1345 = arith.constant 32 : i32
        %add3A_1346 = arith.addi %multiple_of3A_1288, %add3A_1345 : i32
        %get3A_1347 = arith.index_cast %add3A_1346 : i32 to index
        %get3A_1348 = tpu.vector_load %arg10[%get3A_1347] {strides = array<i32>} : memref<65536xf32, #tpu.memory_space<vmem>>, vector<16xf32>,
        %get3A_1349 = vector.shape_cast %get3A_1348 : vector<16xf32> to vector<16xf32>
        %add3A_1350 = arith.constant 48 : i32
        %add3A_1351 = arith.addi %multiple_of3A_1288, %add3A_1350 : i32
        %get3A_1352 = arith.index_cast %add3A_1351 : i32 to index
        %get3A_1353 = tpu.vector_load %arg10[%get3A_1352] {strides = array<i32>} : memref<65536xf32, #tpu.memory_space<vmem>>, vector<16xf32>,
        %get3A_1354 = vector.shape_cast %get3A_1353 : vector<16xf32> to vector<16xf32>
        %add3A_1355 = arith.constant 64 : i32
        %add3A_1356 = arith.addi %multiple_of3A_1288, %add3A_1355 : i32
        %get3A_1357 = arith.index_cast %add3A_1356 : i32 to index
        %get3A_1358 = tpu.vector_load %arg10[%get3A_1357] {strides = array<i32>} : memref<65536xf32, #tpu.memory_space<vmem>>, vector<16xf32>,
        %get3A_1359 = vector.shape_cast %get3A_1358 : vector<16xf32> to vector<16xf32>
        %add3A_1360 = arith.constant 80 : i32
        %add3A_1361 = arith.addi %multiple_of3A_1288, %add3A_1360 : i32
        %get3A_1362 = arith.index_cast %add3A_1361 : i32 to index
        %get3A_1363 = tpu.vector_load %arg10[%get3A_1362] {strides = array<i32>} : memref<65536xf32, #tpu.memory_space<vmem>>, vector<16xf32>,
        %get3A_1364 = vector.shape_cast %get3A_1363 : vector<16xf32> to vector<16xf32>
        %add3A_1365 = arith.constant 96 : i32
        %add3A_1366 = arith.addi %multiple_of3A_1288, %add3A_1365 : i32
        %get3A_1367 = arith.index_cast %add3A_1366 : i32 to index
        %get3A_1368 = tpu.vector_load %arg10[%get3A_1367] {strides = array<i32>} : memref<65536xf32, #tpu.memory_space<vmem>>, vector<16xf32>,
        %get3A_1369 = vector.shape_cast %get3A_1368 : vector<16xf32> to vector<16xf32>
        %add3A_1370 = arith.constant 112 : i32
        %add3A_1371 = arith.addi %multiple_of3A_1288, %add3A_1370 : i32
        %get3A_1372 = arith.index_cast %add3A_1371 : i32 to index
        %get3A_1373 = tpu.vector_load %arg10[%get3A_1372] {strides = array<i32>} : memref<65536xf32, #tpu.memory_space<vmem>>, vector<16xf32>,
        %get3A_1374 = vector.shape_cast %get3A_1373 : vector<16xf32> to vector<16xf32>
        %max3A_1375 = arith.maximumf %get3A_1339, %get3A_1299 : vector<16xf32>
        %add3A_1376 = arith.constant 0 : i32
        %add3A_1377 = arith.addi %multiple_of3A_1288, %add3A_1376 : i32
        %swap3A_1378 = arith.index_cast %add3A_1377 : i32 to index
        %swap3A_1379 = tpu.vector_load %arg10[%swap3A_1378] {strides = array<i32>} : memref<65536xf32, #tpu.memory_space<vmem>>, vector<16xf32>,
        %swap3A_1380 = vector.shape_cast %swap3A_1379 : vector<16xf32> to vector<16xf32>
        %swap3A_1381 = vector.shape_cast %max3A_1375 : vector<16xf32> to vector<16xf32>
        tpu.vector_store %arg10[%swap3A_1378], %swap3A_1381 {strides = array<i32>} : memref<65536xf32, #tpu.memory_space<vmem>>, vector<16xf32>,
        %max3A_1382 = arith.maximumf %get3A_1344, %get3A_1304 : vector<16xf32>
        %add3A_1383 = arith.constant 16 : i32
        %add3A_1384 = arith.addi %multiple_of3A_1288, %add3A_1383 : i32
        %swap3A_1385 = arith.index_cast %add3A_1384 : i32 to index
        %swap3A_1386 = tpu.vector_load %arg10[%swap3A_1385] {strides = array<i32>} : memref<65536xf32, #tpu.memory_space<vmem>>, vector<16xf32>,
        %swap3A_1387 = vector.shape_cast %swap3A_1386 : vector<16xf32> to vector<16xf32>
        %swap3A_1388 = vector.shape_cast %max3A_1382 : vector<16xf32> to vector<16xf32>
        tpu.vector_store %arg10[%swap3A_1385], %swap3A_1388 {strides = array<i32>} : memref<65536xf32, #tpu.memory_space<vmem>>, vector<16xf32>,
        %max3A_1389 = arith.maximumf %get3A_1349, %get3A_1309 : vector<16xf32>
        %add3A_1390 = arith.constant 32 : i32
        %add3A_1391 = arith.addi %multiple_of3A_1288, %add3A_1390 : i32
        %swap3A_1392 = arith.index_cast %add3A_1391 : i32 to index
        %swap3A_1393 = tpu.vector_load %arg10[%swap3A_1392] {strides = array<i32>} : memref<65536xf32, #tpu.memory_space<vmem>>, vector<16xf32>,
        %swap3A_1394 = vector.shape_cast %swap3A_1393 : vector<16xf32> to vector<16xf32>
        %swap3A_1395 = vector.shape_cast %max3A_1389 : vector<16xf32> to vector<16xf32>
        tpu.vector_store %arg10[%swap3A_1392], %swap3A_1395 {strides = array<i32>} : memref<65536xf32, #tpu.memory_space<vmem>>, vector<16xf32>,
        %max3A_1396 = arith.maximumf %get3A_1354, %get3A_1314 : vector<16xf32>
        %add3A_1397 = arith.constant 48 : i32
        %add3A_1398 = arith.addi %multiple_of3A_1288, %add3A_1397 : i32
        %swap3A_1399 = arith.index_cast %add3A_1398 : i32 to index
        %swap3A_1400 = tpu.vector_load %arg10[%swap3A_1399] {strides = array<i32>} : memref<65536xf32, #tpu.memory_space<vmem>>, vector<16xf32>,
        %swap3A_1401 = vector.shape_cast %swap3A_1400 : vector<16xf32> to vector<16xf32>
        %swap3A_1402 = vector.shape_cast %max3A_1396 : vector<16xf32> to vector<16xf32>
        tpu.vector_store %arg10[%swap3A_1399], %swap3A_1402 {strides = array<i32>} : memref<65536xf32, #tpu.memory_space<vmem>>, vector<16xf32>,
        %max3A_1403 = arith.maximumf %get3A_1359, %get3A_1319 : vector<16xf32>
        %add3A_1404 = arith.constant 64 : i32
        %add3A_1405 = arith.addi %multiple_of3A_1288, %add3A_1404 : i32
        %swap3A_1406 = arith.index_cast %add3A_1405 : i32 to index
        %swap3A_1407 = tpu.vector_load %arg10[%swap3A_1406] {strides = array<i32>} : memref<65536xf32, #tpu.memory_space<vmem>>, vector<16xf32>,
        %swap3A_1408 = vector.shape_cast %swap3A_1407 : vector<16xf32> to vector<16xf32>
        %swap3A_1409 = vector.shape_cast %max3A_1403 : vector<16xf32> to vector<16xf32>
        tpu.vector_store %arg10[%swap3A_1406], %swap3A_1409 {strides = array<i32>} : memref<65536xf32, #tpu.memory_space<vmem>>, vector<16xf32>,
        %max3A_1410 = arith.maximumf %get3A_1364, %get3A_1324 : vector<16xf32>
        %add3A_1411 = arith.constant 80 : i32
        %add3A_1412 = arith.addi %multiple_of3A_1288, %add3A_1411 : i32
        %swap3A_1413 = arith.index_cast %add3A_1412 : i32 to index
        %swap3A_1414 = tpu.vector_load %arg10[%swap3A_1413] {strides = array<i32>} : memref<65536xf32, #tpu.memory_space<vmem>>, vector<16xf32>,
        %swap3A_1415 = vector.shape_cast %swap3A_1414 : vector<16xf32> to vector<16xf32>
        %swap3A_1416 = vector.shape_cast %max3A_1410 : vector<16xf32> to vector<16xf32>
        tpu.vector_store %arg10[%swap3A_1413], %swap3A_1416 {strides = array<i32>} : memref<65536xf32, #tpu.memory_space<vmem>>, vector<16xf32>,
        %max3A_1417 = arith.maximumf %get3A_1369, %get3A_1329 : vector<16xf32>
        %add3A_1418 = arith.constant 96 : i32
        %add3A_1419 = arith.addi %multiple_of3A_1288, %add3A_1418 : i32
        %swap3A_1420 = arith.index_cast %add3A_1419 : i32 to index
        %swap3A_1421 = tpu.vector_load %arg10[%swap3A_1420] {strides = array<i32>} : memref<65536xf32, #tpu.memory_space<vmem>>, vector<16xf32>,
        %swap3A_1422 = vector.shape_cast %swap3A_1421 : vector<16xf32> to vector<16xf32>
        %swap3A_1423 = vector.shape_cast %max3A_1417 : vector<16xf32> to vector<16xf32>
        tpu.vector_store %arg10[%swap3A_1420], %swap3A_1423 {strides = array<i32>} : memref<65536xf32, #tpu.memory_space<vmem>>, vector<16xf32>,
        %max3A_1424 = arith.maximumf %get3A_1374, %get3A_1334 : vector<16xf32>
        %add3A_1425 = arith.constant 112 : i32
        %add3A_1426 = arith.addi %multiple_of3A_1288, %add3A_1425 : i32
        %swap3A_1427 = arith.index_cast %add3A_1426 : i32 to index
        %swap3A_1428 = tpu.vector_load %arg10[%swap3A_1427] {strides = array<i32>} : memref<65536xf32, #tpu.memory_space<vmem>>, vector<16xf32>,
        %swap3A_1429 = vector.shape_cast %swap3A_1428 : vector<16xf32> to vector<16xf32>
        %swap3A_1430 = vector.shape_cast %max3A_1424 : vector<16xf32> to vector<16xf32>
        tpu.vector_store %arg10[%swap3A_1427], %swap3A_1430 {strides = array<i32>} : memref<65536xf32, #tpu.memory_space<vmem>>, vector<16xf32>,
        %slice3A_1431 = vector.extract_strided_slice %mul3A_128 {offsets = [9], sizes = [1], strides = [1]} : vector<16xi32> to vector<1xi32>
        %squeeze3A_1432 = vector.extract %slice3A_1431[0] : i32 from vector<1xi32>
        %multiple_of3A_1433 = tpu.assume_multiple %squeeze3A_1432, 128 : i32
        %mul3A_1434 = arith.constant 16 : i32
        %mul3A_1435 = arith.muli %scan3A_70, %mul3A_1434 : i32
        %add3A_1436 = arith.constant 9 : i32
        %add3A_1437 = arith.addi %mul3A_1435, %add3A_1436 : i32
        %mul3A_1438 = arith.constant 128 : i32
        %mul3A_1439 = arith.muli %add3A_1437, %mul3A_1438 : i32
        %add3A_1440 = arith.constant 0 : i32
        %add3A_1441 = arith.addi %mul3A_1439, %add3A_1440 : i32
        %get3A_1442 = arith.index_cast %add3A_1441 : i32 to index
        %get3A_1443 = tpu.vector_load %arg6[%get3A_1442] {strides = array<i32>} : memref<16384xf32, #tpu.memory_space<vmem>>, vector<16xf32>,
        %get3A_1444 = vector.shape_cast %get3A_1443 : vector<16xf32> to vector<16xf32>
        %add3A_1445 = arith.constant 16 : i32
        %add3A_1446 = arith.addi %mul3A_1439, %add3A_1445 : i32
        %get3A_1447 = arith.index_cast %add3A_1446 : i32 to index
        %get3A_1448 = tpu.vector_load %arg6[%get3A_1447] {strides = array<i32>} : memref<16384xf32, #tpu.memory_space<vmem>>, vector<16xf32>,
        %get3A_1449 = vector.shape_cast %get3A_1448 : vector<16xf32> to vector<16xf32>
        %add3A_1450 = arith.constant 32 : i32
        %add3A_1451 = arith.addi %mul3A_1439, %add3A_1450 : i32
        %get3A_1452 = arith.index_cast %add3A_1451 : i32 to index
        %get3A_1453 = tpu.vector_load %arg6[%get3A_1452] {strides = array<i32>} : memref<16384xf32, #tpu.memory_space<vmem>>, vector<16xf32>,
        %get3A_1454 = vector.shape_cast %get3A_1453 : vector<16xf32> to vector<16xf32>
        %add3A_1455 = arith.constant 48 : i32
        %add3A_1456 = arith.addi %mul3A_1439, %add3A_1455 : i32
        %get3A_1457 = arith.index_cast %add3A_1456 : i32 to index
        %get3A_1458 = tpu.vector_load %arg6[%get3A_1457] {strides = array<i32>} : memref<16384xf32, #tpu.memory_space<vmem>>, vector<16xf32>,
        %get3A_1459 = vector.shape_cast %get3A_1458 : vector<16xf32> to vector<16xf32>
        %add3A_1460 = arith.constant 64 : i32
        %add3A_1461 = arith.addi %mul3A_1439, %add3A_1460 : i32
        %get3A_1462 = arith.index_cast %add3A_1461 : i32 to index
        %get3A_1463 = tpu.vector_load %arg6[%get3A_1462] {strides = array<i32>} : memref<16384xf32, #tpu.memory_space<vmem>>, vector<16xf32>,
        %get3A_1464 = vector.shape_cast %get3A_1463 : vector<16xf32> to vector<16xf32>
        %add3A_1465 = arith.constant 80 : i32
        %add3A_1466 = arith.addi %mul3A_1439, %add3A_1465 : i32
        %get3A_1467 = arith.index_cast %add3A_1466 : i32 to index
        %get3A_1468 = tpu.vector_load %arg6[%get3A_1467] {strides = array<i32>} : memref<16384xf32, #tpu.memory_space<vmem>>, vector<16xf32>,
        %get3A_1469 = vector.shape_cast %get3A_1468 : vector<16xf32> to vector<16xf32>
        %add3A_1470 = arith.constant 96 : i32
        %add3A_1471 = arith.addi %mul3A_1439, %add3A_1470 : i32
        %get3A_1472 = arith.index_cast %add3A_1471 : i32 to index
        %get3A_1473 = tpu.vector_load %arg6[%get3A_1472] {strides = array<i32>} : memref<16384xf32, #tpu.memory_space<vmem>>, vector<16xf32>,
        %get3A_1474 = vector.shape_cast %get3A_1473 : vector<16xf32> to vector<16xf32>
        %add3A_1475 = arith.constant 112 : i32
        %add3A_1476 = arith.addi %mul3A_1439, %add3A_1475 : i32
        %get3A_1477 = arith.index_cast %add3A_1476 : i32 to index
        %get3A_1478 = tpu.vector_load %arg6[%get3A_1477] {strides = array<i32>} : memref<16384xf32, #tpu.memory_space<vmem>>, vector<16xf32>,
        %get3A_1479 = vector.shape_cast %get3A_1478 : vector<16xf32> to vector<16xf32>
        %add3A_1480 = arith.constant 0 : i32
        %add3A_1481 = arith.addi %multiple_of3A_1433, %add3A_1480 : i32
        %get3A_1482 = arith.index_cast %add3A_1481 : i32 to index
        %get3A_1483 = tpu.vector_load %arg10[%get3A_1482] {strides = array<i32>} : memref<65536xf32, #tpu.memory_space<vmem>>, vector<16xf32>,
        %get3A_1484 = vector.shape_cast %get3A_1483 : vector<16xf32> to vector<16xf32>
        %add3A_1485 = arith.constant 16 : i32
        %add3A_1486 = arith.addi %multiple_of3A_1433, %add3A_1485 : i32
        %get3A_1487 = arith.index_cast %add3A_1486 : i32 to index
        %get3A_1488 = tpu.vector_load %arg10[%get3A_1487] {strides = array<i32>} : memref<65536xf32, #tpu.memory_space<vmem>>, vector<16xf32>,
        %get3A_1489 = vector.shape_cast %get3A_1488 : vector<16xf32> to vector<16xf32>
        %add3A_1490 = arith.constant 32 : i32
        %add3A_1491 = arith.addi %multiple_of3A_1433, %add3A_1490 : i32
        %get3A_1492 = arith.index_cast %add3A_1491 : i32 to index
        %get3A_1493 = tpu.vector_load %arg10[%get3A_1492] {strides = array<i32>} : memref<65536xf32, #tpu.memory_space<vmem>>, vector<16xf32>,
        %get3A_1494 = vector.shape_cast %get3A_1493 : vector<16xf32> to vector<16xf32>
        %add3A_1495 = arith.constant 48 : i32
        %add3A_1496 = arith.addi %multiple_of3A_1433, %add3A_1495 : i32
        %get3A_1497 = arith.index_cast %add3A_1496 : i32 to index
        %get3A_1498 = tpu.vector_load %arg10[%get3A_1497] {strides = array<i32>} : memref<65536xf32, #tpu.memory_space<vmem>>, vector<16xf32>,
        %get3A_1499 = vector.shape_cast %get3A_1498 : vector<16xf32> to vector<16xf32>
        %add3A_1500 = arith.constant 64 : i32
        %add3A_1501 = arith.addi %multiple_of3A_1433, %add3A_1500 : i32
        %get3A_1502 = arith.index_cast %add3A_1501 : i32 to index
        %get3A_1503 = tpu.vector_load %arg10[%get3A_1502] {strides = array<i32>} : memref<65536xf32, #tpu.memory_space<vmem>>, vector<16xf32>,
        %get3A_1504 = vector.shape_cast %get3A_1503 : vector<16xf32> to vector<16xf32>
        %add3A_1505 = arith.constant 80 : i32
        %add3A_1506 = arith.addi %multiple_of3A_1433, %add3A_1505 : i32
        %get3A_1507 = arith.index_cast %add3A_1506 : i32 to index
        %get3A_1508 = tpu.vector_load %arg10[%get3A_1507] {strides = array<i32>} : memref<65536xf32, #tpu.memory_space<vmem>>, vector<16xf32>,
        %get3A_1509 = vector.shape_cast %get3A_1508 : vector<16xf32> to vector<16xf32>
        %add3A_1510 = arith.constant 96 : i32
        %add3A_1511 = arith.addi %multiple_of3A_1433, %add3A_1510 : i32
        %get3A_1512 = arith.index_cast %add3A_1511 : i32 to index
        %get3A_1513 = tpu.vector_load %arg10[%get3A_1512] {strides = array<i32>} : memref<65536xf32, #tpu.memory_space<vmem>>, vector<16xf32>,
        %get3A_1514 = vector.shape_cast %get3A_1513 : vector<16xf32> to vector<16xf32>
        %add3A_1515 = arith.constant 112 : i32
        %add3A_1516 = arith.addi %multiple_of3A_1433, %add3A_1515 : i32
        %get3A_1517 = arith.index_cast %add3A_1516 : i32 to index
        %get3A_1518 = tpu.vector_load %arg10[%get3A_1517] {strides = array<i32>} : memref<65536xf32, #tpu.memory_space<vmem>>, vector<16xf32>,
        %get3A_1519 = vector.shape_cast %get3A_1518 : vector<16xf32> to vector<16xf32>
        %max3A_1520 = arith.maximumf %get3A_1484, %get3A_1444 : vector<16xf32>
        %add3A_1521 = arith.constant 0 : i32
        %add3A_1522 = arith.addi %multiple_of3A_1433, %add3A_1521 : i32
        %swap3A_1523 = arith.index_cast %add3A_1522 : i32 to index
        %swap3A_1524 = tpu.vector_load %arg10[%swap3A_1523] {strides = array<i32>} : memref<65536xf32, #tpu.memory_space<vmem>>, vector<16xf32>,
        %swap3A_1525 = vector.shape_cast %swap3A_1524 : vector<16xf32> to vector<16xf32>
        %swap3A_1526 = vector.shape_cast %max3A_1520 : vector<16xf32> to vector<16xf32>
        tpu.vector_store %arg10[%swap3A_1523], %swap3A_1526 {strides = array<i32>} : memref<65536xf32, #tpu.memory_space<vmem>>, vector<16xf32>,
        %max3A_1527 = arith.maximumf %get3A_1489, %get3A_1449 : vector<16xf32>
        %add3A_1528 = arith.constant 16 : i32
        %add3A_1529 = arith.addi %multiple_of3A_1433, %add3A_1528 : i32
        %swap3A_1530 = arith.index_cast %add3A_1529 : i32 to index
        %swap3A_1531 = tpu.vector_load %arg10[%swap3A_1530] {strides = array<i32>} : memref<65536xf32, #tpu.memory_space<vmem>>, vector<16xf32>,
        %swap3A_1532 = vector.shape_cast %swap3A_1531 : vector<16xf32> to vector<16xf32>
        %swap3A_1533 = vector.shape_cast %max3A_1527 : vector<16xf32> to vector<16xf32>
        tpu.vector_store %arg10[%swap3A_1530], %swap3A_1533 {strides = array<i32>} : memref<65536xf32, #tpu.memory_space<vmem>>, vector<16xf32>,
        %max3A_1534 = arith.maximumf %get3A_1494, %get3A_1454 : vector<16xf32>
        %add3A_1535 = arith.constant 32 : i32
        %add3A_1536 = arith.addi %multiple_of3A_1433, %add3A_1535 : i32
        %swap3A_1537 = arith.index_cast %add3A_1536 : i32 to index
        %swap3A_1538 = tpu.vector_load %arg10[%swap3A_1537] {strides = array<i32>} : memref<65536xf32, #tpu.memory_space<vmem>>, vector<16xf32>,
        %swap3A_1539 = vector.shape_cast %swap3A_1538 : vector<16xf32> to vector<16xf32>
        %swap3A_1540 = vector.shape_cast %max3A_1534 : vector<16xf32> to vector<16xf32>
        tpu.vector_store %arg10[%swap3A_1537], %swap3A_1540 {strides = array<i32>} : memref<65536xf32, #tpu.memory_space<vmem>>, vector<16xf32>,
        %max3A_1541 = arith.maximumf %get3A_1499, %get3A_1459 : vector<16xf32>
        %add3A_1542 = arith.constant 48 : i32
        %add3A_1543 = arith.addi %multiple_of3A_1433, %add3A_1542 : i32
        %swap3A_1544 = arith.index_cast %add3A_1543 : i32 to index
        %swap3A_1545 = tpu.vector_load %arg10[%swap3A_1544] {strides = array<i32>} : memref<65536xf32, #tpu.memory_space<vmem>>, vector<16xf32>,
        %swap3A_1546 = vector.shape_cast %swap3A_1545 : vector<16xf32> to vector<16xf32>
        %swap3A_1547 = vector.shape_cast %max3A_1541 : vector<16xf32> to vector<16xf32>
        tpu.vector_store %arg10[%swap3A_1544], %swap3A_1547 {strides = array<i32>} : memref<65536xf32, #tpu.memory_space<vmem>>, vector<16xf32>,
        %max3A_1548 = arith.maximumf %get3A_1504, %get3A_1464 : vector<16xf32>
        %add3A_1549 = arith.constant 64 : i32
        %add3A_1550 = arith.addi %multiple_of3A_1433, %add3A_1549 : i32
        %swap3A_1551 = arith.index_cast %add3A_1550 : i32 to index
        %swap3A_1552 = tpu.vector_load %arg10[%swap3A_1551] {strides = array<i32>} : memref<65536xf32, #tpu.memory_space<vmem>>, vector<16xf32>,
        %swap3A_1553 = vector.shape_cast %swap3A_1552 : vector<16xf32> to vector<16xf32>
        %swap3A_1554 = vector.shape_cast %max3A_1548 : vector<16xf32> to vector<16xf32>
        tpu.vector_store %arg10[%swap3A_1551], %swap3A_1554 {strides = array<i32>} : memref<65536xf32, #tpu.memory_space<vmem>>, vector<16xf32>,
        %max3A_1555 = arith.maximumf %get3A_1509, %get3A_1469 : vector<16xf32>
        %add3A_1556 = arith.constant 80 : i32
        %add3A_1557 = arith.addi %multiple_of3A_1433, %add3A_1556 : i32
        %swap3A_1558 = arith.index_cast %add3A_1557 : i32 to index
        %swap3A_1559 = tpu.vector_load %arg10[%swap3A_1558] {strides = array<i32>} : memref<65536xf32, #tpu.memory_space<vmem>>, vector<16xf32>,
        %swap3A_1560 = vector.shape_cast %swap3A_1559 : vector<16xf32> to vector<16xf32>
        %swap3A_1561 = vector.shape_cast %max3A_1555 : vector<16xf32> to vector<16xf32>
        tpu.vector_store %arg10[%swap3A_1558], %swap3A_1561 {strides = array<i32>} : memref<65536xf32, #tpu.memory_space<vmem>>, vector<16xf32>,
        %max3A_1562 = arith.maximumf %get3A_1514, %get3A_1474 : vector<16xf32>
        %add3A_1563 = arith.constant 96 : i32
        %add3A_1564 = arith.addi %multiple_of3A_1433, %add3A_1563 : i32
        %swap3A_1565 = arith.index_cast %add3A_1564 : i32 to index
        %swap3A_1566 = tpu.vector_load %arg10[%swap3A_1565] {strides = array<i32>} : memref<65536xf32, #tpu.memory_space<vmem>>, vector<16xf32>,
        %swap3A_1567 = vector.shape_cast %swap3A_1566 : vector<16xf32> to vector<16xf32>
        %swap3A_1568 = vector.shape_cast %max3A_1562 : vector<16xf32> to vector<16xf32>
        tpu.vector_store %arg10[%swap3A_1565], %swap3A_1568 {strides = array<i32>} : memref<65536xf32, #tpu.memory_space<vmem>>, vector<16xf32>,
        %max3A_1569 = arith.maximumf %get3A_1519, %get3A_1479 : vector<16xf32>
        %add3A_1570 = arith.constant 112 : i32
        %add3A_1571 = arith.addi %multiple_of3A_1433, %add3A_1570 : i32
        %swap3A_1572 = arith.index_cast %add3A_1571 : i32 to index
        %swap3A_1573 = tpu.vector_load %arg10[%swap3A_1572] {strides = array<i32>} : memref<65536xf32, #tpu.memory_space<vmem>>, vector<16xf32>,
        %swap3A_1574 = vector.shape_cast %swap3A_1573 : vector<16xf32> to vector<16xf32>
        %swap3A_1575 = vector.shape_cast %max3A_1569 : vector<16xf32> to vector<16xf32>
        tpu.vector_store %arg10[%swap3A_1572], %swap3A_1575 {strides = array<i32>} : memref<65536xf32, #tpu.memory_space<vmem>>, vector<16xf32>,
        %slice3A_1576 = vector.extract_strided_slice %mul3A_128 {offsets = [10], sizes = [1], strides = [1]} : vector<16xi32> to vector<1xi32>
        %squeeze3A_1577 = vector.extract %slice3A_1576[0] : i32 from vector<1xi32>
        %multiple_of3A_1578 = tpu.assume_multiple %squeeze3A_1577, 128 : i32
        %mul3A_1579 = arith.constant 16 : i32
        %mul3A_1580 = arith.muli %scan3A_70, %mul3A_1579 : i32
        %add3A_1581 = arith.constant 10 : i32
        %add3A_1582 = arith.addi %mul3A_1580, %add3A_1581 : i32
        %mul3A_1583 = arith.constant 128 : i32
        %mul3A_1584 = arith.muli %add3A_1582, %mul3A_1583 : i32
        %add3A_1585 = arith.constant 0 : i32
        %add3A_1586 = arith.addi %mul3A_1584, %add3A_1585 : i32
        %get3A_1587 = arith.index_cast %add3A_1586 : i32 to index
        %get3A_1588 = tpu.vector_load %arg6[%get3A_1587] {strides = array<i32>} : memref<16384xf32, #tpu.memory_space<vmem>>, vector<16xf32>,
        %get3A_1589 = vector.shape_cast %get3A_1588 : vector<16xf32> to vector<16xf32>
        %add3A_1590 = arith.constant 16 : i32
        %add3A_1591 = arith.addi %mul3A_1584, %add3A_1590 : i32
        %get3A_1592 = arith.index_cast %add3A_1591 : i32 to index
        %get3A_1593 = tpu.vector_load %arg6[%get3A_1592] {strides = array<i32>} : memref<16384xf32, #tpu.memory_space<vmem>>, vector<16xf32>,
        %get3A_1594 = vector.shape_cast %get3A_1593 : vector<16xf32> to vector<16xf32>
        %add3A_1595 = arith.constant 32 : i32
        %add3A_1596 = arith.addi %mul3A_1584, %add3A_1595 : i32
        %get3A_1597 = arith.index_cast %add3A_1596 : i32 to index
        %get3A_1598 = tpu.vector_load %arg6[%get3A_1597] {strides = array<i32>} : memref<16384xf32, #tpu.memory_space<vmem>>, vector<16xf32>,
        %get3A_1599 = vector.shape_cast %get3A_1598 : vector<16xf32> to vector<16xf32>
        %add3A_1600 = arith.constant 48 : i32
        %add3A_1601 = arith.addi %mul3A_1584, %add3A_1600 : i32
        %get3A_1602 = arith.index_cast %add3A_1601 : i32 to index
        %get3A_1603 = tpu.vector_load %arg6[%get3A_1602] {strides = array<i32>} : memref<16384xf32, #tpu.memory_space<vmem>>, vector<16xf32>,
        %get3A_1604 = vector.shape_cast %get3A_1603 : vector<16xf32> to vector<16xf32>
        %add3A_1605 = arith.constant 64 : i32
        %add3A_1606 = arith.addi %mul3A_1584, %add3A_1605 : i32
        %get3A_1607 = arith.index_cast %add3A_1606 : i32 to index
        %get3A_1608 = tpu.vector_load %arg6[%get3A_1607] {strides = array<i32>} : memref<16384xf32, #tpu.memory_space<vmem>>, vector<16xf32>,
        %get3A_1609 = vector.shape_cast %get3A_1608 : vector<16xf32> to vector<16xf32>
        %add3A_1610 = arith.constant 80 : i32
        %add3A_1611 = arith.addi %mul3A_1584, %add3A_1610 : i32
        %get3A_1612 = arith.index_cast %add3A_1611 : i32 to index
        %get3A_1613 = tpu.vector_load %arg6[%get3A_1612] {strides = array<i32>} : memref<16384xf32, #tpu.memory_space<vmem>>, vector<16xf32>,
        %get3A_1614 = vector.shape_cast %get3A_1613 : vector<16xf32> to vector<16xf32>
        %add3A_1615 = arith.constant 96 : i32
        %add3A_1616 = arith.addi %mul3A_1584, %add3A_1615 : i32
        %get3A_1617 = arith.index_cast %add3A_1616 : i32 to index
        %get3A_1618 = tpu.vector_load %arg6[%get3A_1617] {strides = array<i32>} : memref<16384xf32, #tpu.memory_space<vmem>>, vector<16xf32>,
        %get3A_1619 = vector.shape_cast %get3A_1618 : vector<16xf32> to vector<16xf32>
        %add3A_1620 = arith.constant 112 : i32
        %add3A_1621 = arith.addi %mul3A_1584, %add3A_1620 : i32
        %get3A_1622 = arith.index_cast %add3A_1621 : i32 to index
        %get3A_1623 = tpu.vector_load %arg6[%get3A_1622] {strides = array<i32>} : memref<16384xf32, #tpu.memory_space<vmem>>, vector<16xf32>,
        %get3A_1624 = vector.shape_cast %get3A_1623 : vector<16xf32> to vector<16xf32>
        %add3A_1625 = arith.constant 0 : i32
        %add3A_1626 = arith.addi %multiple_of3A_1578, %add3A_1625 : i32
        %get3A_1627 = arith.index_cast %add3A_1626 : i32 to index
        %get3A_1628 = tpu.vector_load %arg10[%get3A_1627] {strides = array<i32>} : memref<65536xf32, #tpu.memory_space<vmem>>, vector<16xf32>,
        %get3A_1629 = vector.shape_cast %get3A_1628 : vector<16xf32> to vector<16xf32>
        %add3A_1630 = arith.constant 16 : i32
        %add3A_1631 = arith.addi %multiple_of3A_1578, %add3A_1630 : i32
        %get3A_1632 = arith.index_cast %add3A_1631 : i32 to index
        %get3A_1633 = tpu.vector_load %arg10[%get3A_1632] {strides = array<i32>} : memref<65536xf32, #tpu.memory_space<vmem>>, vector<16xf32>,
        %get3A_1634 = vector.shape_cast %get3A_1633 : vector<16xf32> to vector<16xf32>
        %add3A_1635 = arith.constant 32 : i32
        %add3A_1636 = arith.addi %multiple_of3A_1578, %add3A_1635 : i32
        %get3A_1637 = arith.index_cast %add3A_1636 : i32 to index
        %get3A_1638 = tpu.vector_load %arg10[%get3A_1637] {strides = array<i32>} : memref<65536xf32, #tpu.memory_space<vmem>>, vector<16xf32>,
        %get3A_1639 = vector.shape_cast %get3A_1638 : vector<16xf32> to vector<16xf32>
        %add3A_1640 = arith.constant 48 : i32
        %add3A_1641 = arith.addi %multiple_of3A_1578, %add3A_1640 : i32
        %get3A_1642 = arith.index_cast %add3A_1641 : i32 to index
        %get3A_1643 = tpu.vector_load %arg10[%get3A_1642] {strides = array<i32>} : memref<65536xf32, #tpu.memory_space<vmem>>, vector<16xf32>,
        %get3A_1644 = vector.shape_cast %get3A_1643 : vector<16xf32> to vector<16xf32>
        %add3A_1645 = arith.constant 64 : i32
        %add3A_1646 = arith.addi %multiple_of3A_1578, %add3A_1645 : i32
        %get3A_1647 = arith.index_cast %add3A_1646 : i32 to index
        %get3A_1648 = tpu.vector_load %arg10[%get3A_1647] {strides = array<i32>} : memref<65536xf32, #tpu.memory_space<vmem>>, vector<16xf32>,
        %get3A_1649 = vector.shape_cast %get3A_1648 : vector<16xf32> to vector<16xf32>
        %add3A_1650 = arith.constant 80 : i32
        %add3A_1651 = arith.addi %multiple_of3A_1578, %add3A_1650 : i32
        %get3A_1652 = arith.index_cast %add3A_1651 : i32 to index
        %get3A_1653 = tpu.vector_load %arg10[%get3A_1652] {strides = array<i32>} : memref<65536xf32, #tpu.memory_space<vmem>>, vector<16xf32>,
        %get3A_1654 = vector.shape_cast %get3A_1653 : vector<16xf32> to vector<16xf32>
        %add3A_1655 = arith.constant 96 : i32
        %add3A_1656 = arith.addi %multiple_of3A_1578, %add3A_1655 : i32
        %get3A_1657 = arith.index_cast %add3A_1656 : i32 to index
        %get3A_1658 = tpu.vector_load %arg10[%get3A_1657] {strides = array<i32>} : memref<65536xf32, #tpu.memory_space<vmem>>, vector<16xf32>,
        %get3A_1659 = vector.shape_cast %get3A_1658 : vector<16xf32> to vector<16xf32>
        %add3A_1660 = arith.constant 112 : i32
        %add3A_1661 = arith.addi %multiple_of3A_1578, %add3A_1660 : i32
        %get3A_1662 = arith.index_cast %add3A_1661 : i32 to index
        %get3A_1663 = tpu.vector_load %arg10[%get3A_1662] {strides = array<i32>} : memref<65536xf32, #tpu.memory_space<vmem>>, vector<16xf32>,
        %get3A_1664 = vector.shape_cast %get3A_1663 : vector<16xf32> to vector<16xf32>
        %max3A_1665 = arith.maximumf %get3A_1629, %get3A_1589 : vector<16xf32>
        %add3A_1666 = arith.constant 0 : i32
        %add3A_1667 = arith.addi %multiple_of3A_1578, %add3A_1666 : i32
        %swap3A_1668 = arith.index_cast %add3A_1667 : i32 to index
        %swap3A_1669 = tpu.vector_load %arg10[%swap3A_1668] {strides = array<i32>} : memref<65536xf32, #tpu.memory_space<vmem>>, vector<16xf32>,
        %swap3A_1670 = vector.shape_cast %swap3A_1669 : vector<16xf32> to vector<16xf32>
        %swap3A_1671 = vector.shape_cast %max3A_1665 : vector<16xf32> to vector<16xf32>
        tpu.vector_store %arg10[%swap3A_1668], %swap3A_1671 {strides = array<i32>} : memref<65536xf32, #tpu.memory_space<vmem>>, vector<16xf32>,
        %max3A_1672 = arith.maximumf %get3A_1634, %get3A_1594 : vector<16xf32>
        %add3A_1673 = arith.constant 16 : i32
        %add3A_1674 = arith.addi %multiple_of3A_1578, %add3A_1673 : i32
        %swap3A_1675 = arith.index_cast %add3A_1674 : i32 to index
        %swap3A_1676 = tpu.vector_load %arg10[%swap3A_1675] {strides = array<i32>} : memref<65536xf32, #tpu.memory_space<vmem>>, vector<16xf32>,
        %swap3A_1677 = vector.shape_cast %swap3A_1676 : vector<16xf32> to vector<16xf32>
        %swap3A_1678 = vector.shape_cast %max3A_1672 : vector<16xf32> to vector<16xf32>
        tpu.vector_store %arg10[%swap3A_1675], %swap3A_1678 {strides = array<i32>} : memref<65536xf32, #tpu.memory_space<vmem>>, vector<16xf32>,
        %max3A_1679 = arith.maximumf %get3A_1639, %get3A_1599 : vector<16xf32>
        %add3A_1680 = arith.constant 32 : i32
        %add3A_1681 = arith.addi %multiple_of3A_1578, %add3A_1680 : i32
        %swap3A_1682 = arith.index_cast %add3A_1681 : i32 to index
        %swap3A_1683 = tpu.vector_load %arg10[%swap3A_1682] {strides = array<i32>} : memref<65536xf32, #tpu.memory_space<vmem>>, vector<16xf32>,
        %swap3A_1684 = vector.shape_cast %swap3A_1683 : vector<16xf32> to vector<16xf32>
        %swap3A_1685 = vector.shape_cast %max3A_1679 : vector<16xf32> to vector<16xf32>
        tpu.vector_store %arg10[%swap3A_1682], %swap3A_1685 {strides = array<i32>} : memref<65536xf32, #tpu.memory_space<vmem>>, vector<16xf32>,
        %max3A_1686 = arith.maximumf %get3A_1644, %get3A_1604 : vector<16xf32>
        %add3A_1687 = arith.constant 48 : i32
        %add3A_1688 = arith.addi %multiple_of3A_1578, %add3A_1687 : i32
        %swap3A_1689 = arith.index_cast %add3A_1688 : i32 to index
        %swap3A_1690 = tpu.vector_load %arg10[%swap3A_1689] {strides = array<i32>} : memref<65536xf32, #tpu.memory_space<vmem>>, vector<16xf32>,
        %swap3A_1691 = vector.shape_cast %swap3A_1690 : vector<16xf32> to vector<16xf32>
        %swap3A_1692 = vector.shape_cast %max3A_1686 : vector<16xf32> to vector<16xf32>
        tpu.vector_store %arg10[%swap3A_1689], %swap3A_1692 {strides = array<i32>} : memref<65536xf32, #tpu.memory_space<vmem>>, vector<16xf32>,
        %max3A_1693 = arith.maximumf %get3A_1649, %get3A_1609 : vector<16xf32>
        %add3A_1694 = arith.constant 64 : i32
        %add3A_1695 = arith.addi %multiple_of3A_1578, %add3A_1694 : i32
        %swap3A_1696 = arith.index_cast %add3A_1695 : i32 to index
        %swap3A_1697 = tpu.vector_load %arg10[%swap3A_1696] {strides = array<i32>} : memref<65536xf32, #tpu.memory_space<vmem>>, vector<16xf32>,
        %swap3A_1698 = vector.shape_cast %swap3A_1697 : vector<16xf32> to vector<16xf32>
        %swap3A_1699 = vector.shape_cast %max3A_1693 : vector<16xf32> to vector<16xf32>
        tpu.vector_store %arg10[%swap3A_1696], %swap3A_1699 {strides = array<i32>} : memref<65536xf32, #tpu.memory_space<vmem>>, vector<16xf32>,
        %max3A_1700 = arith.maximumf %get3A_1654, %get3A_1614 : vector<16xf32>
        %add3A_1701 = arith.constant 80 : i32
        %add3A_1702 = arith.addi %multiple_of3A_1578, %add3A_1701 : i32
        %swap3A_1703 = arith.index_cast %add3A_1702 : i32 to index
        %swap3A_1704 = tpu.vector_load %arg10[%swap3A_1703] {strides = array<i32>} : memref<65536xf32, #tpu.memory_space<vmem>>, vector<16xf32>,
        %swap3A_1705 = vector.shape_cast %swap3A_1704 : vector<16xf32> to vector<16xf32>
        %swap3A_1706 = vector.shape_cast %max3A_1700 : vector<16xf32> to vector<16xf32>
        tpu.vector_store %arg10[%swap3A_1703], %swap3A_1706 {strides = array<i32>} : memref<65536xf32, #tpu.memory_space<vmem>>, vector<16xf32>,
        %max3A_1707 = arith.maximumf %get3A_1659, %get3A_1619 : vector<16xf32>
        %add3A_1708 = arith.constant 96 : i32
        %add3A_1709 = arith.addi %multiple_of3A_1578, %add3A_1708 : i32
        %swap3A_1710 = arith.index_cast %add3A_1709 : i32 to index
        %swap3A_1711 = tpu.vector_load %arg10[%swap3A_1710] {strides = array<i32>} : memref<65536xf32, #tpu.memory_space<vmem>>, vector<16xf32>,
        %swap3A_1712 = vector.shape_cast %swap3A_1711 : vector<16xf32> to vector<16xf32>
        %swap3A_1713 = vector.shape_cast %max3A_1707 : vector<16xf32> to vector<16xf32>
        tpu.vector_store %arg10[%swap3A_1710], %swap3A_1713 {strides = array<i32>} : memref<65536xf32, #tpu.memory_space<vmem>>, vector<16xf32>,
        %max3A_1714 = arith.maximumf %get3A_1664, %get3A_1624 : vector<16xf32>
        %add3A_1715 = arith.constant 112 : i32
        %add3A_1716 = arith.addi %multiple_of3A_1578, %add3A_1715 : i32
        %swap3A_1717 = arith.index_cast %add3A_1716 : i32 to index
        %swap3A_1718 = tpu.vector_load %arg10[%swap3A_1717] {strides = array<i32>} : memref<65536xf32, #tpu.memory_space<vmem>>, vector<16xf32>,
        %swap3A_1719 = vector.shape_cast %swap3A_1718 : vector<16xf32> to vector<16xf32>
        %swap3A_1720 = vector.shape_cast %max3A_1714 : vector<16xf32> to vector<16xf32>
        tpu.vector_store %arg10[%swap3A_1717], %swap3A_1720 {strides = array<i32>} : memref<65536xf32, #tpu.memory_space<vmem>>, vector<16xf32>,
        %slice3A_1721 = vector.extract_strided_slice %mul3A_128 {offsets = [11], sizes = [1], strides = [1]} : vector<16xi32> to vector<1xi32>
        %squeeze3A_1722 = vector.extract %slice3A_1721[0] : i32 from vector<1xi32>
        %multiple_of3A_1723 = tpu.assume_multiple %squeeze3A_1722, 128 : i32
        %mul3A_1724 = arith.constant 16 : i32
        %mul3A_1725 = arith.muli %scan3A_70, %mul3A_1724 : i32
        %add3A_1726 = arith.constant 11 : i32
        %add3A_1727 = arith.addi %mul3A_1725, %add3A_1726 : i32
        %mul3A_1728 = arith.constant 128 : i32
        %mul3A_1729 = arith.muli %add3A_1727, %mul3A_1728 : i32
        %add3A_1730 = arith.constant 0 : i32
        %add3A_1731 = arith.addi %mul3A_1729, %add3A_1730 : i32
        %get3A_1732 = arith.index_cast %add3A_1731 : i32 to index
        %get3A_1733 = tpu.vector_load %arg6[%get3A_1732] {strides = array<i32>} : memref<16384xf32, #tpu.memory_space<vmem>>, vector<16xf32>,
        %get3A_1734 = vector.shape_cast %get3A_1733 : vector<16xf32> to vector<16xf32>
        %add3A_1735 = arith.constant 16 : i32
        %add3A_1736 = arith.addi %mul3A_1729, %add3A_1735 : i32
        %get3A_1737 = arith.index_cast %add3A_1736 : i32 to index
        %get3A_1738 = tpu.vector_load %arg6[%get3A_1737] {strides = array<i32>} : memref<16384xf32, #tpu.memory_space<vmem>>, vector<16xf32>,
        %get3A_1739 = vector.shape_cast %get3A_1738 : vector<16xf32> to vector<16xf32>
        %add3A_1740 = arith.constant 32 : i32
        %add3A_1741 = arith.addi %mul3A_1729, %add3A_1740 : i32
        %get3A_1742 = arith.index_cast %add3A_1741 : i32 to index
        %get3A_1743 = tpu.vector_load %arg6[%get3A_1742] {strides = array<i32>} : memref<16384xf32, #tpu.memory_space<vmem>>, vector<16xf32>,
        %get3A_1744 = vector.shape_cast %get3A_1743 : vector<16xf32> to vector<16xf32>
        %add3A_1745 = arith.constant 48 : i32
        %add3A_1746 = arith.addi %mul3A_1729, %add3A_1745 : i32
        %get3A_1747 = arith.index_cast %add3A_1746 : i32 to index
        %get3A_1748 = tpu.vector_load %arg6[%get3A_1747] {strides = array<i32>} : memref<16384xf32, #tpu.memory_space<vmem>>, vector<16xf32>,
        %get3A_1749 = vector.shape_cast %get3A_1748 : vector<16xf32> to vector<16xf32>
        %add3A_1750 = arith.constant 64 : i32
        %add3A_1751 = arith.addi %mul3A_1729, %add3A_1750 : i32
        %get3A_1752 = arith.index_cast %add3A_1751 : i32 to index
        %get3A_1753 = tpu.vector_load %arg6[%get3A_1752] {strides = array<i32>} : memref<16384xf32, #tpu.memory_space<vmem>>, vector<16xf32>,
        %get3A_1754 = vector.shape_cast %get3A_1753 : vector<16xf32> to vector<16xf32>
        %add3A_1755 = arith.constant 80 : i32
        %add3A_1756 = arith.addi %mul3A_1729, %add3A_1755 : i32
        %get3A_1757 = arith.index_cast %add3A_1756 : i32 to index
        %get3A_1758 = tpu.vector_load %arg6[%get3A_1757] {strides = array<i32>} : memref<16384xf32, #tpu.memory_space<vmem>>, vector<16xf32>,
        %get3A_1759 = vector.shape_cast %get3A_1758 : vector<16xf32> to vector<16xf32>
        %add3A_1760 = arith.constant 96 : i32
        %add3A_1761 = arith.addi %mul3A_1729, %add3A_1760 : i32
        %get3A_1762 = arith.index_cast %add3A_1761 : i32 to index
        %get3A_1763 = tpu.vector_load %arg6[%get3A_1762] {strides = array<i32>} : memref<16384xf32, #tpu.memory_space<vmem>>, vector<16xf32>,
        %get3A_1764 = vector.shape_cast %get3A_1763 : vector<16xf32> to vector<16xf32>
        %add3A_1765 = arith.constant 112 : i32
        %add3A_1766 = arith.addi %mul3A_1729, %add3A_1765 : i32
        %get3A_1767 = arith.index_cast %add3A_1766 : i32 to index
        %get3A_1768 = tpu.vector_load %arg6[%get3A_1767] {strides = array<i32>} : memref<16384xf32, #tpu.memory_space<vmem>>, vector<16xf32>,
        %get3A_1769 = vector.shape_cast %get3A_1768 : vector<16xf32> to vector<16xf32>
        %add3A_1770 = arith.constant 0 : i32
        %add3A_1771 = arith.addi %multiple_of3A_1723, %add3A_1770 : i32
        %get3A_1772 = arith.index_cast %add3A_1771 : i32 to index
        %get3A_1773 = tpu.vector_load %arg10[%get3A_1772] {strides = array<i32>} : memref<65536xf32, #tpu.memory_space<vmem>>, vector<16xf32>,
        %get3A_1774 = vector.shape_cast %get3A_1773 : vector<16xf32> to vector<16xf32>
        %add3A_1775 = arith.constant 16 : i32
        %add3A_1776 = arith.addi %multiple_of3A_1723, %add3A_1775 : i32
        %get3A_1777 = arith.index_cast %add3A_1776 : i32 to index
        %get3A_1778 = tpu.vector_load %arg10[%get3A_1777] {strides = array<i32>} : memref<65536xf32, #tpu.memory_space<vmem>>, vector<16xf32>,
        %get3A_1779 = vector.shape_cast %get3A_1778 : vector<16xf32> to vector<16xf32>
        %add3A_1780 = arith.constant 32 : i32
        %add3A_1781 = arith.addi %multiple_of3A_1723, %add3A_1780 : i32
        %get3A_1782 = arith.index_cast %add3A_1781 : i32 to index
        %get3A_1783 = tpu.vector_load %arg10[%get3A_1782] {strides = array<i32>} : memref<65536xf32, #tpu.memory_space<vmem>>, vector<16xf32>,
        %get3A_1784 = vector.shape_cast %get3A_1783 : vector<16xf32> to vector<16xf32>
        %add3A_1785 = arith.constant 48 : i32
        %add3A_1786 = arith.addi %multiple_of3A_1723, %add3A_1785 : i32
        %get3A_1787 = arith.index_cast %add3A_1786 : i32 to index
        %get3A_1788 = tpu.vector_load %arg10[%get3A_1787] {strides = array<i32>} : memref<65536xf32, #tpu.memory_space<vmem>>, vector<16xf32>,
        %get3A_1789 = vector.shape_cast %get3A_1788 : vector<16xf32> to vector<16xf32>
        %add3A_1790 = arith.constant 64 : i32
        %add3A_1791 = arith.addi %multiple_of3A_1723, %add3A_1790 : i32
        %get3A_1792 = arith.index_cast %add3A_1791 : i32 to index
        %get3A_1793 = tpu.vector_load %arg10[%get3A_1792] {strides = array<i32>} : memref<65536xf32, #tpu.memory_space<vmem>>, vector<16xf32>,
        %get3A_1794 = vector.shape_cast %get3A_1793 : vector<16xf32> to vector<16xf32>
        %add3A_1795 = arith.constant 80 : i32
        %add3A_1796 = arith.addi %multiple_of3A_1723, %add3A_1795 : i32
        %get3A_1797 = arith.index_cast %add3A_1796 : i32 to index
        %get3A_1798 = tpu.vector_load %arg10[%get3A_1797] {strides = array<i32>} : memref<65536xf32, #tpu.memory_space<vmem>>, vector<16xf32>,
        %get3A_1799 = vector.shape_cast %get3A_1798 : vector<16xf32> to vector<16xf32>
        %add3A_1800 = arith.constant 96 : i32
        %add3A_1801 = arith.addi %multiple_of3A_1723, %add3A_1800 : i32
        %get3A_1802 = arith.index_cast %add3A_1801 : i32 to index
        %get3A_1803 = tpu.vector_load %arg10[%get3A_1802] {strides = array<i32>} : memref<65536xf32, #tpu.memory_space<vmem>>, vector<16xf32>,
        %get3A_1804 = vector.shape_cast %get3A_1803 : vector<16xf32> to vector<16xf32>
        %add3A_1805 = arith.constant 112 : i32
        %add3A_1806 = arith.addi %multiple_of3A_1723, %add3A_1805 : i32
        %get3A_1807 = arith.index_cast %add3A_1806 : i32 to index
        %get3A_1808 = tpu.vector_load %arg10[%get3A_1807] {strides = array<i32>} : memref<65536xf32, #tpu.memory_space<vmem>>, vector<16xf32>,
        %get3A_1809 = vector.shape_cast %get3A_1808 : vector<16xf32> to vector<16xf32>
        %max3A_1810 = arith.maximumf %get3A_1774, %get3A_1734 : vector<16xf32>
        %add3A_1811 = arith.constant 0 : i32
        %add3A_1812 = arith.addi %multiple_of3A_1723, %add3A_1811 : i32
        %swap3A_1813 = arith.index_cast %add3A_1812 : i32 to index
        %swap3A_1814 = tpu.vector_load %arg10[%swap3A_1813] {strides = array<i32>} : memref<65536xf32, #tpu.memory_space<vmem>>, vector<16xf32>,
        %swap3A_1815 = vector.shape_cast %swap3A_1814 : vector<16xf32> to vector<16xf32>
        %swap3A_1816 = vector.shape_cast %max3A_1810 : vector<16xf32> to vector<16xf32>
        tpu.vector_store %arg10[%swap3A_1813], %swap3A_1816 {strides = array<i32>} : memref<65536xf32, #tpu.memory_space<vmem>>, vector<16xf32>,
        %max3A_1817 = arith.maximumf %get3A_1779, %get3A_1739 : vector<16xf32>
        %add3A_1818 = arith.constant 16 : i32
        %add3A_1819 = arith.addi %multiple_of3A_1723, %add3A_1818 : i32
        %swap3A_1820 = arith.index_cast %add3A_1819 : i32 to index
        %swap3A_1821 = tpu.vector_load %arg10[%swap3A_1820] {strides = array<i32>} : memref<65536xf32, #tpu.memory_space<vmem>>, vector<16xf32>,
        %swap3A_1822 = vector.shape_cast %swap3A_1821 : vector<16xf32> to vector<16xf32>
        %swap3A_1823 = vector.shape_cast %max3A_1817 : vector<16xf32> to vector<16xf32>
        tpu.vector_store %arg10[%swap3A_1820], %swap3A_1823 {strides = array<i32>} : memref<65536xf32, #tpu.memory_space<vmem>>, vector<16xf32>,
        %max3A_1824 = arith.maximumf %get3A_1784, %get3A_1744 : vector<16xf32>
        %add3A_1825 = arith.constant 32 : i32
        %add3A_1826 = arith.addi %multiple_of3A_1723, %add3A_1825 : i32
        %swap3A_1827 = arith.index_cast %add3A_1826 : i32 to index
        %swap3A_1828 = tpu.vector_load %arg10[%swap3A_1827] {strides = array<i32>} : memref<65536xf32, #tpu.memory_space<vmem>>, vector<16xf32>,
        %swap3A_1829 = vector.shape_cast %swap3A_1828 : vector<16xf32> to vector<16xf32>
        %swap3A_1830 = vector.shape_cast %max3A_1824 : vector<16xf32> to vector<16xf32>
        tpu.vector_store %arg10[%swap3A_1827], %swap3A_1830 {strides = array<i32>} : memref<65536xf32, #tpu.memory_space<vmem>>, vector<16xf32>,
        %max3A_1831 = arith.maximumf %get3A_1789, %get3A_1749 : vector<16xf32>
        %add3A_1832 = arith.constant 48 : i32
        %add3A_1833 = arith.addi %multiple_of3A_1723, %add3A_1832 : i32
        %swap3A_1834 = arith.index_cast %add3A_1833 : i32 to index
        %swap3A_1835 = tpu.vector_load %arg10[%swap3A_1834] {strides = array<i32>} : memref<65536xf32, #tpu.memory_space<vmem>>, vector<16xf32>,
        %swap3A_1836 = vector.shape_cast %swap3A_1835 : vector<16xf32> to vector<16xf32>
        %swap3A_1837 = vector.shape_cast %max3A_1831 : vector<16xf32> to vector<16xf32>
        tpu.vector_store %arg10[%swap3A_1834], %swap3A_1837 {strides = array<i32>} : memref<65536xf32, #tpu.memory_space<vmem>>, vector<16xf32>,
        %max3A_1838 = arith.maximumf %get3A_1794, %get3A_1754 : vector<16xf32>
        %add3A_1839 = arith.constant 64 : i32
        %add3A_1840 = arith.addi %multiple_of3A_1723, %add3A_1839 : i32
        %swap3A_1841 = arith.index_cast %add3A_1840 : i32 to index
        %swap3A_1842 = tpu.vector_load %arg10[%swap3A_1841] {strides = array<i32>} : memref<65536xf32, #tpu.memory_space<vmem>>, vector<16xf32>,
        %swap3A_1843 = vector.shape_cast %swap3A_1842 : vector<16xf32> to vector<16xf32>
        %swap3A_1844 = vector.shape_cast %max3A_1838 : vector<16xf32> to vector<16xf32>
        tpu.vector_store %arg10[%swap3A_1841], %swap3A_1844 {strides = array<i32>} : memref<65536xf32, #tpu.memory_space<vmem>>, vector<16xf32>,
        %max3A_1845 = arith.maximumf %get3A_1799, %get3A_1759 : vector<16xf32>
        %add3A_1846 = arith.constant 80 : i32
        %add3A_1847 = arith.addi %multiple_of3A_1723, %add3A_1846 : i32
        %swap3A_1848 = arith.index_cast %add3A_1847 : i32 to index
        %swap3A_1849 = tpu.vector_load %arg10[%swap3A_1848] {strides = array<i32>} : memref<65536xf32, #tpu.memory_space<vmem>>, vector<16xf32>,
        %swap3A_1850 = vector.shape_cast %swap3A_1849 : vector<16xf32> to vector<16xf32>
        %swap3A_1851 = vector.shape_cast %max3A_1845 : vector<16xf32> to vector<16xf32>
        tpu.vector_store %arg10[%swap3A_1848], %swap3A_1851 {strides = array<i32>} : memref<65536xf32, #tpu.memory_space<vmem>>, vector<16xf32>,
        %max3A_1852 = arith.maximumf %get3A_1804, %get3A_1764 : vector<16xf32>
        %add3A_1853 = arith.constant 96 : i32
        %add3A_1854 = arith.addi %multiple_of3A_1723, %add3A_1853 : i32
        %swap3A_1855 = arith.index_cast %add3A_1854 : i32 to index
        %swap3A_1856 = tpu.vector_load %arg10[%swap3A_1855] {strides = array<i32>} : memref<65536xf32, #tpu.memory_space<vmem>>, vector<16xf32>,
        %swap3A_1857 = vector.shape_cast %swap3A_1856 : vector<16xf32> to vector<16xf32>
        %swap3A_1858 = vector.shape_cast %max3A_1852 : vector<16xf32> to vector<16xf32>
        tpu.vector_store %arg10[%swap3A_1855], %swap3A_1858 {strides = array<i32>} : memref<65536xf32, #tpu.memory_space<vmem>>, vector<16xf32>,
        %max3A_1859 = arith.maximumf %get3A_1809, %get3A_1769 : vector<16xf32>
        %add3A_1860 = arith.constant 112 : i32
        %add3A_1861 = arith.addi %multiple_of3A_1723, %add3A_1860 : i32
        %swap3A_1862 = arith.index_cast %add3A_1861 : i32 to index
        %swap3A_1863 = tpu.vector_load %arg10[%swap3A_1862] {strides = array<i32>} : memref<65536xf32, #tpu.memory_space<vmem>>, vector<16xf32>,
        %swap3A_1864 = vector.shape_cast %swap3A_1863 : vector<16xf32> to vector<16xf32>
        %swap3A_1865 = vector.shape_cast %max3A_1859 : vector<16xf32> to vector<16xf32>
        tpu.vector_store %arg10[%swap3A_1862], %swap3A_1865 {strides = array<i32>} : memref<65536xf32, #tpu.memory_space<vmem>>, vector<16xf32>,
        %slice3A_1866 = vector.extract_strided_slice %mul3A_128 {offsets = [12], sizes = [1], strides = [1]} : vector<16xi32> to vector<1xi32>
        %squeeze3A_1867 = vector.extract %slice3A_1866[0] : i32 from vector<1xi32>
        %multiple_of3A_1868 = tpu.assume_multiple %squeeze3A_1867, 128 : i32
        %mul3A_1869 = arith.constant 16 : i32
        %mul3A_1870 = arith.muli %scan3A_70, %mul3A_1869 : i32
        %add3A_1871 = arith.constant 12 : i32
        %add3A_1872 = arith.addi %mul3A_1870, %add3A_1871 : i32
        %mul3A_1873 = arith.constant 128 : i32
        %mul3A_1874 = arith.muli %add3A_1872, %mul3A_1873 : i32
        %add3A_1875 = arith.constant 0 : i32
        %add3A_1876 = arith.addi %mul3A_1874, %add3A_1875 : i32
        %get3A_1877 = arith.index_cast %add3A_1876 : i32 to index
        %get3A_1878 = tpu.vector_load %arg6[%get3A_1877] {strides = array<i32>} : memref<16384xf32, #tpu.memory_space<vmem>>, vector<16xf32>,
        %get3A_1879 = vector.shape_cast %get3A_1878 : vector<16xf32> to vector<16xf32>
        %add3A_1880 = arith.constant 16 : i32
        %add3A_1881 = arith.addi %mul3A_1874, %add3A_1880 : i32
        %get3A_1882 = arith.index_cast %add3A_1881 : i32 to index
        %get3A_1883 = tpu.vector_load %arg6[%get3A_1882] {strides = array<i32>} : memref<16384xf32, #tpu.memory_space<vmem>>, vector<16xf32>,
        %get3A_1884 = vector.shape_cast %get3A_1883 : vector<16xf32> to vector<16xf32>
        %add3A_1885 = arith.constant 32 : i32
        %add3A_1886 = arith.addi %mul3A_1874, %add3A_1885 : i32
        %get3A_1887 = arith.index_cast %add3A_1886 : i32 to index
        %get3A_1888 = tpu.vector_load %arg6[%get3A_1887] {strides = array<i32>} : memref<16384xf32, #tpu.memory_space<vmem>>, vector<16xf32>,
        %get3A_1889 = vector.shape_cast %get3A_1888 : vector<16xf32> to vector<16xf32>
        %add3A_1890 = arith.constant 48 : i32
        %add3A_1891 = arith.addi %mul3A_1874, %add3A_1890 : i32
        %get3A_1892 = arith.index_cast %add3A_1891 : i32 to index
        %get3A_1893 = tpu.vector_load %arg6[%get3A_1892] {strides = array<i32>} : memref<16384xf32, #tpu.memory_space<vmem>>, vector<16xf32>,
        %get3A_1894 = vector.shape_cast %get3A_1893 : vector<16xf32> to vector<16xf32>
        %add3A_1895 = arith.constant 64 : i32
        %add3A_1896 = arith.addi %mul3A_1874, %add3A_1895 : i32
        %get3A_1897 = arith.index_cast %add3A_1896 : i32 to index
        %get3A_1898 = tpu.vector_load %arg6[%get3A_1897] {strides = array<i32>} : memref<16384xf32, #tpu.memory_space<vmem>>, vector<16xf32>,
        %get3A_1899 = vector.shape_cast %get3A_1898 : vector<16xf32> to vector<16xf32>
        %add3A_1900 = arith.constant 80 : i32
        %add3A_1901 = arith.addi %mul3A_1874, %add3A_1900 : i32
        %get3A_1902 = arith.index_cast %add3A_1901 : i32 to index
        %get3A_1903 = tpu.vector_load %arg6[%get3A_1902] {strides = array<i32>} : memref<16384xf32, #tpu.memory_space<vmem>>, vector<16xf32>,
        %get3A_1904 = vector.shape_cast %get3A_1903 : vector<16xf32> to vector<16xf32>
        %add3A_1905 = arith.constant 96 : i32
        %add3A_1906 = arith.addi %mul3A_1874, %add3A_1905 : i32
        %get3A_1907 = arith.index_cast %add3A_1906 : i32 to index
        %get3A_1908 = tpu.vector_load %arg6[%get3A_1907] {strides = array<i32>} : memref<16384xf32, #tpu.memory_space<vmem>>, vector<16xf32>,
        %get3A_1909 = vector.shape_cast %get3A_1908 : vector<16xf32> to vector<16xf32>
        %add3A_1910 = arith.constant 112 : i32
        %add3A_1911 = arith.addi %mul3A_1874, %add3A_1910 : i32
        %get3A_1912 = arith.index_cast %add3A_1911 : i32 to index
        %get3A_1913 = tpu.vector_load %arg6[%get3A_1912] {strides = array<i32>} : memref<16384xf32, #tpu.memory_space<vmem>>, vector<16xf32>,
        %get3A_1914 = vector.shape_cast %get3A_1913 : vector<16xf32> to vector<16xf32>
        %add3A_1915 = arith.constant 0 : i32
        %add3A_1916 = arith.addi %multiple_of3A_1868, %add3A_1915 : i32
        %get3A_1917 = arith.index_cast %add3A_1916 : i32 to index
        %get3A_1918 = tpu.vector_load %arg10[%get3A_1917] {strides = array<i32>} : memref<65536xf32, #tpu.memory_space<vmem>>, vector<16xf32>,
        %get3A_1919 = vector.shape_cast %get3A_1918 : vector<16xf32> to vector<16xf32>
        %add3A_1920 = arith.constant 16 : i32
        %add3A_1921 = arith.addi %multiple_of3A_1868, %add3A_1920 : i32
        %get3A_1922 = arith.index_cast %add3A_1921 : i32 to index
        %get3A_1923 = tpu.vector_load %arg10[%get3A_1922] {strides = array<i32>} : memref<65536xf32, #tpu.memory_space<vmem>>, vector<16xf32>,
        %get3A_1924 = vector.shape_cast %get3A_1923 : vector<16xf32> to vector<16xf32>
        %add3A_1925 = arith.constant 32 : i32
        %add3A_1926 = arith.addi %multiple_of3A_1868, %add3A_1925 : i32
        %get3A_1927 = arith.index_cast %add3A_1926 : i32 to index
        %get3A_1928 = tpu.vector_load %arg10[%get3A_1927] {strides = array<i32>} : memref<65536xf32, #tpu.memory_space<vmem>>, vector<16xf32>,
        %get3A_1929 = vector.shape_cast %get3A_1928 : vector<16xf32> to vector<16xf32>
        %add3A_1930 = arith.constant 48 : i32
        %add3A_1931 = arith.addi %multiple_of3A_1868, %add3A_1930 : i32
        %get3A_1932 = arith.index_cast %add3A_1931 : i32 to index
        %get3A_1933 = tpu.vector_load %arg10[%get3A_1932] {strides = array<i32>} : memref<65536xf32, #tpu.memory_space<vmem>>, vector<16xf32>,
        %get3A_1934 = vector.shape_cast %get3A_1933 : vector<16xf32> to vector<16xf32>
        %add3A_1935 = arith.constant 64 : i32
        %add3A_1936 = arith.addi %multiple_of3A_1868, %add3A_1935 : i32
        %get3A_1937 = arith.index_cast %add3A_1936 : i32 to index
        %get3A_1938 = tpu.vector_load %arg10[%get3A_1937] {strides = array<i32>} : memref<65536xf32, #tpu.memory_space<vmem>>, vector<16xf32>,
        %get3A_1939 = vector.shape_cast %get3A_1938 : vector<16xf32> to vector<16xf32>
        %add3A_1940 = arith.constant 80 : i32
        %add3A_1941 = arith.addi %multiple_of3A_1868, %add3A_1940 : i32
        %get3A_1942 = arith.index_cast %add3A_1941 : i32 to index
        %get3A_1943 = tpu.vector_load %arg10[%get3A_1942] {strides = array<i32>} : memref<65536xf32, #tpu.memory_space<vmem>>, vector<16xf32>,
        %get3A_1944 = vector.shape_cast %get3A_1943 : vector<16xf32> to vector<16xf32>
        %add3A_1945 = arith.constant 96 : i32
        %add3A_1946 = arith.addi %multiple_of3A_1868, %add3A_1945 : i32
        %get3A_1947 = arith.index_cast %add3A_1946 : i32 to index
        %get3A_1948 = tpu.vector_load %arg10[%get3A_1947] {strides = array<i32>} : memref<65536xf32, #tpu.memory_space<vmem>>, vector<16xf32>,
        %get3A_1949 = vector.shape_cast %get3A_1948 : vector<16xf32> to vector<16xf32>
        %add3A_1950 = arith.constant 112 : i32
        %add3A_1951 = arith.addi %multiple_of3A_1868, %add3A_1950 : i32
        %get3A_1952 = arith.index_cast %add3A_1951 : i32 to index
        %get3A_1953 = tpu.vector_load %arg10[%get3A_1952] {strides = array<i32>} : memref<65536xf32, #tpu.memory_space<vmem>>, vector<16xf32>,
        %get3A_1954 = vector.shape_cast %get3A_1953 : vector<16xf32> to vector<16xf32>
        %max3A_1955 = arith.maximumf %get3A_1919, %get3A_1879 : vector<16xf32>
        %add3A_1956 = arith.constant 0 : i32
        %add3A_1957 = arith.addi %multiple_of3A_1868, %add3A_1956 : i32
        %swap3A_1958 = arith.index_cast %add3A_1957 : i32 to index
        %swap3A_1959 = tpu.vector_load %arg10[%swap3A_1958] {strides = array<i32>} : memref<65536xf32, #tpu.memory_space<vmem>>, vector<16xf32>,
        %swap3A_1960 = vector.shape_cast %swap3A_1959 : vector<16xf32> to vector<16xf32>
        %swap3A_1961 = vector.shape_cast %max3A_1955 : vector<16xf32> to vector<16xf32>
        tpu.vector_store %arg10[%swap3A_1958], %swap3A_1961 {strides = array<i32>} : memref<65536xf32, #tpu.memory_space<vmem>>, vector<16xf32>,
        %max3A_1962 = arith.maximumf %get3A_1924, %get3A_1884 : vector<16xf32>
        %add3A_1963 = arith.constant 16 : i32
        %add3A_1964 = arith.addi %multiple_of3A_1868, %add3A_1963 : i32
        %swap3A_1965 = arith.index_cast %add3A_1964 : i32 to index
        %swap3A_1966 = tpu.vector_load %arg10[%swap3A_1965] {strides = array<i32>} : memref<65536xf32, #tpu.memory_space<vmem>>, vector<16xf32>,
        %swap3A_1967 = vector.shape_cast %swap3A_1966 : vector<16xf32> to vector<16xf32>
        %swap3A_1968 = vector.shape_cast %max3A_1962 : vector<16xf32> to vector<16xf32>
        tpu.vector_store %arg10[%swap3A_1965], %swap3A_1968 {strides = array<i32>} : memref<65536xf32, #tpu.memory_space<vmem>>, vector<16xf32>,
        %max3A_1969 = arith.maximumf %get3A_1929, %get3A_1889 : vector<16xf32>
        %add3A_1970 = arith.constant 32 : i32
        %add3A_1971 = arith.addi %multiple_of3A_1868, %add3A_1970 : i32
        %swap3A_1972 = arith.index_cast %add3A_1971 : i32 to index
        %swap3A_1973 = tpu.vector_load %arg10[%swap3A_1972] {strides = array<i32>} : memref<65536xf32, #tpu.memory_space<vmem>>, vector<16xf32>,
        %swap3A_1974 = vector.shape_cast %swap3A_1973 : vector<16xf32> to vector<16xf32>
        %swap3A_1975 = vector.shape_cast %max3A_1969 : vector<16xf32> to vector<16xf32>
        tpu.vector_store %arg10[%swap3A_1972], %swap3A_1975 {strides = array<i32>} : memref<65536xf32, #tpu.memory_space<vmem>>, vector<16xf32>,
        %max3A_1976 = arith.maximumf %get3A_1934, %get3A_1894 : vector<16xf32>
        %add3A_1977 = arith.constant 48 : i32
        %add3A_1978 = arith.addi %multiple_of3A_1868, %add3A_1977 : i32
        %swap3A_1979 = arith.index_cast %add3A_1978 : i32 to index
        %swap3A_1980 = tpu.vector_load %arg10[%swap3A_1979] {strides = array<i32>} : memref<65536xf32, #tpu.memory_space<vmem>>, vector<16xf32>,
        %swap3A_1981 = vector.shape_cast %swap3A_1980 : vector<16xf32> to vector<16xf32>
        %swap3A_1982 = vector.shape_cast %max3A_1976 : vector<16xf32> to vector<16xf32>
        tpu.vector_store %arg10[%swap3A_1979], %swap3A_1982 {strides = array<i32>} : memref<65536xf32, #tpu.memory_space<vmem>>, vector<16xf32>,
        %max3A_1983 = arith.maximumf %get3A_1939, %get3A_1899 : vector<16xf32>
        %add3A_1984 = arith.constant 64 : i32
        %add3A_1985 = arith.addi %multiple_of3A_1868, %add3A_1984 : i32
        %swap3A_1986 = arith.index_cast %add3A_1985 : i32 to index
        %swap3A_1987 = tpu.vector_load %arg10[%swap3A_1986] {strides = array<i32>} : memref<65536xf32, #tpu.memory_space<vmem>>, vector<16xf32>,
        %swap3A_1988 = vector.shape_cast %swap3A_1987 : vector<16xf32> to vector<16xf32>
        %swap3A_1989 = vector.shape_cast %max3A_1983 : vector<16xf32> to vector<16xf32>
        tpu.vector_store %arg10[%swap3A_1986], %swap3A_1989 {strides = array<i32>} : memref<65536xf32, #tpu.memory_space<vmem>>, vector<16xf32>,
        %max3A_1990 = arith.maximumf %get3A_1944, %get3A_1904 : vector<16xf32>
        %add3A_1991 = arith.constant 80 : i32
        %add3A_1992 = arith.addi %multiple_of3A_1868, %add3A_1991 : i32
        %swap3A_1993 = arith.index_cast %add3A_1992 : i32 to index
        %swap3A_1994 = tpu.vector_load %arg10[%swap3A_1993] {strides = array<i32>} : memref<65536xf32, #tpu.memory_space<vmem>>, vector<16xf32>,
        %swap3A_1995 = vector.shape_cast %swap3A_1994 : vector<16xf32> to vector<16xf32>
        %swap3A_1996 = vector.shape_cast %max3A_1990 : vector<16xf32> to vector<16xf32>
        tpu.vector_store %arg10[%swap3A_1993], %swap3A_1996 {strides = array<i32>} : memref<65536xf32, #tpu.memory_space<vmem>>, vector<16xf32>,
        %max3A_1997 = arith.maximumf %get3A_1949, %get3A_1909 : vector<16xf32>
        %add3A_1998 = arith.constant 96 : i32
        %add3A_1999 = arith.addi %multiple_of3A_1868, %add3A_1998 : i32
        %swap3A_2000 = arith.index_cast %add3A_1999 : i32 to index
        %swap3A_2001 = tpu.vector_load %arg10[%swap3A_2000] {strides = array<i32>} : memref<65536xf32, #tpu.memory_space<vmem>>, vector<16xf32>,
        %swap3A_2002 = vector.shape_cast %swap3A_2001 : vector<16xf32> to vector<16xf32>
        %swap3A_2003 = vector.shape_cast %max3A_1997 : vector<16xf32> to vector<16xf32>
        tpu.vector_store %arg10[%swap3A_2000], %swap3A_2003 {strides = array<i32>} : memref<65536xf32, #tpu.memory_space<vmem>>, vector<16xf32>,
        %max3A_2004 = arith.maximumf %get3A_1954, %get3A_1914 : vector<16xf32>
        %add3A_2005 = arith.constant 112 : i32
        %add3A_2006 = arith.addi %multiple_of3A_1868, %add3A_2005 : i32
        %swap3A_2007 = arith.index_cast %add3A_2006 : i32 to index
        %swap3A_2008 = tpu.vector_load %arg10[%swap3A_2007] {strides = array<i32>} : memref<65536xf32, #tpu.memory_space<vmem>>, vector<16xf32>,
        %swap3A_2009 = vector.shape_cast %swap3A_2008 : vector<16xf32> to vector<16xf32>
        %swap3A_2010 = vector.shape_cast %max3A_2004 : vector<16xf32> to vector<16xf32>
        tpu.vector_store %arg10[%swap3A_2007], %swap3A_2010 {strides = array<i32>} : memref<65536xf32, #tpu.memory_space<vmem>>, vector<16xf32>,
        %slice3A_2011 = vector.extract_strided_slice %mul3A_128 {offsets = [13], sizes = [1], strides = [1]} : vector<16xi32> to vector<1xi32>
        %squeeze3A_2012 = vector.extract %slice3A_2011[0] : i32 from vector<1xi32>
        %multiple_of3A_2013 = tpu.assume_multiple %squeeze3A_2012, 128 : i32
        %mul3A_2014 = arith.constant 16 : i32
        %mul3A_2015 = arith.muli %scan3A_70, %mul3A_2014 : i32
        %add3A_2016 = arith.constant 13 : i32
        %add3A_2017 = arith.addi %mul3A_2015, %add3A_2016 : i32
        %mul3A_2018 = arith.constant 128 : i32
        %mul3A_2019 = arith.muli %add3A_2017, %mul3A_2018 : i32
        %add3A_2020 = arith.constant 0 : i32
        %add3A_2021 = arith.addi %mul3A_2019, %add3A_2020 : i32
        %get3A_2022 = arith.index_cast %add3A_2021 : i32 to index
        %get3A_2023 = tpu.vector_load %arg6[%get3A_2022] {strides = array<i32>} : memref<16384xf32, #tpu.memory_space<vmem>>, vector<16xf32>,
        %get3A_2024 = vector.shape_cast %get3A_2023 : vector<16xf32> to vector<16xf32>
        %add3A_2025 = arith.constant 16 : i32
        %add3A_2026 = arith.addi %mul3A_2019, %add3A_2025 : i32
        %get3A_2027 = arith.index_cast %add3A_2026 : i32 to index
        %get3A_2028 = tpu.vector_load %arg6[%get3A_2027] {strides = array<i32>} : memref<16384xf32, #tpu.memory_space<vmem>>, vector<16xf32>,
        %get3A_2029 = vector.shape_cast %get3A_2028 : vector<16xf32> to vector<16xf32>
        %add3A_2030 = arith.constant 32 : i32
        %add3A_2031 = arith.addi %mul3A_2019, %add3A_2030 : i32
        %get3A_2032 = arith.index_cast %add3A_2031 : i32 to index
        %get3A_2033 = tpu.vector_load %arg6[%get3A_2032] {strides = array<i32>} : memref<16384xf32, #tpu.memory_space<vmem>>, vector<16xf32>,
        %get3A_2034 = vector.shape_cast %get3A_2033 : vector<16xf32> to vector<16xf32>
        %add3A_2035 = arith.constant 48 : i32
        %add3A_2036 = arith.addi %mul3A_2019, %add3A_2035 : i32
        %get3A_2037 = arith.index_cast %add3A_2036 : i32 to index
        %get3A_2038 = tpu.vector_load %arg6[%get3A_2037] {strides = array<i32>} : memref<16384xf32, #tpu.memory_space<vmem>>, vector<16xf32>,
        %get3A_2039 = vector.shape_cast %get3A_2038 : vector<16xf32> to vector<16xf32>
        %add3A_2040 = arith.constant 64 : i32
        %add3A_2041 = arith.addi %mul3A_2019, %add3A_2040 : i32
        %get3A_2042 = arith.index_cast %add3A_2041 : i32 to index
        %get3A_2043 = tpu.vector_load %arg6[%get3A_2042] {strides = array<i32>} : memref<16384xf32, #tpu.memory_space<vmem>>, vector<16xf32>,
        %get3A_2044 = vector.shape_cast %get3A_2043 : vector<16xf32> to vector<16xf32>
        %add3A_2045 = arith.constant 80 : i32
        %add3A_2046 = arith.addi %mul3A_2019, %add3A_2045 : i32
        %get3A_2047 = arith.index_cast %add3A_2046 : i32 to index
        %get3A_2048 = tpu.vector_load %arg6[%get3A_2047] {strides = array<i32>} : memref<16384xf32, #tpu.memory_space<vmem>>, vector<16xf32>,
        %get3A_2049 = vector.shape_cast %get3A_2048 : vector<16xf32> to vector<16xf32>
        %add3A_2050 = arith.constant 96 : i32
        %add3A_2051 = arith.addi %mul3A_2019, %add3A_2050 : i32
        %get3A_2052 = arith.index_cast %add3A_2051 : i32 to index
        %get3A_2053 = tpu.vector_load %arg6[%get3A_2052] {strides = array<i32>} : memref<16384xf32, #tpu.memory_space<vmem>>, vector<16xf32>,
        %get3A_2054 = vector.shape_cast %get3A_2053 : vector<16xf32> to vector<16xf32>
        %add3A_2055 = arith.constant 112 : i32
        %add3A_2056 = arith.addi %mul3A_2019, %add3A_2055 : i32
        %get3A_2057 = arith.index_cast %add3A_2056 : i32 to index
        %get3A_2058 = tpu.vector_load %arg6[%get3A_2057] {strides = array<i32>} : memref<16384xf32, #tpu.memory_space<vmem>>, vector<16xf32>,
        %get3A_2059 = vector.shape_cast %get3A_2058 : vector<16xf32> to vector<16xf32>
        %add3A_2060 = arith.constant 0 : i32
        %add3A_2061 = arith.addi %multiple_of3A_2013, %add3A_2060 : i32
        %get3A_2062 = arith.index_cast %add3A_2061 : i32 to index
        %get3A_2063 = tpu.vector_load %arg10[%get3A_2062] {strides = array<i32>} : memref<65536xf32, #tpu.memory_space<vmem>>, vector<16xf32>,
        %get3A_2064 = vector.shape_cast %get3A_2063 : vector<16xf32> to vector<16xf32>
        %add3A_2065 = arith.constant 16 : i32
        %add3A_2066 = arith.addi %multiple_of3A_2013, %add3A_2065 : i32
        %get3A_2067 = arith.index_cast %add3A_2066 : i32 to index
        %get3A_2068 = tpu.vector_load %arg10[%get3A_2067] {strides = array<i32>} : memref<65536xf32, #tpu.memory_space<vmem>>, vector<16xf32>,
        %get3A_2069 = vector.shape_cast %get3A_2068 : vector<16xf32> to vector<16xf32>
        %add3A_2070 = arith.constant 32 : i32
        %add3A_2071 = arith.addi %multiple_of3A_2013, %add3A_2070 : i32
        %get3A_2072 = arith.index_cast %add3A_2071 : i32 to index
        %get3A_2073 = tpu.vector_load %arg10[%get3A_2072] {strides = array<i32>} : memref<65536xf32, #tpu.memory_space<vmem>>, vector<16xf32>,
        %get3A_2074 = vector.shape_cast %get3A_2073 : vector<16xf32> to vector<16xf32>
        %add3A_2075 = arith.constant 48 : i32
        %add3A_2076 = arith.addi %multiple_of3A_2013, %add3A_2075 : i32
        %get3A_2077 = arith.index_cast %add3A_2076 : i32 to index
        %get3A_2078 = tpu.vector_load %arg10[%get3A_2077] {strides = array<i32>} : memref<65536xf32, #tpu.memory_space<vmem>>, vector<16xf32>,
        %get3A_2079 = vector.shape_cast %get3A_2078 : vector<16xf32> to vector<16xf32>
        %add3A_2080 = arith.constant 64 : i32
        %add3A_2081 = arith.addi %multiple_of3A_2013, %add3A_2080 : i32
        %get3A_2082 = arith.index_cast %add3A_2081 : i32 to index
        %get3A_2083 = tpu.vector_load %arg10[%get3A_2082] {strides = array<i32>} : memref<65536xf32, #tpu.memory_space<vmem>>, vector<16xf32>,
        %get3A_2084 = vector.shape_cast %get3A_2083 : vector<16xf32> to vector<16xf32>
        %add3A_2085 = arith.constant 80 : i32
        %add3A_2086 = arith.addi %multiple_of3A_2013, %add3A_2085 : i32
        %get3A_2087 = arith.index_cast %add3A_2086 : i32 to index
        %get3A_2088 = tpu.vector_load %arg10[%get3A_2087] {strides = array<i32>} : memref<65536xf32, #tpu.memory_space<vmem>>, vector<16xf32>,
        %get3A_2089 = vector.shape_cast %get3A_2088 : vector<16xf32> to vector<16xf32>
        %add3A_2090 = arith.constant 96 : i32
        %add3A_2091 = arith.addi %multiple_of3A_2013, %add3A_2090 : i32
        %get3A_2092 = arith.index_cast %add3A_2091 : i32 to index
        %get3A_2093 = tpu.vector_load %arg10[%get3A_2092] {strides = array<i32>} : memref<65536xf32, #tpu.memory_space<vmem>>, vector<16xf32>,
        %get3A_2094 = vector.shape_cast %get3A_2093 : vector<16xf32> to vector<16xf32>
        %add3A_2095 = arith.constant 112 : i32
        %add3A_2096 = arith.addi %multiple_of3A_2013, %add3A_2095 : i32
        %get3A_2097 = arith.index_cast %add3A_2096 : i32 to index
        %get3A_2098 = tpu.vector_load %arg10[%get3A_2097] {strides = array<i32>} : memref<65536xf32, #tpu.memory_space<vmem>>, vector<16xf32>,
        %get3A_2099 = vector.shape_cast %get3A_2098 : vector<16xf32> to vector<16xf32>
        %max3A_2100 = arith.maximumf %get3A_2064, %get3A_2024 : vector<16xf32>
        %add3A_2101 = arith.constant 0 : i32
        %add3A_2102 = arith.addi %multiple_of3A_2013, %add3A_2101 : i32
        %swap3A_2103 = arith.index_cast %add3A_2102 : i32 to index
        %swap3A_2104 = tpu.vector_load %arg10[%swap3A_2103] {strides = array<i32>} : memref<65536xf32, #tpu.memory_space<vmem>>, vector<16xf32>,
        %swap3A_2105 = vector.shape_cast %swap3A_2104 : vector<16xf32> to vector<16xf32>
        %swap3A_2106 = vector.shape_cast %max3A_2100 : vector<16xf32> to vector<16xf32>
        tpu.vector_store %arg10[%swap3A_2103], %swap3A_2106 {strides = array<i32>} : memref<65536xf32, #tpu.memory_space<vmem>>, vector<16xf32>,
        %max3A_2107 = arith.maximumf %get3A_2069, %get3A_2029 : vector<16xf32>
        %add3A_2108 = arith.constant 16 : i32
        %add3A_2109 = arith.addi %multiple_of3A_2013, %add3A_2108 : i32
        %swap3A_2110 = arith.index_cast %add3A_2109 : i32 to index
        %swap3A_2111 = tpu.vector_load %arg10[%swap3A_2110] {strides = array<i32>} : memref<65536xf32, #tpu.memory_space<vmem>>, vector<16xf32>,
        %swap3A_2112 = vector.shape_cast %swap3A_2111 : vector<16xf32> to vector<16xf32>
        %swap3A_2113 = vector.shape_cast %max3A_2107 : vector<16xf32> to vector<16xf32>
        tpu.vector_store %arg10[%swap3A_2110], %swap3A_2113 {strides = array<i32>} : memref<65536xf32, #tpu.memory_space<vmem>>, vector<16xf32>,
        %max3A_2114 = arith.maximumf %get3A_2074, %get3A_2034 : vector<16xf32>
        %add3A_2115 = arith.constant 32 : i32
        %add3A_2116 = arith.addi %multiple_of3A_2013, %add3A_2115 : i32
        %swap3A_2117 = arith.index_cast %add3A_2116 : i32 to index
        %swap3A_2118 = tpu.vector_load %arg10[%swap3A_2117] {strides = array<i32>} : memref<65536xf32, #tpu.memory_space<vmem>>, vector<16xf32>,
        %swap3A_2119 = vector.shape_cast %swap3A_2118 : vector<16xf32> to vector<16xf32>
        %swap3A_2120 = vector.shape_cast %max3A_2114 : vector<16xf32> to vector<16xf32>
        tpu.vector_store %arg10[%swap3A_2117], %swap3A_2120 {strides = array<i32>} : memref<65536xf32, #tpu.memory_space<vmem>>, vector<16xf32>,
        %max3A_2121 = arith.maximumf %get3A_2079, %get3A_2039 : vector<16xf32>
        %add3A_2122 = arith.constant 48 : i32
        %add3A_2123 = arith.addi %multiple_of3A_2013, %add3A_2122 : i32
        %swap3A_2124 = arith.index_cast %add3A_2123 : i32 to index
        %swap3A_2125 = tpu.vector_load %arg10[%swap3A_2124] {strides = array<i32>} : memref<65536xf32, #tpu.memory_space<vmem>>, vector<16xf32>,
        %swap3A_2126 = vector.shape_cast %swap3A_2125 : vector<16xf32> to vector<16xf32>
        %swap3A_2127 = vector.shape_cast %max3A_2121 : vector<16xf32> to vector<16xf32>
        tpu.vector_store %arg10[%swap3A_2124], %swap3A_2127 {strides = array<i32>} : memref<65536xf32, #tpu.memory_space<vmem>>, vector<16xf32>,
        %max3A_2128 = arith.maximumf %get3A_2084, %get3A_2044 : vector<16xf32>
        %add3A_2129 = arith.constant 64 : i32
        %add3A_2130 = arith.addi %multiple_of3A_2013, %add3A_2129 : i32
        %swap3A_2131 = arith.index_cast %add3A_2130 : i32 to index
        %swap3A_2132 = tpu.vector_load %arg10[%swap3A_2131] {strides = array<i32>} : memref<65536xf32, #tpu.memory_space<vmem>>, vector<16xf32>,
        %swap3A_2133 = vector.shape_cast %swap3A_2132 : vector<16xf32> to vector<16xf32>
        %swap3A_2134 = vector.shape_cast %max3A_2128 : vector<16xf32> to vector<16xf32>
        tpu.vector_store %arg10[%swap3A_2131], %swap3A_2134 {strides = array<i32>} : memref<65536xf32, #tpu.memory_space<vmem>>, vector<16xf32>,
        %max3A_2135 = arith.maximumf %get3A_2089, %get3A_2049 : vector<16xf32>
        %add3A_2136 = arith.constant 80 : i32
        %add3A_2137 = arith.addi %multiple_of3A_2013, %add3A_2136 : i32
        %swap3A_2138 = arith.index_cast %add3A_2137 : i32 to index
        %swap3A_2139 = tpu.vector_load %arg10[%swap3A_2138] {strides = array<i32>} : memref<65536xf32, #tpu.memory_space<vmem>>, vector<16xf32>,
        %swap3A_2140 = vector.shape_cast %swap3A_2139 : vector<16xf32> to vector<16xf32>
        %swap3A_2141 = vector.shape_cast %max3A_2135 : vector<16xf32> to vector<16xf32>
        tpu.vector_store %arg10[%swap3A_2138], %swap3A_2141 {strides = array<i32>} : memref<65536xf32, #tpu.memory_space<vmem>>, vector<16xf32>,
        %max3A_2142 = arith.maximumf %get3A_2094, %get3A_2054 : vector<16xf32>
        %add3A_2143 = arith.constant 96 : i32
        %add3A_2144 = arith.addi %multiple_of3A_2013, %add3A_2143 : i32
        %swap3A_2145 = arith.index_cast %add3A_2144 : i32 to index
        %swap3A_2146 = tpu.vector_load %arg10[%swap3A_2145] {strides = array<i32>} : memref<65536xf32, #tpu.memory_space<vmem>>, vector<16xf32>,
        %swap3A_2147 = vector.shape_cast %swap3A_2146 : vector<16xf32> to vector<16xf32>
        %swap3A_2148 = vector.shape_cast %max3A_2142 : vector<16xf32> to vector<16xf32>
        tpu.vector_store %arg10[%swap3A_2145], %swap3A_2148 {strides = array<i32>} : memref<65536xf32, #tpu.memory_space<vmem>>, vector<16xf32>,
        %max3A_2149 = arith.maximumf %get3A_2099, %get3A_2059 : vector<16xf32>
        %add3A_2150 = arith.constant 112 : i32
        %add3A_2151 = arith.addi %multiple_of3A_2013, %add3A_2150 : i32
        %swap3A_2152 = arith.index_cast %add3A_2151 : i32 to index
        %swap3A_2153 = tpu.vector_load %arg10[%swap3A_2152] {strides = array<i32>} : memref<65536xf32, #tpu.memory_space<vmem>>, vector<16xf32>,
        %swap3A_2154 = vector.shape_cast %swap3A_2153 : vector<16xf32> to vector<16xf32>
        %swap3A_2155 = vector.shape_cast %max3A_2149 : vector<16xf32> to vector<16xf32>
        tpu.vector_store %arg10[%swap3A_2152], %swap3A_2155 {strides = array<i32>} : memref<65536xf32, #tpu.memory_space<vmem>>, vector<16xf32>,
        %slice3A_2156 = vector.extract_strided_slice %mul3A_128 {offsets = [14], sizes = [1], strides = [1]} : vector<16xi32> to vector<1xi32>
        %squeeze3A_2157 = vector.extract %slice3A_2156[0] : i32 from vector<1xi32>
        %multiple_of3A_2158 = tpu.assume_multiple %squeeze3A_2157, 128 : i32
        %mul3A_2159 = arith.constant 16 : i32
        %mul3A_2160 = arith.muli %scan3A_70, %mul3A_2159 : i32
        %add3A_2161 = arith.constant 14 : i32
        %add3A_2162 = arith.addi %mul3A_2160, %add3A_2161 : i32
        %mul3A_2163 = arith.constant 128 : i32
        %mul3A_2164 = arith.muli %add3A_2162, %mul3A_2163 : i32
        %add3A_2165 = arith.constant 0 : i32
        %add3A_2166 = arith.addi %mul3A_2164, %add3A_2165 : i32
        %get3A_2167 = arith.index_cast %add3A_2166 : i32 to index
        %get3A_2168 = tpu.vector_load %arg6[%get3A_2167] {strides = array<i32>} : memref<16384xf32, #tpu.memory_space<vmem>>, vector<16xf32>,
        %get3A_2169 = vector.shape_cast %get3A_2168 : vector<16xf32> to vector<16xf32>
        %add3A_2170 = arith.constant 16 : i32
        %add3A_2171 = arith.addi %mul3A_2164, %add3A_2170 : i32
        %get3A_2172 = arith.index_cast %add3A_2171 : i32 to index
        %get3A_2173 = tpu.vector_load %arg6[%get3A_2172] {strides = array<i32>} : memref<16384xf32, #tpu.memory_space<vmem>>, vector<16xf32>,
        %get3A_2174 = vector.shape_cast %get3A_2173 : vector<16xf32> to vector<16xf32>
        %add3A_2175 = arith.constant 32 : i32
        %add3A_2176 = arith.addi %mul3A_2164, %add3A_2175 : i32
        %get3A_2177 = arith.index_cast %add3A_2176 : i32 to index
        %get3A_2178 = tpu.vector_load %arg6[%get3A_2177] {strides = array<i32>} : memref<16384xf32, #tpu.memory_space<vmem>>, vector<16xf32>,
        %get3A_2179 = vector.shape_cast %get3A_2178 : vector<16xf32> to vector<16xf32>
        %add3A_2180 = arith.constant 48 : i32
        %add3A_2181 = arith.addi %mul3A_2164, %add3A_2180 : i32
        %get3A_2182 = arith.index_cast %add3A_2181 : i32 to index
        %get3A_2183 = tpu.vector_load %arg6[%get3A_2182] {strides = array<i32>} : memref<16384xf32, #tpu.memory_space<vmem>>, vector<16xf32>,
        %get3A_2184 = vector.shape_cast %get3A_2183 : vector<16xf32> to vector<16xf32>
        %add3A_2185 = arith.constant 64 : i32
        %add3A_2186 = arith.addi %mul3A_2164, %add3A_2185 : i32
        %get3A_2187 = arith.index_cast %add3A_2186 : i32 to index
        %get3A_2188 = tpu.vector_load %arg6[%get3A_2187] {strides = array<i32>} : memref<16384xf32, #tpu.memory_space<vmem>>, vector<16xf32>,
        %get3A_2189 = vector.shape_cast %get3A_2188 : vector<16xf32> to vector<16xf32>
        %add3A_2190 = arith.constant 80 : i32
        %add3A_2191 = arith.addi %mul3A_2164, %add3A_2190 : i32
        %get3A_2192 = arith.index_cast %add3A_2191 : i32 to index
        %get3A_2193 = tpu.vector_load %arg6[%get3A_2192] {strides = array<i32>} : memref<16384xf32, #tpu.memory_space<vmem>>, vector<16xf32>,
        %get3A_2194 = vector.shape_cast %get3A_2193 : vector<16xf32> to vector<16xf32>
        %add3A_2195 = arith.constant 96 : i32
        %add3A_2196 = arith.addi %mul3A_2164, %add3A_2195 : i32
        %get3A_2197 = arith.index_cast %add3A_2196 : i32 to index
        %get3A_2198 = tpu.vector_load %arg6[%get3A_2197] {strides = array<i32>} : memref<16384xf32, #tpu.memory_space<vmem>>, vector<16xf32>,
        %get3A_2199 = vector.shape_cast %get3A_2198 : vector<16xf32> to vector<16xf32>
        %add3A_2200 = arith.constant 112 : i32
        %add3A_2201 = arith.addi %mul3A_2164, %add3A_2200 : i32
        %get3A_2202 = arith.index_cast %add3A_2201 : i32 to index
        %get3A_2203 = tpu.vector_load %arg6[%get3A_2202] {strides = array<i32>} : memref<16384xf32, #tpu.memory_space<vmem>>, vector<16xf32>,
        %get3A_2204 = vector.shape_cast %get3A_2203 : vector<16xf32> to vector<16xf32>
        %add3A_2205 = arith.constant 0 : i32
        %add3A_2206 = arith.addi %multiple_of3A_2158, %add3A_2205 : i32
        %get3A_2207 = arith.index_cast %add3A_2206 : i32 to index
        %get3A_2208 = tpu.vector_load %arg10[%get3A_2207] {strides = array<i32>} : memref<65536xf32, #tpu.memory_space<vmem>>, vector<16xf32>,
        %get3A_2209 = vector.shape_cast %get3A_2208 : vector<16xf32> to vector<16xf32>
        %add3A_2210 = arith.constant 16 : i32
        %add3A_2211 = arith.addi %multiple_of3A_2158, %add3A_2210 : i32
        %get3A_2212 = arith.index_cast %add3A_2211 : i32 to index
        %get3A_2213 = tpu.vector_load %arg10[%get3A_2212] {strides = array<i32>} : memref<65536xf32, #tpu.memory_space<vmem>>, vector<16xf32>,
        %get3A_2214 = vector.shape_cast %get3A_2213 : vector<16xf32> to vector<16xf32>
        %add3A_2215 = arith.constant 32 : i32
        %add3A_2216 = arith.addi %multiple_of3A_2158, %add3A_2215 : i32
        %get3A_2217 = arith.index_cast %add3A_2216 : i32 to index
        %get3A_2218 = tpu.vector_load %arg10[%get3A_2217] {strides = array<i32>} : memref<65536xf32, #tpu.memory_space<vmem>>, vector<16xf32>,
        %get3A_2219 = vector.shape_cast %get3A_2218 : vector<16xf32> to vector<16xf32>
        %add3A_2220 = arith.constant 48 : i32
        %add3A_2221 = arith.addi %multiple_of3A_2158, %add3A_2220 : i32
        %get3A_2222 = arith.index_cast %add3A_2221 : i32 to index
        %get3A_2223 = tpu.vector_load %arg10[%get3A_2222] {strides = array<i32>} : memref<65536xf32, #tpu.memory_space<vmem>>, vector<16xf32>,
        %get3A_2224 = vector.shape_cast %get3A_2223 : vector<16xf32> to vector<16xf32>
        %add3A_2225 = arith.constant 64 : i32
        %add3A_2226 = arith.addi %multiple_of3A_2158, %add3A_2225 : i32
        %get3A_2227 = arith.index_cast %add3A_2226 : i32 to index
        %get3A_2228 = tpu.vector_load %arg10[%get3A_2227] {strides = array<i32>} : memref<65536xf32, #tpu.memory_space<vmem>>, vector<16xf32>,
        %get3A_2229 = vector.shape_cast %get3A_2228 : vector<16xf32> to vector<16xf32>
        %add3A_2230 = arith.constant 80 : i32
        %add3A_2231 = arith.addi %multiple_of3A_2158, %add3A_2230 : i32
        %get3A_2232 = arith.index_cast %add3A_2231 : i32 to index
        %get3A_2233 = tpu.vector_load %arg10[%get3A_2232] {strides = array<i32>} : memref<65536xf32, #tpu.memory_space<vmem>>, vector<16xf32>,
        %get3A_2234 = vector.shape_cast %get3A_2233 : vector<16xf32> to vector<16xf32>
        %add3A_2235 = arith.constant 96 : i32
        %add3A_2236 = arith.addi %multiple_of3A_2158, %add3A_2235 : i32
        %get3A_2237 = arith.index_cast %add3A_2236 : i32 to index
        %get3A_2238 = tpu.vector_load %arg10[%get3A_2237] {strides = array<i32>} : memref<65536xf32, #tpu.memory_space<vmem>>, vector<16xf32>,
        %get3A_2239 = vector.shape_cast %get3A_2238 : vector<16xf32> to vector<16xf32>
        %add3A_2240 = arith.constant 112 : i32
        %add3A_2241 = arith.addi %multiple_of3A_2158, %add3A_2240 : i32
        %get3A_2242 = arith.index_cast %add3A_2241 : i32 to index
        %get3A_2243 = tpu.vector_load %arg10[%get3A_2242] {strides = array<i32>} : memref<65536xf32, #tpu.memory_space<vmem>>, vector<16xf32>,
        %get3A_2244 = vector.shape_cast %get3A_2243 : vector<16xf32> to vector<16xf32>
        %max3A_2245 = arith.maximumf %get3A_2209, %get3A_2169 : vector<16xf32>
        %add3A_2246 = arith.constant 0 : i32
        %add3A_2247 = arith.addi %multiple_of3A_2158, %add3A_2246 : i32
        %swap3A_2248 = arith.index_cast %add3A_2247 : i32 to index
        %swap3A_2249 = tpu.vector_load %arg10[%swap3A_2248] {strides = array<i32>} : memref<65536xf32, #tpu.memory_space<vmem>>, vector<16xf32>,
        %swap3A_2250 = vector.shape_cast %swap3A_2249 : vector<16xf32> to vector<16xf32>
        %swap3A_2251 = vector.shape_cast %max3A_2245 : vector<16xf32> to vector<16xf32>
        tpu.vector_store %arg10[%swap3A_2248], %swap3A_2251 {strides = array<i32>} : memref<65536xf32, #tpu.memory_space<vmem>>, vector<16xf32>,
        %max3A_2252 = arith.maximumf %get3A_2214, %get3A_2174 : vector<16xf32>
        %add3A_2253 = arith.constant 16 : i32
        %add3A_2254 = arith.addi %multiple_of3A_2158, %add3A_2253 : i32
        %swap3A_2255 = arith.index_cast %add3A_2254 : i32 to index
        %swap3A_2256 = tpu.vector_load %arg10[%swap3A_2255] {strides = array<i32>} : memref<65536xf32, #tpu.memory_space<vmem>>, vector<16xf32>,
        %swap3A_2257 = vector.shape_cast %swap3A_2256 : vector<16xf32> to vector<16xf32>
        %swap3A_2258 = vector.shape_cast %max3A_2252 : vector<16xf32> to vector<16xf32>
        tpu.vector_store %arg10[%swap3A_2255], %swap3A_2258 {strides = array<i32>} : memref<65536xf32, #tpu.memory_space<vmem>>, vector<16xf32>,
        %max3A_2259 = arith.maximumf %get3A_2219, %get3A_2179 : vector<16xf32>
        %add3A_2260 = arith.constant 32 : i32
        %add3A_2261 = arith.addi %multiple_of3A_2158, %add3A_2260 : i32
        %swap3A_2262 = arith.index_cast %add3A_2261 : i32 to index
        %swap3A_2263 = tpu.vector_load %arg10[%swap3A_2262] {strides = array<i32>} : memref<65536xf32, #tpu.memory_space<vmem>>, vector<16xf32>,
        %swap3A_2264 = vector.shape_cast %swap3A_2263 : vector<16xf32> to vector<16xf32>
        %swap3A_2265 = vector.shape_cast %max3A_2259 : vector<16xf32> to vector<16xf32>
        tpu.vector_store %arg10[%swap3A_2262], %swap3A_2265 {strides = array<i32>} : memref<65536xf32, #tpu.memory_space<vmem>>, vector<16xf32>,
        %max3A_2266 = arith.maximumf %get3A_2224, %get3A_2184 : vector<16xf32>
        %add3A_2267 = arith.constant 48 : i32
        %add3A_2268 = arith.addi %multiple_of3A_2158, %add3A_2267 : i32
        %swap3A_2269 = arith.index_cast %add3A_2268 : i32 to index
        %swap3A_2270 = tpu.vector_load %arg10[%swap3A_2269] {strides = array<i32>} : memref<65536xf32, #tpu.memory_space<vmem>>, vector<16xf32>,
        %swap3A_2271 = vector.shape_cast %swap3A_2270 : vector<16xf32> to vector<16xf32>
        %swap3A_2272 = vector.shape_cast %max3A_2266 : vector<16xf32> to vector<16xf32>
        tpu.vector_store %arg10[%swap3A_2269], %swap3A_2272 {strides = array<i32>} : memref<65536xf32, #tpu.memory_space<vmem>>, vector<16xf32>,
        %max3A_2273 = arith.maximumf %get3A_2229, %get3A_2189 : vector<16xf32>
        %add3A_2274 = arith.constant 64 : i32
        %add3A_2275 = arith.addi %multiple_of3A_2158, %add3A_2274 : i32
        %swap3A_2276 = arith.index_cast %add3A_2275 : i32 to index
        %swap3A_2277 = tpu.vector_load %arg10[%swap3A_2276] {strides = array<i32>} : memref<65536xf32, #tpu.memory_space<vmem>>, vector<16xf32>,
        %swap3A_2278 = vector.shape_cast %swap3A_2277 : vector<16xf32> to vector<16xf32>
        %swap3A_2279 = vector.shape_cast %max3A_2273 : vector<16xf32> to vector<16xf32>
        tpu.vector_store %arg10[%swap3A_2276], %swap3A_2279 {strides = array<i32>} : memref<65536xf32, #tpu.memory_space<vmem>>, vector<16xf32>,
        %max3A_2280 = arith.maximumf %get3A_2234, %get3A_2194 : vector<16xf32>
        %add3A_2281 = arith.constant 80 : i32
        %add3A_2282 = arith.addi %multiple_of3A_2158, %add3A_2281 : i32
        %swap3A_2283 = arith.index_cast %add3A_2282 : i32 to index
        %swap3A_2284 = tpu.vector_load %arg10[%swap3A_2283] {strides = array<i32>} : memref<65536xf32, #tpu.memory_space<vmem>>, vector<16xf32>,
        %swap3A_2285 = vector.shape_cast %swap3A_2284 : vector<16xf32> to vector<16xf32>
        %swap3A_2286 = vector.shape_cast %max3A_2280 : vector<16xf32> to vector<16xf32>
        tpu.vector_store %arg10[%swap3A_2283], %swap3A_2286 {strides = array<i32>} : memref<65536xf32, #tpu.memory_space<vmem>>, vector<16xf32>,
        %max3A_2287 = arith.maximumf %get3A_2239, %get3A_2199 : vector<16xf32>
        %add3A_2288 = arith.constant 96 : i32
        %add3A_2289 = arith.addi %multiple_of3A_2158, %add3A_2288 : i32
        %swap3A_2290 = arith.index_cast %add3A_2289 : i32 to index
        %swap3A_2291 = tpu.vector_load %arg10[%swap3A_2290] {strides = array<i32>} : memref<65536xf32, #tpu.memory_space<vmem>>, vector<16xf32>,
        %swap3A_2292 = vector.shape_cast %swap3A_2291 : vector<16xf32> to vector<16xf32>
        %swap3A_2293 = vector.shape_cast %max3A_2287 : vector<16xf32> to vector<16xf32>
        tpu.vector_store %arg10[%swap3A_2290], %swap3A_2293 {strides = array<i32>} : memref<65536xf32, #tpu.memory_space<vmem>>, vector<16xf32>,
        %max3A_2294 = arith.maximumf %get3A_2244, %get3A_2204 : vector<16xf32>
        %add3A_2295 = arith.constant 112 : i32
        %add3A_2296 = arith.addi %multiple_of3A_2158, %add3A_2295 : i32
        %swap3A_2297 = arith.index_cast %add3A_2296 : i32 to index
        %swap3A_2298 = tpu.vector_load %arg10[%swap3A_2297] {strides = array<i32>} : memref<65536xf32, #tpu.memory_space<vmem>>, vector<16xf32>,
        %swap3A_2299 = vector.shape_cast %swap3A_2298 : vector<16xf32> to vector<16xf32>
        %swap3A_2300 = vector.shape_cast %max3A_2294 : vector<16xf32> to vector<16xf32>
        tpu.vector_store %arg10[%swap3A_2297], %swap3A_2300 {strides = array<i32>} : memref<65536xf32, #tpu.memory_space<vmem>>, vector<16xf32>,
        %slice3A_2301 = vector.extract_strided_slice %mul3A_128 {offsets = [15], sizes = [1], strides = [1]} : vector<16xi32> to vector<1xi32>
        %squeeze3A_2302 = vector.extract %slice3A_2301[0] : i32 from vector<1xi32>
        %multiple_of3A_2303 = tpu.assume_multiple %squeeze3A_2302, 128 : i32
        %mul3A_2304 = arith.constant 16 : i32
        %mul3A_2305 = arith.muli %scan3A_70, %mul3A_2304 : i32
        %add3A_2306 = arith.constant 15 : i32
        %add3A_2307 = arith.addi %mul3A_2305, %add3A_2306 : i32
        %mul3A_2308 = arith.constant 128 : i32
        %mul3A_2309 = arith.muli %add3A_2307, %mul3A_2308 : i32
        %add3A_2310 = arith.constant 0 : i32
        %add3A_2311 = arith.addi %mul3A_2309, %add3A_2310 : i32
        %get3A_2312 = arith.index_cast %add3A_2311 : i32 to index
        %get3A_2313 = tpu.vector_load %arg6[%get3A_2312] {strides = array<i32>} : memref<16384xf32, #tpu.memory_space<vmem>>, vector<16xf32>,
        %get3A_2314 = vector.shape_cast %get3A_2313 : vector<16xf32> to vector<16xf32>
        %add3A_2315 = arith.constant 16 : i32
        %add3A_2316 = arith.addi %mul3A_2309, %add3A_2315 : i32
        %get3A_2317 = arith.index_cast %add3A_2316 : i32 to index
        %get3A_2318 = tpu.vector_load %arg6[%get3A_2317] {strides = array<i32>} : memref<16384xf32, #tpu.memory_space<vmem>>, vector<16xf32>,
        %get3A_2319 = vector.shape_cast %get3A_2318 : vector<16xf32> to vector<16xf32>
        %add3A_2320 = arith.constant 32 : i32
        %add3A_2321 = arith.addi %mul3A_2309, %add3A_2320 : i32
        %get3A_2322 = arith.index_cast %add3A_2321 : i32 to index
        %get3A_2323 = tpu.vector_load %arg6[%get3A_2322] {strides = array<i32>} : memref<16384xf32, #tpu.memory_space<vmem>>, vector<16xf32>,
        %get3A_2324 = vector.shape_cast %get3A_2323 : vector<16xf32> to vector<16xf32>
        %add3A_2325 = arith.constant 48 : i32
        %add3A_2326 = arith.addi %mul3A_2309, %add3A_2325 : i32
        %get3A_2327 = arith.index_cast %add3A_2326 : i32 to index
        %get3A_2328 = tpu.vector_load %arg6[%get3A_2327] {strides = array<i32>} : memref<16384xf32, #tpu.memory_space<vmem>>, vector<16xf32>,
        %get3A_2329 = vector.shape_cast %get3A_2328 : vector<16xf32> to vector<16xf32>
        %add3A_2330 = arith.constant 64 : i32
        %add3A_2331 = arith.addi %mul3A_2309, %add3A_2330 : i32
        %get3A_2332 = arith.index_cast %add3A_2331 : i32 to index
        %get3A_2333 = tpu.vector_load %arg6[%get3A_2332] {strides = array<i32>} : memref<16384xf32, #tpu.memory_space<vmem>>, vector<16xf32>,
        %get3A_2334 = vector.shape_cast %get3A_2333 : vector<16xf32> to vector<16xf32>
        %add3A_2335 = arith.constant 80 : i32
        %add3A_2336 = arith.addi %mul3A_2309, %add3A_2335 : i32
        %get3A_2337 = arith.index_cast %add3A_2336 : i32 to index
        %get3A_2338 = tpu.vector_load %arg6[%get3A_2337] {strides = array<i32>} : memref<16384xf32, #tpu.memory_space<vmem>>, vector<16xf32>,
        %get3A_2339 = vector.shape_cast %get3A_2338 : vector<16xf32> to vector<16xf32>
        %add3A_2340 = arith.constant 96 : i32
        %add3A_2341 = arith.addi %mul3A_2309, %add3A_2340 : i32
        %get3A_2342 = arith.index_cast %add3A_2341 : i32 to index
        %get3A_2343 = tpu.vector_load %arg6[%get3A_2342] {strides = array<i32>} : memref<16384xf32, #tpu.memory_space<vmem>>, vector<16xf32>,
        %get3A_2344 = vector.shape_cast %get3A_2343 : vector<16xf32> to vector<16xf32>
        %add3A_2345 = arith.constant 112 : i32
        %add3A_2346 = arith.addi %mul3A_2309, %add3A_2345 : i32
        %get3A_2347 = arith.index_cast %add3A_2346 : i32 to index
        %get3A_2348 = tpu.vector_load %arg6[%get3A_2347] {strides = array<i32>} : memref<16384xf32, #tpu.memory_space<vmem>>, vector<16xf32>,
        %get3A_2349 = vector.shape_cast %get3A_2348 : vector<16xf32> to vector<16xf32>
        %add3A_2350 = arith.constant 0 : i32
        %add3A_2351 = arith.addi %multiple_of3A_2303, %add3A_2350 : i32
        %get3A_2352 = arith.index_cast %add3A_2351 : i32 to index
        %get3A_2353 = tpu.vector_load %arg10[%get3A_2352] {strides = array<i32>} : memref<65536xf32, #tpu.memory_space<vmem>>, vector<16xf32>,
        %get3A_2354 = vector.shape_cast %get3A_2353 : vector<16xf32> to vector<16xf32>
        %add3A_2355 = arith.constant 16 : i32
        %add3A_2356 = arith.addi %multiple_of3A_2303, %add3A_2355 : i32
        %get3A_2357 = arith.index_cast %add3A_2356 : i32 to index
        %get3A_2358 = tpu.vector_load %arg10[%get3A_2357] {strides = array<i32>} : memref<65536xf32, #tpu.memory_space<vmem>>, vector<16xf32>,
        %get3A_2359 = vector.shape_cast %get3A_2358 : vector<16xf32> to vector<16xf32>
        %add3A_2360 = arith.constant 32 : i32
        %add3A_2361 = arith.addi %multiple_of3A_2303, %add3A_2360 : i32
        %get3A_2362 = arith.index_cast %add3A_2361 : i32 to index
        %get3A_2363 = tpu.vector_load %arg10[%get3A_2362] {strides = array<i32>} : memref<65536xf32, #tpu.memory_space<vmem>>, vector<16xf32>,
        %get3A_2364 = vector.shape_cast %get3A_2363 : vector<16xf32> to vector<16xf32>
        %add3A_2365 = arith.constant 48 : i32
        %add3A_2366 = arith.addi %multiple_of3A_2303, %add3A_2365 : i32
        %get3A_2367 = arith.index_cast %add3A_2366 : i32 to index
        %get3A_2368 = tpu.vector_load %arg10[%get3A_2367] {strides = array<i32>} : memref<65536xf32, #tpu.memory_space<vmem>>, vector<16xf32>,
        %get3A_2369 = vector.shape_cast %get3A_2368 : vector<16xf32> to vector<16xf32>
        %add3A_2370 = arith.constant 64 : i32
        %add3A_2371 = arith.addi %multiple_of3A_2303, %add3A_2370 : i32
        %get3A_2372 = arith.index_cast %add3A_2371 : i32 to index
        %get3A_2373 = tpu.vector_load %arg10[%get3A_2372] {strides = array<i32>} : memref<65536xf32, #tpu.memory_space<vmem>>, vector<16xf32>,
        %get3A_2374 = vector.shape_cast %get3A_2373 : vector<16xf32> to vector<16xf32>
        %add3A_2375 = arith.constant 80 : i32
        %add3A_2376 = arith.addi %multiple_of3A_2303, %add3A_2375 : i32
        %get3A_2377 = arith.index_cast %add3A_2376 : i32 to index
        %get3A_2378 = tpu.vector_load %arg10[%get3A_2377] {strides = array<i32>} : memref<65536xf32, #tpu.memory_space<vmem>>, vector<16xf32>,
        %get3A_2379 = vector.shape_cast %get3A_2378 : vector<16xf32> to vector<16xf32>
        %add3A_2380 = arith.constant 96 : i32
        %add3A_2381 = arith.addi %multiple_of3A_2303, %add3A_2380 : i32
        %get3A_2382 = arith.index_cast %add3A_2381 : i32 to index
        %get3A_2383 = tpu.vector_load %arg10[%get3A_2382] {strides = array<i32>} : memref<65536xf32, #tpu.memory_space<vmem>>, vector<16xf32>,
        %get3A_2384 = vector.shape_cast %get3A_2383 : vector<16xf32> to vector<16xf32>
        %add3A_2385 = arith.constant 112 : i32
        %add3A_2386 = arith.addi %multiple_of3A_2303, %add3A_2385 : i32
        %get3A_2387 = arith.index_cast %add3A_2386 : i32 to index
        %get3A_2388 = tpu.vector_load %arg10[%get3A_2387] {strides = array<i32>} : memref<65536xf32, #tpu.memory_space<vmem>>, vector<16xf32>,
        %get3A_2389 = vector.shape_cast %get3A_2388 : vector<16xf32> to vector<16xf32>
        %max3A_2390 = arith.maximumf %get3A_2354, %get3A_2314 : vector<16xf32>
        %add3A_2391 = arith.constant 0 : i32
        %add3A_2392 = arith.addi %multiple_of3A_2303, %add3A_2391 : i32
        %swap3A_2393 = arith.index_cast %add3A_2392 : i32 to index
        %swap3A_2394 = tpu.vector_load %arg10[%swap3A_2393] {strides = array<i32>} : memref<65536xf32, #tpu.memory_space<vmem>>, vector<16xf32>,
        %swap3A_2395 = vector.shape_cast %swap3A_2394 : vector<16xf32> to vector<16xf32>
        %swap3A_2396 = vector.shape_cast %max3A_2390 : vector<16xf32> to vector<16xf32>
        tpu.vector_store %arg10[%swap3A_2393], %swap3A_2396 {strides = array<i32>} : memref<65536xf32, #tpu.memory_space<vmem>>, vector<16xf32>,
        %max3A_2397 = arith.maximumf %get3A_2359, %get3A_2319 : vector<16xf32>
        %add3A_2398 = arith.constant 16 : i32
        %add3A_2399 = arith.addi %multiple_of3A_2303, %add3A_2398 : i32
        %swap3A_2400 = arith.index_cast %add3A_2399 : i32 to index
        %swap3A_2401 = tpu.vector_load %arg10[%swap3A_2400] {strides = array<i32>} : memref<65536xf32, #tpu.memory_space<vmem>>, vector<16xf32>,
        %swap3A_2402 = vector.shape_cast %swap3A_2401 : vector<16xf32> to vector<16xf32>
        %swap3A_2403 = vector.shape_cast %max3A_2397 : vector<16xf32> to vector<16xf32>
        tpu.vector_store %arg10[%swap3A_2400], %swap3A_2403 {strides = array<i32>} : memref<65536xf32, #tpu.memory_space<vmem>>, vector<16xf32>,
        %max3A_2404 = arith.maximumf %get3A_2364, %get3A_2324 : vector<16xf32>
        %add3A_2405 = arith.constant 32 : i32
        %add3A_2406 = arith.addi %multiple_of3A_2303, %add3A_2405 : i32
        %swap3A_2407 = arith.index_cast %add3A_2406 : i32 to index
        %swap3A_2408 = tpu.vector_load %arg10[%swap3A_2407] {strides = array<i32>} : memref<65536xf32, #tpu.memory_space<vmem>>, vector<16xf32>,
        %swap3A_2409 = vector.shape_cast %swap3A_2408 : vector<16xf32> to vector<16xf32>
        %swap3A_2410 = vector.shape_cast %max3A_2404 : vector<16xf32> to vector<16xf32>
        tpu.vector_store %arg10[%swap3A_2407], %swap3A_2410 {strides = array<i32>} : memref<65536xf32, #tpu.memory_space<vmem>>, vector<16xf32>,
        %max3A_2411 = arith.maximumf %get3A_2369, %get3A_2329 : vector<16xf32>
        %add3A_2412 = arith.constant 48 : i32
        %add3A_2413 = arith.addi %multiple_of3A_2303, %add3A_2412 : i32
        %swap3A_2414 = arith.index_cast %add3A_2413 : i32 to index
        %swap3A_2415 = tpu.vector_load %arg10[%swap3A_2414] {strides = array<i32>} : memref<65536xf32, #tpu.memory_space<vmem>>, vector<16xf32>,
        %swap3A_2416 = vector.shape_cast %swap3A_2415 : vector<16xf32> to vector<16xf32>
        %swap3A_2417 = vector.shape_cast %max3A_2411 : vector<16xf32> to vector<16xf32>
        tpu.vector_store %arg10[%swap3A_2414], %swap3A_2417 {strides = array<i32>} : memref<65536xf32, #tpu.memory_space<vmem>>, vector<16xf32>,
        %max3A_2418 = arith.maximumf %get3A_2374, %get3A_2334 : vector<16xf32>
        %add3A_2419 = arith.constant 64 : i32
        %add3A_2420 = arith.addi %multiple_of3A_2303, %add3A_2419 : i32
        %swap3A_2421 = arith.index_cast %add3A_2420 : i32 to index
        %swap3A_2422 = tpu.vector_load %arg10[%swap3A_2421] {strides = array<i32>} : memref<65536xf32, #tpu.memory_space<vmem>>, vector<16xf32>,
        %swap3A_2423 = vector.shape_cast %swap3A_2422 : vector<16xf32> to vector<16xf32>
        %swap3A_2424 = vector.shape_cast %max3A_2418 : vector<16xf32> to vector<16xf32>
        tpu.vector_store %arg10[%swap3A_2421], %swap3A_2424 {strides = array<i32>} : memref<65536xf32, #tpu.memory_space<vmem>>, vector<16xf32>,
        %max3A_2425 = arith.maximumf %get3A_2379, %get3A_2339 : vector<16xf32>
        %add3A_2426 = arith.constant 80 : i32
        %add3A_2427 = arith.addi %multiple_of3A_2303, %add3A_2426 : i32
        %swap3A_2428 = arith.index_cast %add3A_2427 : i32 to index
        %swap3A_2429 = tpu.vector_load %arg10[%swap3A_2428] {strides = array<i32>} : memref<65536xf32, #tpu.memory_space<vmem>>, vector<16xf32>,
        %swap3A_2430 = vector.shape_cast %swap3A_2429 : vector<16xf32> to vector<16xf32>
        %swap3A_2431 = vector.shape_cast %max3A_2425 : vector<16xf32> to vector<16xf32>
        tpu.vector_store %arg10[%swap3A_2428], %swap3A_2431 {strides = array<i32>} : memref<65536xf32, #tpu.memory_space<vmem>>, vector<16xf32>,
        %max3A_2432 = arith.maximumf %get3A_2384, %get3A_2344 : vector<16xf32>
        %add3A_2433 = arith.constant 96 : i32
        %add3A_2434 = arith.addi %multiple_of3A_2303, %add3A_2433 : i32
        %swap3A_2435 = arith.index_cast %add3A_2434 : i32 to index
        %swap3A_2436 = tpu.vector_load %arg10[%swap3A_2435] {strides = array<i32>} : memref<65536xf32, #tpu.memory_space<vmem>>, vector<16xf32>,
        %swap3A_2437 = vector.shape_cast %swap3A_2436 : vector<16xf32> to vector<16xf32>
        %swap3A_2438 = vector.shape_cast %max3A_2432 : vector<16xf32> to vector<16xf32>
        tpu.vector_store %arg10[%swap3A_2435], %swap3A_2438 {strides = array<i32>} : memref<65536xf32, #tpu.memory_space<vmem>>, vector<16xf32>,
        %max3A_2439 = arith.maximumf %get3A_2389, %get3A_2349 : vector<16xf32>
        %add3A_2440 = arith.constant 112 : i32
        %add3A_2441 = arith.addi %multiple_of3A_2303, %add3A_2440 : i32
        %swap3A_2442 = arith.index_cast %add3A_2441 : i32 to index
        %swap3A_2443 = tpu.vector_load %arg10[%swap3A_2442] {strides = array<i32>} : memref<65536xf32, #tpu.memory_space<vmem>>, vector<16xf32>,
        %swap3A_2444 = vector.shape_cast %swap3A_2443 : vector<16xf32> to vector<16xf32>
        %swap3A_2445 = vector.shape_cast %max3A_2439 : vector<16xf32> to vector<16xf32>
        tpu.vector_store %arg10[%swap3A_2442], %swap3A_2445 {strides = array<i32>} : memref<65536xf32, #tpu.memory_space<vmem>>, vector<16xf32>,
      }
      %scan3A_45 = arith.constant 8 : i32
      %add3A_46 = arith.constant 2 : i32
      %add3A_47 = arith.addi %add3A_37, %add3A_46 : i32
      %lt3A = arith.constant 32 : i32
      %lt3A_48 = arith.cmpi slt, %add3A_47, %lt3A : i32
      %convert_element_type3A = arith.extui %lt3A_48 : i1 to i32
      %cond3A = arith.constant 0 : i32
      %cond3A_49 = arith.cmpi ne, %convert_element_type3A, %cond3A : i32
      scf.if %cond3A_49 {
        %add3A_70 = arith.constant 2 : i32
        %add3A_71 = arith.addi %add3A_37, %add3A_70 : i32
        %mul3A_72 = arith.constant 4096 : i32
        %mul3A_73 = arith.muli %add3A, %mul3A_72 : i32
        %mul3A_74 = arith.constant 128 : i32
        %mul3A_75 = arith.muli %add3A_71, %mul3A_74 : i32
        %add3A_76 = arith.addi %mul3A_73, %mul3A_75 : i32
        %mul3A_77 = arith.constant 128 : i32
        %mul3A_78 = arith.muli %add3A_76, %mul3A_77 : i32
        %multiple_of3A_79 = tpu.assume_multiple %mul3A_78, 16384 : i32
        %dma_start3A_80 = tpu.memref_slice %arg3[%multiple_of3A_79] : memref<16777216xf32, #tpu.memory_space<hbm>> -> memref<16384xf32, #tpu.memory_space<hbm>>
        %dma_start3A_81 = tpu.memref_slice %arg3[%multiple_of3A_79] : memref<16777216xf32, #tpu.memory_space<hbm>> -> memref<16384xf32, #tpu.memory_space<hbm>>
        tpu.enqueue_dma source(%dma_start3A_81 : memref<16384xf32, #tpu.memory_space<hbm>>) target(%arg6 : memref<16384xf32, #tpu.memory_space<vmem>>) target_semaphore(%arg8 : memref<!tpu.dma_semaphore, #tpu.memory_space<semaphore_mem>>)
      } else {
      }
      %mul3A_50 = arith.constant 2 : i32
      %mul3A_51 = arith.muli %scan3A_33, %mul3A_50 : i32
      %add3A_52 = arith.constant 1 : i32
      %add3A_53 = arith.addi %mul3A_51, %add3A_52 : i32
      %dma_wait3A_54 = arith.constant 0 : i32
      %dma_wait3A_55 = tpu.memref_slice %arg3[%dma_wait3A_54] : memref<16777216xf32, #tpu.memory_space<hbm>> -> memref<16384xf32, #tpu.memory_space<hbm>>
      %dma_wait3A_56 = arith.constant 0 : i32
      %dma_wait3A_57 = tpu.memref_slice %arg3[%dma_wait3A_56] : memref<16777216xf32, #tpu.memory_space<hbm>> -> memref<16384xf32, #tpu.memory_space<hbm>>
      tpu.wait_dma2 semaphore(%arg9 : memref<!tpu.dma_semaphore, #tpu.memory_space<semaphore_mem>>) src(%dma_wait3A_57 : memref<16384xf32, #tpu.memory_space<hbm>>) dst(%arg7 : memref<16384xf32, #tpu.memory_space<vmem>>)
      %scan3A_58 = arith.constant 0 : i32
      %scan3A_59 = arith.constant 8 : i32
      %scan3A_60 = arith.addi %scan3A_58, %scan3A_59 : i32
      %scan3A_61 = arith.constant 1 : i32
      scf.for %scan3A_70 = %scan3A_58 to %scan3A_60 step %scan3A_61  : i32 {
        %mul3A_71 = arith.constant 128 : i32
        %mul3A_72 = arith.muli %add3A_53, %mul3A_71 : i32
        %mul3A_73 = arith.constant 16 : i32
        %mul3A_74 = arith.muli %scan3A_70, %mul3A_73 : i32
        %add3A_75 = arith.addi %mul3A_72, %mul3A_74 : i32
        %add3A_76 = arith.constant 0 : i32
        %add3A_77 = arith.addi %add3A_76, %add3A_75 : i32
        %get3A = arith.index_cast %add3A_77 : i32 to index
        %get3A_78 = tpu.vector_load %arg5[%get3A] {strides = array<i32>} : memref<12288xf32, #tpu.memory_space<vmem>>, vector<16xf32>,
        %get3A_79 = vector.shape_cast %get3A_78 : vector<16xf32> to vector<16xf32>
        %add3A_80 = arith.constant 1.000000e+00 : f32
        %add3A_81 = vector.broadcast %add3A_80 : f32 to vector<16xf32>
        %add3A_82 = arith.addf %get3A_79, %add3A_81 : vector<16xf32>
        %mul3A_83 = arith.constant 5.000000e-01 : f32
        %mul3A_84 = vector.broadcast %mul3A_83 : f32 to vector<16xf32>
        %mul3A_85 = arith.mulf %add3A_82, %mul3A_84 : vector<16xf32>
        %mul3A_86 = arith.mulf %mul3A_85, %broadcast_in_dim3A_27 : vector<16xf32>
        %convert_element_type3A_87 = arith.fptosi %mul3A_86 : vector<16xf32> to vector<16xi32>
        %max3A = arith.maxsi %convert_element_type3A_87, %broadcast_in_dim3A_25 : vector<16xi32>
        %min3A = arith.minsi %max3A, %broadcast_in_dim3A_23 : vector<16xi32>
        %mul3A_88 = arith.constant 64 : i32
        %mul3A_89 = vector.broadcast %mul3A_88 : i32 to vector<16xi32>
        %mul3A_90 = arith.muli %min3A, %mul3A_89 : vector<16xi32>
        %add3A_91 = arith.constant 4096 : i32
        %add3A_92 = arith.addi %add3A_91, %add3A_75 : i32
        %get3A_93 = arith.index_cast %add3A_92 : i32 to index
        %get3A_94 = tpu.vector_load %arg5[%get3A_93] {strides = array<i32>} : memref<12288xf32, #tpu.memory_space<vmem>>, vector<16xf32>,
        %get3A_95 = vector.shape_cast %get3A_94 : vector<16xf32> to vector<16xf32>
        %add3A_96 = arith.constant 1.000000e+00 : f32
        %add3A_97 = vector.broadcast %add3A_96 : f32 to vector<16xf32>
        %add3A_98 = arith.addf %get3A_95, %add3A_97 : vector<16xf32>
        %mul3A_99 = arith.constant 5.000000e-01 : f32
        %mul3A_100 = vector.broadcast %mul3A_99 : f32 to vector<16xf32>
        %mul3A_101 = arith.mulf %add3A_98, %mul3A_100 : vector<16xf32>
        %mul3A_102 = arith.mulf %mul3A_101, %broadcast_in_dim3A_27 : vector<16xf32>
        %convert_element_type3A_103 = arith.fptosi %mul3A_102 : vector<16xf32> to vector<16xi32>
        %max3A_104 = arith.maxsi %convert_element_type3A_103, %broadcast_in_dim3A_25 : vector<16xi32>
        %min3A_105 = arith.minsi %max3A_104, %broadcast_in_dim3A_23 : vector<16xi32>
        %mul3A_106 = arith.constant 8 : i32
        %mul3A_107 = vector.broadcast %mul3A_106 : i32 to vector<16xi32>
        %mul3A_108 = arith.muli %min3A_105, %mul3A_107 : vector<16xi32>
        %add3A_109 = arith.addi %mul3A_90, %mul3A_108 : vector<16xi32>
        %add3A_110 = arith.constant 8192 : i32
        %add3A_111 = arith.addi %add3A_110, %add3A_75 : i32
        %get3A_112 = arith.index_cast %add3A_111 : i32 to index
        %get3A_113 = tpu.vector_load %arg5[%get3A_112] {strides = array<i32>} : memref<12288xf32, #tpu.memory_space<vmem>>, vector<16xf32>,
        %get3A_114 = vector.shape_cast %get3A_113 : vector<16xf32> to vector<16xf32>
        %add3A_115 = arith.constant 1.000000e+00 : f32
        %add3A_116 = vector.broadcast %add3A_115 : f32 to vector<16xf32>
        %add3A_117 = arith.addf %get3A_114, %add3A_116 : vector<16xf32>
        %mul3A_118 = arith.constant 5.000000e-01 : f32
        %mul3A_119 = vector.broadcast %mul3A_118 : f32 to vector<16xf32>
        %mul3A_120 = arith.mulf %add3A_117, %mul3A_119 : vector<16xf32>
        %mul3A_121 = arith.mulf %mul3A_120, %broadcast_in_dim3A_27 : vector<16xf32>
        %convert_element_type3A_122 = arith.fptosi %mul3A_121 : vector<16xf32> to vector<16xi32>
        %max3A_123 = arith.maxsi %convert_element_type3A_122, %broadcast_in_dim3A_25 : vector<16xi32>
        %min3A_124 = arith.minsi %max3A_123, %broadcast_in_dim3A_23 : vector<16xi32>
        %add3A_125 = arith.addi %add3A_109, %min3A_124 : vector<16xi32>
        %mul3A_126 = arith.constant 128 : i32
        %mul3A_127 = vector.broadcast %mul3A_126 : i32 to vector<16xi32>
        %mul3A_128 = arith.muli %add3A_125, %mul3A_127 : vector<16xi32>
        %slice3A = vector.extract_strided_slice %mul3A_128 {offsets = [0], sizes = [1], strides = [1]} : vector<16xi32> to vector<1xi32>
        %squeeze3A = vector.extract %slice3A[0] : i32 from vector<1xi32>
        %multiple_of3A_129 = tpu.assume_multiple %squeeze3A, 128 : i32
        %mul3A_130 = arith.constant 16 : i32
        %mul3A_131 = arith.muli %scan3A_70, %mul3A_130 : i32
        %add3A_132 = arith.constant 0 : i32
        %add3A_133 = arith.addi %mul3A_131, %add3A_132 : i32
        %mul3A_134 = arith.constant 128 : i32
        %mul3A_135 = arith.muli %add3A_133, %mul3A_134 : i32
        %add3A_136 = arith.constant 0 : i32
        %add3A_137 = arith.addi %mul3A_135, %add3A_136 : i32
        %get3A_138 = arith.index_cast %add3A_137 : i32 to index
        %get3A_139 = tpu.vector_load %arg7[%get3A_138] {strides = array<i32>} : memref<16384xf32, #tpu.memory_space<vmem>>, vector<16xf32>,
        %get3A_140 = vector.shape_cast %get3A_139 : vector<16xf32> to vector<16xf32>
        %add3A_141 = arith.constant 16 : i32
        %add3A_142 = arith.addi %mul3A_135, %add3A_141 : i32
        %get3A_143 = arith.index_cast %add3A_142 : i32 to index
        %get3A_144 = tpu.vector_load %arg7[%get3A_143] {strides = array<i32>} : memref<16384xf32, #tpu.memory_space<vmem>>, vector<16xf32>,
        %get3A_145 = vector.shape_cast %get3A_144 : vector<16xf32> to vector<16xf32>
        %add3A_146 = arith.constant 32 : i32
        %add3A_147 = arith.addi %mul3A_135, %add3A_146 : i32
        %get3A_148 = arith.index_cast %add3A_147 : i32 to index
        %get3A_149 = tpu.vector_load %arg7[%get3A_148] {strides = array<i32>} : memref<16384xf32, #tpu.memory_space<vmem>>, vector<16xf32>,
        %get3A_150 = vector.shape_cast %get3A_149 : vector<16xf32> to vector<16xf32>
        %add3A_151 = arith.constant 48 : i32
        %add3A_152 = arith.addi %mul3A_135, %add3A_151 : i32
        %get3A_153 = arith.index_cast %add3A_152 : i32 to index
        %get3A_154 = tpu.vector_load %arg7[%get3A_153] {strides = array<i32>} : memref<16384xf32, #tpu.memory_space<vmem>>, vector<16xf32>,
        %get3A_155 = vector.shape_cast %get3A_154 : vector<16xf32> to vector<16xf32>
        %add3A_156 = arith.constant 64 : i32
        %add3A_157 = arith.addi %mul3A_135, %add3A_156 : i32
        %get3A_158 = arith.index_cast %add3A_157 : i32 to index
        %get3A_159 = tpu.vector_load %arg7[%get3A_158] {strides = array<i32>} : memref<16384xf32, #tpu.memory_space<vmem>>, vector<16xf32>,
        %get3A_160 = vector.shape_cast %get3A_159 : vector<16xf32> to vector<16xf32>
        %add3A_161 = arith.constant 80 : i32
        %add3A_162 = arith.addi %mul3A_135, %add3A_161 : i32
        %get3A_163 = arith.index_cast %add3A_162 : i32 to index
        %get3A_164 = tpu.vector_load %arg7[%get3A_163] {strides = array<i32>} : memref<16384xf32, #tpu.memory_space<vmem>>, vector<16xf32>,
        %get3A_165 = vector.shape_cast %get3A_164 : vector<16xf32> to vector<16xf32>
        %add3A_166 = arith.constant 96 : i32
        %add3A_167 = arith.addi %mul3A_135, %add3A_166 : i32
        %get3A_168 = arith.index_cast %add3A_167 : i32 to index
        %get3A_169 = tpu.vector_load %arg7[%get3A_168] {strides = array<i32>} : memref<16384xf32, #tpu.memory_space<vmem>>, vector<16xf32>,
        %get3A_170 = vector.shape_cast %get3A_169 : vector<16xf32> to vector<16xf32>
        %add3A_171 = arith.constant 112 : i32
        %add3A_172 = arith.addi %mul3A_135, %add3A_171 : i32
        %get3A_173 = arith.index_cast %add3A_172 : i32 to index
        %get3A_174 = tpu.vector_load %arg7[%get3A_173] {strides = array<i32>} : memref<16384xf32, #tpu.memory_space<vmem>>, vector<16xf32>,
        %get3A_175 = vector.shape_cast %get3A_174 : vector<16xf32> to vector<16xf32>
        %add3A_176 = arith.constant 0 : i32
        %add3A_177 = arith.addi %multiple_of3A_129, %add3A_176 : i32
        %get3A_178 = arith.index_cast %add3A_177 : i32 to index
        %get3A_179 = tpu.vector_load %arg10[%get3A_178] {strides = array<i32>} : memref<65536xf32, #tpu.memory_space<vmem>>, vector<16xf32>,
        %get3A_180 = vector.shape_cast %get3A_179 : vector<16xf32> to vector<16xf32>
        %add3A_181 = arith.constant 16 : i32
        %add3A_182 = arith.addi %multiple_of3A_129, %add3A_181 : i32
        %get3A_183 = arith.index_cast %add3A_182 : i32 to index
        %get3A_184 = tpu.vector_load %arg10[%get3A_183] {strides = array<i32>} : memref<65536xf32, #tpu.memory_space<vmem>>, vector<16xf32>,
        %get3A_185 = vector.shape_cast %get3A_184 : vector<16xf32> to vector<16xf32>
        %add3A_186 = arith.constant 32 : i32
        %add3A_187 = arith.addi %multiple_of3A_129, %add3A_186 : i32
        %get3A_188 = arith.index_cast %add3A_187 : i32 to index
        %get3A_189 = tpu.vector_load %arg10[%get3A_188] {strides = array<i32>} : memref<65536xf32, #tpu.memory_space<vmem>>, vector<16xf32>,
        %get3A_190 = vector.shape_cast %get3A_189 : vector<16xf32> to vector<16xf32>
        %add3A_191 = arith.constant 48 : i32
        %add3A_192 = arith.addi %multiple_of3A_129, %add3A_191 : i32
        %get3A_193 = arith.index_cast %add3A_192 : i32 to index
        %get3A_194 = tpu.vector_load %arg10[%get3A_193] {strides = array<i32>} : memref<65536xf32, #tpu.memory_space<vmem>>, vector<16xf32>,
        %get3A_195 = vector.shape_cast %get3A_194 : vector<16xf32> to vector<16xf32>
        %add3A_196 = arith.constant 64 : i32
        %add3A_197 = arith.addi %multiple_of3A_129, %add3A_196 : i32
        %get3A_198 = arith.index_cast %add3A_197 : i32 to index
        %get3A_199 = tpu.vector_load %arg10[%get3A_198] {strides = array<i32>} : memref<65536xf32, #tpu.memory_space<vmem>>, vector<16xf32>,
        %get3A_200 = vector.shape_cast %get3A_199 : vector<16xf32> to vector<16xf32>
        %add3A_201 = arith.constant 80 : i32
        %add3A_202 = arith.addi %multiple_of3A_129, %add3A_201 : i32
        %get3A_203 = arith.index_cast %add3A_202 : i32 to index
        %get3A_204 = tpu.vector_load %arg10[%get3A_203] {strides = array<i32>} : memref<65536xf32, #tpu.memory_space<vmem>>, vector<16xf32>,
        %get3A_205 = vector.shape_cast %get3A_204 : vector<16xf32> to vector<16xf32>
        %add3A_206 = arith.constant 96 : i32
        %add3A_207 = arith.addi %multiple_of3A_129, %add3A_206 : i32
        %get3A_208 = arith.index_cast %add3A_207 : i32 to index
        %get3A_209 = tpu.vector_load %arg10[%get3A_208] {strides = array<i32>} : memref<65536xf32, #tpu.memory_space<vmem>>, vector<16xf32>,
        %get3A_210 = vector.shape_cast %get3A_209 : vector<16xf32> to vector<16xf32>
        %add3A_211 = arith.constant 112 : i32
        %add3A_212 = arith.addi %multiple_of3A_129, %add3A_211 : i32
        %get3A_213 = arith.index_cast %add3A_212 : i32 to index
        %get3A_214 = tpu.vector_load %arg10[%get3A_213] {strides = array<i32>} : memref<65536xf32, #tpu.memory_space<vmem>>, vector<16xf32>,
        %get3A_215 = vector.shape_cast %get3A_214 : vector<16xf32> to vector<16xf32>
        %max3A_216 = arith.maximumf %get3A_180, %get3A_140 : vector<16xf32>
        %add3A_217 = arith.constant 0 : i32
        %add3A_218 = arith.addi %multiple_of3A_129, %add3A_217 : i32
        %swap3A = arith.index_cast %add3A_218 : i32 to index
        %swap3A_219 = tpu.vector_load %arg10[%swap3A] {strides = array<i32>} : memref<65536xf32, #tpu.memory_space<vmem>>, vector<16xf32>,
        %swap3A_220 = vector.shape_cast %swap3A_219 : vector<16xf32> to vector<16xf32>
        %swap3A_221 = vector.shape_cast %max3A_216 : vector<16xf32> to vector<16xf32>
        tpu.vector_store %arg10[%swap3A], %swap3A_221 {strides = array<i32>} : memref<65536xf32, #tpu.memory_space<vmem>>, vector<16xf32>,
        %max3A_222 = arith.maximumf %get3A_185, %get3A_145 : vector<16xf32>
        %add3A_223 = arith.constant 16 : i32
        %add3A_224 = arith.addi %multiple_of3A_129, %add3A_223 : i32
        %swap3A_225 = arith.index_cast %add3A_224 : i32 to index
        %swap3A_226 = tpu.vector_load %arg10[%swap3A_225] {strides = array<i32>} : memref<65536xf32, #tpu.memory_space<vmem>>, vector<16xf32>,
        %swap3A_227 = vector.shape_cast %swap3A_226 : vector<16xf32> to vector<16xf32>
        %swap3A_228 = vector.shape_cast %max3A_222 : vector<16xf32> to vector<16xf32>
        tpu.vector_store %arg10[%swap3A_225], %swap3A_228 {strides = array<i32>} : memref<65536xf32, #tpu.memory_space<vmem>>, vector<16xf32>,
        %max3A_229 = arith.maximumf %get3A_190, %get3A_150 : vector<16xf32>
        %add3A_230 = arith.constant 32 : i32
        %add3A_231 = arith.addi %multiple_of3A_129, %add3A_230 : i32
        %swap3A_232 = arith.index_cast %add3A_231 : i32 to index
        %swap3A_233 = tpu.vector_load %arg10[%swap3A_232] {strides = array<i32>} : memref<65536xf32, #tpu.memory_space<vmem>>, vector<16xf32>,
        %swap3A_234 = vector.shape_cast %swap3A_233 : vector<16xf32> to vector<16xf32>
        %swap3A_235 = vector.shape_cast %max3A_229 : vector<16xf32> to vector<16xf32>
        tpu.vector_store %arg10[%swap3A_232], %swap3A_235 {strides = array<i32>} : memref<65536xf32, #tpu.memory_space<vmem>>, vector<16xf32>,
        %max3A_236 = arith.maximumf %get3A_195, %get3A_155 : vector<16xf32>
        %add3A_237 = arith.constant 48 : i32
        %add3A_238 = arith.addi %multiple_of3A_129, %add3A_237 : i32
        %swap3A_239 = arith.index_cast %add3A_238 : i32 to index
        %swap3A_240 = tpu.vector_load %arg10[%swap3A_239] {strides = array<i32>} : memref<65536xf32, #tpu.memory_space<vmem>>, vector<16xf32>,
        %swap3A_241 = vector.shape_cast %swap3A_240 : vector<16xf32> to vector<16xf32>
        %swap3A_242 = vector.shape_cast %max3A_236 : vector<16xf32> to vector<16xf32>
        tpu.vector_store %arg10[%swap3A_239], %swap3A_242 {strides = array<i32>} : memref<65536xf32, #tpu.memory_space<vmem>>, vector<16xf32>,
        %max3A_243 = arith.maximumf %get3A_200, %get3A_160 : vector<16xf32>
        %add3A_244 = arith.constant 64 : i32
        %add3A_245 = arith.addi %multiple_of3A_129, %add3A_244 : i32
        %swap3A_246 = arith.index_cast %add3A_245 : i32 to index
        %swap3A_247 = tpu.vector_load %arg10[%swap3A_246] {strides = array<i32>} : memref<65536xf32, #tpu.memory_space<vmem>>, vector<16xf32>,
        %swap3A_248 = vector.shape_cast %swap3A_247 : vector<16xf32> to vector<16xf32>
        %swap3A_249 = vector.shape_cast %max3A_243 : vector<16xf32> to vector<16xf32>
        tpu.vector_store %arg10[%swap3A_246], %swap3A_249 {strides = array<i32>} : memref<65536xf32, #tpu.memory_space<vmem>>, vector<16xf32>,
        %max3A_250 = arith.maximumf %get3A_205, %get3A_165 : vector<16xf32>
        %add3A_251 = arith.constant 80 : i32
        %add3A_252 = arith.addi %multiple_of3A_129, %add3A_251 : i32
        %swap3A_253 = arith.index_cast %add3A_252 : i32 to index
        %swap3A_254 = tpu.vector_load %arg10[%swap3A_253] {strides = array<i32>} : memref<65536xf32, #tpu.memory_space<vmem>>, vector<16xf32>,
        %swap3A_255 = vector.shape_cast %swap3A_254 : vector<16xf32> to vector<16xf32>
        %swap3A_256 = vector.shape_cast %max3A_250 : vector<16xf32> to vector<16xf32>
        tpu.vector_store %arg10[%swap3A_253], %swap3A_256 {strides = array<i32>} : memref<65536xf32, #tpu.memory_space<vmem>>, vector<16xf32>,
        %max3A_257 = arith.maximumf %get3A_210, %get3A_170 : vector<16xf32>
        %add3A_258 = arith.constant 96 : i32
        %add3A_259 = arith.addi %multiple_of3A_129, %add3A_258 : i32
        %swap3A_260 = arith.index_cast %add3A_259 : i32 to index
        %swap3A_261 = tpu.vector_load %arg10[%swap3A_260] {strides = array<i32>} : memref<65536xf32, #tpu.memory_space<vmem>>, vector<16xf32>,
        %swap3A_262 = vector.shape_cast %swap3A_261 : vector<16xf32> to vector<16xf32>
        %swap3A_263 = vector.shape_cast %max3A_257 : vector<16xf32> to vector<16xf32>
        tpu.vector_store %arg10[%swap3A_260], %swap3A_263 {strides = array<i32>} : memref<65536xf32, #tpu.memory_space<vmem>>, vector<16xf32>,
        %max3A_264 = arith.maximumf %get3A_215, %get3A_175 : vector<16xf32>
        %add3A_265 = arith.constant 112 : i32
        %add3A_266 = arith.addi %multiple_of3A_129, %add3A_265 : i32
        %swap3A_267 = arith.index_cast %add3A_266 : i32 to index
        %swap3A_268 = tpu.vector_load %arg10[%swap3A_267] {strides = array<i32>} : memref<65536xf32, #tpu.memory_space<vmem>>, vector<16xf32>,
        %swap3A_269 = vector.shape_cast %swap3A_268 : vector<16xf32> to vector<16xf32>
        %swap3A_270 = vector.shape_cast %max3A_264 : vector<16xf32> to vector<16xf32>
        tpu.vector_store %arg10[%swap3A_267], %swap3A_270 {strides = array<i32>} : memref<65536xf32, #tpu.memory_space<vmem>>, vector<16xf32>,
        %slice3A_271 = vector.extract_strided_slice %mul3A_128 {offsets = [1], sizes = [1], strides = [1]} : vector<16xi32> to vector<1xi32>
        %squeeze3A_272 = vector.extract %slice3A_271[0] : i32 from vector<1xi32>
        %multiple_of3A_273 = tpu.assume_multiple %squeeze3A_272, 128 : i32
        %mul3A_274 = arith.constant 16 : i32
        %mul3A_275 = arith.muli %scan3A_70, %mul3A_274 : i32
        %add3A_276 = arith.constant 1 : i32
        %add3A_277 = arith.addi %mul3A_275, %add3A_276 : i32
        %mul3A_278 = arith.constant 128 : i32
        %mul3A_279 = arith.muli %add3A_277, %mul3A_278 : i32
        %add3A_280 = arith.constant 0 : i32
        %add3A_281 = arith.addi %mul3A_279, %add3A_280 : i32
        %get3A_282 = arith.index_cast %add3A_281 : i32 to index
        %get3A_283 = tpu.vector_load %arg7[%get3A_282] {strides = array<i32>} : memref<16384xf32, #tpu.memory_space<vmem>>, vector<16xf32>,
        %get3A_284 = vector.shape_cast %get3A_283 : vector<16xf32> to vector<16xf32>
        %add3A_285 = arith.constant 16 : i32
        %add3A_286 = arith.addi %mul3A_279, %add3A_285 : i32
        %get3A_287 = arith.index_cast %add3A_286 : i32 to index
        %get3A_288 = tpu.vector_load %arg7[%get3A_287] {strides = array<i32>} : memref<16384xf32, #tpu.memory_space<vmem>>, vector<16xf32>,
        %get3A_289 = vector.shape_cast %get3A_288 : vector<16xf32> to vector<16xf32>
        %add3A_290 = arith.constant 32 : i32
        %add3A_291 = arith.addi %mul3A_279, %add3A_290 : i32
        %get3A_292 = arith.index_cast %add3A_291 : i32 to index
        %get3A_293 = tpu.vector_load %arg7[%get3A_292] {strides = array<i32>} : memref<16384xf32, #tpu.memory_space<vmem>>, vector<16xf32>,
        %get3A_294 = vector.shape_cast %get3A_293 : vector<16xf32> to vector<16xf32>
        %add3A_295 = arith.constant 48 : i32
        %add3A_296 = arith.addi %mul3A_279, %add3A_295 : i32
        %get3A_297 = arith.index_cast %add3A_296 : i32 to index
        %get3A_298 = tpu.vector_load %arg7[%get3A_297] {strides = array<i32>} : memref<16384xf32, #tpu.memory_space<vmem>>, vector<16xf32>,
        %get3A_299 = vector.shape_cast %get3A_298 : vector<16xf32> to vector<16xf32>
        %add3A_300 = arith.constant 64 : i32
        %add3A_301 = arith.addi %mul3A_279, %add3A_300 : i32
        %get3A_302 = arith.index_cast %add3A_301 : i32 to index
        %get3A_303 = tpu.vector_load %arg7[%get3A_302] {strides = array<i32>} : memref<16384xf32, #tpu.memory_space<vmem>>, vector<16xf32>,
        %get3A_304 = vector.shape_cast %get3A_303 : vector<16xf32> to vector<16xf32>
        %add3A_305 = arith.constant 80 : i32
        %add3A_306 = arith.addi %mul3A_279, %add3A_305 : i32
        %get3A_307 = arith.index_cast %add3A_306 : i32 to index
        %get3A_308 = tpu.vector_load %arg7[%get3A_307] {strides = array<i32>} : memref<16384xf32, #tpu.memory_space<vmem>>, vector<16xf32>,
        %get3A_309 = vector.shape_cast %get3A_308 : vector<16xf32> to vector<16xf32>
        %add3A_310 = arith.constant 96 : i32
        %add3A_311 = arith.addi %mul3A_279, %add3A_310 : i32
        %get3A_312 = arith.index_cast %add3A_311 : i32 to index
        %get3A_313 = tpu.vector_load %arg7[%get3A_312] {strides = array<i32>} : memref<16384xf32, #tpu.memory_space<vmem>>, vector<16xf32>,
        %get3A_314 = vector.shape_cast %get3A_313 : vector<16xf32> to vector<16xf32>
        %add3A_315 = arith.constant 112 : i32
        %add3A_316 = arith.addi %mul3A_279, %add3A_315 : i32
        %get3A_317 = arith.index_cast %add3A_316 : i32 to index
        %get3A_318 = tpu.vector_load %arg7[%get3A_317] {strides = array<i32>} : memref<16384xf32, #tpu.memory_space<vmem>>, vector<16xf32>,
        %get3A_319 = vector.shape_cast %get3A_318 : vector<16xf32> to vector<16xf32>
        %add3A_320 = arith.constant 0 : i32
        %add3A_321 = arith.addi %multiple_of3A_273, %add3A_320 : i32
        %get3A_322 = arith.index_cast %add3A_321 : i32 to index
        %get3A_323 = tpu.vector_load %arg10[%get3A_322] {strides = array<i32>} : memref<65536xf32, #tpu.memory_space<vmem>>, vector<16xf32>,
        %get3A_324 = vector.shape_cast %get3A_323 : vector<16xf32> to vector<16xf32>
        %add3A_325 = arith.constant 16 : i32
        %add3A_326 = arith.addi %multiple_of3A_273, %add3A_325 : i32
        %get3A_327 = arith.index_cast %add3A_326 : i32 to index
        %get3A_328 = tpu.vector_load %arg10[%get3A_327] {strides = array<i32>} : memref<65536xf32, #tpu.memory_space<vmem>>, vector<16xf32>,
        %get3A_329 = vector.shape_cast %get3A_328 : vector<16xf32> to vector<16xf32>
        %add3A_330 = arith.constant 32 : i32
        %add3A_331 = arith.addi %multiple_of3A_273, %add3A_330 : i32
        %get3A_332 = arith.index_cast %add3A_331 : i32 to index
        %get3A_333 = tpu.vector_load %arg10[%get3A_332] {strides = array<i32>} : memref<65536xf32, #tpu.memory_space<vmem>>, vector<16xf32>,
        %get3A_334 = vector.shape_cast %get3A_333 : vector<16xf32> to vector<16xf32>
        %add3A_335 = arith.constant 48 : i32
        %add3A_336 = arith.addi %multiple_of3A_273, %add3A_335 : i32
        %get3A_337 = arith.index_cast %add3A_336 : i32 to index
        %get3A_338 = tpu.vector_load %arg10[%get3A_337] {strides = array<i32>} : memref<65536xf32, #tpu.memory_space<vmem>>, vector<16xf32>,
        %get3A_339 = vector.shape_cast %get3A_338 : vector<16xf32> to vector<16xf32>
        %add3A_340 = arith.constant 64 : i32
        %add3A_341 = arith.addi %multiple_of3A_273, %add3A_340 : i32
        %get3A_342 = arith.index_cast %add3A_341 : i32 to index
        %get3A_343 = tpu.vector_load %arg10[%get3A_342] {strides = array<i32>} : memref<65536xf32, #tpu.memory_space<vmem>>, vector<16xf32>,
        %get3A_344 = vector.shape_cast %get3A_343 : vector<16xf32> to vector<16xf32>
        %add3A_345 = arith.constant 80 : i32
        %add3A_346 = arith.addi %multiple_of3A_273, %add3A_345 : i32
        %get3A_347 = arith.index_cast %add3A_346 : i32 to index
        %get3A_348 = tpu.vector_load %arg10[%get3A_347] {strides = array<i32>} : memref<65536xf32, #tpu.memory_space<vmem>>, vector<16xf32>,
        %get3A_349 = vector.shape_cast %get3A_348 : vector<16xf32> to vector<16xf32>
        %add3A_350 = arith.constant 96 : i32
        %add3A_351 = arith.addi %multiple_of3A_273, %add3A_350 : i32
        %get3A_352 = arith.index_cast %add3A_351 : i32 to index
        %get3A_353 = tpu.vector_load %arg10[%get3A_352] {strides = array<i32>} : memref<65536xf32, #tpu.memory_space<vmem>>, vector<16xf32>,
        %get3A_354 = vector.shape_cast %get3A_353 : vector<16xf32> to vector<16xf32>
        %add3A_355 = arith.constant 112 : i32
        %add3A_356 = arith.addi %multiple_of3A_273, %add3A_355 : i32
        %get3A_357 = arith.index_cast %add3A_356 : i32 to index
        %get3A_358 = tpu.vector_load %arg10[%get3A_357] {strides = array<i32>} : memref<65536xf32, #tpu.memory_space<vmem>>, vector<16xf32>,
        %get3A_359 = vector.shape_cast %get3A_358 : vector<16xf32> to vector<16xf32>
        %max3A_360 = arith.maximumf %get3A_324, %get3A_284 : vector<16xf32>
        %add3A_361 = arith.constant 0 : i32
        %add3A_362 = arith.addi %multiple_of3A_273, %add3A_361 : i32
        %swap3A_363 = arith.index_cast %add3A_362 : i32 to index
        %swap3A_364 = tpu.vector_load %arg10[%swap3A_363] {strides = array<i32>} : memref<65536xf32, #tpu.memory_space<vmem>>, vector<16xf32>,
        %swap3A_365 = vector.shape_cast %swap3A_364 : vector<16xf32> to vector<16xf32>
        %swap3A_366 = vector.shape_cast %max3A_360 : vector<16xf32> to vector<16xf32>
        tpu.vector_store %arg10[%swap3A_363], %swap3A_366 {strides = array<i32>} : memref<65536xf32, #tpu.memory_space<vmem>>, vector<16xf32>,
        %max3A_367 = arith.maximumf %get3A_329, %get3A_289 : vector<16xf32>
        %add3A_368 = arith.constant 16 : i32
        %add3A_369 = arith.addi %multiple_of3A_273, %add3A_368 : i32
        %swap3A_370 = arith.index_cast %add3A_369 : i32 to index
        %swap3A_371 = tpu.vector_load %arg10[%swap3A_370] {strides = array<i32>} : memref<65536xf32, #tpu.memory_space<vmem>>, vector<16xf32>,
        %swap3A_372 = vector.shape_cast %swap3A_371 : vector<16xf32> to vector<16xf32>
        %swap3A_373 = vector.shape_cast %max3A_367 : vector<16xf32> to vector<16xf32>
        tpu.vector_store %arg10[%swap3A_370], %swap3A_373 {strides = array<i32>} : memref<65536xf32, #tpu.memory_space<vmem>>, vector<16xf32>,
        %max3A_374 = arith.maximumf %get3A_334, %get3A_294 : vector<16xf32>
        %add3A_375 = arith.constant 32 : i32
        %add3A_376 = arith.addi %multiple_of3A_273, %add3A_375 : i32
        %swap3A_377 = arith.index_cast %add3A_376 : i32 to index
        %swap3A_378 = tpu.vector_load %arg10[%swap3A_377] {strides = array<i32>} : memref<65536xf32, #tpu.memory_space<vmem>>, vector<16xf32>,
        %swap3A_379 = vector.shape_cast %swap3A_378 : vector<16xf32> to vector<16xf32>
        %swap3A_380 = vector.shape_cast %max3A_374 : vector<16xf32> to vector<16xf32>
        tpu.vector_store %arg10[%swap3A_377], %swap3A_380 {strides = array<i32>} : memref<65536xf32, #tpu.memory_space<vmem>>, vector<16xf32>,
        %max3A_381 = arith.maximumf %get3A_339, %get3A_299 : vector<16xf32>
        %add3A_382 = arith.constant 48 : i32
        %add3A_383 = arith.addi %multiple_of3A_273, %add3A_382 : i32
        %swap3A_384 = arith.index_cast %add3A_383 : i32 to index
        %swap3A_385 = tpu.vector_load %arg10[%swap3A_384] {strides = array<i32>} : memref<65536xf32, #tpu.memory_space<vmem>>, vector<16xf32>,
        %swap3A_386 = vector.shape_cast %swap3A_385 : vector<16xf32> to vector<16xf32>
        %swap3A_387 = vector.shape_cast %max3A_381 : vector<16xf32> to vector<16xf32>
        tpu.vector_store %arg10[%swap3A_384], %swap3A_387 {strides = array<i32>} : memref<65536xf32, #tpu.memory_space<vmem>>, vector<16xf32>,
        %max3A_388 = arith.maximumf %get3A_344, %get3A_304 : vector<16xf32>
        %add3A_389 = arith.constant 64 : i32
        %add3A_390 = arith.addi %multiple_of3A_273, %add3A_389 : i32
        %swap3A_391 = arith.index_cast %add3A_390 : i32 to index
        %swap3A_392 = tpu.vector_load %arg10[%swap3A_391] {strides = array<i32>} : memref<65536xf32, #tpu.memory_space<vmem>>, vector<16xf32>,
        %swap3A_393 = vector.shape_cast %swap3A_392 : vector<16xf32> to vector<16xf32>
        %swap3A_394 = vector.shape_cast %max3A_388 : vector<16xf32> to vector<16xf32>
        tpu.vector_store %arg10[%swap3A_391], %swap3A_394 {strides = array<i32>} : memref<65536xf32, #tpu.memory_space<vmem>>, vector<16xf32>,
        %max3A_395 = arith.maximumf %get3A_349, %get3A_309 : vector<16xf32>
        %add3A_396 = arith.constant 80 : i32
        %add3A_397 = arith.addi %multiple_of3A_273, %add3A_396 : i32
        %swap3A_398 = arith.index_cast %add3A_397 : i32 to index
        %swap3A_399 = tpu.vector_load %arg10[%swap3A_398] {strides = array<i32>} : memref<65536xf32, #tpu.memory_space<vmem>>, vector<16xf32>,
        %swap3A_400 = vector.shape_cast %swap3A_399 : vector<16xf32> to vector<16xf32>
        %swap3A_401 = vector.shape_cast %max3A_395 : vector<16xf32> to vector<16xf32>
        tpu.vector_store %arg10[%swap3A_398], %swap3A_401 {strides = array<i32>} : memref<65536xf32, #tpu.memory_space<vmem>>, vector<16xf32>,
        %max3A_402 = arith.maximumf %get3A_354, %get3A_314 : vector<16xf32>
        %add3A_403 = arith.constant 96 : i32
        %add3A_404 = arith.addi %multiple_of3A_273, %add3A_403 : i32
        %swap3A_405 = arith.index_cast %add3A_404 : i32 to index
        %swap3A_406 = tpu.vector_load %arg10[%swap3A_405] {strides = array<i32>} : memref<65536xf32, #tpu.memory_space<vmem>>, vector<16xf32>,
        %swap3A_407 = vector.shape_cast %swap3A_406 : vector<16xf32> to vector<16xf32>
        %swap3A_408 = vector.shape_cast %max3A_402 : vector<16xf32> to vector<16xf32>
        tpu.vector_store %arg10[%swap3A_405], %swap3A_408 {strides = array<i32>} : memref<65536xf32, #tpu.memory_space<vmem>>, vector<16xf32>,
        %max3A_409 = arith.maximumf %get3A_359, %get3A_319 : vector<16xf32>
        %add3A_410 = arith.constant 112 : i32
        %add3A_411 = arith.addi %multiple_of3A_273, %add3A_410 : i32
        %swap3A_412 = arith.index_cast %add3A_411 : i32 to index
        %swap3A_413 = tpu.vector_load %arg10[%swap3A_412] {strides = array<i32>} : memref<65536xf32, #tpu.memory_space<vmem>>, vector<16xf32>,
        %swap3A_414 = vector.shape_cast %swap3A_413 : vector<16xf32> to vector<16xf32>
        %swap3A_415 = vector.shape_cast %max3A_409 : vector<16xf32> to vector<16xf32>
        tpu.vector_store %arg10[%swap3A_412], %swap3A_415 {strides = array<i32>} : memref<65536xf32, #tpu.memory_space<vmem>>, vector<16xf32>,
        %slice3A_416 = vector.extract_strided_slice %mul3A_128 {offsets = [2], sizes = [1], strides = [1]} : vector<16xi32> to vector<1xi32>
        %squeeze3A_417 = vector.extract %slice3A_416[0] : i32 from vector<1xi32>
        %multiple_of3A_418 = tpu.assume_multiple %squeeze3A_417, 128 : i32
        %mul3A_419 = arith.constant 16 : i32
        %mul3A_420 = arith.muli %scan3A_70, %mul3A_419 : i32
        %add3A_421 = arith.constant 2 : i32
        %add3A_422 = arith.addi %mul3A_420, %add3A_421 : i32
        %mul3A_423 = arith.constant 128 : i32
        %mul3A_424 = arith.muli %add3A_422, %mul3A_423 : i32
        %add3A_425 = arith.constant 0 : i32
        %add3A_426 = arith.addi %mul3A_424, %add3A_425 : i32
        %get3A_427 = arith.index_cast %add3A_426 : i32 to index
        %get3A_428 = tpu.vector_load %arg7[%get3A_427] {strides = array<i32>} : memref<16384xf32, #tpu.memory_space<vmem>>, vector<16xf32>,
        %get3A_429 = vector.shape_cast %get3A_428 : vector<16xf32> to vector<16xf32>
        %add3A_430 = arith.constant 16 : i32
        %add3A_431 = arith.addi %mul3A_424, %add3A_430 : i32
        %get3A_432 = arith.index_cast %add3A_431 : i32 to index
        %get3A_433 = tpu.vector_load %arg7[%get3A_432] {strides = array<i32>} : memref<16384xf32, #tpu.memory_space<vmem>>, vector<16xf32>,
        %get3A_434 = vector.shape_cast %get3A_433 : vector<16xf32> to vector<16xf32>
        %add3A_435 = arith.constant 32 : i32
        %add3A_436 = arith.addi %mul3A_424, %add3A_435 : i32
        %get3A_437 = arith.index_cast %add3A_436 : i32 to index
        %get3A_438 = tpu.vector_load %arg7[%get3A_437] {strides = array<i32>} : memref<16384xf32, #tpu.memory_space<vmem>>, vector<16xf32>,
        %get3A_439 = vector.shape_cast %get3A_438 : vector<16xf32> to vector<16xf32>
        %add3A_440 = arith.constant 48 : i32
        %add3A_441 = arith.addi %mul3A_424, %add3A_440 : i32
        %get3A_442 = arith.index_cast %add3A_441 : i32 to index
        %get3A_443 = tpu.vector_load %arg7[%get3A_442] {strides = array<i32>} : memref<16384xf32, #tpu.memory_space<vmem>>, vector<16xf32>,
        %get3A_444 = vector.shape_cast %get3A_443 : vector<16xf32> to vector<16xf32>
        %add3A_445 = arith.constant 64 : i32
        %add3A_446 = arith.addi %mul3A_424, %add3A_445 : i32
        %get3A_447 = arith.index_cast %add3A_446 : i32 to index
        %get3A_448 = tpu.vector_load %arg7[%get3A_447] {strides = array<i32>} : memref<16384xf32, #tpu.memory_space<vmem>>, vector<16xf32>,
        %get3A_449 = vector.shape_cast %get3A_448 : vector<16xf32> to vector<16xf32>
        %add3A_450 = arith.constant 80 : i32
        %add3A_451 = arith.addi %mul3A_424, %add3A_450 : i32
        %get3A_452 = arith.index_cast %add3A_451 : i32 to index
        %get3A_453 = tpu.vector_load %arg7[%get3A_452] {strides = array<i32>} : memref<16384xf32, #tpu.memory_space<vmem>>, vector<16xf32>,
        %get3A_454 = vector.shape_cast %get3A_453 : vector<16xf32> to vector<16xf32>
        %add3A_455 = arith.constant 96 : i32
        %add3A_456 = arith.addi %mul3A_424, %add3A_455 : i32
        %get3A_457 = arith.index_cast %add3A_456 : i32 to index
        %get3A_458 = tpu.vector_load %arg7[%get3A_457] {strides = array<i32>} : memref<16384xf32, #tpu.memory_space<vmem>>, vector<16xf32>,
        %get3A_459 = vector.shape_cast %get3A_458 : vector<16xf32> to vector<16xf32>
        %add3A_460 = arith.constant 112 : i32
        %add3A_461 = arith.addi %mul3A_424, %add3A_460 : i32
        %get3A_462 = arith.index_cast %add3A_461 : i32 to index
        %get3A_463 = tpu.vector_load %arg7[%get3A_462] {strides = array<i32>} : memref<16384xf32, #tpu.memory_space<vmem>>, vector<16xf32>,
        %get3A_464 = vector.shape_cast %get3A_463 : vector<16xf32> to vector<16xf32>
        %add3A_465 = arith.constant 0 : i32
        %add3A_466 = arith.addi %multiple_of3A_418, %add3A_465 : i32
        %get3A_467 = arith.index_cast %add3A_466 : i32 to index
        %get3A_468 = tpu.vector_load %arg10[%get3A_467] {strides = array<i32>} : memref<65536xf32, #tpu.memory_space<vmem>>, vector<16xf32>,
        %get3A_469 = vector.shape_cast %get3A_468 : vector<16xf32> to vector<16xf32>
        %add3A_470 = arith.constant 16 : i32
        %add3A_471 = arith.addi %multiple_of3A_418, %add3A_470 : i32
        %get3A_472 = arith.index_cast %add3A_471 : i32 to index
        %get3A_473 = tpu.vector_load %arg10[%get3A_472] {strides = array<i32>} : memref<65536xf32, #tpu.memory_space<vmem>>, vector<16xf32>,
        %get3A_474 = vector.shape_cast %get3A_473 : vector<16xf32> to vector<16xf32>
        %add3A_475 = arith.constant 32 : i32
        %add3A_476 = arith.addi %multiple_of3A_418, %add3A_475 : i32
        %get3A_477 = arith.index_cast %add3A_476 : i32 to index
        %get3A_478 = tpu.vector_load %arg10[%get3A_477] {strides = array<i32>} : memref<65536xf32, #tpu.memory_space<vmem>>, vector<16xf32>,
        %get3A_479 = vector.shape_cast %get3A_478 : vector<16xf32> to vector<16xf32>
        %add3A_480 = arith.constant 48 : i32
        %add3A_481 = arith.addi %multiple_of3A_418, %add3A_480 : i32
        %get3A_482 = arith.index_cast %add3A_481 : i32 to index
        %get3A_483 = tpu.vector_load %arg10[%get3A_482] {strides = array<i32>} : memref<65536xf32, #tpu.memory_space<vmem>>, vector<16xf32>,
        %get3A_484 = vector.shape_cast %get3A_483 : vector<16xf32> to vector<16xf32>
        %add3A_485 = arith.constant 64 : i32
        %add3A_486 = arith.addi %multiple_of3A_418, %add3A_485 : i32
        %get3A_487 = arith.index_cast %add3A_486 : i32 to index
        %get3A_488 = tpu.vector_load %arg10[%get3A_487] {strides = array<i32>} : memref<65536xf32, #tpu.memory_space<vmem>>, vector<16xf32>,
        %get3A_489 = vector.shape_cast %get3A_488 : vector<16xf32> to vector<16xf32>
        %add3A_490 = arith.constant 80 : i32
        %add3A_491 = arith.addi %multiple_of3A_418, %add3A_490 : i32
        %get3A_492 = arith.index_cast %add3A_491 : i32 to index
        %get3A_493 = tpu.vector_load %arg10[%get3A_492] {strides = array<i32>} : memref<65536xf32, #tpu.memory_space<vmem>>, vector<16xf32>,
        %get3A_494 = vector.shape_cast %get3A_493 : vector<16xf32> to vector<16xf32>
        %add3A_495 = arith.constant 96 : i32
        %add3A_496 = arith.addi %multiple_of3A_418, %add3A_495 : i32
        %get3A_497 = arith.index_cast %add3A_496 : i32 to index
        %get3A_498 = tpu.vector_load %arg10[%get3A_497] {strides = array<i32>} : memref<65536xf32, #tpu.memory_space<vmem>>, vector<16xf32>,
        %get3A_499 = vector.shape_cast %get3A_498 : vector<16xf32> to vector<16xf32>
        %add3A_500 = arith.constant 112 : i32
        %add3A_501 = arith.addi %multiple_of3A_418, %add3A_500 : i32
        %get3A_502 = arith.index_cast %add3A_501 : i32 to index
        %get3A_503 = tpu.vector_load %arg10[%get3A_502] {strides = array<i32>} : memref<65536xf32, #tpu.memory_space<vmem>>, vector<16xf32>,
        %get3A_504 = vector.shape_cast %get3A_503 : vector<16xf32> to vector<16xf32>
        %max3A_505 = arith.maximumf %get3A_469, %get3A_429 : vector<16xf32>
        %add3A_506 = arith.constant 0 : i32
        %add3A_507 = arith.addi %multiple_of3A_418, %add3A_506 : i32
        %swap3A_508 = arith.index_cast %add3A_507 : i32 to index
        %swap3A_509 = tpu.vector_load %arg10[%swap3A_508] {strides = array<i32>} : memref<65536xf32, #tpu.memory_space<vmem>>, vector<16xf32>,
        %swap3A_510 = vector.shape_cast %swap3A_509 : vector<16xf32> to vector<16xf32>
        %swap3A_511 = vector.shape_cast %max3A_505 : vector<16xf32> to vector<16xf32>
        tpu.vector_store %arg10[%swap3A_508], %swap3A_511 {strides = array<i32>} : memref<65536xf32, #tpu.memory_space<vmem>>, vector<16xf32>,
        %max3A_512 = arith.maximumf %get3A_474, %get3A_434 : vector<16xf32>
        %add3A_513 = arith.constant 16 : i32
        %add3A_514 = arith.addi %multiple_of3A_418, %add3A_513 : i32
        %swap3A_515 = arith.index_cast %add3A_514 : i32 to index
        %swap3A_516 = tpu.vector_load %arg10[%swap3A_515] {strides = array<i32>} : memref<65536xf32, #tpu.memory_space<vmem>>, vector<16xf32>,
        %swap3A_517 = vector.shape_cast %swap3A_516 : vector<16xf32> to vector<16xf32>
        %swap3A_518 = vector.shape_cast %max3A_512 : vector<16xf32> to vector<16xf32>
        tpu.vector_store %arg10[%swap3A_515], %swap3A_518 {strides = array<i32>} : memref<65536xf32, #tpu.memory_space<vmem>>, vector<16xf32>,
        %max3A_519 = arith.maximumf %get3A_479, %get3A_439 : vector<16xf32>
        %add3A_520 = arith.constant 32 : i32
        %add3A_521 = arith.addi %multiple_of3A_418, %add3A_520 : i32
        %swap3A_522 = arith.index_cast %add3A_521 : i32 to index
        %swap3A_523 = tpu.vector_load %arg10[%swap3A_522] {strides = array<i32>} : memref<65536xf32, #tpu.memory_space<vmem>>, vector<16xf32>,
        %swap3A_524 = vector.shape_cast %swap3A_523 : vector<16xf32> to vector<16xf32>
        %swap3A_525 = vector.shape_cast %max3A_519 : vector<16xf32> to vector<16xf32>
        tpu.vector_store %arg10[%swap3A_522], %swap3A_525 {strides = array<i32>} : memref<65536xf32, #tpu.memory_space<vmem>>, vector<16xf32>,
        %max3A_526 = arith.maximumf %get3A_484, %get3A_444 : vector<16xf32>
        %add3A_527 = arith.constant 48 : i32
        %add3A_528 = arith.addi %multiple_of3A_418, %add3A_527 : i32
        %swap3A_529 = arith.index_cast %add3A_528 : i32 to index
        %swap3A_530 = tpu.vector_load %arg10[%swap3A_529] {strides = array<i32>} : memref<65536xf32, #tpu.memory_space<vmem>>, vector<16xf32>,
        %swap3A_531 = vector.shape_cast %swap3A_530 : vector<16xf32> to vector<16xf32>
        %swap3A_532 = vector.shape_cast %max3A_526 : vector<16xf32> to vector<16xf32>
        tpu.vector_store %arg10[%swap3A_529], %swap3A_532 {strides = array<i32>} : memref<65536xf32, #tpu.memory_space<vmem>>, vector<16xf32>,
        %max3A_533 = arith.maximumf %get3A_489, %get3A_449 : vector<16xf32>
        %add3A_534 = arith.constant 64 : i32
        %add3A_535 = arith.addi %multiple_of3A_418, %add3A_534 : i32
        %swap3A_536 = arith.index_cast %add3A_535 : i32 to index
        %swap3A_537 = tpu.vector_load %arg10[%swap3A_536] {strides = array<i32>} : memref<65536xf32, #tpu.memory_space<vmem>>, vector<16xf32>,
        %swap3A_538 = vector.shape_cast %swap3A_537 : vector<16xf32> to vector<16xf32>
        %swap3A_539 = vector.shape_cast %max3A_533 : vector<16xf32> to vector<16xf32>
        tpu.vector_store %arg10[%swap3A_536], %swap3A_539 {strides = array<i32>} : memref<65536xf32, #tpu.memory_space<vmem>>, vector<16xf32>,
        %max3A_540 = arith.maximumf %get3A_494, %get3A_454 : vector<16xf32>
        %add3A_541 = arith.constant 80 : i32
        %add3A_542 = arith.addi %multiple_of3A_418, %add3A_541 : i32
        %swap3A_543 = arith.index_cast %add3A_542 : i32 to index
        %swap3A_544 = tpu.vector_load %arg10[%swap3A_543] {strides = array<i32>} : memref<65536xf32, #tpu.memory_space<vmem>>, vector<16xf32>,
        %swap3A_545 = vector.shape_cast %swap3A_544 : vector<16xf32> to vector<16xf32>
        %swap3A_546 = vector.shape_cast %max3A_540 : vector<16xf32> to vector<16xf32>
        tpu.vector_store %arg10[%swap3A_543], %swap3A_546 {strides = array<i32>} : memref<65536xf32, #tpu.memory_space<vmem>>, vector<16xf32>,
        %max3A_547 = arith.maximumf %get3A_499, %get3A_459 : vector<16xf32>
        %add3A_548 = arith.constant 96 : i32
        %add3A_549 = arith.addi %multiple_of3A_418, %add3A_548 : i32
        %swap3A_550 = arith.index_cast %add3A_549 : i32 to index
        %swap3A_551 = tpu.vector_load %arg10[%swap3A_550] {strides = array<i32>} : memref<65536xf32, #tpu.memory_space<vmem>>, vector<16xf32>,
        %swap3A_552 = vector.shape_cast %swap3A_551 : vector<16xf32> to vector<16xf32>
        %swap3A_553 = vector.shape_cast %max3A_547 : vector<16xf32> to vector<16xf32>
        tpu.vector_store %arg10[%swap3A_550], %swap3A_553 {strides = array<i32>} : memref<65536xf32, #tpu.memory_space<vmem>>, vector<16xf32>,
        %max3A_554 = arith.maximumf %get3A_504, %get3A_464 : vector<16xf32>
        %add3A_555 = arith.constant 112 : i32
        %add3A_556 = arith.addi %multiple_of3A_418, %add3A_555 : i32
        %swap3A_557 = arith.index_cast %add3A_556 : i32 to index
        %swap3A_558 = tpu.vector_load %arg10[%swap3A_557] {strides = array<i32>} : memref<65536xf32, #tpu.memory_space<vmem>>, vector<16xf32>,
        %swap3A_559 = vector.shape_cast %swap3A_558 : vector<16xf32> to vector<16xf32>
        %swap3A_560 = vector.shape_cast %max3A_554 : vector<16xf32> to vector<16xf32>
        tpu.vector_store %arg10[%swap3A_557], %swap3A_560 {strides = array<i32>} : memref<65536xf32, #tpu.memory_space<vmem>>, vector<16xf32>,
        %slice3A_561 = vector.extract_strided_slice %mul3A_128 {offsets = [3], sizes = [1], strides = [1]} : vector<16xi32> to vector<1xi32>
        %squeeze3A_562 = vector.extract %slice3A_561[0] : i32 from vector<1xi32>
        %multiple_of3A_563 = tpu.assume_multiple %squeeze3A_562, 128 : i32
        %mul3A_564 = arith.constant 16 : i32
        %mul3A_565 = arith.muli %scan3A_70, %mul3A_564 : i32
        %add3A_566 = arith.constant 3 : i32
        %add3A_567 = arith.addi %mul3A_565, %add3A_566 : i32
        %mul3A_568 = arith.constant 128 : i32
        %mul3A_569 = arith.muli %add3A_567, %mul3A_568 : i32
        %add3A_570 = arith.constant 0 : i32
        %add3A_571 = arith.addi %mul3A_569, %add3A_570 : i32
        %get3A_572 = arith.index_cast %add3A_571 : i32 to index
        %get3A_573 = tpu.vector_load %arg7[%get3A_572] {strides = array<i32>} : memref<16384xf32, #tpu.memory_space<vmem>>, vector<16xf32>,
        %get3A_574 = vector.shape_cast %get3A_573 : vector<16xf32> to vector<16xf32>
        %add3A_575 = arith.constant 16 : i32
        %add3A_576 = arith.addi %mul3A_569, %add3A_575 : i32
        %get3A_577 = arith.index_cast %add3A_576 : i32 to index
        %get3A_578 = tpu.vector_load %arg7[%get3A_577] {strides = array<i32>} : memref<16384xf32, #tpu.memory_space<vmem>>, vector<16xf32>,
        %get3A_579 = vector.shape_cast %get3A_578 : vector<16xf32> to vector<16xf32>
        %add3A_580 = arith.constant 32 : i32
        %add3A_581 = arith.addi %mul3A_569, %add3A_580 : i32
        %get3A_582 = arith.index_cast %add3A_581 : i32 to index
        %get3A_583 = tpu.vector_load %arg7[%get3A_582] {strides = array<i32>} : memref<16384xf32, #tpu.memory_space<vmem>>, vector<16xf32>,
        %get3A_584 = vector.shape_cast %get3A_583 : vector<16xf32> to vector<16xf32>
        %add3A_585 = arith.constant 48 : i32
        %add3A_586 = arith.addi %mul3A_569, %add3A_585 : i32
        %get3A_587 = arith.index_cast %add3A_586 : i32 to index
        %get3A_588 = tpu.vector_load %arg7[%get3A_587] {strides = array<i32>} : memref<16384xf32, #tpu.memory_space<vmem>>, vector<16xf32>,
        %get3A_589 = vector.shape_cast %get3A_588 : vector<16xf32> to vector<16xf32>
        %add3A_590 = arith.constant 64 : i32
        %add3A_591 = arith.addi %mul3A_569, %add3A_590 : i32
        %get3A_592 = arith.index_cast %add3A_591 : i32 to index
        %get3A_593 = tpu.vector_load %arg7[%get3A_592] {strides = array<i32>} : memref<16384xf32, #tpu.memory_space<vmem>>, vector<16xf32>,
        %get3A_594 = vector.shape_cast %get3A_593 : vector<16xf32> to vector<16xf32>
        %add3A_595 = arith.constant 80 : i32
        %add3A_596 = arith.addi %mul3A_569, %add3A_595 : i32
        %get3A_597 = arith.index_cast %add3A_596 : i32 to index
        %get3A_598 = tpu.vector_load %arg7[%get3A_597] {strides = array<i32>} : memref<16384xf32, #tpu.memory_space<vmem>>, vector<16xf32>,
        %get3A_599 = vector.shape_cast %get3A_598 : vector<16xf32> to vector<16xf32>
        %add3A_600 = arith.constant 96 : i32
        %add3A_601 = arith.addi %mul3A_569, %add3A_600 : i32
        %get3A_602 = arith.index_cast %add3A_601 : i32 to index
        %get3A_603 = tpu.vector_load %arg7[%get3A_602] {strides = array<i32>} : memref<16384xf32, #tpu.memory_space<vmem>>, vector<16xf32>,
        %get3A_604 = vector.shape_cast %get3A_603 : vector<16xf32> to vector<16xf32>
        %add3A_605 = arith.constant 112 : i32
        %add3A_606 = arith.addi %mul3A_569, %add3A_605 : i32
        %get3A_607 = arith.index_cast %add3A_606 : i32 to index
        %get3A_608 = tpu.vector_load %arg7[%get3A_607] {strides = array<i32>} : memref<16384xf32, #tpu.memory_space<vmem>>, vector<16xf32>,
        %get3A_609 = vector.shape_cast %get3A_608 : vector<16xf32> to vector<16xf32>
        %add3A_610 = arith.constant 0 : i32
        %add3A_611 = arith.addi %multiple_of3A_563, %add3A_610 : i32
        %get3A_612 = arith.index_cast %add3A_611 : i32 to index
        %get3A_613 = tpu.vector_load %arg10[%get3A_612] {strides = array<i32>} : memref<65536xf32, #tpu.memory_space<vmem>>, vector<16xf32>,
        %get3A_614 = vector.shape_cast %get3A_613 : vector<16xf32> to vector<16xf32>
        %add3A_615 = arith.constant 16 : i32
        %add3A_616 = arith.addi %multiple_of3A_563, %add3A_615 : i32
        %get3A_617 = arith.index_cast %add3A_616 : i32 to index
        %get3A_618 = tpu.vector_load %arg10[%get3A_617] {strides = array<i32>} : memref<65536xf32, #tpu.memory_space<vmem>>, vector<16xf32>,
        %get3A_619 = vector.shape_cast %get3A_618 : vector<16xf32> to vector<16xf32>
        %add3A_620 = arith.constant 32 : i32
        %add3A_621 = arith.addi %multiple_of3A_563, %add3A_620 : i32
        %get3A_622 = arith.index_cast %add3A_621 : i32 to index
        %get3A_623 = tpu.vector_load %arg10[%get3A_622] {strides = array<i32>} : memref<65536xf32, #tpu.memory_space<vmem>>, vector<16xf32>,
        %get3A_624 = vector.shape_cast %get3A_623 : vector<16xf32> to vector<16xf32>
        %add3A_625 = arith.constant 48 : i32
        %add3A_626 = arith.addi %multiple_of3A_563, %add3A_625 : i32
        %get3A_627 = arith.index_cast %add3A_626 : i32 to index
        %get3A_628 = tpu.vector_load %arg10[%get3A_627] {strides = array<i32>} : memref<65536xf32, #tpu.memory_space<vmem>>, vector<16xf32>,
        %get3A_629 = vector.shape_cast %get3A_628 : vector<16xf32> to vector<16xf32>
        %add3A_630 = arith.constant 64 : i32
        %add3A_631 = arith.addi %multiple_of3A_563, %add3A_630 : i32
        %get3A_632 = arith.index_cast %add3A_631 : i32 to index
        %get3A_633 = tpu.vector_load %arg10[%get3A_632] {strides = array<i32>} : memref<65536xf32, #tpu.memory_space<vmem>>, vector<16xf32>,
        %get3A_634 = vector.shape_cast %get3A_633 : vector<16xf32> to vector<16xf32>
        %add3A_635 = arith.constant 80 : i32
        %add3A_636 = arith.addi %multiple_of3A_563, %add3A_635 : i32
        %get3A_637 = arith.index_cast %add3A_636 : i32 to index
        %get3A_638 = tpu.vector_load %arg10[%get3A_637] {strides = array<i32>} : memref<65536xf32, #tpu.memory_space<vmem>>, vector<16xf32>,
        %get3A_639 = vector.shape_cast %get3A_638 : vector<16xf32> to vector<16xf32>
        %add3A_640 = arith.constant 96 : i32
        %add3A_641 = arith.addi %multiple_of3A_563, %add3A_640 : i32
        %get3A_642 = arith.index_cast %add3A_641 : i32 to index
        %get3A_643 = tpu.vector_load %arg10[%get3A_642] {strides = array<i32>} : memref<65536xf32, #tpu.memory_space<vmem>>, vector<16xf32>,
        %get3A_644 = vector.shape_cast %get3A_643 : vector<16xf32> to vector<16xf32>
        %add3A_645 = arith.constant 112 : i32
        %add3A_646 = arith.addi %multiple_of3A_563, %add3A_645 : i32
        %get3A_647 = arith.index_cast %add3A_646 : i32 to index
        %get3A_648 = tpu.vector_load %arg10[%get3A_647] {strides = array<i32>} : memref<65536xf32, #tpu.memory_space<vmem>>, vector<16xf32>,
        %get3A_649 = vector.shape_cast %get3A_648 : vector<16xf32> to vector<16xf32>
        %max3A_650 = arith.maximumf %get3A_614, %get3A_574 : vector<16xf32>
        %add3A_651 = arith.constant 0 : i32
        %add3A_652 = arith.addi %multiple_of3A_563, %add3A_651 : i32
        %swap3A_653 = arith.index_cast %add3A_652 : i32 to index
        %swap3A_654 = tpu.vector_load %arg10[%swap3A_653] {strides = array<i32>} : memref<65536xf32, #tpu.memory_space<vmem>>, vector<16xf32>,
        %swap3A_655 = vector.shape_cast %swap3A_654 : vector<16xf32> to vector<16xf32>
        %swap3A_656 = vector.shape_cast %max3A_650 : vector<16xf32> to vector<16xf32>
        tpu.vector_store %arg10[%swap3A_653], %swap3A_656 {strides = array<i32>} : memref<65536xf32, #tpu.memory_space<vmem>>, vector<16xf32>,
        %max3A_657 = arith.maximumf %get3A_619, %get3A_579 : vector<16xf32>
        %add3A_658 = arith.constant 16 : i32
        %add3A_659 = arith.addi %multiple_of3A_563, %add3A_658 : i32
        %swap3A_660 = arith.index_cast %add3A_659 : i32 to index
        %swap3A_661 = tpu.vector_load %arg10[%swap3A_660] {strides = array<i32>} : memref<65536xf32, #tpu.memory_space<vmem>>, vector<16xf32>,
        %swap3A_662 = vector.shape_cast %swap3A_661 : vector<16xf32> to vector<16xf32>
        %swap3A_663 = vector.shape_cast %max3A_657 : vector<16xf32> to vector<16xf32>
        tpu.vector_store %arg10[%swap3A_660], %swap3A_663 {strides = array<i32>} : memref<65536xf32, #tpu.memory_space<vmem>>, vector<16xf32>,
        %max3A_664 = arith.maximumf %get3A_624, %get3A_584 : vector<16xf32>
        %add3A_665 = arith.constant 32 : i32
        %add3A_666 = arith.addi %multiple_of3A_563, %add3A_665 : i32
        %swap3A_667 = arith.index_cast %add3A_666 : i32 to index
        %swap3A_668 = tpu.vector_load %arg10[%swap3A_667] {strides = array<i32>} : memref<65536xf32, #tpu.memory_space<vmem>>, vector<16xf32>,
        %swap3A_669 = vector.shape_cast %swap3A_668 : vector<16xf32> to vector<16xf32>
        %swap3A_670 = vector.shape_cast %max3A_664 : vector<16xf32> to vector<16xf32>
        tpu.vector_store %arg10[%swap3A_667], %swap3A_670 {strides = array<i32>} : memref<65536xf32, #tpu.memory_space<vmem>>, vector<16xf32>,
        %max3A_671 = arith.maximumf %get3A_629, %get3A_589 : vector<16xf32>
        %add3A_672 = arith.constant 48 : i32
        %add3A_673 = arith.addi %multiple_of3A_563, %add3A_672 : i32
        %swap3A_674 = arith.index_cast %add3A_673 : i32 to index
        %swap3A_675 = tpu.vector_load %arg10[%swap3A_674] {strides = array<i32>} : memref<65536xf32, #tpu.memory_space<vmem>>, vector<16xf32>,
        %swap3A_676 = vector.shape_cast %swap3A_675 : vector<16xf32> to vector<16xf32>
        %swap3A_677 = vector.shape_cast %max3A_671 : vector<16xf32> to vector<16xf32>
        tpu.vector_store %arg10[%swap3A_674], %swap3A_677 {strides = array<i32>} : memref<65536xf32, #tpu.memory_space<vmem>>, vector<16xf32>,
        %max3A_678 = arith.maximumf %get3A_634, %get3A_594 : vector<16xf32>
        %add3A_679 = arith.constant 64 : i32
        %add3A_680 = arith.addi %multiple_of3A_563, %add3A_679 : i32
        %swap3A_681 = arith.index_cast %add3A_680 : i32 to index
        %swap3A_682 = tpu.vector_load %arg10[%swap3A_681] {strides = array<i32>} : memref<65536xf32, #tpu.memory_space<vmem>>, vector<16xf32>,
        %swap3A_683 = vector.shape_cast %swap3A_682 : vector<16xf32> to vector<16xf32>
        %swap3A_684 = vector.shape_cast %max3A_678 : vector<16xf32> to vector<16xf32>
        tpu.vector_store %arg10[%swap3A_681], %swap3A_684 {strides = array<i32>} : memref<65536xf32, #tpu.memory_space<vmem>>, vector<16xf32>,
        %max3A_685 = arith.maximumf %get3A_639, %get3A_599 : vector<16xf32>
        %add3A_686 = arith.constant 80 : i32
        %add3A_687 = arith.addi %multiple_of3A_563, %add3A_686 : i32
        %swap3A_688 = arith.index_cast %add3A_687 : i32 to index
        %swap3A_689 = tpu.vector_load %arg10[%swap3A_688] {strides = array<i32>} : memref<65536xf32, #tpu.memory_space<vmem>>, vector<16xf32>,
        %swap3A_690 = vector.shape_cast %swap3A_689 : vector<16xf32> to vector<16xf32>
        %swap3A_691 = vector.shape_cast %max3A_685 : vector<16xf32> to vector<16xf32>
        tpu.vector_store %arg10[%swap3A_688], %swap3A_691 {strides = array<i32>} : memref<65536xf32, #tpu.memory_space<vmem>>, vector<16xf32>,
        %max3A_692 = arith.maximumf %get3A_644, %get3A_604 : vector<16xf32>
        %add3A_693 = arith.constant 96 : i32
        %add3A_694 = arith.addi %multiple_of3A_563, %add3A_693 : i32
        %swap3A_695 = arith.index_cast %add3A_694 : i32 to index
        %swap3A_696 = tpu.vector_load %arg10[%swap3A_695] {strides = array<i32>} : memref<65536xf32, #tpu.memory_space<vmem>>, vector<16xf32>,
        %swap3A_697 = vector.shape_cast %swap3A_696 : vector<16xf32> to vector<16xf32>
        %swap3A_698 = vector.shape_cast %max3A_692 : vector<16xf32> to vector<16xf32>
        tpu.vector_store %arg10[%swap3A_695], %swap3A_698 {strides = array<i32>} : memref<65536xf32, #tpu.memory_space<vmem>>, vector<16xf32>,
        %max3A_699 = arith.maximumf %get3A_649, %get3A_609 : vector<16xf32>
        %add3A_700 = arith.constant 112 : i32
        %add3A_701 = arith.addi %multiple_of3A_563, %add3A_700 : i32
        %swap3A_702 = arith.index_cast %add3A_701 : i32 to index
        %swap3A_703 = tpu.vector_load %arg10[%swap3A_702] {strides = array<i32>} : memref<65536xf32, #tpu.memory_space<vmem>>, vector<16xf32>,
        %swap3A_704 = vector.shape_cast %swap3A_703 : vector<16xf32> to vector<16xf32>
        %swap3A_705 = vector.shape_cast %max3A_699 : vector<16xf32> to vector<16xf32>
        tpu.vector_store %arg10[%swap3A_702], %swap3A_705 {strides = array<i32>} : memref<65536xf32, #tpu.memory_space<vmem>>, vector<16xf32>,
        %slice3A_706 = vector.extract_strided_slice %mul3A_128 {offsets = [4], sizes = [1], strides = [1]} : vector<16xi32> to vector<1xi32>
        %squeeze3A_707 = vector.extract %slice3A_706[0] : i32 from vector<1xi32>
        %multiple_of3A_708 = tpu.assume_multiple %squeeze3A_707, 128 : i32
        %mul3A_709 = arith.constant 16 : i32
        %mul3A_710 = arith.muli %scan3A_70, %mul3A_709 : i32
        %add3A_711 = arith.constant 4 : i32
        %add3A_712 = arith.addi %mul3A_710, %add3A_711 : i32
        %mul3A_713 = arith.constant 128 : i32
        %mul3A_714 = arith.muli %add3A_712, %mul3A_713 : i32
        %add3A_715 = arith.constant 0 : i32
        %add3A_716 = arith.addi %mul3A_714, %add3A_715 : i32
        %get3A_717 = arith.index_cast %add3A_716 : i32 to index
        %get3A_718 = tpu.vector_load %arg7[%get3A_717] {strides = array<i32>} : memref<16384xf32, #tpu.memory_space<vmem>>, vector<16xf32>,
        %get3A_719 = vector.shape_cast %get3A_718 : vector<16xf32> to vector<16xf32>
        %add3A_720 = arith.constant 16 : i32
        %add3A_721 = arith.addi %mul3A_714, %add3A_720 : i32
        %get3A_722 = arith.index_cast %add3A_721 : i32 to index
        %get3A_723 = tpu.vector_load %arg7[%get3A_722] {strides = array<i32>} : memref<16384xf32, #tpu.memory_space<vmem>>, vector<16xf32>,
        %get3A_724 = vector.shape_cast %get3A_723 : vector<16xf32> to vector<16xf32>
        %add3A_725 = arith.constant 32 : i32
        %add3A_726 = arith.addi %mul3A_714, %add3A_725 : i32
        %get3A_727 = arith.index_cast %add3A_726 : i32 to index
        %get3A_728 = tpu.vector_load %arg7[%get3A_727] {strides = array<i32>} : memref<16384xf32, #tpu.memory_space<vmem>>, vector<16xf32>,
        %get3A_729 = vector.shape_cast %get3A_728 : vector<16xf32> to vector<16xf32>
        %add3A_730 = arith.constant 48 : i32
        %add3A_731 = arith.addi %mul3A_714, %add3A_730 : i32
        %get3A_732 = arith.index_cast %add3A_731 : i32 to index
        %get3A_733 = tpu.vector_load %arg7[%get3A_732] {strides = array<i32>} : memref<16384xf32, #tpu.memory_space<vmem>>, vector<16xf32>,
        %get3A_734 = vector.shape_cast %get3A_733 : vector<16xf32> to vector<16xf32>
        %add3A_735 = arith.constant 64 : i32
        %add3A_736 = arith.addi %mul3A_714, %add3A_735 : i32
        %get3A_737 = arith.index_cast %add3A_736 : i32 to index
        %get3A_738 = tpu.vector_load %arg7[%get3A_737] {strides = array<i32>} : memref<16384xf32, #tpu.memory_space<vmem>>, vector<16xf32>,
        %get3A_739 = vector.shape_cast %get3A_738 : vector<16xf32> to vector<16xf32>
        %add3A_740 = arith.constant 80 : i32
        %add3A_741 = arith.addi %mul3A_714, %add3A_740 : i32
        %get3A_742 = arith.index_cast %add3A_741 : i32 to index
        %get3A_743 = tpu.vector_load %arg7[%get3A_742] {strides = array<i32>} : memref<16384xf32, #tpu.memory_space<vmem>>, vector<16xf32>,
        %get3A_744 = vector.shape_cast %get3A_743 : vector<16xf32> to vector<16xf32>
        %add3A_745 = arith.constant 96 : i32
        %add3A_746 = arith.addi %mul3A_714, %add3A_745 : i32
        %get3A_747 = arith.index_cast %add3A_746 : i32 to index
        %get3A_748 = tpu.vector_load %arg7[%get3A_747] {strides = array<i32>} : memref<16384xf32, #tpu.memory_space<vmem>>, vector<16xf32>,
        %get3A_749 = vector.shape_cast %get3A_748 : vector<16xf32> to vector<16xf32>
        %add3A_750 = arith.constant 112 : i32
        %add3A_751 = arith.addi %mul3A_714, %add3A_750 : i32
        %get3A_752 = arith.index_cast %add3A_751 : i32 to index
        %get3A_753 = tpu.vector_load %arg7[%get3A_752] {strides = array<i32>} : memref<16384xf32, #tpu.memory_space<vmem>>, vector<16xf32>,
        %get3A_754 = vector.shape_cast %get3A_753 : vector<16xf32> to vector<16xf32>
        %add3A_755 = arith.constant 0 : i32
        %add3A_756 = arith.addi %multiple_of3A_708, %add3A_755 : i32
        %get3A_757 = arith.index_cast %add3A_756 : i32 to index
        %get3A_758 = tpu.vector_load %arg10[%get3A_757] {strides = array<i32>} : memref<65536xf32, #tpu.memory_space<vmem>>, vector<16xf32>,
        %get3A_759 = vector.shape_cast %get3A_758 : vector<16xf32> to vector<16xf32>
        %add3A_760 = arith.constant 16 : i32
        %add3A_761 = arith.addi %multiple_of3A_708, %add3A_760 : i32
        %get3A_762 = arith.index_cast %add3A_761 : i32 to index
        %get3A_763 = tpu.vector_load %arg10[%get3A_762] {strides = array<i32>} : memref<65536xf32, #tpu.memory_space<vmem>>, vector<16xf32>,
        %get3A_764 = vector.shape_cast %get3A_763 : vector<16xf32> to vector<16xf32>
        %add3A_765 = arith.constant 32 : i32
        %add3A_766 = arith.addi %multiple_of3A_708, %add3A_765 : i32
        %get3A_767 = arith.index_cast %add3A_766 : i32 to index
        %get3A_768 = tpu.vector_load %arg10[%get3A_767] {strides = array<i32>} : memref<65536xf32, #tpu.memory_space<vmem>>, vector<16xf32>,
        %get3A_769 = vector.shape_cast %get3A_768 : vector<16xf32> to vector<16xf32>
        %add3A_770 = arith.constant 48 : i32
        %add3A_771 = arith.addi %multiple_of3A_708, %add3A_770 : i32
        %get3A_772 = arith.index_cast %add3A_771 : i32 to index
        %get3A_773 = tpu.vector_load %arg10[%get3A_772] {strides = array<i32>} : memref<65536xf32, #tpu.memory_space<vmem>>, vector<16xf32>,
        %get3A_774 = vector.shape_cast %get3A_773 : vector<16xf32> to vector<16xf32>
        %add3A_775 = arith.constant 64 : i32
        %add3A_776 = arith.addi %multiple_of3A_708, %add3A_775 : i32
        %get3A_777 = arith.index_cast %add3A_776 : i32 to index
        %get3A_778 = tpu.vector_load %arg10[%get3A_777] {strides = array<i32>} : memref<65536xf32, #tpu.memory_space<vmem>>, vector<16xf32>,
        %get3A_779 = vector.shape_cast %get3A_778 : vector<16xf32> to vector<16xf32>
        %add3A_780 = arith.constant 80 : i32
        %add3A_781 = arith.addi %multiple_of3A_708, %add3A_780 : i32
        %get3A_782 = arith.index_cast %add3A_781 : i32 to index
        %get3A_783 = tpu.vector_load %arg10[%get3A_782] {strides = array<i32>} : memref<65536xf32, #tpu.memory_space<vmem>>, vector<16xf32>,
        %get3A_784 = vector.shape_cast %get3A_783 : vector<16xf32> to vector<16xf32>
        %add3A_785 = arith.constant 96 : i32
        %add3A_786 = arith.addi %multiple_of3A_708, %add3A_785 : i32
        %get3A_787 = arith.index_cast %add3A_786 : i32 to index
        %get3A_788 = tpu.vector_load %arg10[%get3A_787] {strides = array<i32>} : memref<65536xf32, #tpu.memory_space<vmem>>, vector<16xf32>,
        %get3A_789 = vector.shape_cast %get3A_788 : vector<16xf32> to vector<16xf32>
        %add3A_790 = arith.constant 112 : i32
        %add3A_791 = arith.addi %multiple_of3A_708, %add3A_790 : i32
        %get3A_792 = arith.index_cast %add3A_791 : i32 to index
        %get3A_793 = tpu.vector_load %arg10[%get3A_792] {strides = array<i32>} : memref<65536xf32, #tpu.memory_space<vmem>>, vector<16xf32>,
        %get3A_794 = vector.shape_cast %get3A_793 : vector<16xf32> to vector<16xf32>
        %max3A_795 = arith.maximumf %get3A_759, %get3A_719 : vector<16xf32>
        %add3A_796 = arith.constant 0 : i32
        %add3A_797 = arith.addi %multiple_of3A_708, %add3A_796 : i32
        %swap3A_798 = arith.index_cast %add3A_797 : i32 to index
        %swap3A_799 = tpu.vector_load %arg10[%swap3A_798] {strides = array<i32>} : memref<65536xf32, #tpu.memory_space<vmem>>, vector<16xf32>,
        %swap3A_800 = vector.shape_cast %swap3A_799 : vector<16xf32> to vector<16xf32>
        %swap3A_801 = vector.shape_cast %max3A_795 : vector<16xf32> to vector<16xf32>
        tpu.vector_store %arg10[%swap3A_798], %swap3A_801 {strides = array<i32>} : memref<65536xf32, #tpu.memory_space<vmem>>, vector<16xf32>,
        %max3A_802 = arith.maximumf %get3A_764, %get3A_724 : vector<16xf32>
        %add3A_803 = arith.constant 16 : i32
        %add3A_804 = arith.addi %multiple_of3A_708, %add3A_803 : i32
        %swap3A_805 = arith.index_cast %add3A_804 : i32 to index
        %swap3A_806 = tpu.vector_load %arg10[%swap3A_805] {strides = array<i32>} : memref<65536xf32, #tpu.memory_space<vmem>>, vector<16xf32>,
        %swap3A_807 = vector.shape_cast %swap3A_806 : vector<16xf32> to vector<16xf32>
        %swap3A_808 = vector.shape_cast %max3A_802 : vector<16xf32> to vector<16xf32>
        tpu.vector_store %arg10[%swap3A_805], %swap3A_808 {strides = array<i32>} : memref<65536xf32, #tpu.memory_space<vmem>>, vector<16xf32>,
        %max3A_809 = arith.maximumf %get3A_769, %get3A_729 : vector<16xf32>
        %add3A_810 = arith.constant 32 : i32
        %add3A_811 = arith.addi %multiple_of3A_708, %add3A_810 : i32
        %swap3A_812 = arith.index_cast %add3A_811 : i32 to index
        %swap3A_813 = tpu.vector_load %arg10[%swap3A_812] {strides = array<i32>} : memref<65536xf32, #tpu.memory_space<vmem>>, vector<16xf32>,
        %swap3A_814 = vector.shape_cast %swap3A_813 : vector<16xf32> to vector<16xf32>
        %swap3A_815 = vector.shape_cast %max3A_809 : vector<16xf32> to vector<16xf32>
        tpu.vector_store %arg10[%swap3A_812], %swap3A_815 {strides = array<i32>} : memref<65536xf32, #tpu.memory_space<vmem>>, vector<16xf32>,
        %max3A_816 = arith.maximumf %get3A_774, %get3A_734 : vector<16xf32>
        %add3A_817 = arith.constant 48 : i32
        %add3A_818 = arith.addi %multiple_of3A_708, %add3A_817 : i32
        %swap3A_819 = arith.index_cast %add3A_818 : i32 to index
        %swap3A_820 = tpu.vector_load %arg10[%swap3A_819] {strides = array<i32>} : memref<65536xf32, #tpu.memory_space<vmem>>, vector<16xf32>,
        %swap3A_821 = vector.shape_cast %swap3A_820 : vector<16xf32> to vector<16xf32>
        %swap3A_822 = vector.shape_cast %max3A_816 : vector<16xf32> to vector<16xf32>
        tpu.vector_store %arg10[%swap3A_819], %swap3A_822 {strides = array<i32>} : memref<65536xf32, #tpu.memory_space<vmem>>, vector<16xf32>,
        %max3A_823 = arith.maximumf %get3A_779, %get3A_739 : vector<16xf32>
        %add3A_824 = arith.constant 64 : i32
        %add3A_825 = arith.addi %multiple_of3A_708, %add3A_824 : i32
        %swap3A_826 = arith.index_cast %add3A_825 : i32 to index
        %swap3A_827 = tpu.vector_load %arg10[%swap3A_826] {strides = array<i32>} : memref<65536xf32, #tpu.memory_space<vmem>>, vector<16xf32>,
        %swap3A_828 = vector.shape_cast %swap3A_827 : vector<16xf32> to vector<16xf32>
        %swap3A_829 = vector.shape_cast %max3A_823 : vector<16xf32> to vector<16xf32>
        tpu.vector_store %arg10[%swap3A_826], %swap3A_829 {strides = array<i32>} : memref<65536xf32, #tpu.memory_space<vmem>>, vector<16xf32>,
        %max3A_830 = arith.maximumf %get3A_784, %get3A_744 : vector<16xf32>
        %add3A_831 = arith.constant 80 : i32
        %add3A_832 = arith.addi %multiple_of3A_708, %add3A_831 : i32
        %swap3A_833 = arith.index_cast %add3A_832 : i32 to index
        %swap3A_834 = tpu.vector_load %arg10[%swap3A_833] {strides = array<i32>} : memref<65536xf32, #tpu.memory_space<vmem>>, vector<16xf32>,
        %swap3A_835 = vector.shape_cast %swap3A_834 : vector<16xf32> to vector<16xf32>
        %swap3A_836 = vector.shape_cast %max3A_830 : vector<16xf32> to vector<16xf32>
        tpu.vector_store %arg10[%swap3A_833], %swap3A_836 {strides = array<i32>} : memref<65536xf32, #tpu.memory_space<vmem>>, vector<16xf32>,
        %max3A_837 = arith.maximumf %get3A_789, %get3A_749 : vector<16xf32>
        %add3A_838 = arith.constant 96 : i32
        %add3A_839 = arith.addi %multiple_of3A_708, %add3A_838 : i32
        %swap3A_840 = arith.index_cast %add3A_839 : i32 to index
        %swap3A_841 = tpu.vector_load %arg10[%swap3A_840] {strides = array<i32>} : memref<65536xf32, #tpu.memory_space<vmem>>, vector<16xf32>,
        %swap3A_842 = vector.shape_cast %swap3A_841 : vector<16xf32> to vector<16xf32>
        %swap3A_843 = vector.shape_cast %max3A_837 : vector<16xf32> to vector<16xf32>
        tpu.vector_store %arg10[%swap3A_840], %swap3A_843 {strides = array<i32>} : memref<65536xf32, #tpu.memory_space<vmem>>, vector<16xf32>,
        %max3A_844 = arith.maximumf %get3A_794, %get3A_754 : vector<16xf32>
        %add3A_845 = arith.constant 112 : i32
        %add3A_846 = arith.addi %multiple_of3A_708, %add3A_845 : i32
        %swap3A_847 = arith.index_cast %add3A_846 : i32 to index
        %swap3A_848 = tpu.vector_load %arg10[%swap3A_847] {strides = array<i32>} : memref<65536xf32, #tpu.memory_space<vmem>>, vector<16xf32>,
        %swap3A_849 = vector.shape_cast %swap3A_848 : vector<16xf32> to vector<16xf32>
        %swap3A_850 = vector.shape_cast %max3A_844 : vector<16xf32> to vector<16xf32>
        tpu.vector_store %arg10[%swap3A_847], %swap3A_850 {strides = array<i32>} : memref<65536xf32, #tpu.memory_space<vmem>>, vector<16xf32>,
        %slice3A_851 = vector.extract_strided_slice %mul3A_128 {offsets = [5], sizes = [1], strides = [1]} : vector<16xi32> to vector<1xi32>
        %squeeze3A_852 = vector.extract %slice3A_851[0] : i32 from vector<1xi32>
        %multiple_of3A_853 = tpu.assume_multiple %squeeze3A_852, 128 : i32
        %mul3A_854 = arith.constant 16 : i32
        %mul3A_855 = arith.muli %scan3A_70, %mul3A_854 : i32
        %add3A_856 = arith.constant 5 : i32
        %add3A_857 = arith.addi %mul3A_855, %add3A_856 : i32
        %mul3A_858 = arith.constant 128 : i32
        %mul3A_859 = arith.muli %add3A_857, %mul3A_858 : i32
        %add3A_860 = arith.constant 0 : i32
        %add3A_861 = arith.addi %mul3A_859, %add3A_860 : i32
        %get3A_862 = arith.index_cast %add3A_861 : i32 to index
        %get3A_863 = tpu.vector_load %arg7[%get3A_862] {strides = array<i32>} : memref<16384xf32, #tpu.memory_space<vmem>>, vector<16xf32>,
        %get3A_864 = vector.shape_cast %get3A_863 : vector<16xf32> to vector<16xf32>
        %add3A_865 = arith.constant 16 : i32
        %add3A_866 = arith.addi %mul3A_859, %add3A_865 : i32
        %get3A_867 = arith.index_cast %add3A_866 : i32 to index
        %get3A_868 = tpu.vector_load %arg7[%get3A_867] {strides = array<i32>} : memref<16384xf32, #tpu.memory_space<vmem>>, vector<16xf32>,
        %get3A_869 = vector.shape_cast %get3A_868 : vector<16xf32> to vector<16xf32>
        %add3A_870 = arith.constant 32 : i32
        %add3A_871 = arith.addi %mul3A_859, %add3A_870 : i32
        %get3A_872 = arith.index_cast %add3A_871 : i32 to index
        %get3A_873 = tpu.vector_load %arg7[%get3A_872] {strides = array<i32>} : memref<16384xf32, #tpu.memory_space<vmem>>, vector<16xf32>,
        %get3A_874 = vector.shape_cast %get3A_873 : vector<16xf32> to vector<16xf32>
        %add3A_875 = arith.constant 48 : i32
        %add3A_876 = arith.addi %mul3A_859, %add3A_875 : i32
        %get3A_877 = arith.index_cast %add3A_876 : i32 to index
        %get3A_878 = tpu.vector_load %arg7[%get3A_877] {strides = array<i32>} : memref<16384xf32, #tpu.memory_space<vmem>>, vector<16xf32>,
        %get3A_879 = vector.shape_cast %get3A_878 : vector<16xf32> to vector<16xf32>
        %add3A_880 = arith.constant 64 : i32
        %add3A_881 = arith.addi %mul3A_859, %add3A_880 : i32
        %get3A_882 = arith.index_cast %add3A_881 : i32 to index
        %get3A_883 = tpu.vector_load %arg7[%get3A_882] {strides = array<i32>} : memref<16384xf32, #tpu.memory_space<vmem>>, vector<16xf32>,
        %get3A_884 = vector.shape_cast %get3A_883 : vector<16xf32> to vector<16xf32>
        %add3A_885 = arith.constant 80 : i32
        %add3A_886 = arith.addi %mul3A_859, %add3A_885 : i32
        %get3A_887 = arith.index_cast %add3A_886 : i32 to index
        %get3A_888 = tpu.vector_load %arg7[%get3A_887] {strides = array<i32>} : memref<16384xf32, #tpu.memory_space<vmem>>, vector<16xf32>,
        %get3A_889 = vector.shape_cast %get3A_888 : vector<16xf32> to vector<16xf32>
        %add3A_890 = arith.constant 96 : i32
        %add3A_891 = arith.addi %mul3A_859, %add3A_890 : i32
        %get3A_892 = arith.index_cast %add3A_891 : i32 to index
        %get3A_893 = tpu.vector_load %arg7[%get3A_892] {strides = array<i32>} : memref<16384xf32, #tpu.memory_space<vmem>>, vector<16xf32>,
        %get3A_894 = vector.shape_cast %get3A_893 : vector<16xf32> to vector<16xf32>
        %add3A_895 = arith.constant 112 : i32
        %add3A_896 = arith.addi %mul3A_859, %add3A_895 : i32
        %get3A_897 = arith.index_cast %add3A_896 : i32 to index
        %get3A_898 = tpu.vector_load %arg7[%get3A_897] {strides = array<i32>} : memref<16384xf32, #tpu.memory_space<vmem>>, vector<16xf32>,
        %get3A_899 = vector.shape_cast %get3A_898 : vector<16xf32> to vector<16xf32>
        %add3A_900 = arith.constant 0 : i32
        %add3A_901 = arith.addi %multiple_of3A_853, %add3A_900 : i32
        %get3A_902 = arith.index_cast %add3A_901 : i32 to index
        %get3A_903 = tpu.vector_load %arg10[%get3A_902] {strides = array<i32>} : memref<65536xf32, #tpu.memory_space<vmem>>, vector<16xf32>,
        %get3A_904 = vector.shape_cast %get3A_903 : vector<16xf32> to vector<16xf32>
        %add3A_905 = arith.constant 16 : i32
        %add3A_906 = arith.addi %multiple_of3A_853, %add3A_905 : i32
        %get3A_907 = arith.index_cast %add3A_906 : i32 to index
        %get3A_908 = tpu.vector_load %arg10[%get3A_907] {strides = array<i32>} : memref<65536xf32, #tpu.memory_space<vmem>>, vector<16xf32>,
        %get3A_909 = vector.shape_cast %get3A_908 : vector<16xf32> to vector<16xf32>
        %add3A_910 = arith.constant 32 : i32
        %add3A_911 = arith.addi %multiple_of3A_853, %add3A_910 : i32
        %get3A_912 = arith.index_cast %add3A_911 : i32 to index
        %get3A_913 = tpu.vector_load %arg10[%get3A_912] {strides = array<i32>} : memref<65536xf32, #tpu.memory_space<vmem>>, vector<16xf32>,
        %get3A_914 = vector.shape_cast %get3A_913 : vector<16xf32> to vector<16xf32>
        %add3A_915 = arith.constant 48 : i32
        %add3A_916 = arith.addi %multiple_of3A_853, %add3A_915 : i32
        %get3A_917 = arith.index_cast %add3A_916 : i32 to index
        %get3A_918 = tpu.vector_load %arg10[%get3A_917] {strides = array<i32>} : memref<65536xf32, #tpu.memory_space<vmem>>, vector<16xf32>,
        %get3A_919 = vector.shape_cast %get3A_918 : vector<16xf32> to vector<16xf32>
        %add3A_920 = arith.constant 64 : i32
        %add3A_921 = arith.addi %multiple_of3A_853, %add3A_920 : i32
        %get3A_922 = arith.index_cast %add3A_921 : i32 to index
        %get3A_923 = tpu.vector_load %arg10[%get3A_922] {strides = array<i32>} : memref<65536xf32, #tpu.memory_space<vmem>>, vector<16xf32>,
        %get3A_924 = vector.shape_cast %get3A_923 : vector<16xf32> to vector<16xf32>
        %add3A_925 = arith.constant 80 : i32
        %add3A_926 = arith.addi %multiple_of3A_853, %add3A_925 : i32
        %get3A_927 = arith.index_cast %add3A_926 : i32 to index
        %get3A_928 = tpu.vector_load %arg10[%get3A_927] {strides = array<i32>} : memref<65536xf32, #tpu.memory_space<vmem>>, vector<16xf32>,
        %get3A_929 = vector.shape_cast %get3A_928 : vector<16xf32> to vector<16xf32>
        %add3A_930 = arith.constant 96 : i32
        %add3A_931 = arith.addi %multiple_of3A_853, %add3A_930 : i32
        %get3A_932 = arith.index_cast %add3A_931 : i32 to index
        %get3A_933 = tpu.vector_load %arg10[%get3A_932] {strides = array<i32>} : memref<65536xf32, #tpu.memory_space<vmem>>, vector<16xf32>,
        %get3A_934 = vector.shape_cast %get3A_933 : vector<16xf32> to vector<16xf32>
        %add3A_935 = arith.constant 112 : i32
        %add3A_936 = arith.addi %multiple_of3A_853, %add3A_935 : i32
        %get3A_937 = arith.index_cast %add3A_936 : i32 to index
        %get3A_938 = tpu.vector_load %arg10[%get3A_937] {strides = array<i32>} : memref<65536xf32, #tpu.memory_space<vmem>>, vector<16xf32>,
        %get3A_939 = vector.shape_cast %get3A_938 : vector<16xf32> to vector<16xf32>
        %max3A_940 = arith.maximumf %get3A_904, %get3A_864 : vector<16xf32>
        %add3A_941 = arith.constant 0 : i32
        %add3A_942 = arith.addi %multiple_of3A_853, %add3A_941 : i32
        %swap3A_943 = arith.index_cast %add3A_942 : i32 to index
        %swap3A_944 = tpu.vector_load %arg10[%swap3A_943] {strides = array<i32>} : memref<65536xf32, #tpu.memory_space<vmem>>, vector<16xf32>,
        %swap3A_945 = vector.shape_cast %swap3A_944 : vector<16xf32> to vector<16xf32>
        %swap3A_946 = vector.shape_cast %max3A_940 : vector<16xf32> to vector<16xf32>
        tpu.vector_store %arg10[%swap3A_943], %swap3A_946 {strides = array<i32>} : memref<65536xf32, #tpu.memory_space<vmem>>, vector<16xf32>,
        %max3A_947 = arith.maximumf %get3A_909, %get3A_869 : vector<16xf32>
        %add3A_948 = arith.constant 16 : i32
        %add3A_949 = arith.addi %multiple_of3A_853, %add3A_948 : i32
        %swap3A_950 = arith.index_cast %add3A_949 : i32 to index
        %swap3A_951 = tpu.vector_load %arg10[%swap3A_950] {strides = array<i32>} : memref<65536xf32, #tpu.memory_space<vmem>>, vector<16xf32>,
        %swap3A_952 = vector.shape_cast %swap3A_951 : vector<16xf32> to vector<16xf32>
        %swap3A_953 = vector.shape_cast %max3A_947 : vector<16xf32> to vector<16xf32>
        tpu.vector_store %arg10[%swap3A_950], %swap3A_953 {strides = array<i32>} : memref<65536xf32, #tpu.memory_space<vmem>>, vector<16xf32>,
        %max3A_954 = arith.maximumf %get3A_914, %get3A_874 : vector<16xf32>
        %add3A_955 = arith.constant 32 : i32
        %add3A_956 = arith.addi %multiple_of3A_853, %add3A_955 : i32
        %swap3A_957 = arith.index_cast %add3A_956 : i32 to index
        %swap3A_958 = tpu.vector_load %arg10[%swap3A_957] {strides = array<i32>} : memref<65536xf32, #tpu.memory_space<vmem>>, vector<16xf32>,
        %swap3A_959 = vector.shape_cast %swap3A_958 : vector<16xf32> to vector<16xf32>
        %swap3A_960 = vector.shape_cast %max3A_954 : vector<16xf32> to vector<16xf32>
        tpu.vector_store %arg10[%swap3A_957], %swap3A_960 {strides = array<i32>} : memref<65536xf32, #tpu.memory_space<vmem>>, vector<16xf32>,
        %max3A_961 = arith.maximumf %get3A_919, %get3A_879 : vector<16xf32>
        %add3A_962 = arith.constant 48 : i32
        %add3A_963 = arith.addi %multiple_of3A_853, %add3A_962 : i32
        %swap3A_964 = arith.index_cast %add3A_963 : i32 to index
        %swap3A_965 = tpu.vector_load %arg10[%swap3A_964] {strides = array<i32>} : memref<65536xf32, #tpu.memory_space<vmem>>, vector<16xf32>,
        %swap3A_966 = vector.shape_cast %swap3A_965 : vector<16xf32> to vector<16xf32>
        %swap3A_967 = vector.shape_cast %max3A_961 : vector<16xf32> to vector<16xf32>
        tpu.vector_store %arg10[%swap3A_964], %swap3A_967 {strides = array<i32>} : memref<65536xf32, #tpu.memory_space<vmem>>, vector<16xf32>,
        %max3A_968 = arith.maximumf %get3A_924, %get3A_884 : vector<16xf32>
        %add3A_969 = arith.constant 64 : i32
        %add3A_970 = arith.addi %multiple_of3A_853, %add3A_969 : i32
        %swap3A_971 = arith.index_cast %add3A_970 : i32 to index
        %swap3A_972 = tpu.vector_load %arg10[%swap3A_971] {strides = array<i32>} : memref<65536xf32, #tpu.memory_space<vmem>>, vector<16xf32>,
        %swap3A_973 = vector.shape_cast %swap3A_972 : vector<16xf32> to vector<16xf32>
        %swap3A_974 = vector.shape_cast %max3A_968 : vector<16xf32> to vector<16xf32>
        tpu.vector_store %arg10[%swap3A_971], %swap3A_974 {strides = array<i32>} : memref<65536xf32, #tpu.memory_space<vmem>>, vector<16xf32>,
        %max3A_975 = arith.maximumf %get3A_929, %get3A_889 : vector<16xf32>
        %add3A_976 = arith.constant 80 : i32
        %add3A_977 = arith.addi %multiple_of3A_853, %add3A_976 : i32
        %swap3A_978 = arith.index_cast %add3A_977 : i32 to index
        %swap3A_979 = tpu.vector_load %arg10[%swap3A_978] {strides = array<i32>} : memref<65536xf32, #tpu.memory_space<vmem>>, vector<16xf32>,
        %swap3A_980 = vector.shape_cast %swap3A_979 : vector<16xf32> to vector<16xf32>
        %swap3A_981 = vector.shape_cast %max3A_975 : vector<16xf32> to vector<16xf32>
        tpu.vector_store %arg10[%swap3A_978], %swap3A_981 {strides = array<i32>} : memref<65536xf32, #tpu.memory_space<vmem>>, vector<16xf32>,
        %max3A_982 = arith.maximumf %get3A_934, %get3A_894 : vector<16xf32>
        %add3A_983 = arith.constant 96 : i32
        %add3A_984 = arith.addi %multiple_of3A_853, %add3A_983 : i32
        %swap3A_985 = arith.index_cast %add3A_984 : i32 to index
        %swap3A_986 = tpu.vector_load %arg10[%swap3A_985] {strides = array<i32>} : memref<65536xf32, #tpu.memory_space<vmem>>, vector<16xf32>,
        %swap3A_987 = vector.shape_cast %swap3A_986 : vector<16xf32> to vector<16xf32>
        %swap3A_988 = vector.shape_cast %max3A_982 : vector<16xf32> to vector<16xf32>
        tpu.vector_store %arg10[%swap3A_985], %swap3A_988 {strides = array<i32>} : memref<65536xf32, #tpu.memory_space<vmem>>, vector<16xf32>,
        %max3A_989 = arith.maximumf %get3A_939, %get3A_899 : vector<16xf32>
        %add3A_990 = arith.constant 112 : i32
        %add3A_991 = arith.addi %multiple_of3A_853, %add3A_990 : i32
        %swap3A_992 = arith.index_cast %add3A_991 : i32 to index
        %swap3A_993 = tpu.vector_load %arg10[%swap3A_992] {strides = array<i32>} : memref<65536xf32, #tpu.memory_space<vmem>>, vector<16xf32>,
        %swap3A_994 = vector.shape_cast %swap3A_993 : vector<16xf32> to vector<16xf32>
        %swap3A_995 = vector.shape_cast %max3A_989 : vector<16xf32> to vector<16xf32>
        tpu.vector_store %arg10[%swap3A_992], %swap3A_995 {strides = array<i32>} : memref<65536xf32, #tpu.memory_space<vmem>>, vector<16xf32>,
        %slice3A_996 = vector.extract_strided_slice %mul3A_128 {offsets = [6], sizes = [1], strides = [1]} : vector<16xi32> to vector<1xi32>
        %squeeze3A_997 = vector.extract %slice3A_996[0] : i32 from vector<1xi32>
        %multiple_of3A_998 = tpu.assume_multiple %squeeze3A_997, 128 : i32
        %mul3A_999 = arith.constant 16 : i32
        %mul3A_1000 = arith.muli %scan3A_70, %mul3A_999 : i32
        %add3A_1001 = arith.constant 6 : i32
        %add3A_1002 = arith.addi %mul3A_1000, %add3A_1001 : i32
        %mul3A_1003 = arith.constant 128 : i32
        %mul3A_1004 = arith.muli %add3A_1002, %mul3A_1003 : i32
        %add3A_1005 = arith.constant 0 : i32
        %add3A_1006 = arith.addi %mul3A_1004, %add3A_1005 : i32
        %get3A_1007 = arith.index_cast %add3A_1006 : i32 to index
        %get3A_1008 = tpu.vector_load %arg7[%get3A_1007] {strides = array<i32>} : memref<16384xf32, #tpu.memory_space<vmem>>, vector<16xf32>,
        %get3A_1009 = vector.shape_cast %get3A_1008 : vector<16xf32> to vector<16xf32>
        %add3A_1010 = arith.constant 16 : i32
        %add3A_1011 = arith.addi %mul3A_1004, %add3A_1010 : i32
        %get3A_1012 = arith.index_cast %add3A_1011 : i32 to index
        %get3A_1013 = tpu.vector_load %arg7[%get3A_1012] {strides = array<i32>} : memref<16384xf32, #tpu.memory_space<vmem>>, vector<16xf32>,
        %get3A_1014 = vector.shape_cast %get3A_1013 : vector<16xf32> to vector<16xf32>
        %add3A_1015 = arith.constant 32 : i32
        %add3A_1016 = arith.addi %mul3A_1004, %add3A_1015 : i32
        %get3A_1017 = arith.index_cast %add3A_1016 : i32 to index
        %get3A_1018 = tpu.vector_load %arg7[%get3A_1017] {strides = array<i32>} : memref<16384xf32, #tpu.memory_space<vmem>>, vector<16xf32>,
        %get3A_1019 = vector.shape_cast %get3A_1018 : vector<16xf32> to vector<16xf32>
        %add3A_1020 = arith.constant 48 : i32
        %add3A_1021 = arith.addi %mul3A_1004, %add3A_1020 : i32
        %get3A_1022 = arith.index_cast %add3A_1021 : i32 to index
        %get3A_1023 = tpu.vector_load %arg7[%get3A_1022] {strides = array<i32>} : memref<16384xf32, #tpu.memory_space<vmem>>, vector<16xf32>,
        %get3A_1024 = vector.shape_cast %get3A_1023 : vector<16xf32> to vector<16xf32>
        %add3A_1025 = arith.constant 64 : i32
        %add3A_1026 = arith.addi %mul3A_1004, %add3A_1025 : i32
        %get3A_1027 = arith.index_cast %add3A_1026 : i32 to index
        %get3A_1028 = tpu.vector_load %arg7[%get3A_1027] {strides = array<i32>} : memref<16384xf32, #tpu.memory_space<vmem>>, vector<16xf32>,
        %get3A_1029 = vector.shape_cast %get3A_1028 : vector<16xf32> to vector<16xf32>
        %add3A_1030 = arith.constant 80 : i32
        %add3A_1031 = arith.addi %mul3A_1004, %add3A_1030 : i32
        %get3A_1032 = arith.index_cast %add3A_1031 : i32 to index
        %get3A_1033 = tpu.vector_load %arg7[%get3A_1032] {strides = array<i32>} : memref<16384xf32, #tpu.memory_space<vmem>>, vector<16xf32>,
        %get3A_1034 = vector.shape_cast %get3A_1033 : vector<16xf32> to vector<16xf32>
        %add3A_1035 = arith.constant 96 : i32
        %add3A_1036 = arith.addi %mul3A_1004, %add3A_1035 : i32
        %get3A_1037 = arith.index_cast %add3A_1036 : i32 to index
        %get3A_1038 = tpu.vector_load %arg7[%get3A_1037] {strides = array<i32>} : memref<16384xf32, #tpu.memory_space<vmem>>, vector<16xf32>,
        %get3A_1039 = vector.shape_cast %get3A_1038 : vector<16xf32> to vector<16xf32>
        %add3A_1040 = arith.constant 112 : i32
        %add3A_1041 = arith.addi %mul3A_1004, %add3A_1040 : i32
        %get3A_1042 = arith.index_cast %add3A_1041 : i32 to index
        %get3A_1043 = tpu.vector_load %arg7[%get3A_1042] {strides = array<i32>} : memref<16384xf32, #tpu.memory_space<vmem>>, vector<16xf32>,
        %get3A_1044 = vector.shape_cast %get3A_1043 : vector<16xf32> to vector<16xf32>
        %add3A_1045 = arith.constant 0 : i32
        %add3A_1046 = arith.addi %multiple_of3A_998, %add3A_1045 : i32
        %get3A_1047 = arith.index_cast %add3A_1046 : i32 to index
        %get3A_1048 = tpu.vector_load %arg10[%get3A_1047] {strides = array<i32>} : memref<65536xf32, #tpu.memory_space<vmem>>, vector<16xf32>,
        %get3A_1049 = vector.shape_cast %get3A_1048 : vector<16xf32> to vector<16xf32>
        %add3A_1050 = arith.constant 16 : i32
        %add3A_1051 = arith.addi %multiple_of3A_998, %add3A_1050 : i32
        %get3A_1052 = arith.index_cast %add3A_1051 : i32 to index
        %get3A_1053 = tpu.vector_load %arg10[%get3A_1052] {strides = array<i32>} : memref<65536xf32, #tpu.memory_space<vmem>>, vector<16xf32>,
        %get3A_1054 = vector.shape_cast %get3A_1053 : vector<16xf32> to vector<16xf32>
        %add3A_1055 = arith.constant 32 : i32
        %add3A_1056 = arith.addi %multiple_of3A_998, %add3A_1055 : i32
        %get3A_1057 = arith.index_cast %add3A_1056 : i32 to index
        %get3A_1058 = tpu.vector_load %arg10[%get3A_1057] {strides = array<i32>} : memref<65536xf32, #tpu.memory_space<vmem>>, vector<16xf32>,
        %get3A_1059 = vector.shape_cast %get3A_1058 : vector<16xf32> to vector<16xf32>
        %add3A_1060 = arith.constant 48 : i32
        %add3A_1061 = arith.addi %multiple_of3A_998, %add3A_1060 : i32
        %get3A_1062 = arith.index_cast %add3A_1061 : i32 to index
        %get3A_1063 = tpu.vector_load %arg10[%get3A_1062] {strides = array<i32>} : memref<65536xf32, #tpu.memory_space<vmem>>, vector<16xf32>,
        %get3A_1064 = vector.shape_cast %get3A_1063 : vector<16xf32> to vector<16xf32>
        %add3A_1065 = arith.constant 64 : i32
        %add3A_1066 = arith.addi %multiple_of3A_998, %add3A_1065 : i32
        %get3A_1067 = arith.index_cast %add3A_1066 : i32 to index
        %get3A_1068 = tpu.vector_load %arg10[%get3A_1067] {strides = array<i32>} : memref<65536xf32, #tpu.memory_space<vmem>>, vector<16xf32>,
        %get3A_1069 = vector.shape_cast %get3A_1068 : vector<16xf32> to vector<16xf32>
        %add3A_1070 = arith.constant 80 : i32
        %add3A_1071 = arith.addi %multiple_of3A_998, %add3A_1070 : i32
        %get3A_1072 = arith.index_cast %add3A_1071 : i32 to index
        %get3A_1073 = tpu.vector_load %arg10[%get3A_1072] {strides = array<i32>} : memref<65536xf32, #tpu.memory_space<vmem>>, vector<16xf32>,
        %get3A_1074 = vector.shape_cast %get3A_1073 : vector<16xf32> to vector<16xf32>
        %add3A_1075 = arith.constant 96 : i32
        %add3A_1076 = arith.addi %multiple_of3A_998, %add3A_1075 : i32
        %get3A_1077 = arith.index_cast %add3A_1076 : i32 to index
        %get3A_1078 = tpu.vector_load %arg10[%get3A_1077] {strides = array<i32>} : memref<65536xf32, #tpu.memory_space<vmem>>, vector<16xf32>,
        %get3A_1079 = vector.shape_cast %get3A_1078 : vector<16xf32> to vector<16xf32>
        %add3A_1080 = arith.constant 112 : i32
        %add3A_1081 = arith.addi %multiple_of3A_998, %add3A_1080 : i32
        %get3A_1082 = arith.index_cast %add3A_1081 : i32 to index
        %get3A_1083 = tpu.vector_load %arg10[%get3A_1082] {strides = array<i32>} : memref<65536xf32, #tpu.memory_space<vmem>>, vector<16xf32>,
        %get3A_1084 = vector.shape_cast %get3A_1083 : vector<16xf32> to vector<16xf32>
        %max3A_1085 = arith.maximumf %get3A_1049, %get3A_1009 : vector<16xf32>
        %add3A_1086 = arith.constant 0 : i32
        %add3A_1087 = arith.addi %multiple_of3A_998, %add3A_1086 : i32
        %swap3A_1088 = arith.index_cast %add3A_1087 : i32 to index
        %swap3A_1089 = tpu.vector_load %arg10[%swap3A_1088] {strides = array<i32>} : memref<65536xf32, #tpu.memory_space<vmem>>, vector<16xf32>,
        %swap3A_1090 = vector.shape_cast %swap3A_1089 : vector<16xf32> to vector<16xf32>
        %swap3A_1091 = vector.shape_cast %max3A_1085 : vector<16xf32> to vector<16xf32>
        tpu.vector_store %arg10[%swap3A_1088], %swap3A_1091 {strides = array<i32>} : memref<65536xf32, #tpu.memory_space<vmem>>, vector<16xf32>,
        %max3A_1092 = arith.maximumf %get3A_1054, %get3A_1014 : vector<16xf32>
        %add3A_1093 = arith.constant 16 : i32
        %add3A_1094 = arith.addi %multiple_of3A_998, %add3A_1093 : i32
        %swap3A_1095 = arith.index_cast %add3A_1094 : i32 to index
        %swap3A_1096 = tpu.vector_load %arg10[%swap3A_1095] {strides = array<i32>} : memref<65536xf32, #tpu.memory_space<vmem>>, vector<16xf32>,
        %swap3A_1097 = vector.shape_cast %swap3A_1096 : vector<16xf32> to vector<16xf32>
        %swap3A_1098 = vector.shape_cast %max3A_1092 : vector<16xf32> to vector<16xf32>
        tpu.vector_store %arg10[%swap3A_1095], %swap3A_1098 {strides = array<i32>} : memref<65536xf32, #tpu.memory_space<vmem>>, vector<16xf32>,
        %max3A_1099 = arith.maximumf %get3A_1059, %get3A_1019 : vector<16xf32>
        %add3A_1100 = arith.constant 32 : i32
        %add3A_1101 = arith.addi %multiple_of3A_998, %add3A_1100 : i32
        %swap3A_1102 = arith.index_cast %add3A_1101 : i32 to index
        %swap3A_1103 = tpu.vector_load %arg10[%swap3A_1102] {strides = array<i32>} : memref<65536xf32, #tpu.memory_space<vmem>>, vector<16xf32>,
        %swap3A_1104 = vector.shape_cast %swap3A_1103 : vector<16xf32> to vector<16xf32>
        %swap3A_1105 = vector.shape_cast %max3A_1099 : vector<16xf32> to vector<16xf32>
        tpu.vector_store %arg10[%swap3A_1102], %swap3A_1105 {strides = array<i32>} : memref<65536xf32, #tpu.memory_space<vmem>>, vector<16xf32>,
        %max3A_1106 = arith.maximumf %get3A_1064, %get3A_1024 : vector<16xf32>
        %add3A_1107 = arith.constant 48 : i32
        %add3A_1108 = arith.addi %multiple_of3A_998, %add3A_1107 : i32
        %swap3A_1109 = arith.index_cast %add3A_1108 : i32 to index
        %swap3A_1110 = tpu.vector_load %arg10[%swap3A_1109] {strides = array<i32>} : memref<65536xf32, #tpu.memory_space<vmem>>, vector<16xf32>,
        %swap3A_1111 = vector.shape_cast %swap3A_1110 : vector<16xf32> to vector<16xf32>
        %swap3A_1112 = vector.shape_cast %max3A_1106 : vector<16xf32> to vector<16xf32>
        tpu.vector_store %arg10[%swap3A_1109], %swap3A_1112 {strides = array<i32>} : memref<65536xf32, #tpu.memory_space<vmem>>, vector<16xf32>,
        %max3A_1113 = arith.maximumf %get3A_1069, %get3A_1029 : vector<16xf32>
        %add3A_1114 = arith.constant 64 : i32
        %add3A_1115 = arith.addi %multiple_of3A_998, %add3A_1114 : i32
        %swap3A_1116 = arith.index_cast %add3A_1115 : i32 to index
        %swap3A_1117 = tpu.vector_load %arg10[%swap3A_1116] {strides = array<i32>} : memref<65536xf32, #tpu.memory_space<vmem>>, vector<16xf32>,
        %swap3A_1118 = vector.shape_cast %swap3A_1117 : vector<16xf32> to vector<16xf32>
        %swap3A_1119 = vector.shape_cast %max3A_1113 : vector<16xf32> to vector<16xf32>
        tpu.vector_store %arg10[%swap3A_1116], %swap3A_1119 {strides = array<i32>} : memref<65536xf32, #tpu.memory_space<vmem>>, vector<16xf32>,
        %max3A_1120 = arith.maximumf %get3A_1074, %get3A_1034 : vector<16xf32>
        %add3A_1121 = arith.constant 80 : i32
        %add3A_1122 = arith.addi %multiple_of3A_998, %add3A_1121 : i32
        %swap3A_1123 = arith.index_cast %add3A_1122 : i32 to index
        %swap3A_1124 = tpu.vector_load %arg10[%swap3A_1123] {strides = array<i32>} : memref<65536xf32, #tpu.memory_space<vmem>>, vector<16xf32>,
        %swap3A_1125 = vector.shape_cast %swap3A_1124 : vector<16xf32> to vector<16xf32>
        %swap3A_1126 = vector.shape_cast %max3A_1120 : vector<16xf32> to vector<16xf32>
        tpu.vector_store %arg10[%swap3A_1123], %swap3A_1126 {strides = array<i32>} : memref<65536xf32, #tpu.memory_space<vmem>>, vector<16xf32>,
        %max3A_1127 = arith.maximumf %get3A_1079, %get3A_1039 : vector<16xf32>
        %add3A_1128 = arith.constant 96 : i32
        %add3A_1129 = arith.addi %multiple_of3A_998, %add3A_1128 : i32
        %swap3A_1130 = arith.index_cast %add3A_1129 : i32 to index
        %swap3A_1131 = tpu.vector_load %arg10[%swap3A_1130] {strides = array<i32>} : memref<65536xf32, #tpu.memory_space<vmem>>, vector<16xf32>,
        %swap3A_1132 = vector.shape_cast %swap3A_1131 : vector<16xf32> to vector<16xf32>
        %swap3A_1133 = vector.shape_cast %max3A_1127 : vector<16xf32> to vector<16xf32>
        tpu.vector_store %arg10[%swap3A_1130], %swap3A_1133 {strides = array<i32>} : memref<65536xf32, #tpu.memory_space<vmem>>, vector<16xf32>,
        %max3A_1134 = arith.maximumf %get3A_1084, %get3A_1044 : vector<16xf32>
        %add3A_1135 = arith.constant 112 : i32
        %add3A_1136 = arith.addi %multiple_of3A_998, %add3A_1135 : i32
        %swap3A_1137 = arith.index_cast %add3A_1136 : i32 to index
        %swap3A_1138 = tpu.vector_load %arg10[%swap3A_1137] {strides = array<i32>} : memref<65536xf32, #tpu.memory_space<vmem>>, vector<16xf32>,
        %swap3A_1139 = vector.shape_cast %swap3A_1138 : vector<16xf32> to vector<16xf32>
        %swap3A_1140 = vector.shape_cast %max3A_1134 : vector<16xf32> to vector<16xf32>
        tpu.vector_store %arg10[%swap3A_1137], %swap3A_1140 {strides = array<i32>} : memref<65536xf32, #tpu.memory_space<vmem>>, vector<16xf32>,
        %slice3A_1141 = vector.extract_strided_slice %mul3A_128 {offsets = [7], sizes = [1], strides = [1]} : vector<16xi32> to vector<1xi32>
        %squeeze3A_1142 = vector.extract %slice3A_1141[0] : i32 from vector<1xi32>
        %multiple_of3A_1143 = tpu.assume_multiple %squeeze3A_1142, 128 : i32
        %mul3A_1144 = arith.constant 16 : i32
        %mul3A_1145 = arith.muli %scan3A_70, %mul3A_1144 : i32
        %add3A_1146 = arith.constant 7 : i32
        %add3A_1147 = arith.addi %mul3A_1145, %add3A_1146 : i32
        %mul3A_1148 = arith.constant 128 : i32
        %mul3A_1149 = arith.muli %add3A_1147, %mul3A_1148 : i32
        %add3A_1150 = arith.constant 0 : i32
        %add3A_1151 = arith.addi %mul3A_1149, %add3A_1150 : i32
        %get3A_1152 = arith.index_cast %add3A_1151 : i32 to index
        %get3A_1153 = tpu.vector_load %arg7[%get3A_1152] {strides = array<i32>} : memref<16384xf32, #tpu.memory_space<vmem>>, vector<16xf32>,
        %get3A_1154 = vector.shape_cast %get3A_1153 : vector<16xf32> to vector<16xf32>
        %add3A_1155 = arith.constant 16 : i32
        %add3A_1156 = arith.addi %mul3A_1149, %add3A_1155 : i32
        %get3A_1157 = arith.index_cast %add3A_1156 : i32 to index
        %get3A_1158 = tpu.vector_load %arg7[%get3A_1157] {strides = array<i32>} : memref<16384xf32, #tpu.memory_space<vmem>>, vector<16xf32>,
        %get3A_1159 = vector.shape_cast %get3A_1158 : vector<16xf32> to vector<16xf32>
        %add3A_1160 = arith.constant 32 : i32
        %add3A_1161 = arith.addi %mul3A_1149, %add3A_1160 : i32
        %get3A_1162 = arith.index_cast %add3A_1161 : i32 to index
        %get3A_1163 = tpu.vector_load %arg7[%get3A_1162] {strides = array<i32>} : memref<16384xf32, #tpu.memory_space<vmem>>, vector<16xf32>,
        %get3A_1164 = vector.shape_cast %get3A_1163 : vector<16xf32> to vector<16xf32>
        %add3A_1165 = arith.constant 48 : i32
        %add3A_1166 = arith.addi %mul3A_1149, %add3A_1165 : i32
        %get3A_1167 = arith.index_cast %add3A_1166 : i32 to index
        %get3A_1168 = tpu.vector_load %arg7[%get3A_1167] {strides = array<i32>} : memref<16384xf32, #tpu.memory_space<vmem>>, vector<16xf32>,
        %get3A_1169 = vector.shape_cast %get3A_1168 : vector<16xf32> to vector<16xf32>
        %add3A_1170 = arith.constant 64 : i32
        %add3A_1171 = arith.addi %mul3A_1149, %add3A_1170 : i32
        %get3A_1172 = arith.index_cast %add3A_1171 : i32 to index
        %get3A_1173 = tpu.vector_load %arg7[%get3A_1172] {strides = array<i32>} : memref<16384xf32, #tpu.memory_space<vmem>>, vector<16xf32>,
        %get3A_1174 = vector.shape_cast %get3A_1173 : vector<16xf32> to vector<16xf32>
        %add3A_1175 = arith.constant 80 : i32
        %add3A_1176 = arith.addi %mul3A_1149, %add3A_1175 : i32
        %get3A_1177 = arith.index_cast %add3A_1176 : i32 to index
        %get3A_1178 = tpu.vector_load %arg7[%get3A_1177] {strides = array<i32>} : memref<16384xf32, #tpu.memory_space<vmem>>, vector<16xf32>,
        %get3A_1179 = vector.shape_cast %get3A_1178 : vector<16xf32> to vector<16xf32>
        %add3A_1180 = arith.constant 96 : i32
        %add3A_1181 = arith.addi %mul3A_1149, %add3A_1180 : i32
        %get3A_1182 = arith.index_cast %add3A_1181 : i32 to index
        %get3A_1183 = tpu.vector_load %arg7[%get3A_1182] {strides = array<i32>} : memref<16384xf32, #tpu.memory_space<vmem>>, vector<16xf32>,
        %get3A_1184 = vector.shape_cast %get3A_1183 : vector<16xf32> to vector<16xf32>
        %add3A_1185 = arith.constant 112 : i32
        %add3A_1186 = arith.addi %mul3A_1149, %add3A_1185 : i32
        %get3A_1187 = arith.index_cast %add3A_1186 : i32 to index
        %get3A_1188 = tpu.vector_load %arg7[%get3A_1187] {strides = array<i32>} : memref<16384xf32, #tpu.memory_space<vmem>>, vector<16xf32>,
        %get3A_1189 = vector.shape_cast %get3A_1188 : vector<16xf32> to vector<16xf32>
        %add3A_1190 = arith.constant 0 : i32
        %add3A_1191 = arith.addi %multiple_of3A_1143, %add3A_1190 : i32
        %get3A_1192 = arith.index_cast %add3A_1191 : i32 to index
        %get3A_1193 = tpu.vector_load %arg10[%get3A_1192] {strides = array<i32>} : memref<65536xf32, #tpu.memory_space<vmem>>, vector<16xf32>,
        %get3A_1194 = vector.shape_cast %get3A_1193 : vector<16xf32> to vector<16xf32>
        %add3A_1195 = arith.constant 16 : i32
        %add3A_1196 = arith.addi %multiple_of3A_1143, %add3A_1195 : i32
        %get3A_1197 = arith.index_cast %add3A_1196 : i32 to index
        %get3A_1198 = tpu.vector_load %arg10[%get3A_1197] {strides = array<i32>} : memref<65536xf32, #tpu.memory_space<vmem>>, vector<16xf32>,
        %get3A_1199 = vector.shape_cast %get3A_1198 : vector<16xf32> to vector<16xf32>
        %add3A_1200 = arith.constant 32 : i32
        %add3A_1201 = arith.addi %multiple_of3A_1143, %add3A_1200 : i32
        %get3A_1202 = arith.index_cast %add3A_1201 : i32 to index
        %get3A_1203 = tpu.vector_load %arg10[%get3A_1202] {strides = array<i32>} : memref<65536xf32, #tpu.memory_space<vmem>>, vector<16xf32>,
        %get3A_1204 = vector.shape_cast %get3A_1203 : vector<16xf32> to vector<16xf32>
        %add3A_1205 = arith.constant 48 : i32
        %add3A_1206 = arith.addi %multiple_of3A_1143, %add3A_1205 : i32
        %get3A_1207 = arith.index_cast %add3A_1206 : i32 to index
        %get3A_1208 = tpu.vector_load %arg10[%get3A_1207] {strides = array<i32>} : memref<65536xf32, #tpu.memory_space<vmem>>, vector<16xf32>,
        %get3A_1209 = vector.shape_cast %get3A_1208 : vector<16xf32> to vector<16xf32>
        %add3A_1210 = arith.constant 64 : i32
        %add3A_1211 = arith.addi %multiple_of3A_1143, %add3A_1210 : i32
        %get3A_1212 = arith.index_cast %add3A_1211 : i32 to index
        %get3A_1213 = tpu.vector_load %arg10[%get3A_1212] {strides = array<i32>} : memref<65536xf32, #tpu.memory_space<vmem>>, vector<16xf32>,
        %get3A_1214 = vector.shape_cast %get3A_1213 : vector<16xf32> to vector<16xf32>
        %add3A_1215 = arith.constant 80 : i32
        %add3A_1216 = arith.addi %multiple_of3A_1143, %add3A_1215 : i32
        %get3A_1217 = arith.index_cast %add3A_1216 : i32 to index
        %get3A_1218 = tpu.vector_load %arg10[%get3A_1217] {strides = array<i32>} : memref<65536xf32, #tpu.memory_space<vmem>>, vector<16xf32>,
        %get3A_1219 = vector.shape_cast %get3A_1218 : vector<16xf32> to vector<16xf32>
        %add3A_1220 = arith.constant 96 : i32
        %add3A_1221 = arith.addi %multiple_of3A_1143, %add3A_1220 : i32
        %get3A_1222 = arith.index_cast %add3A_1221 : i32 to index
        %get3A_1223 = tpu.vector_load %arg10[%get3A_1222] {strides = array<i32>} : memref<65536xf32, #tpu.memory_space<vmem>>, vector<16xf32>,
        %get3A_1224 = vector.shape_cast %get3A_1223 : vector<16xf32> to vector<16xf32>
        %add3A_1225 = arith.constant 112 : i32
        %add3A_1226 = arith.addi %multiple_of3A_1143, %add3A_1225 : i32
        %get3A_1227 = arith.index_cast %add3A_1226 : i32 to index
        %get3A_1228 = tpu.vector_load %arg10[%get3A_1227] {strides = array<i32>} : memref<65536xf32, #tpu.memory_space<vmem>>, vector<16xf32>,
        %get3A_1229 = vector.shape_cast %get3A_1228 : vector<16xf32> to vector<16xf32>
        %max3A_1230 = arith.maximumf %get3A_1194, %get3A_1154 : vector<16xf32>
        %add3A_1231 = arith.constant 0 : i32
        %add3A_1232 = arith.addi %multiple_of3A_1143, %add3A_1231 : i32
        %swap3A_1233 = arith.index_cast %add3A_1232 : i32 to index
        %swap3A_1234 = tpu.vector_load %arg10[%swap3A_1233] {strides = array<i32>} : memref<65536xf32, #tpu.memory_space<vmem>>, vector<16xf32>,
        %swap3A_1235 = vector.shape_cast %swap3A_1234 : vector<16xf32> to vector<16xf32>
        %swap3A_1236 = vector.shape_cast %max3A_1230 : vector<16xf32> to vector<16xf32>
        tpu.vector_store %arg10[%swap3A_1233], %swap3A_1236 {strides = array<i32>} : memref<65536xf32, #tpu.memory_space<vmem>>, vector<16xf32>,
        %max3A_1237 = arith.maximumf %get3A_1199, %get3A_1159 : vector<16xf32>
        %add3A_1238 = arith.constant 16 : i32
        %add3A_1239 = arith.addi %multiple_of3A_1143, %add3A_1238 : i32
        %swap3A_1240 = arith.index_cast %add3A_1239 : i32 to index
        %swap3A_1241 = tpu.vector_load %arg10[%swap3A_1240] {strides = array<i32>} : memref<65536xf32, #tpu.memory_space<vmem>>, vector<16xf32>,
        %swap3A_1242 = vector.shape_cast %swap3A_1241 : vector<16xf32> to vector<16xf32>
        %swap3A_1243 = vector.shape_cast %max3A_1237 : vector<16xf32> to vector<16xf32>
        tpu.vector_store %arg10[%swap3A_1240], %swap3A_1243 {strides = array<i32>} : memref<65536xf32, #tpu.memory_space<vmem>>, vector<16xf32>,
        %max3A_1244 = arith.maximumf %get3A_1204, %get3A_1164 : vector<16xf32>
        %add3A_1245 = arith.constant 32 : i32
        %add3A_1246 = arith.addi %multiple_of3A_1143, %add3A_1245 : i32
        %swap3A_1247 = arith.index_cast %add3A_1246 : i32 to index
        %swap3A_1248 = tpu.vector_load %arg10[%swap3A_1247] {strides = array<i32>} : memref<65536xf32, #tpu.memory_space<vmem>>, vector<16xf32>,
        %swap3A_1249 = vector.shape_cast %swap3A_1248 : vector<16xf32> to vector<16xf32>
        %swap3A_1250 = vector.shape_cast %max3A_1244 : vector<16xf32> to vector<16xf32>
        tpu.vector_store %arg10[%swap3A_1247], %swap3A_1250 {strides = array<i32>} : memref<65536xf32, #tpu.memory_space<vmem>>, vector<16xf32>,
        %max3A_1251 = arith.maximumf %get3A_1209, %get3A_1169 : vector<16xf32>
        %add3A_1252 = arith.constant 48 : i32
        %add3A_1253 = arith.addi %multiple_of3A_1143, %add3A_1252 : i32
        %swap3A_1254 = arith.index_cast %add3A_1253 : i32 to index
        %swap3A_1255 = tpu.vector_load %arg10[%swap3A_1254] {strides = array<i32>} : memref<65536xf32, #tpu.memory_space<vmem>>, vector<16xf32>,
        %swap3A_1256 = vector.shape_cast %swap3A_1255 : vector<16xf32> to vector<16xf32>
        %swap3A_1257 = vector.shape_cast %max3A_1251 : vector<16xf32> to vector<16xf32>
        tpu.vector_store %arg10[%swap3A_1254], %swap3A_1257 {strides = array<i32>} : memref<65536xf32, #tpu.memory_space<vmem>>, vector<16xf32>,
        %max3A_1258 = arith.maximumf %get3A_1214, %get3A_1174 : vector<16xf32>
        %add3A_1259 = arith.constant 64 : i32
        %add3A_1260 = arith.addi %multiple_of3A_1143, %add3A_1259 : i32
        %swap3A_1261 = arith.index_cast %add3A_1260 : i32 to index
        %swap3A_1262 = tpu.vector_load %arg10[%swap3A_1261] {strides = array<i32>} : memref<65536xf32, #tpu.memory_space<vmem>>, vector<16xf32>,
        %swap3A_1263 = vector.shape_cast %swap3A_1262 : vector<16xf32> to vector<16xf32>
        %swap3A_1264 = vector.shape_cast %max3A_1258 : vector<16xf32> to vector<16xf32>
        tpu.vector_store %arg10[%swap3A_1261], %swap3A_1264 {strides = array<i32>} : memref<65536xf32, #tpu.memory_space<vmem>>, vector<16xf32>,
        %max3A_1265 = arith.maximumf %get3A_1219, %get3A_1179 : vector<16xf32>
        %add3A_1266 = arith.constant 80 : i32
        %add3A_1267 = arith.addi %multiple_of3A_1143, %add3A_1266 : i32
        %swap3A_1268 = arith.index_cast %add3A_1267 : i32 to index
        %swap3A_1269 = tpu.vector_load %arg10[%swap3A_1268] {strides = array<i32>} : memref<65536xf32, #tpu.memory_space<vmem>>, vector<16xf32>,
        %swap3A_1270 = vector.shape_cast %swap3A_1269 : vector<16xf32> to vector<16xf32>
        %swap3A_1271 = vector.shape_cast %max3A_1265 : vector<16xf32> to vector<16xf32>
        tpu.vector_store %arg10[%swap3A_1268], %swap3A_1271 {strides = array<i32>} : memref<65536xf32, #tpu.memory_space<vmem>>, vector<16xf32>,
        %max3A_1272 = arith.maximumf %get3A_1224, %get3A_1184 : vector<16xf32>
        %add3A_1273 = arith.constant 96 : i32
        %add3A_1274 = arith.addi %multiple_of3A_1143, %add3A_1273 : i32
        %swap3A_1275 = arith.index_cast %add3A_1274 : i32 to index
        %swap3A_1276 = tpu.vector_load %arg10[%swap3A_1275] {strides = array<i32>} : memref<65536xf32, #tpu.memory_space<vmem>>, vector<16xf32>,
        %swap3A_1277 = vector.shape_cast %swap3A_1276 : vector<16xf32> to vector<16xf32>
        %swap3A_1278 = vector.shape_cast %max3A_1272 : vector<16xf32> to vector<16xf32>
        tpu.vector_store %arg10[%swap3A_1275], %swap3A_1278 {strides = array<i32>} : memref<65536xf32, #tpu.memory_space<vmem>>, vector<16xf32>,
        %max3A_1279 = arith.maximumf %get3A_1229, %get3A_1189 : vector<16xf32>
        %add3A_1280 = arith.constant 112 : i32
        %add3A_1281 = arith.addi %multiple_of3A_1143, %add3A_1280 : i32
        %swap3A_1282 = arith.index_cast %add3A_1281 : i32 to index
        %swap3A_1283 = tpu.vector_load %arg10[%swap3A_1282] {strides = array<i32>} : memref<65536xf32, #tpu.memory_space<vmem>>, vector<16xf32>,
        %swap3A_1284 = vector.shape_cast %swap3A_1283 : vector<16xf32> to vector<16xf32>
        %swap3A_1285 = vector.shape_cast %max3A_1279 : vector<16xf32> to vector<16xf32>
        tpu.vector_store %arg10[%swap3A_1282], %swap3A_1285 {strides = array<i32>} : memref<65536xf32, #tpu.memory_space<vmem>>, vector<16xf32>,
        %slice3A_1286 = vector.extract_strided_slice %mul3A_128 {offsets = [8], sizes = [1], strides = [1]} : vector<16xi32> to vector<1xi32>
        %squeeze3A_1287 = vector.extract %slice3A_1286[0] : i32 from vector<1xi32>
        %multiple_of3A_1288 = tpu.assume_multiple %squeeze3A_1287, 128 : i32
        %mul3A_1289 = arith.constant 16 : i32
        %mul3A_1290 = arith.muli %scan3A_70, %mul3A_1289 : i32
        %add3A_1291 = arith.constant 8 : i32
        %add3A_1292 = arith.addi %mul3A_1290, %add3A_1291 : i32
        %mul3A_1293 = arith.constant 128 : i32
        %mul3A_1294 = arith.muli %add3A_1292, %mul3A_1293 : i32
        %add3A_1295 = arith.constant 0 : i32
        %add3A_1296 = arith.addi %mul3A_1294, %add3A_1295 : i32
        %get3A_1297 = arith.index_cast %add3A_1296 : i32 to index
        %get3A_1298 = tpu.vector_load %arg7[%get3A_1297] {strides = array<i32>} : memref<16384xf32, #tpu.memory_space<vmem>>, vector<16xf32>,
        %get3A_1299 = vector.shape_cast %get3A_1298 : vector<16xf32> to vector<16xf32>
        %add3A_1300 = arith.constant 16 : i32
        %add3A_1301 = arith.addi %mul3A_1294, %add3A_1300 : i32
        %get3A_1302 = arith.index_cast %add3A_1301 : i32 to index
        %get3A_1303 = tpu.vector_load %arg7[%get3A_1302] {strides = array<i32>} : memref<16384xf32, #tpu.memory_space<vmem>>, vector<16xf32>,
        %get3A_1304 = vector.shape_cast %get3A_1303 : vector<16xf32> to vector<16xf32>
        %add3A_1305 = arith.constant 32 : i32
        %add3A_1306 = arith.addi %mul3A_1294, %add3A_1305 : i32
        %get3A_1307 = arith.index_cast %add3A_1306 : i32 to index
        %get3A_1308 = tpu.vector_load %arg7[%get3A_1307] {strides = array<i32>} : memref<16384xf32, #tpu.memory_space<vmem>>, vector<16xf32>,
        %get3A_1309 = vector.shape_cast %get3A_1308 : vector<16xf32> to vector<16xf32>
        %add3A_1310 = arith.constant 48 : i32
        %add3A_1311 = arith.addi %mul3A_1294, %add3A_1310 : i32
        %get3A_1312 = arith.index_cast %add3A_1311 : i32 to index
        %get3A_1313 = tpu.vector_load %arg7[%get3A_1312] {strides = array<i32>} : memref<16384xf32, #tpu.memory_space<vmem>>, vector<16xf32>,
        %get3A_1314 = vector.shape_cast %get3A_1313 : vector<16xf32> to vector<16xf32>
        %add3A_1315 = arith.constant 64 : i32
        %add3A_1316 = arith.addi %mul3A_1294, %add3A_1315 : i32
        %get3A_1317 = arith.index_cast %add3A_1316 : i32 to index
        %get3A_1318 = tpu.vector_load %arg7[%get3A_1317] {strides = array<i32>} : memref<16384xf32, #tpu.memory_space<vmem>>, vector<16xf32>,
        %get3A_1319 = vector.shape_cast %get3A_1318 : vector<16xf32> to vector<16xf32>
        %add3A_1320 = arith.constant 80 : i32
        %add3A_1321 = arith.addi %mul3A_1294, %add3A_1320 : i32
        %get3A_1322 = arith.index_cast %add3A_1321 : i32 to index
        %get3A_1323 = tpu.vector_load %arg7[%get3A_1322] {strides = array<i32>} : memref<16384xf32, #tpu.memory_space<vmem>>, vector<16xf32>,
        %get3A_1324 = vector.shape_cast %get3A_1323 : vector<16xf32> to vector<16xf32>
        %add3A_1325 = arith.constant 96 : i32
        %add3A_1326 = arith.addi %mul3A_1294, %add3A_1325 : i32
        %get3A_1327 = arith.index_cast %add3A_1326 : i32 to index
        %get3A_1328 = tpu.vector_load %arg7[%get3A_1327] {strides = array<i32>} : memref<16384xf32, #tpu.memory_space<vmem>>, vector<16xf32>,
        %get3A_1329 = vector.shape_cast %get3A_1328 : vector<16xf32> to vector<16xf32>
        %add3A_1330 = arith.constant 112 : i32
        %add3A_1331 = arith.addi %mul3A_1294, %add3A_1330 : i32
        %get3A_1332 = arith.index_cast %add3A_1331 : i32 to index
        %get3A_1333 = tpu.vector_load %arg7[%get3A_1332] {strides = array<i32>} : memref<16384xf32, #tpu.memory_space<vmem>>, vector<16xf32>,
        %get3A_1334 = vector.shape_cast %get3A_1333 : vector<16xf32> to vector<16xf32>
        %add3A_1335 = arith.constant 0 : i32
        %add3A_1336 = arith.addi %multiple_of3A_1288, %add3A_1335 : i32
        %get3A_1337 = arith.index_cast %add3A_1336 : i32 to index
        %get3A_1338 = tpu.vector_load %arg10[%get3A_1337] {strides = array<i32>} : memref<65536xf32, #tpu.memory_space<vmem>>, vector<16xf32>,
        %get3A_1339 = vector.shape_cast %get3A_1338 : vector<16xf32> to vector<16xf32>
        %add3A_1340 = arith.constant 16 : i32
        %add3A_1341 = arith.addi %multiple_of3A_1288, %add3A_1340 : i32
        %get3A_1342 = arith.index_cast %add3A_1341 : i32 to index
        %get3A_1343 = tpu.vector_load %arg10[%get3A_1342] {strides = array<i32>} : memref<65536xf32, #tpu.memory_space<vmem>>, vector<16xf32>,
        %get3A_1344 = vector.shape_cast %get3A_1343 : vector<16xf32> to vector<16xf32>
        %add3A_1345 = arith.constant 32 : i32
        %add3A_1346 = arith.addi %multiple_of3A_1288, %add3A_1345 : i32
        %get3A_1347 = arith.index_cast %add3A_1346 : i32 to index
        %get3A_1348 = tpu.vector_load %arg10[%get3A_1347] {strides = array<i32>} : memref<65536xf32, #tpu.memory_space<vmem>>, vector<16xf32>,
        %get3A_1349 = vector.shape_cast %get3A_1348 : vector<16xf32> to vector<16xf32>
        %add3A_1350 = arith.constant 48 : i32
        %add3A_1351 = arith.addi %multiple_of3A_1288, %add3A_1350 : i32
        %get3A_1352 = arith.index_cast %add3A_1351 : i32 to index
        %get3A_1353 = tpu.vector_load %arg10[%get3A_1352] {strides = array<i32>} : memref<65536xf32, #tpu.memory_space<vmem>>, vector<16xf32>,
        %get3A_1354 = vector.shape_cast %get3A_1353 : vector<16xf32> to vector<16xf32>
        %add3A_1355 = arith.constant 64 : i32
        %add3A_1356 = arith.addi %multiple_of3A_1288, %add3A_1355 : i32
        %get3A_1357 = arith.index_cast %add3A_1356 : i32 to index
        %get3A_1358 = tpu.vector_load %arg10[%get3A_1357] {strides = array<i32>} : memref<65536xf32, #tpu.memory_space<vmem>>, vector<16xf32>,
        %get3A_1359 = vector.shape_cast %get3A_1358 : vector<16xf32> to vector<16xf32>
        %add3A_1360 = arith.constant 80 : i32
        %add3A_1361 = arith.addi %multiple_of3A_1288, %add3A_1360 : i32
        %get3A_1362 = arith.index_cast %add3A_1361 : i32 to index
        %get3A_1363 = tpu.vector_load %arg10[%get3A_1362] {strides = array<i32>} : memref<65536xf32, #tpu.memory_space<vmem>>, vector<16xf32>,
        %get3A_1364 = vector.shape_cast %get3A_1363 : vector<16xf32> to vector<16xf32>
        %add3A_1365 = arith.constant 96 : i32
        %add3A_1366 = arith.addi %multiple_of3A_1288, %add3A_1365 : i32
        %get3A_1367 = arith.index_cast %add3A_1366 : i32 to index
        %get3A_1368 = tpu.vector_load %arg10[%get3A_1367] {strides = array<i32>} : memref<65536xf32, #tpu.memory_space<vmem>>, vector<16xf32>,
        %get3A_1369 = vector.shape_cast %get3A_1368 : vector<16xf32> to vector<16xf32>
        %add3A_1370 = arith.constant 112 : i32
        %add3A_1371 = arith.addi %multiple_of3A_1288, %add3A_1370 : i32
        %get3A_1372 = arith.index_cast %add3A_1371 : i32 to index
        %get3A_1373 = tpu.vector_load %arg10[%get3A_1372] {strides = array<i32>} : memref<65536xf32, #tpu.memory_space<vmem>>, vector<16xf32>,
        %get3A_1374 = vector.shape_cast %get3A_1373 : vector<16xf32> to vector<16xf32>
        %max3A_1375 = arith.maximumf %get3A_1339, %get3A_1299 : vector<16xf32>
        %add3A_1376 = arith.constant 0 : i32
        %add3A_1377 = arith.addi %multiple_of3A_1288, %add3A_1376 : i32
        %swap3A_1378 = arith.index_cast %add3A_1377 : i32 to index
        %swap3A_1379 = tpu.vector_load %arg10[%swap3A_1378] {strides = array<i32>} : memref<65536xf32, #tpu.memory_space<vmem>>, vector<16xf32>,
        %swap3A_1380 = vector.shape_cast %swap3A_1379 : vector<16xf32> to vector<16xf32>
        %swap3A_1381 = vector.shape_cast %max3A_1375 : vector<16xf32> to vector<16xf32>
        tpu.vector_store %arg10[%swap3A_1378], %swap3A_1381 {strides = array<i32>} : memref<65536xf32, #tpu.memory_space<vmem>>, vector<16xf32>,
        %max3A_1382 = arith.maximumf %get3A_1344, %get3A_1304 : vector<16xf32>
        %add3A_1383 = arith.constant 16 : i32
        %add3A_1384 = arith.addi %multiple_of3A_1288, %add3A_1383 : i32
        %swap3A_1385 = arith.index_cast %add3A_1384 : i32 to index
        %swap3A_1386 = tpu.vector_load %arg10[%swap3A_1385] {strides = array<i32>} : memref<65536xf32, #tpu.memory_space<vmem>>, vector<16xf32>,
        %swap3A_1387 = vector.shape_cast %swap3A_1386 : vector<16xf32> to vector<16xf32>
        %swap3A_1388 = vector.shape_cast %max3A_1382 : vector<16xf32> to vector<16xf32>
        tpu.vector_store %arg10[%swap3A_1385], %swap3A_1388 {strides = array<i32>} : memref<65536xf32, #tpu.memory_space<vmem>>, vector<16xf32>,
        %max3A_1389 = arith.maximumf %get3A_1349, %get3A_1309 : vector<16xf32>
        %add3A_1390 = arith.constant 32 : i32
        %add3A_1391 = arith.addi %multiple_of3A_1288, %add3A_1390 : i32
        %swap3A_1392 = arith.index_cast %add3A_1391 : i32 to index
        %swap3A_1393 = tpu.vector_load %arg10[%swap3A_1392] {strides = array<i32>} : memref<65536xf32, #tpu.memory_space<vmem>>, vector<16xf32>,
        %swap3A_1394 = vector.shape_cast %swap3A_1393 : vector<16xf32> to vector<16xf32>
        %swap3A_1395 = vector.shape_cast %max3A_1389 : vector<16xf32> to vector<16xf32>
        tpu.vector_store %arg10[%swap3A_1392], %swap3A_1395 {strides = array<i32>} : memref<65536xf32, #tpu.memory_space<vmem>>, vector<16xf32>,
        %max3A_1396 = arith.maximumf %get3A_1354, %get3A_1314 : vector<16xf32>
        %add3A_1397 = arith.constant 48 : i32
        %add3A_1398 = arith.addi %multiple_of3A_1288, %add3A_1397 : i32
        %swap3A_1399 = arith.index_cast %add3A_1398 : i32 to index
        %swap3A_1400 = tpu.vector_load %arg10[%swap3A_1399] {strides = array<i32>} : memref<65536xf32, #tpu.memory_space<vmem>>, vector<16xf32>,
        %swap3A_1401 = vector.shape_cast %swap3A_1400 : vector<16xf32> to vector<16xf32>
        %swap3A_1402 = vector.shape_cast %max3A_1396 : vector<16xf32> to vector<16xf32>
        tpu.vector_store %arg10[%swap3A_1399], %swap3A_1402 {strides = array<i32>} : memref<65536xf32, #tpu.memory_space<vmem>>, vector<16xf32>,
        %max3A_1403 = arith.maximumf %get3A_1359, %get3A_1319 : vector<16xf32>
        %add3A_1404 = arith.constant 64 : i32
        %add3A_1405 = arith.addi %multiple_of3A_1288, %add3A_1404 : i32
        %swap3A_1406 = arith.index_cast %add3A_1405 : i32 to index
        %swap3A_1407 = tpu.vector_load %arg10[%swap3A_1406] {strides = array<i32>} : memref<65536xf32, #tpu.memory_space<vmem>>, vector<16xf32>,
        %swap3A_1408 = vector.shape_cast %swap3A_1407 : vector<16xf32> to vector<16xf32>
        %swap3A_1409 = vector.shape_cast %max3A_1403 : vector<16xf32> to vector<16xf32>
        tpu.vector_store %arg10[%swap3A_1406], %swap3A_1409 {strides = array<i32>} : memref<65536xf32, #tpu.memory_space<vmem>>, vector<16xf32>,
        %max3A_1410 = arith.maximumf %get3A_1364, %get3A_1324 : vector<16xf32>
        %add3A_1411 = arith.constant 80 : i32
        %add3A_1412 = arith.addi %multiple_of3A_1288, %add3A_1411 : i32
        %swap3A_1413 = arith.index_cast %add3A_1412 : i32 to index
        %swap3A_1414 = tpu.vector_load %arg10[%swap3A_1413] {strides = array<i32>} : memref<65536xf32, #tpu.memory_space<vmem>>, vector<16xf32>,
        %swap3A_1415 = vector.shape_cast %swap3A_1414 : vector<16xf32> to vector<16xf32>
        %swap3A_1416 = vector.shape_cast %max3A_1410 : vector<16xf32> to vector<16xf32>
        tpu.vector_store %arg10[%swap3A_1413], %swap3A_1416 {strides = array<i32>} : memref<65536xf32, #tpu.memory_space<vmem>>, vector<16xf32>,
        %max3A_1417 = arith.maximumf %get3A_1369, %get3A_1329 : vector<16xf32>
        %add3A_1418 = arith.constant 96 : i32
        %add3A_1419 = arith.addi %multiple_of3A_1288, %add3A_1418 : i32
        %swap3A_1420 = arith.index_cast %add3A_1419 : i32 to index
        %swap3A_1421 = tpu.vector_load %arg10[%swap3A_1420] {strides = array<i32>} : memref<65536xf32, #tpu.memory_space<vmem>>, vector<16xf32>,
        %swap3A_1422 = vector.shape_cast %swap3A_1421 : vector<16xf32> to vector<16xf32>
        %swap3A_1423 = vector.shape_cast %max3A_1417 : vector<16xf32> to vector<16xf32>
        tpu.vector_store %arg10[%swap3A_1420], %swap3A_1423 {strides = array<i32>} : memref<65536xf32, #tpu.memory_space<vmem>>, vector<16xf32>,
        %max3A_1424 = arith.maximumf %get3A_1374, %get3A_1334 : vector<16xf32>
        %add3A_1425 = arith.constant 112 : i32
        %add3A_1426 = arith.addi %multiple_of3A_1288, %add3A_1425 : i32
        %swap3A_1427 = arith.index_cast %add3A_1426 : i32 to index
        %swap3A_1428 = tpu.vector_load %arg10[%swap3A_1427] {strides = array<i32>} : memref<65536xf32, #tpu.memory_space<vmem>>, vector<16xf32>,
        %swap3A_1429 = vector.shape_cast %swap3A_1428 : vector<16xf32> to vector<16xf32>
        %swap3A_1430 = vector.shape_cast %max3A_1424 : vector<16xf32> to vector<16xf32>
        tpu.vector_store %arg10[%swap3A_1427], %swap3A_1430 {strides = array<i32>} : memref<65536xf32, #tpu.memory_space<vmem>>, vector<16xf32>,
        %slice3A_1431 = vector.extract_strided_slice %mul3A_128 {offsets = [9], sizes = [1], strides = [1]} : vector<16xi32> to vector<1xi32>
        %squeeze3A_1432 = vector.extract %slice3A_1431[0] : i32 from vector<1xi32>
        %multiple_of3A_1433 = tpu.assume_multiple %squeeze3A_1432, 128 : i32
        %mul3A_1434 = arith.constant 16 : i32
        %mul3A_1435 = arith.muli %scan3A_70, %mul3A_1434 : i32
        %add3A_1436 = arith.constant 9 : i32
        %add3A_1437 = arith.addi %mul3A_1435, %add3A_1436 : i32
        %mul3A_1438 = arith.constant 128 : i32
        %mul3A_1439 = arith.muli %add3A_1437, %mul3A_1438 : i32
        %add3A_1440 = arith.constant 0 : i32
        %add3A_1441 = arith.addi %mul3A_1439, %add3A_1440 : i32
        %get3A_1442 = arith.index_cast %add3A_1441 : i32 to index
        %get3A_1443 = tpu.vector_load %arg7[%get3A_1442] {strides = array<i32>} : memref<16384xf32, #tpu.memory_space<vmem>>, vector<16xf32>,
        %get3A_1444 = vector.shape_cast %get3A_1443 : vector<16xf32> to vector<16xf32>
        %add3A_1445 = arith.constant 16 : i32
        %add3A_1446 = arith.addi %mul3A_1439, %add3A_1445 : i32
        %get3A_1447 = arith.index_cast %add3A_1446 : i32 to index
        %get3A_1448 = tpu.vector_load %arg7[%get3A_1447] {strides = array<i32>} : memref<16384xf32, #tpu.memory_space<vmem>>, vector<16xf32>,
        %get3A_1449 = vector.shape_cast %get3A_1448 : vector<16xf32> to vector<16xf32>
        %add3A_1450 = arith.constant 32 : i32
        %add3A_1451 = arith.addi %mul3A_1439, %add3A_1450 : i32
        %get3A_1452 = arith.index_cast %add3A_1451 : i32 to index
        %get3A_1453 = tpu.vector_load %arg7[%get3A_1452] {strides = array<i32>} : memref<16384xf32, #tpu.memory_space<vmem>>, vector<16xf32>,
        %get3A_1454 = vector.shape_cast %get3A_1453 : vector<16xf32> to vector<16xf32>
        %add3A_1455 = arith.constant 48 : i32
        %add3A_1456 = arith.addi %mul3A_1439, %add3A_1455 : i32
        %get3A_1457 = arith.index_cast %add3A_1456 : i32 to index
        %get3A_1458 = tpu.vector_load %arg7[%get3A_1457] {strides = array<i32>} : memref<16384xf32, #tpu.memory_space<vmem>>, vector<16xf32>,
        %get3A_1459 = vector.shape_cast %get3A_1458 : vector<16xf32> to vector<16xf32>
        %add3A_1460 = arith.constant 64 : i32
        %add3A_1461 = arith.addi %mul3A_1439, %add3A_1460 : i32
        %get3A_1462 = arith.index_cast %add3A_1461 : i32 to index
        %get3A_1463 = tpu.vector_load %arg7[%get3A_1462] {strides = array<i32>} : memref<16384xf32, #tpu.memory_space<vmem>>, vector<16xf32>,
        %get3A_1464 = vector.shape_cast %get3A_1463 : vector<16xf32> to vector<16xf32>
        %add3A_1465 = arith.constant 80 : i32
        %add3A_1466 = arith.addi %mul3A_1439, %add3A_1465 : i32
        %get3A_1467 = arith.index_cast %add3A_1466 : i32 to index
        %get3A_1468 = tpu.vector_load %arg7[%get3A_1467] {strides = array<i32>} : memref<16384xf32, #tpu.memory_space<vmem>>, vector<16xf32>,
        %get3A_1469 = vector.shape_cast %get3A_1468 : vector<16xf32> to vector<16xf32>
        %add3A_1470 = arith.constant 96 : i32
        %add3A_1471 = arith.addi %mul3A_1439, %add3A_1470 : i32
        %get3A_1472 = arith.index_cast %add3A_1471 : i32 to index
        %get3A_1473 = tpu.vector_load %arg7[%get3A_1472] {strides = array<i32>} : memref<16384xf32, #tpu.memory_space<vmem>>, vector<16xf32>,
        %get3A_1474 = vector.shape_cast %get3A_1473 : vector<16xf32> to vector<16xf32>
        %add3A_1475 = arith.constant 112 : i32
        %add3A_1476 = arith.addi %mul3A_1439, %add3A_1475 : i32
        %get3A_1477 = arith.index_cast %add3A_1476 : i32 to index
        %get3A_1478 = tpu.vector_load %arg7[%get3A_1477] {strides = array<i32>} : memref<16384xf32, #tpu.memory_space<vmem>>, vector<16xf32>,
        %get3A_1479 = vector.shape_cast %get3A_1478 : vector<16xf32> to vector<16xf32>
        %add3A_1480 = arith.constant 0 : i32
        %add3A_1481 = arith.addi %multiple_of3A_1433, %add3A_1480 : i32
        %get3A_1482 = arith.index_cast %add3A_1481 : i32 to index
        %get3A_1483 = tpu.vector_load %arg10[%get3A_1482] {strides = array<i32>} : memref<65536xf32, #tpu.memory_space<vmem>>, vector<16xf32>,
        %get3A_1484 = vector.shape_cast %get3A_1483 : vector<16xf32> to vector<16xf32>
        %add3A_1485 = arith.constant 16 : i32
        %add3A_1486 = arith.addi %multiple_of3A_1433, %add3A_1485 : i32
        %get3A_1487 = arith.index_cast %add3A_1486 : i32 to index
        %get3A_1488 = tpu.vector_load %arg10[%get3A_1487] {strides = array<i32>} : memref<65536xf32, #tpu.memory_space<vmem>>, vector<16xf32>,
        %get3A_1489 = vector.shape_cast %get3A_1488 : vector<16xf32> to vector<16xf32>
        %add3A_1490 = arith.constant 32 : i32
        %add3A_1491 = arith.addi %multiple_of3A_1433, %add3A_1490 : i32
        %get3A_1492 = arith.index_cast %add3A_1491 : i32 to index
        %get3A_1493 = tpu.vector_load %arg10[%get3A_1492] {strides = array<i32>} : memref<65536xf32, #tpu.memory_space<vmem>>, vector<16xf32>,
        %get3A_1494 = vector.shape_cast %get3A_1493 : vector<16xf32> to vector<16xf32>
        %add3A_1495 = arith.constant 48 : i32
        %add3A_1496 = arith.addi %multiple_of3A_1433, %add3A_1495 : i32
        %get3A_1497 = arith.index_cast %add3A_1496 : i32 to index
        %get3A_1498 = tpu.vector_load %arg10[%get3A_1497] {strides = array<i32>} : memref<65536xf32, #tpu.memory_space<vmem>>, vector<16xf32>,
        %get3A_1499 = vector.shape_cast %get3A_1498 : vector<16xf32> to vector<16xf32>
        %add3A_1500 = arith.constant 64 : i32
        %add3A_1501 = arith.addi %multiple_of3A_1433, %add3A_1500 : i32
        %get3A_1502 = arith.index_cast %add3A_1501 : i32 to index
        %get3A_1503 = tpu.vector_load %arg10[%get3A_1502] {strides = array<i32>} : memref<65536xf32, #tpu.memory_space<vmem>>, vector<16xf32>,
        %get3A_1504 = vector.shape_cast %get3A_1503 : vector<16xf32> to vector<16xf32>
        %add3A_1505 = arith.constant 80 : i32
        %add3A_1506 = arith.addi %multiple_of3A_1433, %add3A_1505 : i32
        %get3A_1507 = arith.index_cast %add3A_1506 : i32 to index
        %get3A_1508 = tpu.vector_load %arg10[%get3A_1507] {strides = array<i32>} : memref<65536xf32, #tpu.memory_space<vmem>>, vector<16xf32>,
        %get3A_1509 = vector.shape_cast %get3A_1508 : vector<16xf32> to vector<16xf32>
        %add3A_1510 = arith.constant 96 : i32
        %add3A_1511 = arith.addi %multiple_of3A_1433, %add3A_1510 : i32
        %get3A_1512 = arith.index_cast %add3A_1511 : i32 to index
        %get3A_1513 = tpu.vector_load %arg10[%get3A_1512] {strides = array<i32>} : memref<65536xf32, #tpu.memory_space<vmem>>, vector<16xf32>,
        %get3A_1514 = vector.shape_cast %get3A_1513 : vector<16xf32> to vector<16xf32>
        %add3A_1515 = arith.constant 112 : i32
        %add3A_1516 = arith.addi %multiple_of3A_1433, %add3A_1515 : i32
        %get3A_1517 = arith.index_cast %add3A_1516 : i32 to index
        %get3A_1518 = tpu.vector_load %arg10[%get3A_1517] {strides = array<i32>} : memref<65536xf32, #tpu.memory_space<vmem>>, vector<16xf32>,
        %get3A_1519 = vector.shape_cast %get3A_1518 : vector<16xf32> to vector<16xf32>
        %max3A_1520 = arith.maximumf %get3A_1484, %get3A_1444 : vector<16xf32>
        %add3A_1521 = arith.constant 0 : i32
        %add3A_1522 = arith.addi %multiple_of3A_1433, %add3A_1521 : i32
        %swap3A_1523 = arith.index_cast %add3A_1522 : i32 to index
        %swap3A_1524 = tpu.vector_load %arg10[%swap3A_1523] {strides = array<i32>} : memref<65536xf32, #tpu.memory_space<vmem>>, vector<16xf32>,
        %swap3A_1525 = vector.shape_cast %swap3A_1524 : vector<16xf32> to vector<16xf32>
        %swap3A_1526 = vector.shape_cast %max3A_1520 : vector<16xf32> to vector<16xf32>
        tpu.vector_store %arg10[%swap3A_1523], %swap3A_1526 {strides = array<i32>} : memref<65536xf32, #tpu.memory_space<vmem>>, vector<16xf32>,
        %max3A_1527 = arith.maximumf %get3A_1489, %get3A_1449 : vector<16xf32>
        %add3A_1528 = arith.constant 16 : i32
        %add3A_1529 = arith.addi %multiple_of3A_1433, %add3A_1528 : i32
        %swap3A_1530 = arith.index_cast %add3A_1529 : i32 to index
        %swap3A_1531 = tpu.vector_load %arg10[%swap3A_1530] {strides = array<i32>} : memref<65536xf32, #tpu.memory_space<vmem>>, vector<16xf32>,
        %swap3A_1532 = vector.shape_cast %swap3A_1531 : vector<16xf32> to vector<16xf32>
        %swap3A_1533 = vector.shape_cast %max3A_1527 : vector<16xf32> to vector<16xf32>
        tpu.vector_store %arg10[%swap3A_1530], %swap3A_1533 {strides = array<i32>} : memref<65536xf32, #tpu.memory_space<vmem>>, vector<16xf32>,
        %max3A_1534 = arith.maximumf %get3A_1494, %get3A_1454 : vector<16xf32>
        %add3A_1535 = arith.constant 32 : i32
        %add3A_1536 = arith.addi %multiple_of3A_1433, %add3A_1535 : i32
        %swap3A_1537 = arith.index_cast %add3A_1536 : i32 to index
        %swap3A_1538 = tpu.vector_load %arg10[%swap3A_1537] {strides = array<i32>} : memref<65536xf32, #tpu.memory_space<vmem>>, vector<16xf32>,
        %swap3A_1539 = vector.shape_cast %swap3A_1538 : vector<16xf32> to vector<16xf32>
        %swap3A_1540 = vector.shape_cast %max3A_1534 : vector<16xf32> to vector<16xf32>
        tpu.vector_store %arg10[%swap3A_1537], %swap3A_1540 {strides = array<i32>} : memref<65536xf32, #tpu.memory_space<vmem>>, vector<16xf32>,
        %max3A_1541 = arith.maximumf %get3A_1499, %get3A_1459 : vector<16xf32>
        %add3A_1542 = arith.constant 48 : i32
        %add3A_1543 = arith.addi %multiple_of3A_1433, %add3A_1542 : i32
        %swap3A_1544 = arith.index_cast %add3A_1543 : i32 to index
        %swap3A_1545 = tpu.vector_load %arg10[%swap3A_1544] {strides = array<i32>} : memref<65536xf32, #tpu.memory_space<vmem>>, vector<16xf32>,
        %swap3A_1546 = vector.shape_cast %swap3A_1545 : vector<16xf32> to vector<16xf32>
        %swap3A_1547 = vector.shape_cast %max3A_1541 : vector<16xf32> to vector<16xf32>
        tpu.vector_store %arg10[%swap3A_1544], %swap3A_1547 {strides = array<i32>} : memref<65536xf32, #tpu.memory_space<vmem>>, vector<16xf32>,
        %max3A_1548 = arith.maximumf %get3A_1504, %get3A_1464 : vector<16xf32>
        %add3A_1549 = arith.constant 64 : i32
        %add3A_1550 = arith.addi %multiple_of3A_1433, %add3A_1549 : i32
        %swap3A_1551 = arith.index_cast %add3A_1550 : i32 to index
        %swap3A_1552 = tpu.vector_load %arg10[%swap3A_1551] {strides = array<i32>} : memref<65536xf32, #tpu.memory_space<vmem>>, vector<16xf32>,
        %swap3A_1553 = vector.shape_cast %swap3A_1552 : vector<16xf32> to vector<16xf32>
        %swap3A_1554 = vector.shape_cast %max3A_1548 : vector<16xf32> to vector<16xf32>
        tpu.vector_store %arg10[%swap3A_1551], %swap3A_1554 {strides = array<i32>} : memref<65536xf32, #tpu.memory_space<vmem>>, vector<16xf32>,
        %max3A_1555 = arith.maximumf %get3A_1509, %get3A_1469 : vector<16xf32>
        %add3A_1556 = arith.constant 80 : i32
        %add3A_1557 = arith.addi %multiple_of3A_1433, %add3A_1556 : i32
        %swap3A_1558 = arith.index_cast %add3A_1557 : i32 to index
        %swap3A_1559 = tpu.vector_load %arg10[%swap3A_1558] {strides = array<i32>} : memref<65536xf32, #tpu.memory_space<vmem>>, vector<16xf32>,
        %swap3A_1560 = vector.shape_cast %swap3A_1559 : vector<16xf32> to vector<16xf32>
        %swap3A_1561 = vector.shape_cast %max3A_1555 : vector<16xf32> to vector<16xf32>
        tpu.vector_store %arg10[%swap3A_1558], %swap3A_1561 {strides = array<i32>} : memref<65536xf32, #tpu.memory_space<vmem>>, vector<16xf32>,
        %max3A_1562 = arith.maximumf %get3A_1514, %get3A_1474 : vector<16xf32>
        %add3A_1563 = arith.constant 96 : i32
        %add3A_1564 = arith.addi %multiple_of3A_1433, %add3A_1563 : i32
        %swap3A_1565 = arith.index_cast %add3A_1564 : i32 to index
        %swap3A_1566 = tpu.vector_load %arg10[%swap3A_1565] {strides = array<i32>} : memref<65536xf32, #tpu.memory_space<vmem>>, vector<16xf32>,
        %swap3A_1567 = vector.shape_cast %swap3A_1566 : vector<16xf32> to vector<16xf32>
        %swap3A_1568 = vector.shape_cast %max3A_1562 : vector<16xf32> to vector<16xf32>
        tpu.vector_store %arg10[%swap3A_1565], %swap3A_1568 {strides = array<i32>} : memref<65536xf32, #tpu.memory_space<vmem>>, vector<16xf32>,
        %max3A_1569 = arith.maximumf %get3A_1519, %get3A_1479 : vector<16xf32>
        %add3A_1570 = arith.constant 112 : i32
        %add3A_1571 = arith.addi %multiple_of3A_1433, %add3A_1570 : i32
        %swap3A_1572 = arith.index_cast %add3A_1571 : i32 to index
        %swap3A_1573 = tpu.vector_load %arg10[%swap3A_1572] {strides = array<i32>} : memref<65536xf32, #tpu.memory_space<vmem>>, vector<16xf32>,
        %swap3A_1574 = vector.shape_cast %swap3A_1573 : vector<16xf32> to vector<16xf32>
        %swap3A_1575 = vector.shape_cast %max3A_1569 : vector<16xf32> to vector<16xf32>
        tpu.vector_store %arg10[%swap3A_1572], %swap3A_1575 {strides = array<i32>} : memref<65536xf32, #tpu.memory_space<vmem>>, vector<16xf32>,
        %slice3A_1576 = vector.extract_strided_slice %mul3A_128 {offsets = [10], sizes = [1], strides = [1]} : vector<16xi32> to vector<1xi32>
        %squeeze3A_1577 = vector.extract %slice3A_1576[0] : i32 from vector<1xi32>
        %multiple_of3A_1578 = tpu.assume_multiple %squeeze3A_1577, 128 : i32
        %mul3A_1579 = arith.constant 16 : i32
        %mul3A_1580 = arith.muli %scan3A_70, %mul3A_1579 : i32
        %add3A_1581 = arith.constant 10 : i32
        %add3A_1582 = arith.addi %mul3A_1580, %add3A_1581 : i32
        %mul3A_1583 = arith.constant 128 : i32
        %mul3A_1584 = arith.muli %add3A_1582, %mul3A_1583 : i32
        %add3A_1585 = arith.constant 0 : i32
        %add3A_1586 = arith.addi %mul3A_1584, %add3A_1585 : i32
        %get3A_1587 = arith.index_cast %add3A_1586 : i32 to index
        %get3A_1588 = tpu.vector_load %arg7[%get3A_1587] {strides = array<i32>} : memref<16384xf32, #tpu.memory_space<vmem>>, vector<16xf32>,
        %get3A_1589 = vector.shape_cast %get3A_1588 : vector<16xf32> to vector<16xf32>
        %add3A_1590 = arith.constant 16 : i32
        %add3A_1591 = arith.addi %mul3A_1584, %add3A_1590 : i32
        %get3A_1592 = arith.index_cast %add3A_1591 : i32 to index
        %get3A_1593 = tpu.vector_load %arg7[%get3A_1592] {strides = array<i32>} : memref<16384xf32, #tpu.memory_space<vmem>>, vector<16xf32>,
        %get3A_1594 = vector.shape_cast %get3A_1593 : vector<16xf32> to vector<16xf32>
        %add3A_1595 = arith.constant 32 : i32
        %add3A_1596 = arith.addi %mul3A_1584, %add3A_1595 : i32
        %get3A_1597 = arith.index_cast %add3A_1596 : i32 to index
        %get3A_1598 = tpu.vector_load %arg7[%get3A_1597] {strides = array<i32>} : memref<16384xf32, #tpu.memory_space<vmem>>, vector<16xf32>,
        %get3A_1599 = vector.shape_cast %get3A_1598 : vector<16xf32> to vector<16xf32>
        %add3A_1600 = arith.constant 48 : i32
        %add3A_1601 = arith.addi %mul3A_1584, %add3A_1600 : i32
        %get3A_1602 = arith.index_cast %add3A_1601 : i32 to index
        %get3A_1603 = tpu.vector_load %arg7[%get3A_1602] {strides = array<i32>} : memref<16384xf32, #tpu.memory_space<vmem>>, vector<16xf32>,
        %get3A_1604 = vector.shape_cast %get3A_1603 : vector<16xf32> to vector<16xf32>
        %add3A_1605 = arith.constant 64 : i32
        %add3A_1606 = arith.addi %mul3A_1584, %add3A_1605 : i32
        %get3A_1607 = arith.index_cast %add3A_1606 : i32 to index
        %get3A_1608 = tpu.vector_load %arg7[%get3A_1607] {strides = array<i32>} : memref<16384xf32, #tpu.memory_space<vmem>>, vector<16xf32>,
        %get3A_1609 = vector.shape_cast %get3A_1608 : vector<16xf32> to vector<16xf32>
        %add3A_1610 = arith.constant 80 : i32
        %add3A_1611 = arith.addi %mul3A_1584, %add3A_1610 : i32
        %get3A_1612 = arith.index_cast %add3A_1611 : i32 to index
        %get3A_1613 = tpu.vector_load %arg7[%get3A_1612] {strides = array<i32>} : memref<16384xf32, #tpu.memory_space<vmem>>, vector<16xf32>,
        %get3A_1614 = vector.shape_cast %get3A_1613 : vector<16xf32> to vector<16xf32>
        %add3A_1615 = arith.constant 96 : i32
        %add3A_1616 = arith.addi %mul3A_1584, %add3A_1615 : i32
        %get3A_1617 = arith.index_cast %add3A_1616 : i32 to index
        %get3A_1618 = tpu.vector_load %arg7[%get3A_1617] {strides = array<i32>} : memref<16384xf32, #tpu.memory_space<vmem>>, vector<16xf32>,
        %get3A_1619 = vector.shape_cast %get3A_1618 : vector<16xf32> to vector<16xf32>
        %add3A_1620 = arith.constant 112 : i32
        %add3A_1621 = arith.addi %mul3A_1584, %add3A_1620 : i32
        %get3A_1622 = arith.index_cast %add3A_1621 : i32 to index
        %get3A_1623 = tpu.vector_load %arg7[%get3A_1622] {strides = array<i32>} : memref<16384xf32, #tpu.memory_space<vmem>>, vector<16xf32>,
        %get3A_1624 = vector.shape_cast %get3A_1623 : vector<16xf32> to vector<16xf32>
        %add3A_1625 = arith.constant 0 : i32
        %add3A_1626 = arith.addi %multiple_of3A_1578, %add3A_1625 : i32
        %get3A_1627 = arith.index_cast %add3A_1626 : i32 to index
        %get3A_1628 = tpu.vector_load %arg10[%get3A_1627] {strides = array<i32>} : memref<65536xf32, #tpu.memory_space<vmem>>, vector<16xf32>,
        %get3A_1629 = vector.shape_cast %get3A_1628 : vector<16xf32> to vector<16xf32>
        %add3A_1630 = arith.constant 16 : i32
        %add3A_1631 = arith.addi %multiple_of3A_1578, %add3A_1630 : i32
        %get3A_1632 = arith.index_cast %add3A_1631 : i32 to index
        %get3A_1633 = tpu.vector_load %arg10[%get3A_1632] {strides = array<i32>} : memref<65536xf32, #tpu.memory_space<vmem>>, vector<16xf32>,
        %get3A_1634 = vector.shape_cast %get3A_1633 : vector<16xf32> to vector<16xf32>
        %add3A_1635 = arith.constant 32 : i32
        %add3A_1636 = arith.addi %multiple_of3A_1578, %add3A_1635 : i32
        %get3A_1637 = arith.index_cast %add3A_1636 : i32 to index
        %get3A_1638 = tpu.vector_load %arg10[%get3A_1637] {strides = array<i32>} : memref<65536xf32, #tpu.memory_space<vmem>>, vector<16xf32>,
        %get3A_1639 = vector.shape_cast %get3A_1638 : vector<16xf32> to vector<16xf32>
        %add3A_1640 = arith.constant 48 : i32
        %add3A_1641 = arith.addi %multiple_of3A_1578, %add3A_1640 : i32
        %get3A_1642 = arith.index_cast %add3A_1641 : i32 to index
        %get3A_1643 = tpu.vector_load %arg10[%get3A_1642] {strides = array<i32>} : memref<65536xf32, #tpu.memory_space<vmem>>, vector<16xf32>,
        %get3A_1644 = vector.shape_cast %get3A_1643 : vector<16xf32> to vector<16xf32>
        %add3A_1645 = arith.constant 64 : i32
        %add3A_1646 = arith.addi %multiple_of3A_1578, %add3A_1645 : i32
        %get3A_1647 = arith.index_cast %add3A_1646 : i32 to index
        %get3A_1648 = tpu.vector_load %arg10[%get3A_1647] {strides = array<i32>} : memref<65536xf32, #tpu.memory_space<vmem>>, vector<16xf32>,
        %get3A_1649 = vector.shape_cast %get3A_1648 : vector<16xf32> to vector<16xf32>
        %add3A_1650 = arith.constant 80 : i32
        %add3A_1651 = arith.addi %multiple_of3A_1578, %add3A_1650 : i32
        %get3A_1652 = arith.index_cast %add3A_1651 : i32 to index
        %get3A_1653 = tpu.vector_load %arg10[%get3A_1652] {strides = array<i32>} : memref<65536xf32, #tpu.memory_space<vmem>>, vector<16xf32>,
        %get3A_1654 = vector.shape_cast %get3A_1653 : vector<16xf32> to vector<16xf32>
        %add3A_1655 = arith.constant 96 : i32
        %add3A_1656 = arith.addi %multiple_of3A_1578, %add3A_1655 : i32
        %get3A_1657 = arith.index_cast %add3A_1656 : i32 to index
        %get3A_1658 = tpu.vector_load %arg10[%get3A_1657] {strides = array<i32>} : memref<65536xf32, #tpu.memory_space<vmem>>, vector<16xf32>,
        %get3A_1659 = vector.shape_cast %get3A_1658 : vector<16xf32> to vector<16xf32>
        %add3A_1660 = arith.constant 112 : i32
        %add3A_1661 = arith.addi %multiple_of3A_1578, %add3A_1660 : i32
        %get3A_1662 = arith.index_cast %add3A_1661 : i32 to index
        %get3A_1663 = tpu.vector_load %arg10[%get3A_1662] {strides = array<i32>} : memref<65536xf32, #tpu.memory_space<vmem>>, vector<16xf32>,
        %get3A_1664 = vector.shape_cast %get3A_1663 : vector<16xf32> to vector<16xf32>
        %max3A_1665 = arith.maximumf %get3A_1629, %get3A_1589 : vector<16xf32>
        %add3A_1666 = arith.constant 0 : i32
        %add3A_1667 = arith.addi %multiple_of3A_1578, %add3A_1666 : i32
        %swap3A_1668 = arith.index_cast %add3A_1667 : i32 to index
        %swap3A_1669 = tpu.vector_load %arg10[%swap3A_1668] {strides = array<i32>} : memref<65536xf32, #tpu.memory_space<vmem>>, vector<16xf32>,
        %swap3A_1670 = vector.shape_cast %swap3A_1669 : vector<16xf32> to vector<16xf32>
        %swap3A_1671 = vector.shape_cast %max3A_1665 : vector<16xf32> to vector<16xf32>
        tpu.vector_store %arg10[%swap3A_1668], %swap3A_1671 {strides = array<i32>} : memref<65536xf32, #tpu.memory_space<vmem>>, vector<16xf32>,
        %max3A_1672 = arith.maximumf %get3A_1634, %get3A_1594 : vector<16xf32>
        %add3A_1673 = arith.constant 16 : i32
        %add3A_1674 = arith.addi %multiple_of3A_1578, %add3A_1673 : i32
        %swap3A_1675 = arith.index_cast %add3A_1674 : i32 to index
        %swap3A_1676 = tpu.vector_load %arg10[%swap3A_1675] {strides = array<i32>} : memref<65536xf32, #tpu.memory_space<vmem>>, vector<16xf32>,
        %swap3A_1677 = vector.shape_cast %swap3A_1676 : vector<16xf32> to vector<16xf32>
        %swap3A_1678 = vector.shape_cast %max3A_1672 : vector<16xf32> to vector<16xf32>
        tpu.vector_store %arg10[%swap3A_1675], %swap3A_1678 {strides = array<i32>} : memref<65536xf32, #tpu.memory_space<vmem>>, vector<16xf32>,
        %max3A_1679 = arith.maximumf %get3A_1639, %get3A_1599 : vector<16xf32>
        %add3A_1680 = arith.constant 32 : i32
        %add3A_1681 = arith.addi %multiple_of3A_1578, %add3A_1680 : i32
        %swap3A_1682 = arith.index_cast %add3A_1681 : i32 to index
        %swap3A_1683 = tpu.vector_load %arg10[%swap3A_1682] {strides = array<i32>} : memref<65536xf32, #tpu.memory_space<vmem>>, vector<16xf32>,
        %swap3A_1684 = vector.shape_cast %swap3A_1683 : vector<16xf32> to vector<16xf32>
        %swap3A_1685 = vector.shape_cast %max3A_1679 : vector<16xf32> to vector<16xf32>
        tpu.vector_store %arg10[%swap3A_1682], %swap3A_1685 {strides = array<i32>} : memref<65536xf32, #tpu.memory_space<vmem>>, vector<16xf32>,
        %max3A_1686 = arith.maximumf %get3A_1644, %get3A_1604 : vector<16xf32>
        %add3A_1687 = arith.constant 48 : i32
        %add3A_1688 = arith.addi %multiple_of3A_1578, %add3A_1687 : i32
        %swap3A_1689 = arith.index_cast %add3A_1688 : i32 to index
        %swap3A_1690 = tpu.vector_load %arg10[%swap3A_1689] {strides = array<i32>} : memref<65536xf32, #tpu.memory_space<vmem>>, vector<16xf32>,
        %swap3A_1691 = vector.shape_cast %swap3A_1690 : vector<16xf32> to vector<16xf32>
        %swap3A_1692 = vector.shape_cast %max3A_1686 : vector<16xf32> to vector<16xf32>
        tpu.vector_store %arg10[%swap3A_1689], %swap3A_1692 {strides = array<i32>} : memref<65536xf32, #tpu.memory_space<vmem>>, vector<16xf32>,
        %max3A_1693 = arith.maximumf %get3A_1649, %get3A_1609 : vector<16xf32>
        %add3A_1694 = arith.constant 64 : i32
        %add3A_1695 = arith.addi %multiple_of3A_1578, %add3A_1694 : i32
        %swap3A_1696 = arith.index_cast %add3A_1695 : i32 to index
        %swap3A_1697 = tpu.vector_load %arg10[%swap3A_1696] {strides = array<i32>} : memref<65536xf32, #tpu.memory_space<vmem>>, vector<16xf32>,
        %swap3A_1698 = vector.shape_cast %swap3A_1697 : vector<16xf32> to vector<16xf32>
        %swap3A_1699 = vector.shape_cast %max3A_1693 : vector<16xf32> to vector<16xf32>
        tpu.vector_store %arg10[%swap3A_1696], %swap3A_1699 {strides = array<i32>} : memref<65536xf32, #tpu.memory_space<vmem>>, vector<16xf32>,
        %max3A_1700 = arith.maximumf %get3A_1654, %get3A_1614 : vector<16xf32>
        %add3A_1701 = arith.constant 80 : i32
        %add3A_1702 = arith.addi %multiple_of3A_1578, %add3A_1701 : i32
        %swap3A_1703 = arith.index_cast %add3A_1702 : i32 to index
        %swap3A_1704 = tpu.vector_load %arg10[%swap3A_1703] {strides = array<i32>} : memref<65536xf32, #tpu.memory_space<vmem>>, vector<16xf32>,
        %swap3A_1705 = vector.shape_cast %swap3A_1704 : vector<16xf32> to vector<16xf32>
        %swap3A_1706 = vector.shape_cast %max3A_1700 : vector<16xf32> to vector<16xf32>
        tpu.vector_store %arg10[%swap3A_1703], %swap3A_1706 {strides = array<i32>} : memref<65536xf32, #tpu.memory_space<vmem>>, vector<16xf32>,
        %max3A_1707 = arith.maximumf %get3A_1659, %get3A_1619 : vector<16xf32>
        %add3A_1708 = arith.constant 96 : i32
        %add3A_1709 = arith.addi %multiple_of3A_1578, %add3A_1708 : i32
        %swap3A_1710 = arith.index_cast %add3A_1709 : i32 to index
        %swap3A_1711 = tpu.vector_load %arg10[%swap3A_1710] {strides = array<i32>} : memref<65536xf32, #tpu.memory_space<vmem>>, vector<16xf32>,
        %swap3A_1712 = vector.shape_cast %swap3A_1711 : vector<16xf32> to vector<16xf32>
        %swap3A_1713 = vector.shape_cast %max3A_1707 : vector<16xf32> to vector<16xf32>
        tpu.vector_store %arg10[%swap3A_1710], %swap3A_1713 {strides = array<i32>} : memref<65536xf32, #tpu.memory_space<vmem>>, vector<16xf32>,
        %max3A_1714 = arith.maximumf %get3A_1664, %get3A_1624 : vector<16xf32>
        %add3A_1715 = arith.constant 112 : i32
        %add3A_1716 = arith.addi %multiple_of3A_1578, %add3A_1715 : i32
        %swap3A_1717 = arith.index_cast %add3A_1716 : i32 to index
        %swap3A_1718 = tpu.vector_load %arg10[%swap3A_1717] {strides = array<i32>} : memref<65536xf32, #tpu.memory_space<vmem>>, vector<16xf32>,
        %swap3A_1719 = vector.shape_cast %swap3A_1718 : vector<16xf32> to vector<16xf32>
        %swap3A_1720 = vector.shape_cast %max3A_1714 : vector<16xf32> to vector<16xf32>
        tpu.vector_store %arg10[%swap3A_1717], %swap3A_1720 {strides = array<i32>} : memref<65536xf32, #tpu.memory_space<vmem>>, vector<16xf32>,
        %slice3A_1721 = vector.extract_strided_slice %mul3A_128 {offsets = [11], sizes = [1], strides = [1]} : vector<16xi32> to vector<1xi32>
        %squeeze3A_1722 = vector.extract %slice3A_1721[0] : i32 from vector<1xi32>
        %multiple_of3A_1723 = tpu.assume_multiple %squeeze3A_1722, 128 : i32
        %mul3A_1724 = arith.constant 16 : i32
        %mul3A_1725 = arith.muli %scan3A_70, %mul3A_1724 : i32
        %add3A_1726 = arith.constant 11 : i32
        %add3A_1727 = arith.addi %mul3A_1725, %add3A_1726 : i32
        %mul3A_1728 = arith.constant 128 : i32
        %mul3A_1729 = arith.muli %add3A_1727, %mul3A_1728 : i32
        %add3A_1730 = arith.constant 0 : i32
        %add3A_1731 = arith.addi %mul3A_1729, %add3A_1730 : i32
        %get3A_1732 = arith.index_cast %add3A_1731 : i32 to index
        %get3A_1733 = tpu.vector_load %arg7[%get3A_1732] {strides = array<i32>} : memref<16384xf32, #tpu.memory_space<vmem>>, vector<16xf32>,
        %get3A_1734 = vector.shape_cast %get3A_1733 : vector<16xf32> to vector<16xf32>
        %add3A_1735 = arith.constant 16 : i32
        %add3A_1736 = arith.addi %mul3A_1729, %add3A_1735 : i32
        %get3A_1737 = arith.index_cast %add3A_1736 : i32 to index
        %get3A_1738 = tpu.vector_load %arg7[%get3A_1737] {strides = array<i32>} : memref<16384xf32, #tpu.memory_space<vmem>>, vector<16xf32>,
        %get3A_1739 = vector.shape_cast %get3A_1738 : vector<16xf32> to vector<16xf32>
        %add3A_1740 = arith.constant 32 : i32
        %add3A_1741 = arith.addi %mul3A_1729, %add3A_1740 : i32
        %get3A_1742 = arith.index_cast %add3A_1741 : i32 to index
        %get3A_1743 = tpu.vector_load %arg7[%get3A_1742] {strides = array<i32>} : memref<16384xf32, #tpu.memory_space<vmem>>, vector<16xf32>,
        %get3A_1744 = vector.shape_cast %get3A_1743 : vector<16xf32> to vector<16xf32>
        %add3A_1745 = arith.constant 48 : i32
        %add3A_1746 = arith.addi %mul3A_1729, %add3A_1745 : i32
        %get3A_1747 = arith.index_cast %add3A_1746 : i32 to index
        %get3A_1748 = tpu.vector_load %arg7[%get3A_1747] {strides = array<i32>} : memref<16384xf32, #tpu.memory_space<vmem>>, vector<16xf32>,
        %get3A_1749 = vector.shape_cast %get3A_1748 : vector<16xf32> to vector<16xf32>
        %add3A_1750 = arith.constant 64 : i32
        %add3A_1751 = arith.addi %mul3A_1729, %add3A_1750 : i32
        %get3A_1752 = arith.index_cast %add3A_1751 : i32 to index
        %get3A_1753 = tpu.vector_load %arg7[%get3A_1752] {strides = array<i32>} : memref<16384xf32, #tpu.memory_space<vmem>>, vector<16xf32>,
        %get3A_1754 = vector.shape_cast %get3A_1753 : vector<16xf32> to vector<16xf32>
        %add3A_1755 = arith.constant 80 : i32
        %add3A_1756 = arith.addi %mul3A_1729, %add3A_1755 : i32
        %get3A_1757 = arith.index_cast %add3A_1756 : i32 to index
        %get3A_1758 = tpu.vector_load %arg7[%get3A_1757] {strides = array<i32>} : memref<16384xf32, #tpu.memory_space<vmem>>, vector<16xf32>,
        %get3A_1759 = vector.shape_cast %get3A_1758 : vector<16xf32> to vector<16xf32>
        %add3A_1760 = arith.constant 96 : i32
        %add3A_1761 = arith.addi %mul3A_1729, %add3A_1760 : i32
        %get3A_1762 = arith.index_cast %add3A_1761 : i32 to index
        %get3A_1763 = tpu.vector_load %arg7[%get3A_1762] {strides = array<i32>} : memref<16384xf32, #tpu.memory_space<vmem>>, vector<16xf32>,
        %get3A_1764 = vector.shape_cast %get3A_1763 : vector<16xf32> to vector<16xf32>
        %add3A_1765 = arith.constant 112 : i32
        %add3A_1766 = arith.addi %mul3A_1729, %add3A_1765 : i32
        %get3A_1767 = arith.index_cast %add3A_1766 : i32 to index
        %get3A_1768 = tpu.vector_load %arg7[%get3A_1767] {strides = array<i32>} : memref<16384xf32, #tpu.memory_space<vmem>>, vector<16xf32>,
        %get3A_1769 = vector.shape_cast %get3A_1768 : vector<16xf32> to vector<16xf32>
        %add3A_1770 = arith.constant 0 : i32
        %add3A_1771 = arith.addi %multiple_of3A_1723, %add3A_1770 : i32
        %get3A_1772 = arith.index_cast %add3A_1771 : i32 to index
        %get3A_1773 = tpu.vector_load %arg10[%get3A_1772] {strides = array<i32>} : memref<65536xf32, #tpu.memory_space<vmem>>, vector<16xf32>,
        %get3A_1774 = vector.shape_cast %get3A_1773 : vector<16xf32> to vector<16xf32>
        %add3A_1775 = arith.constant 16 : i32
        %add3A_1776 = arith.addi %multiple_of3A_1723, %add3A_1775 : i32
        %get3A_1777 = arith.index_cast %add3A_1776 : i32 to index
        %get3A_1778 = tpu.vector_load %arg10[%get3A_1777] {strides = array<i32>} : memref<65536xf32, #tpu.memory_space<vmem>>, vector<16xf32>,
        %get3A_1779 = vector.shape_cast %get3A_1778 : vector<16xf32> to vector<16xf32>
        %add3A_1780 = arith.constant 32 : i32
        %add3A_1781 = arith.addi %multiple_of3A_1723, %add3A_1780 : i32
        %get3A_1782 = arith.index_cast %add3A_1781 : i32 to index
        %get3A_1783 = tpu.vector_load %arg10[%get3A_1782] {strides = array<i32>} : memref<65536xf32, #tpu.memory_space<vmem>>, vector<16xf32>,
        %get3A_1784 = vector.shape_cast %get3A_1783 : vector<16xf32> to vector<16xf32>
        %add3A_1785 = arith.constant 48 : i32
        %add3A_1786 = arith.addi %multiple_of3A_1723, %add3A_1785 : i32
        %get3A_1787 = arith.index_cast %add3A_1786 : i32 to index
        %get3A_1788 = tpu.vector_load %arg10[%get3A_1787] {strides = array<i32>} : memref<65536xf32, #tpu.memory_space<vmem>>, vector<16xf32>,
        %get3A_1789 = vector.shape_cast %get3A_1788 : vector<16xf32> to vector<16xf32>
        %add3A_1790 = arith.constant 64 : i32
        %add3A_1791 = arith.addi %multiple_of3A_1723, %add3A_1790 : i32
        %get3A_1792 = arith.index_cast %add3A_1791 : i32 to index
        %get3A_1793 = tpu.vector_load %arg10[%get3A_1792] {strides = array<i32>} : memref<65536xf32, #tpu.memory_space<vmem>>, vector<16xf32>,
        %get3A_1794 = vector.shape_cast %get3A_1793 : vector<16xf32> to vector<16xf32>
        %add3A_1795 = arith.constant 80 : i32
        %add3A_1796 = arith.addi %multiple_of3A_1723, %add3A_1795 : i32
        %get3A_1797 = arith.index_cast %add3A_1796 : i32 to index
        %get3A_1798 = tpu.vector_load %arg10[%get3A_1797] {strides = array<i32>} : memref<65536xf32, #tpu.memory_space<vmem>>, vector<16xf32>,
        %get3A_1799 = vector.shape_cast %get3A_1798 : vector<16xf32> to vector<16xf32>
        %add3A_1800 = arith.constant 96 : i32
        %add3A_1801 = arith.addi %multiple_of3A_1723, %add3A_1800 : i32
        %get3A_1802 = arith.index_cast %add3A_1801 : i32 to index
        %get3A_1803 = tpu.vector_load %arg10[%get3A_1802] {strides = array<i32>} : memref<65536xf32, #tpu.memory_space<vmem>>, vector<16xf32>,
        %get3A_1804 = vector.shape_cast %get3A_1803 : vector<16xf32> to vector<16xf32>
        %add3A_1805 = arith.constant 112 : i32
        %add3A_1806 = arith.addi %multiple_of3A_1723, %add3A_1805 : i32
        %get3A_1807 = arith.index_cast %add3A_1806 : i32 to index
        %get3A_1808 = tpu.vector_load %arg10[%get3A_1807] {strides = array<i32>} : memref<65536xf32, #tpu.memory_space<vmem>>, vector<16xf32>,
        %get3A_1809 = vector.shape_cast %get3A_1808 : vector<16xf32> to vector<16xf32>
        %max3A_1810 = arith.maximumf %get3A_1774, %get3A_1734 : vector<16xf32>
        %add3A_1811 = arith.constant 0 : i32
        %add3A_1812 = arith.addi %multiple_of3A_1723, %add3A_1811 : i32
        %swap3A_1813 = arith.index_cast %add3A_1812 : i32 to index
        %swap3A_1814 = tpu.vector_load %arg10[%swap3A_1813] {strides = array<i32>} : memref<65536xf32, #tpu.memory_space<vmem>>, vector<16xf32>,
        %swap3A_1815 = vector.shape_cast %swap3A_1814 : vector<16xf32> to vector<16xf32>
        %swap3A_1816 = vector.shape_cast %max3A_1810 : vector<16xf32> to vector<16xf32>
        tpu.vector_store %arg10[%swap3A_1813], %swap3A_1816 {strides = array<i32>} : memref<65536xf32, #tpu.memory_space<vmem>>, vector<16xf32>,
        %max3A_1817 = arith.maximumf %get3A_1779, %get3A_1739 : vector<16xf32>
        %add3A_1818 = arith.constant 16 : i32
        %add3A_1819 = arith.addi %multiple_of3A_1723, %add3A_1818 : i32
        %swap3A_1820 = arith.index_cast %add3A_1819 : i32 to index
        %swap3A_1821 = tpu.vector_load %arg10[%swap3A_1820] {strides = array<i32>} : memref<65536xf32, #tpu.memory_space<vmem>>, vector<16xf32>,
        %swap3A_1822 = vector.shape_cast %swap3A_1821 : vector<16xf32> to vector<16xf32>
        %swap3A_1823 = vector.shape_cast %max3A_1817 : vector<16xf32> to vector<16xf32>
        tpu.vector_store %arg10[%swap3A_1820], %swap3A_1823 {strides = array<i32>} : memref<65536xf32, #tpu.memory_space<vmem>>, vector<16xf32>,
        %max3A_1824 = arith.maximumf %get3A_1784, %get3A_1744 : vector<16xf32>
        %add3A_1825 = arith.constant 32 : i32
        %add3A_1826 = arith.addi %multiple_of3A_1723, %add3A_1825 : i32
        %swap3A_1827 = arith.index_cast %add3A_1826 : i32 to index
        %swap3A_1828 = tpu.vector_load %arg10[%swap3A_1827] {strides = array<i32>} : memref<65536xf32, #tpu.memory_space<vmem>>, vector<16xf32>,
        %swap3A_1829 = vector.shape_cast %swap3A_1828 : vector<16xf32> to vector<16xf32>
        %swap3A_1830 = vector.shape_cast %max3A_1824 : vector<16xf32> to vector<16xf32>
        tpu.vector_store %arg10[%swap3A_1827], %swap3A_1830 {strides = array<i32>} : memref<65536xf32, #tpu.memory_space<vmem>>, vector<16xf32>,
        %max3A_1831 = arith.maximumf %get3A_1789, %get3A_1749 : vector<16xf32>
        %add3A_1832 = arith.constant 48 : i32
        %add3A_1833 = arith.addi %multiple_of3A_1723, %add3A_1832 : i32
        %swap3A_1834 = arith.index_cast %add3A_1833 : i32 to index
        %swap3A_1835 = tpu.vector_load %arg10[%swap3A_1834] {strides = array<i32>} : memref<65536xf32, #tpu.memory_space<vmem>>, vector<16xf32>,
        %swap3A_1836 = vector.shape_cast %swap3A_1835 : vector<16xf32> to vector<16xf32>
        %swap3A_1837 = vector.shape_cast %max3A_1831 : vector<16xf32> to vector<16xf32>
        tpu.vector_store %arg10[%swap3A_1834], %swap3A_1837 {strides = array<i32>} : memref<65536xf32, #tpu.memory_space<vmem>>, vector<16xf32>,
        %max3A_1838 = arith.maximumf %get3A_1794, %get3A_1754 : vector<16xf32>
        %add3A_1839 = arith.constant 64 : i32
        %add3A_1840 = arith.addi %multiple_of3A_1723, %add3A_1839 : i32
        %swap3A_1841 = arith.index_cast %add3A_1840 : i32 to index
        %swap3A_1842 = tpu.vector_load %arg10[%swap3A_1841] {strides = array<i32>} : memref<65536xf32, #tpu.memory_space<vmem>>, vector<16xf32>,
        %swap3A_1843 = vector.shape_cast %swap3A_1842 : vector<16xf32> to vector<16xf32>
        %swap3A_1844 = vector.shape_cast %max3A_1838 : vector<16xf32> to vector<16xf32>
        tpu.vector_store %arg10[%swap3A_1841], %swap3A_1844 {strides = array<i32>} : memref<65536xf32, #tpu.memory_space<vmem>>, vector<16xf32>,
        %max3A_1845 = arith.maximumf %get3A_1799, %get3A_1759 : vector<16xf32>
        %add3A_1846 = arith.constant 80 : i32
        %add3A_1847 = arith.addi %multiple_of3A_1723, %add3A_1846 : i32
        %swap3A_1848 = arith.index_cast %add3A_1847 : i32 to index
        %swap3A_1849 = tpu.vector_load %arg10[%swap3A_1848] {strides = array<i32>} : memref<65536xf32, #tpu.memory_space<vmem>>, vector<16xf32>,
        %swap3A_1850 = vector.shape_cast %swap3A_1849 : vector<16xf32> to vector<16xf32>
        %swap3A_1851 = vector.shape_cast %max3A_1845 : vector<16xf32> to vector<16xf32>
        tpu.vector_store %arg10[%swap3A_1848], %swap3A_1851 {strides = array<i32>} : memref<65536xf32, #tpu.memory_space<vmem>>, vector<16xf32>,
        %max3A_1852 = arith.maximumf %get3A_1804, %get3A_1764 : vector<16xf32>
        %add3A_1853 = arith.constant 96 : i32
        %add3A_1854 = arith.addi %multiple_of3A_1723, %add3A_1853 : i32
        %swap3A_1855 = arith.index_cast %add3A_1854 : i32 to index
        %swap3A_1856 = tpu.vector_load %arg10[%swap3A_1855] {strides = array<i32>} : memref<65536xf32, #tpu.memory_space<vmem>>, vector<16xf32>,
        %swap3A_1857 = vector.shape_cast %swap3A_1856 : vector<16xf32> to vector<16xf32>
        %swap3A_1858 = vector.shape_cast %max3A_1852 : vector<16xf32> to vector<16xf32>
        tpu.vector_store %arg10[%swap3A_1855], %swap3A_1858 {strides = array<i32>} : memref<65536xf32, #tpu.memory_space<vmem>>, vector<16xf32>,
        %max3A_1859 = arith.maximumf %get3A_1809, %get3A_1769 : vector<16xf32>
        %add3A_1860 = arith.constant 112 : i32
        %add3A_1861 = arith.addi %multiple_of3A_1723, %add3A_1860 : i32
        %swap3A_1862 = arith.index_cast %add3A_1861 : i32 to index
        %swap3A_1863 = tpu.vector_load %arg10[%swap3A_1862] {strides = array<i32>} : memref<65536xf32, #tpu.memory_space<vmem>>, vector<16xf32>,
        %swap3A_1864 = vector.shape_cast %swap3A_1863 : vector<16xf32> to vector<16xf32>
        %swap3A_1865 = vector.shape_cast %max3A_1859 : vector<16xf32> to vector<16xf32>
        tpu.vector_store %arg10[%swap3A_1862], %swap3A_1865 {strides = array<i32>} : memref<65536xf32, #tpu.memory_space<vmem>>, vector<16xf32>,
        %slice3A_1866 = vector.extract_strided_slice %mul3A_128 {offsets = [12], sizes = [1], strides = [1]} : vector<16xi32> to vector<1xi32>
        %squeeze3A_1867 = vector.extract %slice3A_1866[0] : i32 from vector<1xi32>
        %multiple_of3A_1868 = tpu.assume_multiple %squeeze3A_1867, 128 : i32
        %mul3A_1869 = arith.constant 16 : i32
        %mul3A_1870 = arith.muli %scan3A_70, %mul3A_1869 : i32
        %add3A_1871 = arith.constant 12 : i32
        %add3A_1872 = arith.addi %mul3A_1870, %add3A_1871 : i32
        %mul3A_1873 = arith.constant 128 : i32
        %mul3A_1874 = arith.muli %add3A_1872, %mul3A_1873 : i32
        %add3A_1875 = arith.constant 0 : i32
        %add3A_1876 = arith.addi %mul3A_1874, %add3A_1875 : i32
        %get3A_1877 = arith.index_cast %add3A_1876 : i32 to index
        %get3A_1878 = tpu.vector_load %arg7[%get3A_1877] {strides = array<i32>} : memref<16384xf32, #tpu.memory_space<vmem>>, vector<16xf32>,
        %get3A_1879 = vector.shape_cast %get3A_1878 : vector<16xf32> to vector<16xf32>
        %add3A_1880 = arith.constant 16 : i32
        %add3A_1881 = arith.addi %mul3A_1874, %add3A_1880 : i32
        %get3A_1882 = arith.index_cast %add3A_1881 : i32 to index
        %get3A_1883 = tpu.vector_load %arg7[%get3A_1882] {strides = array<i32>} : memref<16384xf32, #tpu.memory_space<vmem>>, vector<16xf32>,
        %get3A_1884 = vector.shape_cast %get3A_1883 : vector<16xf32> to vector<16xf32>
        %add3A_1885 = arith.constant 32 : i32
        %add3A_1886 = arith.addi %mul3A_1874, %add3A_1885 : i32
        %get3A_1887 = arith.index_cast %add3A_1886 : i32 to index
        %get3A_1888 = tpu.vector_load %arg7[%get3A_1887] {strides = array<i32>} : memref<16384xf32, #tpu.memory_space<vmem>>, vector<16xf32>,
        %get3A_1889 = vector.shape_cast %get3A_1888 : vector<16xf32> to vector<16xf32>
        %add3A_1890 = arith.constant 48 : i32
        %add3A_1891 = arith.addi %mul3A_1874, %add3A_1890 : i32
        %get3A_1892 = arith.index_cast %add3A_1891 : i32 to index
        %get3A_1893 = tpu.vector_load %arg7[%get3A_1892] {strides = array<i32>} : memref<16384xf32, #tpu.memory_space<vmem>>, vector<16xf32>,
        %get3A_1894 = vector.shape_cast %get3A_1893 : vector<16xf32> to vector<16xf32>
        %add3A_1895 = arith.constant 64 : i32
        %add3A_1896 = arith.addi %mul3A_1874, %add3A_1895 : i32
        %get3A_1897 = arith.index_cast %add3A_1896 : i32 to index
        %get3A_1898 = tpu.vector_load %arg7[%get3A_1897] {strides = array<i32>} : memref<16384xf32, #tpu.memory_space<vmem>>, vector<16xf32>,
        %get3A_1899 = vector.shape_cast %get3A_1898 : vector<16xf32> to vector<16xf32>
        %add3A_1900 = arith.constant 80 : i32
        %add3A_1901 = arith.addi %mul3A_1874, %add3A_1900 : i32
        %get3A_1902 = arith.index_cast %add3A_1901 : i32 to index
        %get3A_1903 = tpu.vector_load %arg7[%get3A_1902] {strides = array<i32>} : memref<16384xf32, #tpu.memory_space<vmem>>, vector<16xf32>,
        %get3A_1904 = vector.shape_cast %get3A_1903 : vector<16xf32> to vector<16xf32>
        %add3A_1905 = arith.constant 96 : i32
        %add3A_1906 = arith.addi %mul3A_1874, %add3A_1905 : i32
        %get3A_1907 = arith.index_cast %add3A_1906 : i32 to index
        %get3A_1908 = tpu.vector_load %arg7[%get3A_1907] {strides = array<i32>} : memref<16384xf32, #tpu.memory_space<vmem>>, vector<16xf32>,
        %get3A_1909 = vector.shape_cast %get3A_1908 : vector<16xf32> to vector<16xf32>
        %add3A_1910 = arith.constant 112 : i32
        %add3A_1911 = arith.addi %mul3A_1874, %add3A_1910 : i32
        %get3A_1912 = arith.index_cast %add3A_1911 : i32 to index
        %get3A_1913 = tpu.vector_load %arg7[%get3A_1912] {strides = array<i32>} : memref<16384xf32, #tpu.memory_space<vmem>>, vector<16xf32>,
        %get3A_1914 = vector.shape_cast %get3A_1913 : vector<16xf32> to vector<16xf32>
        %add3A_1915 = arith.constant 0 : i32
        %add3A_1916 = arith.addi %multiple_of3A_1868, %add3A_1915 : i32
        %get3A_1917 = arith.index_cast %add3A_1916 : i32 to index
        %get3A_1918 = tpu.vector_load %arg10[%get3A_1917] {strides = array<i32>} : memref<65536xf32, #tpu.memory_space<vmem>>, vector<16xf32>,
        %get3A_1919 = vector.shape_cast %get3A_1918 : vector<16xf32> to vector<16xf32>
        %add3A_1920 = arith.constant 16 : i32
        %add3A_1921 = arith.addi %multiple_of3A_1868, %add3A_1920 : i32
        %get3A_1922 = arith.index_cast %add3A_1921 : i32 to index
        %get3A_1923 = tpu.vector_load %arg10[%get3A_1922] {strides = array<i32>} : memref<65536xf32, #tpu.memory_space<vmem>>, vector<16xf32>,
        %get3A_1924 = vector.shape_cast %get3A_1923 : vector<16xf32> to vector<16xf32>
        %add3A_1925 = arith.constant 32 : i32
        %add3A_1926 = arith.addi %multiple_of3A_1868, %add3A_1925 : i32
        %get3A_1927 = arith.index_cast %add3A_1926 : i32 to index
        %get3A_1928 = tpu.vector_load %arg10[%get3A_1927] {strides = array<i32>} : memref<65536xf32, #tpu.memory_space<vmem>>, vector<16xf32>,
        %get3A_1929 = vector.shape_cast %get3A_1928 : vector<16xf32> to vector<16xf32>
        %add3A_1930 = arith.constant 48 : i32
        %add3A_1931 = arith.addi %multiple_of3A_1868, %add3A_1930 : i32
        %get3A_1932 = arith.index_cast %add3A_1931 : i32 to index
        %get3A_1933 = tpu.vector_load %arg10[%get3A_1932] {strides = array<i32>} : memref<65536xf32, #tpu.memory_space<vmem>>, vector<16xf32>,
        %get3A_1934 = vector.shape_cast %get3A_1933 : vector<16xf32> to vector<16xf32>
        %add3A_1935 = arith.constant 64 : i32
        %add3A_1936 = arith.addi %multiple_of3A_1868, %add3A_1935 : i32
        %get3A_1937 = arith.index_cast %add3A_1936 : i32 to index
        %get3A_1938 = tpu.vector_load %arg10[%get3A_1937] {strides = array<i32>} : memref<65536xf32, #tpu.memory_space<vmem>>, vector<16xf32>,
        %get3A_1939 = vector.shape_cast %get3A_1938 : vector<16xf32> to vector<16xf32>
        %add3A_1940 = arith.constant 80 : i32
        %add3A_1941 = arith.addi %multiple_of3A_1868, %add3A_1940 : i32
        %get3A_1942 = arith.index_cast %add3A_1941 : i32 to index
        %get3A_1943 = tpu.vector_load %arg10[%get3A_1942] {strides = array<i32>} : memref<65536xf32, #tpu.memory_space<vmem>>, vector<16xf32>,
        %get3A_1944 = vector.shape_cast %get3A_1943 : vector<16xf32> to vector<16xf32>
        %add3A_1945 = arith.constant 96 : i32
        %add3A_1946 = arith.addi %multiple_of3A_1868, %add3A_1945 : i32
        %get3A_1947 = arith.index_cast %add3A_1946 : i32 to index
        %get3A_1948 = tpu.vector_load %arg10[%get3A_1947] {strides = array<i32>} : memref<65536xf32, #tpu.memory_space<vmem>>, vector<16xf32>,
        %get3A_1949 = vector.shape_cast %get3A_1948 : vector<16xf32> to vector<16xf32>
        %add3A_1950 = arith.constant 112 : i32
        %add3A_1951 = arith.addi %multiple_of3A_1868, %add3A_1950 : i32
        %get3A_1952 = arith.index_cast %add3A_1951 : i32 to index
        %get3A_1953 = tpu.vector_load %arg10[%get3A_1952] {strides = array<i32>} : memref<65536xf32, #tpu.memory_space<vmem>>, vector<16xf32>,
        %get3A_1954 = vector.shape_cast %get3A_1953 : vector<16xf32> to vector<16xf32>
        %max3A_1955 = arith.maximumf %get3A_1919, %get3A_1879 : vector<16xf32>
        %add3A_1956 = arith.constant 0 : i32
        %add3A_1957 = arith.addi %multiple_of3A_1868, %add3A_1956 : i32
        %swap3A_1958 = arith.index_cast %add3A_1957 : i32 to index
        %swap3A_1959 = tpu.vector_load %arg10[%swap3A_1958] {strides = array<i32>} : memref<65536xf32, #tpu.memory_space<vmem>>, vector<16xf32>,
        %swap3A_1960 = vector.shape_cast %swap3A_1959 : vector<16xf32> to vector<16xf32>
        %swap3A_1961 = vector.shape_cast %max3A_1955 : vector<16xf32> to vector<16xf32>
        tpu.vector_store %arg10[%swap3A_1958], %swap3A_1961 {strides = array<i32>} : memref<65536xf32, #tpu.memory_space<vmem>>, vector<16xf32>,
        %max3A_1962 = arith.maximumf %get3A_1924, %get3A_1884 : vector<16xf32>
        %add3A_1963 = arith.constant 16 : i32
        %add3A_1964 = arith.addi %multiple_of3A_1868, %add3A_1963 : i32
        %swap3A_1965 = arith.index_cast %add3A_1964 : i32 to index
        %swap3A_1966 = tpu.vector_load %arg10[%swap3A_1965] {strides = array<i32>} : memref<65536xf32, #tpu.memory_space<vmem>>, vector<16xf32>,
        %swap3A_1967 = vector.shape_cast %swap3A_1966 : vector<16xf32> to vector<16xf32>
        %swap3A_1968 = vector.shape_cast %max3A_1962 : vector<16xf32> to vector<16xf32>
        tpu.vector_store %arg10[%swap3A_1965], %swap3A_1968 {strides = array<i32>} : memref<65536xf32, #tpu.memory_space<vmem>>, vector<16xf32>,
        %max3A_1969 = arith.maximumf %get3A_1929, %get3A_1889 : vector<16xf32>
        %add3A_1970 = arith.constant 32 : i32
        %add3A_1971 = arith.addi %multiple_of3A_1868, %add3A_1970 : i32
        %swap3A_1972 = arith.index_cast %add3A_1971 : i32 to index
        %swap3A_1973 = tpu.vector_load %arg10[%swap3A_1972] {strides = array<i32>} : memref<65536xf32, #tpu.memory_space<vmem>>, vector<16xf32>,
        %swap3A_1974 = vector.shape_cast %swap3A_1973 : vector<16xf32> to vector<16xf32>
        %swap3A_1975 = vector.shape_cast %max3A_1969 : vector<16xf32> to vector<16xf32>
        tpu.vector_store %arg10[%swap3A_1972], %swap3A_1975 {strides = array<i32>} : memref<65536xf32, #tpu.memory_space<vmem>>, vector<16xf32>,
        %max3A_1976 = arith.maximumf %get3A_1934, %get3A_1894 : vector<16xf32>
        %add3A_1977 = arith.constant 48 : i32
        %add3A_1978 = arith.addi %multiple_of3A_1868, %add3A_1977 : i32
        %swap3A_1979 = arith.index_cast %add3A_1978 : i32 to index
        %swap3A_1980 = tpu.vector_load %arg10[%swap3A_1979] {strides = array<i32>} : memref<65536xf32, #tpu.memory_space<vmem>>, vector<16xf32>,
        %swap3A_1981 = vector.shape_cast %swap3A_1980 : vector<16xf32> to vector<16xf32>
        %swap3A_1982 = vector.shape_cast %max3A_1976 : vector<16xf32> to vector<16xf32>
        tpu.vector_store %arg10[%swap3A_1979], %swap3A_1982 {strides = array<i32>} : memref<65536xf32, #tpu.memory_space<vmem>>, vector<16xf32>,
        %max3A_1983 = arith.maximumf %get3A_1939, %get3A_1899 : vector<16xf32>
        %add3A_1984 = arith.constant 64 : i32
        %add3A_1985 = arith.addi %multiple_of3A_1868, %add3A_1984 : i32
        %swap3A_1986 = arith.index_cast %add3A_1985 : i32 to index
        %swap3A_1987 = tpu.vector_load %arg10[%swap3A_1986] {strides = array<i32>} : memref<65536xf32, #tpu.memory_space<vmem>>, vector<16xf32>,
        %swap3A_1988 = vector.shape_cast %swap3A_1987 : vector<16xf32> to vector<16xf32>
        %swap3A_1989 = vector.shape_cast %max3A_1983 : vector<16xf32> to vector<16xf32>
        tpu.vector_store %arg10[%swap3A_1986], %swap3A_1989 {strides = array<i32>} : memref<65536xf32, #tpu.memory_space<vmem>>, vector<16xf32>,
        %max3A_1990 = arith.maximumf %get3A_1944, %get3A_1904 : vector<16xf32>
        %add3A_1991 = arith.constant 80 : i32
        %add3A_1992 = arith.addi %multiple_of3A_1868, %add3A_1991 : i32
        %swap3A_1993 = arith.index_cast %add3A_1992 : i32 to index
        %swap3A_1994 = tpu.vector_load %arg10[%swap3A_1993] {strides = array<i32>} : memref<65536xf32, #tpu.memory_space<vmem>>, vector<16xf32>,
        %swap3A_1995 = vector.shape_cast %swap3A_1994 : vector<16xf32> to vector<16xf32>
        %swap3A_1996 = vector.shape_cast %max3A_1990 : vector<16xf32> to vector<16xf32>
        tpu.vector_store %arg10[%swap3A_1993], %swap3A_1996 {strides = array<i32>} : memref<65536xf32, #tpu.memory_space<vmem>>, vector<16xf32>,
        %max3A_1997 = arith.maximumf %get3A_1949, %get3A_1909 : vector<16xf32>
        %add3A_1998 = arith.constant 96 : i32
        %add3A_1999 = arith.addi %multiple_of3A_1868, %add3A_1998 : i32
        %swap3A_2000 = arith.index_cast %add3A_1999 : i32 to index
        %swap3A_2001 = tpu.vector_load %arg10[%swap3A_2000] {strides = array<i32>} : memref<65536xf32, #tpu.memory_space<vmem>>, vector<16xf32>,
        %swap3A_2002 = vector.shape_cast %swap3A_2001 : vector<16xf32> to vector<16xf32>
        %swap3A_2003 = vector.shape_cast %max3A_1997 : vector<16xf32> to vector<16xf32>
        tpu.vector_store %arg10[%swap3A_2000], %swap3A_2003 {strides = array<i32>} : memref<65536xf32, #tpu.memory_space<vmem>>, vector<16xf32>,
        %max3A_2004 = arith.maximumf %get3A_1954, %get3A_1914 : vector<16xf32>
        %add3A_2005 = arith.constant 112 : i32
        %add3A_2006 = arith.addi %multiple_of3A_1868, %add3A_2005 : i32
        %swap3A_2007 = arith.index_cast %add3A_2006 : i32 to index
        %swap3A_2008 = tpu.vector_load %arg10[%swap3A_2007] {strides = array<i32>} : memref<65536xf32, #tpu.memory_space<vmem>>, vector<16xf32>,
        %swap3A_2009 = vector.shape_cast %swap3A_2008 : vector<16xf32> to vector<16xf32>
        %swap3A_2010 = vector.shape_cast %max3A_2004 : vector<16xf32> to vector<16xf32>
        tpu.vector_store %arg10[%swap3A_2007], %swap3A_2010 {strides = array<i32>} : memref<65536xf32, #tpu.memory_space<vmem>>, vector<16xf32>,
        %slice3A_2011 = vector.extract_strided_slice %mul3A_128 {offsets = [13], sizes = [1], strides = [1]} : vector<16xi32> to vector<1xi32>
        %squeeze3A_2012 = vector.extract %slice3A_2011[0] : i32 from vector<1xi32>
        %multiple_of3A_2013 = tpu.assume_multiple %squeeze3A_2012, 128 : i32
        %mul3A_2014 = arith.constant 16 : i32
        %mul3A_2015 = arith.muli %scan3A_70, %mul3A_2014 : i32
        %add3A_2016 = arith.constant 13 : i32
        %add3A_2017 = arith.addi %mul3A_2015, %add3A_2016 : i32
        %mul3A_2018 = arith.constant 128 : i32
        %mul3A_2019 = arith.muli %add3A_2017, %mul3A_2018 : i32
        %add3A_2020 = arith.constant 0 : i32
        %add3A_2021 = arith.addi %mul3A_2019, %add3A_2020 : i32
        %get3A_2022 = arith.index_cast %add3A_2021 : i32 to index
        %get3A_2023 = tpu.vector_load %arg7[%get3A_2022] {strides = array<i32>} : memref<16384xf32, #tpu.memory_space<vmem>>, vector<16xf32>,
        %get3A_2024 = vector.shape_cast %get3A_2023 : vector<16xf32> to vector<16xf32>
        %add3A_2025 = arith.constant 16 : i32
        %add3A_2026 = arith.addi %mul3A_2019, %add3A_2025 : i32
        %get3A_2027 = arith.index_cast %add3A_2026 : i32 to index
        %get3A_2028 = tpu.vector_load %arg7[%get3A_2027] {strides = array<i32>} : memref<16384xf32, #tpu.memory_space<vmem>>, vector<16xf32>,
        %get3A_2029 = vector.shape_cast %get3A_2028 : vector<16xf32> to vector<16xf32>
        %add3A_2030 = arith.constant 32 : i32
        %add3A_2031 = arith.addi %mul3A_2019, %add3A_2030 : i32
        %get3A_2032 = arith.index_cast %add3A_2031 : i32 to index
        %get3A_2033 = tpu.vector_load %arg7[%get3A_2032] {strides = array<i32>} : memref<16384xf32, #tpu.memory_space<vmem>>, vector<16xf32>,
        %get3A_2034 = vector.shape_cast %get3A_2033 : vector<16xf32> to vector<16xf32>
        %add3A_2035 = arith.constant 48 : i32
        %add3A_2036 = arith.addi %mul3A_2019, %add3A_2035 : i32
        %get3A_2037 = arith.index_cast %add3A_2036 : i32 to index
        %get3A_2038 = tpu.vector_load %arg7[%get3A_2037] {strides = array<i32>} : memref<16384xf32, #tpu.memory_space<vmem>>, vector<16xf32>,
        %get3A_2039 = vector.shape_cast %get3A_2038 : vector<16xf32> to vector<16xf32>
        %add3A_2040 = arith.constant 64 : i32
        %add3A_2041 = arith.addi %mul3A_2019, %add3A_2040 : i32
        %get3A_2042 = arith.index_cast %add3A_2041 : i32 to index
        %get3A_2043 = tpu.vector_load %arg7[%get3A_2042] {strides = array<i32>} : memref<16384xf32, #tpu.memory_space<vmem>>, vector<16xf32>,
        %get3A_2044 = vector.shape_cast %get3A_2043 : vector<16xf32> to vector<16xf32>
        %add3A_2045 = arith.constant 80 : i32
        %add3A_2046 = arith.addi %mul3A_2019, %add3A_2045 : i32
        %get3A_2047 = arith.index_cast %add3A_2046 : i32 to index
        %get3A_2048 = tpu.vector_load %arg7[%get3A_2047] {strides = array<i32>} : memref<16384xf32, #tpu.memory_space<vmem>>, vector<16xf32>,
        %get3A_2049 = vector.shape_cast %get3A_2048 : vector<16xf32> to vector<16xf32>
        %add3A_2050 = arith.constant 96 : i32
        %add3A_2051 = arith.addi %mul3A_2019, %add3A_2050 : i32
        %get3A_2052 = arith.index_cast %add3A_2051 : i32 to index
        %get3A_2053 = tpu.vector_load %arg7[%get3A_2052] {strides = array<i32>} : memref<16384xf32, #tpu.memory_space<vmem>>, vector<16xf32>,
        %get3A_2054 = vector.shape_cast %get3A_2053 : vector<16xf32> to vector<16xf32>
        %add3A_2055 = arith.constant 112 : i32
        %add3A_2056 = arith.addi %mul3A_2019, %add3A_2055 : i32
        %get3A_2057 = arith.index_cast %add3A_2056 : i32 to index
        %get3A_2058 = tpu.vector_load %arg7[%get3A_2057] {strides = array<i32>} : memref<16384xf32, #tpu.memory_space<vmem>>, vector<16xf32>,
        %get3A_2059 = vector.shape_cast %get3A_2058 : vector<16xf32> to vector<16xf32>
        %add3A_2060 = arith.constant 0 : i32
        %add3A_2061 = arith.addi %multiple_of3A_2013, %add3A_2060 : i32
        %get3A_2062 = arith.index_cast %add3A_2061 : i32 to index
        %get3A_2063 = tpu.vector_load %arg10[%get3A_2062] {strides = array<i32>} : memref<65536xf32, #tpu.memory_space<vmem>>, vector<16xf32>,
        %get3A_2064 = vector.shape_cast %get3A_2063 : vector<16xf32> to vector<16xf32>
        %add3A_2065 = arith.constant 16 : i32
        %add3A_2066 = arith.addi %multiple_of3A_2013, %add3A_2065 : i32
        %get3A_2067 = arith.index_cast %add3A_2066 : i32 to index
        %get3A_2068 = tpu.vector_load %arg10[%get3A_2067] {strides = array<i32>} : memref<65536xf32, #tpu.memory_space<vmem>>, vector<16xf32>,
        %get3A_2069 = vector.shape_cast %get3A_2068 : vector<16xf32> to vector<16xf32>
        %add3A_2070 = arith.constant 32 : i32
        %add3A_2071 = arith.addi %multiple_of3A_2013, %add3A_2070 : i32
        %get3A_2072 = arith.index_cast %add3A_2071 : i32 to index
        %get3A_2073 = tpu.vector_load %arg10[%get3A_2072] {strides = array<i32>} : memref<65536xf32, #tpu.memory_space<vmem>>, vector<16xf32>,
        %get3A_2074 = vector.shape_cast %get3A_2073 : vector<16xf32> to vector<16xf32>
        %add3A_2075 = arith.constant 48 : i32
        %add3A_2076 = arith.addi %multiple_of3A_2013, %add3A_2075 : i32
        %get3A_2077 = arith.index_cast %add3A_2076 : i32 to index
        %get3A_2078 = tpu.vector_load %arg10[%get3A_2077] {strides = array<i32>} : memref<65536xf32, #tpu.memory_space<vmem>>, vector<16xf32>,
        %get3A_2079 = vector.shape_cast %get3A_2078 : vector<16xf32> to vector<16xf32>
        %add3A_2080 = arith.constant 64 : i32
        %add3A_2081 = arith.addi %multiple_of3A_2013, %add3A_2080 : i32
        %get3A_2082 = arith.index_cast %add3A_2081 : i32 to index
        %get3A_2083 = tpu.vector_load %arg10[%get3A_2082] {strides = array<i32>} : memref<65536xf32, #tpu.memory_space<vmem>>, vector<16xf32>,
        %get3A_2084 = vector.shape_cast %get3A_2083 : vector<16xf32> to vector<16xf32>
        %add3A_2085 = arith.constant 80 : i32
        %add3A_2086 = arith.addi %multiple_of3A_2013, %add3A_2085 : i32
        %get3A_2087 = arith.index_cast %add3A_2086 : i32 to index
        %get3A_2088 = tpu.vector_load %arg10[%get3A_2087] {strides = array<i32>} : memref<65536xf32, #tpu.memory_space<vmem>>, vector<16xf32>,
        %get3A_2089 = vector.shape_cast %get3A_2088 : vector<16xf32> to vector<16xf32>
        %add3A_2090 = arith.constant 96 : i32
        %add3A_2091 = arith.addi %multiple_of3A_2013, %add3A_2090 : i32
        %get3A_2092 = arith.index_cast %add3A_2091 : i32 to index
        %get3A_2093 = tpu.vector_load %arg10[%get3A_2092] {strides = array<i32>} : memref<65536xf32, #tpu.memory_space<vmem>>, vector<16xf32>,
        %get3A_2094 = vector.shape_cast %get3A_2093 : vector<16xf32> to vector<16xf32>
        %add3A_2095 = arith.constant 112 : i32
        %add3A_2096 = arith.addi %multiple_of3A_2013, %add3A_2095 : i32
        %get3A_2097 = arith.index_cast %add3A_2096 : i32 to index
        %get3A_2098 = tpu.vector_load %arg10[%get3A_2097] {strides = array<i32>} : memref<65536xf32, #tpu.memory_space<vmem>>, vector<16xf32>,
        %get3A_2099 = vector.shape_cast %get3A_2098 : vector<16xf32> to vector<16xf32>
        %max3A_2100 = arith.maximumf %get3A_2064, %get3A_2024 : vector<16xf32>
        %add3A_2101 = arith.constant 0 : i32
        %add3A_2102 = arith.addi %multiple_of3A_2013, %add3A_2101 : i32
        %swap3A_2103 = arith.index_cast %add3A_2102 : i32 to index
        %swap3A_2104 = tpu.vector_load %arg10[%swap3A_2103] {strides = array<i32>} : memref<65536xf32, #tpu.memory_space<vmem>>, vector<16xf32>,
        %swap3A_2105 = vector.shape_cast %swap3A_2104 : vector<16xf32> to vector<16xf32>
        %swap3A_2106 = vector.shape_cast %max3A_2100 : vector<16xf32> to vector<16xf32>
        tpu.vector_store %arg10[%swap3A_2103], %swap3A_2106 {strides = array<i32>} : memref<65536xf32, #tpu.memory_space<vmem>>, vector<16xf32>,
        %max3A_2107 = arith.maximumf %get3A_2069, %get3A_2029 : vector<16xf32>
        %add3A_2108 = arith.constant 16 : i32
        %add3A_2109 = arith.addi %multiple_of3A_2013, %add3A_2108 : i32
        %swap3A_2110 = arith.index_cast %add3A_2109 : i32 to index
        %swap3A_2111 = tpu.vector_load %arg10[%swap3A_2110] {strides = array<i32>} : memref<65536xf32, #tpu.memory_space<vmem>>, vector<16xf32>,
        %swap3A_2112 = vector.shape_cast %swap3A_2111 : vector<16xf32> to vector<16xf32>
        %swap3A_2113 = vector.shape_cast %max3A_2107 : vector<16xf32> to vector<16xf32>
        tpu.vector_store %arg10[%swap3A_2110], %swap3A_2113 {strides = array<i32>} : memref<65536xf32, #tpu.memory_space<vmem>>, vector<16xf32>,
        %max3A_2114 = arith.maximumf %get3A_2074, %get3A_2034 : vector<16xf32>
        %add3A_2115 = arith.constant 32 : i32
        %add3A_2116 = arith.addi %multiple_of3A_2013, %add3A_2115 : i32
        %swap3A_2117 = arith.index_cast %add3A_2116 : i32 to index
        %swap3A_2118 = tpu.vector_load %arg10[%swap3A_2117] {strides = array<i32>} : memref<65536xf32, #tpu.memory_space<vmem>>, vector<16xf32>,
        %swap3A_2119 = vector.shape_cast %swap3A_2118 : vector<16xf32> to vector<16xf32>
        %swap3A_2120 = vector.shape_cast %max3A_2114 : vector<16xf32> to vector<16xf32>
        tpu.vector_store %arg10[%swap3A_2117], %swap3A_2120 {strides = array<i32>} : memref<65536xf32, #tpu.memory_space<vmem>>, vector<16xf32>,
        %max3A_2121 = arith.maximumf %get3A_2079, %get3A_2039 : vector<16xf32>
        %add3A_2122 = arith.constant 48 : i32
        %add3A_2123 = arith.addi %multiple_of3A_2013, %add3A_2122 : i32
        %swap3A_2124 = arith.index_cast %add3A_2123 : i32 to index
        %swap3A_2125 = tpu.vector_load %arg10[%swap3A_2124] {strides = array<i32>} : memref<65536xf32, #tpu.memory_space<vmem>>, vector<16xf32>,
        %swap3A_2126 = vector.shape_cast %swap3A_2125 : vector<16xf32> to vector<16xf32>
        %swap3A_2127 = vector.shape_cast %max3A_2121 : vector<16xf32> to vector<16xf32>
        tpu.vector_store %arg10[%swap3A_2124], %swap3A_2127 {strides = array<i32>} : memref<65536xf32, #tpu.memory_space<vmem>>, vector<16xf32>,
        %max3A_2128 = arith.maximumf %get3A_2084, %get3A_2044 : vector<16xf32>
        %add3A_2129 = arith.constant 64 : i32
        %add3A_2130 = arith.addi %multiple_of3A_2013, %add3A_2129 : i32
        %swap3A_2131 = arith.index_cast %add3A_2130 : i32 to index
        %swap3A_2132 = tpu.vector_load %arg10[%swap3A_2131] {strides = array<i32>} : memref<65536xf32, #tpu.memory_space<vmem>>, vector<16xf32>,
        %swap3A_2133 = vector.shape_cast %swap3A_2132 : vector<16xf32> to vector<16xf32>
        %swap3A_2134 = vector.shape_cast %max3A_2128 : vector<16xf32> to vector<16xf32>
        tpu.vector_store %arg10[%swap3A_2131], %swap3A_2134 {strides = array<i32>} : memref<65536xf32, #tpu.memory_space<vmem>>, vector<16xf32>,
        %max3A_2135 = arith.maximumf %get3A_2089, %get3A_2049 : vector<16xf32>
        %add3A_2136 = arith.constant 80 : i32
        %add3A_2137 = arith.addi %multiple_of3A_2013, %add3A_2136 : i32
        %swap3A_2138 = arith.index_cast %add3A_2137 : i32 to index
        %swap3A_2139 = tpu.vector_load %arg10[%swap3A_2138] {strides = array<i32>} : memref<65536xf32, #tpu.memory_space<vmem>>, vector<16xf32>,
        %swap3A_2140 = vector.shape_cast %swap3A_2139 : vector<16xf32> to vector<16xf32>
        %swap3A_2141 = vector.shape_cast %max3A_2135 : vector<16xf32> to vector<16xf32>
        tpu.vector_store %arg10[%swap3A_2138], %swap3A_2141 {strides = array<i32>} : memref<65536xf32, #tpu.memory_space<vmem>>, vector<16xf32>,
        %max3A_2142 = arith.maximumf %get3A_2094, %get3A_2054 : vector<16xf32>
        %add3A_2143 = arith.constant 96 : i32
        %add3A_2144 = arith.addi %multiple_of3A_2013, %add3A_2143 : i32
        %swap3A_2145 = arith.index_cast %add3A_2144 : i32 to index
        %swap3A_2146 = tpu.vector_load %arg10[%swap3A_2145] {strides = array<i32>} : memref<65536xf32, #tpu.memory_space<vmem>>, vector<16xf32>,
        %swap3A_2147 = vector.shape_cast %swap3A_2146 : vector<16xf32> to vector<16xf32>
        %swap3A_2148 = vector.shape_cast %max3A_2142 : vector<16xf32> to vector<16xf32>
        tpu.vector_store %arg10[%swap3A_2145], %swap3A_2148 {strides = array<i32>} : memref<65536xf32, #tpu.memory_space<vmem>>, vector<16xf32>,
        %max3A_2149 = arith.maximumf %get3A_2099, %get3A_2059 : vector<16xf32>
        %add3A_2150 = arith.constant 112 : i32
        %add3A_2151 = arith.addi %multiple_of3A_2013, %add3A_2150 : i32
        %swap3A_2152 = arith.index_cast %add3A_2151 : i32 to index
        %swap3A_2153 = tpu.vector_load %arg10[%swap3A_2152] {strides = array<i32>} : memref<65536xf32, #tpu.memory_space<vmem>>, vector<16xf32>,
        %swap3A_2154 = vector.shape_cast %swap3A_2153 : vector<16xf32> to vector<16xf32>
        %swap3A_2155 = vector.shape_cast %max3A_2149 : vector<16xf32> to vector<16xf32>
        tpu.vector_store %arg10[%swap3A_2152], %swap3A_2155 {strides = array<i32>} : memref<65536xf32, #tpu.memory_space<vmem>>, vector<16xf32>,
        %slice3A_2156 = vector.extract_strided_slice %mul3A_128 {offsets = [14], sizes = [1], strides = [1]} : vector<16xi32> to vector<1xi32>
        %squeeze3A_2157 = vector.extract %slice3A_2156[0] : i32 from vector<1xi32>
        %multiple_of3A_2158 = tpu.assume_multiple %squeeze3A_2157, 128 : i32
        %mul3A_2159 = arith.constant 16 : i32
        %mul3A_2160 = arith.muli %scan3A_70, %mul3A_2159 : i32
        %add3A_2161 = arith.constant 14 : i32
        %add3A_2162 = arith.addi %mul3A_2160, %add3A_2161 : i32
        %mul3A_2163 = arith.constant 128 : i32
        %mul3A_2164 = arith.muli %add3A_2162, %mul3A_2163 : i32
        %add3A_2165 = arith.constant 0 : i32
        %add3A_2166 = arith.addi %mul3A_2164, %add3A_2165 : i32
        %get3A_2167 = arith.index_cast %add3A_2166 : i32 to index
        %get3A_2168 = tpu.vector_load %arg7[%get3A_2167] {strides = array<i32>} : memref<16384xf32, #tpu.memory_space<vmem>>, vector<16xf32>,
        %get3A_2169 = vector.shape_cast %get3A_2168 : vector<16xf32> to vector<16xf32>
        %add3A_2170 = arith.constant 16 : i32
        %add3A_2171 = arith.addi %mul3A_2164, %add3A_2170 : i32
        %get3A_2172 = arith.index_cast %add3A_2171 : i32 to index
        %get3A_2173 = tpu.vector_load %arg7[%get3A_2172] {strides = array<i32>} : memref<16384xf32, #tpu.memory_space<vmem>>, vector<16xf32>,
        %get3A_2174 = vector.shape_cast %get3A_2173 : vector<16xf32> to vector<16xf32>
        %add3A_2175 = arith.constant 32 : i32
        %add3A_2176 = arith.addi %mul3A_2164, %add3A_2175 : i32
        %get3A_2177 = arith.index_cast %add3A_2176 : i32 to index
        %get3A_2178 = tpu.vector_load %arg7[%get3A_2177] {strides = array<i32>} : memref<16384xf32, #tpu.memory_space<vmem>>, vector<16xf32>,
        %get3A_2179 = vector.shape_cast %get3A_2178 : vector<16xf32> to vector<16xf32>
        %add3A_2180 = arith.constant 48 : i32
        %add3A_2181 = arith.addi %mul3A_2164, %add3A_2180 : i32
        %get3A_2182 = arith.index_cast %add3A_2181 : i32 to index
        %get3A_2183 = tpu.vector_load %arg7[%get3A_2182] {strides = array<i32>} : memref<16384xf32, #tpu.memory_space<vmem>>, vector<16xf32>,
        %get3A_2184 = vector.shape_cast %get3A_2183 : vector<16xf32> to vector<16xf32>
        %add3A_2185 = arith.constant 64 : i32
        %add3A_2186 = arith.addi %mul3A_2164, %add3A_2185 : i32
        %get3A_2187 = arith.index_cast %add3A_2186 : i32 to index
        %get3A_2188 = tpu.vector_load %arg7[%get3A_2187] {strides = array<i32>} : memref<16384xf32, #tpu.memory_space<vmem>>, vector<16xf32>,
        %get3A_2189 = vector.shape_cast %get3A_2188 : vector<16xf32> to vector<16xf32>
        %add3A_2190 = arith.constant 80 : i32
        %add3A_2191 = arith.addi %mul3A_2164, %add3A_2190 : i32
        %get3A_2192 = arith.index_cast %add3A_2191 : i32 to index
        %get3A_2193 = tpu.vector_load %arg7[%get3A_2192] {strides = array<i32>} : memref<16384xf32, #tpu.memory_space<vmem>>, vector<16xf32>,
        %get3A_2194 = vector.shape_cast %get3A_2193 : vector<16xf32> to vector<16xf32>
        %add3A_2195 = arith.constant 96 : i32
        %add3A_2196 = arith.addi %mul3A_2164, %add3A_2195 : i32
        %get3A_2197 = arith.index_cast %add3A_2196 : i32 to index
        %get3A_2198 = tpu.vector_load %arg7[%get3A_2197] {strides = array<i32>} : memref<16384xf32, #tpu.memory_space<vmem>>, vector<16xf32>,
        %get3A_2199 = vector.shape_cast %get3A_2198 : vector<16xf32> to vector<16xf32>
        %add3A_2200 = arith.constant 112 : i32
        %add3A_2201 = arith.addi %mul3A_2164, %add3A_2200 : i32
        %get3A_2202 = arith.index_cast %add3A_2201 : i32 to index
        %get3A_2203 = tpu.vector_load %arg7[%get3A_2202] {strides = array<i32>} : memref<16384xf32, #tpu.memory_space<vmem>>, vector<16xf32>,
        %get3A_2204 = vector.shape_cast %get3A_2203 : vector<16xf32> to vector<16xf32>
        %add3A_2205 = arith.constant 0 : i32
        %add3A_2206 = arith.addi %multiple_of3A_2158, %add3A_2205 : i32
        %get3A_2207 = arith.index_cast %add3A_2206 : i32 to index
        %get3A_2208 = tpu.vector_load %arg10[%get3A_2207] {strides = array<i32>} : memref<65536xf32, #tpu.memory_space<vmem>>, vector<16xf32>,
        %get3A_2209 = vector.shape_cast %get3A_2208 : vector<16xf32> to vector<16xf32>
        %add3A_2210 = arith.constant 16 : i32
        %add3A_2211 = arith.addi %multiple_of3A_2158, %add3A_2210 : i32
        %get3A_2212 = arith.index_cast %add3A_2211 : i32 to index
        %get3A_2213 = tpu.vector_load %arg10[%get3A_2212] {strides = array<i32>} : memref<65536xf32, #tpu.memory_space<vmem>>, vector<16xf32>,
        %get3A_2214 = vector.shape_cast %get3A_2213 : vector<16xf32> to vector<16xf32>
        %add3A_2215 = arith.constant 32 : i32
        %add3A_2216 = arith.addi %multiple_of3A_2158, %add3A_2215 : i32
        %get3A_2217 = arith.index_cast %add3A_2216 : i32 to index
        %get3A_2218 = tpu.vector_load %arg10[%get3A_2217] {strides = array<i32>} : memref<65536xf32, #tpu.memory_space<vmem>>, vector<16xf32>,
        %get3A_2219 = vector.shape_cast %get3A_2218 : vector<16xf32> to vector<16xf32>
        %add3A_2220 = arith.constant 48 : i32
        %add3A_2221 = arith.addi %multiple_of3A_2158, %add3A_2220 : i32
        %get3A_2222 = arith.index_cast %add3A_2221 : i32 to index
        %get3A_2223 = tpu.vector_load %arg10[%get3A_2222] {strides = array<i32>} : memref<65536xf32, #tpu.memory_space<vmem>>, vector<16xf32>,
        %get3A_2224 = vector.shape_cast %get3A_2223 : vector<16xf32> to vector<16xf32>
        %add3A_2225 = arith.constant 64 : i32
        %add3A_2226 = arith.addi %multiple_of3A_2158, %add3A_2225 : i32
        %get3A_2227 = arith.index_cast %add3A_2226 : i32 to index
        %get3A_2228 = tpu.vector_load %arg10[%get3A_2227] {strides = array<i32>} : memref<65536xf32, #tpu.memory_space<vmem>>, vector<16xf32>,
        %get3A_2229 = vector.shape_cast %get3A_2228 : vector<16xf32> to vector<16xf32>
        %add3A_2230 = arith.constant 80 : i32
        %add3A_2231 = arith.addi %multiple_of3A_2158, %add3A_2230 : i32
        %get3A_2232 = arith.index_cast %add3A_2231 : i32 to index
        %get3A_2233 = tpu.vector_load %arg10[%get3A_2232] {strides = array<i32>} : memref<65536xf32, #tpu.memory_space<vmem>>, vector<16xf32>,
        %get3A_2234 = vector.shape_cast %get3A_2233 : vector<16xf32> to vector<16xf32>
        %add3A_2235 = arith.constant 96 : i32
        %add3A_2236 = arith.addi %multiple_of3A_2158, %add3A_2235 : i32
        %get3A_2237 = arith.index_cast %add3A_2236 : i32 to index
        %get3A_2238 = tpu.vector_load %arg10[%get3A_2237] {strides = array<i32>} : memref<65536xf32, #tpu.memory_space<vmem>>, vector<16xf32>,
        %get3A_2239 = vector.shape_cast %get3A_2238 : vector<16xf32> to vector<16xf32>
        %add3A_2240 = arith.constant 112 : i32
        %add3A_2241 = arith.addi %multiple_of3A_2158, %add3A_2240 : i32
        %get3A_2242 = arith.index_cast %add3A_2241 : i32 to index
        %get3A_2243 = tpu.vector_load %arg10[%get3A_2242] {strides = array<i32>} : memref<65536xf32, #tpu.memory_space<vmem>>, vector<16xf32>,
        %get3A_2244 = vector.shape_cast %get3A_2243 : vector<16xf32> to vector<16xf32>
        %max3A_2245 = arith.maximumf %get3A_2209, %get3A_2169 : vector<16xf32>
        %add3A_2246 = arith.constant 0 : i32
        %add3A_2247 = arith.addi %multiple_of3A_2158, %add3A_2246 : i32
        %swap3A_2248 = arith.index_cast %add3A_2247 : i32 to index
        %swap3A_2249 = tpu.vector_load %arg10[%swap3A_2248] {strides = array<i32>} : memref<65536xf32, #tpu.memory_space<vmem>>, vector<16xf32>,
        %swap3A_2250 = vector.shape_cast %swap3A_2249 : vector<16xf32> to vector<16xf32>
        %swap3A_2251 = vector.shape_cast %max3A_2245 : vector<16xf32> to vector<16xf32>
        tpu.vector_store %arg10[%swap3A_2248], %swap3A_2251 {strides = array<i32>} : memref<65536xf32, #tpu.memory_space<vmem>>, vector<16xf32>,
        %max3A_2252 = arith.maximumf %get3A_2214, %get3A_2174 : vector<16xf32>
        %add3A_2253 = arith.constant 16 : i32
        %add3A_2254 = arith.addi %multiple_of3A_2158, %add3A_2253 : i32
        %swap3A_2255 = arith.index_cast %add3A_2254 : i32 to index
        %swap3A_2256 = tpu.vector_load %arg10[%swap3A_2255] {strides = array<i32>} : memref<65536xf32, #tpu.memory_space<vmem>>, vector<16xf32>,
        %swap3A_2257 = vector.shape_cast %swap3A_2256 : vector<16xf32> to vector<16xf32>
        %swap3A_2258 = vector.shape_cast %max3A_2252 : vector<16xf32> to vector<16xf32>
        tpu.vector_store %arg10[%swap3A_2255], %swap3A_2258 {strides = array<i32>} : memref<65536xf32, #tpu.memory_space<vmem>>, vector<16xf32>,
        %max3A_2259 = arith.maximumf %get3A_2219, %get3A_2179 : vector<16xf32>
        %add3A_2260 = arith.constant 32 : i32
        %add3A_2261 = arith.addi %multiple_of3A_2158, %add3A_2260 : i32
        %swap3A_2262 = arith.index_cast %add3A_2261 : i32 to index
        %swap3A_2263 = tpu.vector_load %arg10[%swap3A_2262] {strides = array<i32>} : memref<65536xf32, #tpu.memory_space<vmem>>, vector<16xf32>,
        %swap3A_2264 = vector.shape_cast %swap3A_2263 : vector<16xf32> to vector<16xf32>
        %swap3A_2265 = vector.shape_cast %max3A_2259 : vector<16xf32> to vector<16xf32>
        tpu.vector_store %arg10[%swap3A_2262], %swap3A_2265 {strides = array<i32>} : memref<65536xf32, #tpu.memory_space<vmem>>, vector<16xf32>,
        %max3A_2266 = arith.maximumf %get3A_2224, %get3A_2184 : vector<16xf32>
        %add3A_2267 = arith.constant 48 : i32
        %add3A_2268 = arith.addi %multiple_of3A_2158, %add3A_2267 : i32
        %swap3A_2269 = arith.index_cast %add3A_2268 : i32 to index
        %swap3A_2270 = tpu.vector_load %arg10[%swap3A_2269] {strides = array<i32>} : memref<65536xf32, #tpu.memory_space<vmem>>, vector<16xf32>,
        %swap3A_2271 = vector.shape_cast %swap3A_2270 : vector<16xf32> to vector<16xf32>
        %swap3A_2272 = vector.shape_cast %max3A_2266 : vector<16xf32> to vector<16xf32>
        tpu.vector_store %arg10[%swap3A_2269], %swap3A_2272 {strides = array<i32>} : memref<65536xf32, #tpu.memory_space<vmem>>, vector<16xf32>,
        %max3A_2273 = arith.maximumf %get3A_2229, %get3A_2189 : vector<16xf32>
        %add3A_2274 = arith.constant 64 : i32
        %add3A_2275 = arith.addi %multiple_of3A_2158, %add3A_2274 : i32
        %swap3A_2276 = arith.index_cast %add3A_2275 : i32 to index
        %swap3A_2277 = tpu.vector_load %arg10[%swap3A_2276] {strides = array<i32>} : memref<65536xf32, #tpu.memory_space<vmem>>, vector<16xf32>,
        %swap3A_2278 = vector.shape_cast %swap3A_2277 : vector<16xf32> to vector<16xf32>
        %swap3A_2279 = vector.shape_cast %max3A_2273 : vector<16xf32> to vector<16xf32>
        tpu.vector_store %arg10[%swap3A_2276], %swap3A_2279 {strides = array<i32>} : memref<65536xf32, #tpu.memory_space<vmem>>, vector<16xf32>,
        %max3A_2280 = arith.maximumf %get3A_2234, %get3A_2194 : vector<16xf32>
        %add3A_2281 = arith.constant 80 : i32
        %add3A_2282 = arith.addi %multiple_of3A_2158, %add3A_2281 : i32
        %swap3A_2283 = arith.index_cast %add3A_2282 : i32 to index
        %swap3A_2284 = tpu.vector_load %arg10[%swap3A_2283] {strides = array<i32>} : memref<65536xf32, #tpu.memory_space<vmem>>, vector<16xf32>,
        %swap3A_2285 = vector.shape_cast %swap3A_2284 : vector<16xf32> to vector<16xf32>
        %swap3A_2286 = vector.shape_cast %max3A_2280 : vector<16xf32> to vector<16xf32>
        tpu.vector_store %arg10[%swap3A_2283], %swap3A_2286 {strides = array<i32>} : memref<65536xf32, #tpu.memory_space<vmem>>, vector<16xf32>,
        %max3A_2287 = arith.maximumf %get3A_2239, %get3A_2199 : vector<16xf32>
        %add3A_2288 = arith.constant 96 : i32
        %add3A_2289 = arith.addi %multiple_of3A_2158, %add3A_2288 : i32
        %swap3A_2290 = arith.index_cast %add3A_2289 : i32 to index
        %swap3A_2291 = tpu.vector_load %arg10[%swap3A_2290] {strides = array<i32>} : memref<65536xf32, #tpu.memory_space<vmem>>, vector<16xf32>,
        %swap3A_2292 = vector.shape_cast %swap3A_2291 : vector<16xf32> to vector<16xf32>
        %swap3A_2293 = vector.shape_cast %max3A_2287 : vector<16xf32> to vector<16xf32>
        tpu.vector_store %arg10[%swap3A_2290], %swap3A_2293 {strides = array<i32>} : memref<65536xf32, #tpu.memory_space<vmem>>, vector<16xf32>,
        %max3A_2294 = arith.maximumf %get3A_2244, %get3A_2204 : vector<16xf32>
        %add3A_2295 = arith.constant 112 : i32
        %add3A_2296 = arith.addi %multiple_of3A_2158, %add3A_2295 : i32
        %swap3A_2297 = arith.index_cast %add3A_2296 : i32 to index
        %swap3A_2298 = tpu.vector_load %arg10[%swap3A_2297] {strides = array<i32>} : memref<65536xf32, #tpu.memory_space<vmem>>, vector<16xf32>,
        %swap3A_2299 = vector.shape_cast %swap3A_2298 : vector<16xf32> to vector<16xf32>
        %swap3A_2300 = vector.shape_cast %max3A_2294 : vector<16xf32> to vector<16xf32>
        tpu.vector_store %arg10[%swap3A_2297], %swap3A_2300 {strides = array<i32>} : memref<65536xf32, #tpu.memory_space<vmem>>, vector<16xf32>,
        %slice3A_2301 = vector.extract_strided_slice %mul3A_128 {offsets = [15], sizes = [1], strides = [1]} : vector<16xi32> to vector<1xi32>
        %squeeze3A_2302 = vector.extract %slice3A_2301[0] : i32 from vector<1xi32>
        %multiple_of3A_2303 = tpu.assume_multiple %squeeze3A_2302, 128 : i32
        %mul3A_2304 = arith.constant 16 : i32
        %mul3A_2305 = arith.muli %scan3A_70, %mul3A_2304 : i32
        %add3A_2306 = arith.constant 15 : i32
        %add3A_2307 = arith.addi %mul3A_2305, %add3A_2306 : i32
        %mul3A_2308 = arith.constant 128 : i32
        %mul3A_2309 = arith.muli %add3A_2307, %mul3A_2308 : i32
        %add3A_2310 = arith.constant 0 : i32
        %add3A_2311 = arith.addi %mul3A_2309, %add3A_2310 : i32
        %get3A_2312 = arith.index_cast %add3A_2311 : i32 to index
        %get3A_2313 = tpu.vector_load %arg7[%get3A_2312] {strides = array<i32>} : memref<16384xf32, #tpu.memory_space<vmem>>, vector<16xf32>,
        %get3A_2314 = vector.shape_cast %get3A_2313 : vector<16xf32> to vector<16xf32>
        %add3A_2315 = arith.constant 16 : i32
        %add3A_2316 = arith.addi %mul3A_2309, %add3A_2315 : i32
        %get3A_2317 = arith.index_cast %add3A_2316 : i32 to index
        %get3A_2318 = tpu.vector_load %arg7[%get3A_2317] {strides = array<i32>} : memref<16384xf32, #tpu.memory_space<vmem>>, vector<16xf32>,
        %get3A_2319 = vector.shape_cast %get3A_2318 : vector<16xf32> to vector<16xf32>
        %add3A_2320 = arith.constant 32 : i32
        %add3A_2321 = arith.addi %mul3A_2309, %add3A_2320 : i32
        %get3A_2322 = arith.index_cast %add3A_2321 : i32 to index
        %get3A_2323 = tpu.vector_load %arg7[%get3A_2322] {strides = array<i32>} : memref<16384xf32, #tpu.memory_space<vmem>>, vector<16xf32>,
        %get3A_2324 = vector.shape_cast %get3A_2323 : vector<16xf32> to vector<16xf32>
        %add3A_2325 = arith.constant 48 : i32
        %add3A_2326 = arith.addi %mul3A_2309, %add3A_2325 : i32
        %get3A_2327 = arith.index_cast %add3A_2326 : i32 to index
        %get3A_2328 = tpu.vector_load %arg7[%get3A_2327] {strides = array<i32>} : memref<16384xf32, #tpu.memory_space<vmem>>, vector<16xf32>,
        %get3A_2329 = vector.shape_cast %get3A_2328 : vector<16xf32> to vector<16xf32>
        %add3A_2330 = arith.constant 64 : i32
        %add3A_2331 = arith.addi %mul3A_2309, %add3A_2330 : i32
        %get3A_2332 = arith.index_cast %add3A_2331 : i32 to index
        %get3A_2333 = tpu.vector_load %arg7[%get3A_2332] {strides = array<i32>} : memref<16384xf32, #tpu.memory_space<vmem>>, vector<16xf32>,
        %get3A_2334 = vector.shape_cast %get3A_2333 : vector<16xf32> to vector<16xf32>
        %add3A_2335 = arith.constant 80 : i32
        %add3A_2336 = arith.addi %mul3A_2309, %add3A_2335 : i32
        %get3A_2337 = arith.index_cast %add3A_2336 : i32 to index
        %get3A_2338 = tpu.vector_load %arg7[%get3A_2337] {strides = array<i32>} : memref<16384xf32, #tpu.memory_space<vmem>>, vector<16xf32>,
        %get3A_2339 = vector.shape_cast %get3A_2338 : vector<16xf32> to vector<16xf32>
        %add3A_2340 = arith.constant 96 : i32
        %add3A_2341 = arith.addi %mul3A_2309, %add3A_2340 : i32
        %get3A_2342 = arith.index_cast %add3A_2341 : i32 to index
        %get3A_2343 = tpu.vector_load %arg7[%get3A_2342] {strides = array<i32>} : memref<16384xf32, #tpu.memory_space<vmem>>, vector<16xf32>,
        %get3A_2344 = vector.shape_cast %get3A_2343 : vector<16xf32> to vector<16xf32>
        %add3A_2345 = arith.constant 112 : i32
        %add3A_2346 = arith.addi %mul3A_2309, %add3A_2345 : i32
        %get3A_2347 = arith.index_cast %add3A_2346 : i32 to index
        %get3A_2348 = tpu.vector_load %arg7[%get3A_2347] {strides = array<i32>} : memref<16384xf32, #tpu.memory_space<vmem>>, vector<16xf32>,
        %get3A_2349 = vector.shape_cast %get3A_2348 : vector<16xf32> to vector<16xf32>
        %add3A_2350 = arith.constant 0 : i32
        %add3A_2351 = arith.addi %multiple_of3A_2303, %add3A_2350 : i32
        %get3A_2352 = arith.index_cast %add3A_2351 : i32 to index
        %get3A_2353 = tpu.vector_load %arg10[%get3A_2352] {strides = array<i32>} : memref<65536xf32, #tpu.memory_space<vmem>>, vector<16xf32>,
        %get3A_2354 = vector.shape_cast %get3A_2353 : vector<16xf32> to vector<16xf32>
        %add3A_2355 = arith.constant 16 : i32
        %add3A_2356 = arith.addi %multiple_of3A_2303, %add3A_2355 : i32
        %get3A_2357 = arith.index_cast %add3A_2356 : i32 to index
        %get3A_2358 = tpu.vector_load %arg10[%get3A_2357] {strides = array<i32>} : memref<65536xf32, #tpu.memory_space<vmem>>, vector<16xf32>,
        %get3A_2359 = vector.shape_cast %get3A_2358 : vector<16xf32> to vector<16xf32>
        %add3A_2360 = arith.constant 32 : i32
        %add3A_2361 = arith.addi %multiple_of3A_2303, %add3A_2360 : i32
        %get3A_2362 = arith.index_cast %add3A_2361 : i32 to index
        %get3A_2363 = tpu.vector_load %arg10[%get3A_2362] {strides = array<i32>} : memref<65536xf32, #tpu.memory_space<vmem>>, vector<16xf32>,
        %get3A_2364 = vector.shape_cast %get3A_2363 : vector<16xf32> to vector<16xf32>
        %add3A_2365 = arith.constant 48 : i32
        %add3A_2366 = arith.addi %multiple_of3A_2303, %add3A_2365 : i32
        %get3A_2367 = arith.index_cast %add3A_2366 : i32 to index
        %get3A_2368 = tpu.vector_load %arg10[%get3A_2367] {strides = array<i32>} : memref<65536xf32, #tpu.memory_space<vmem>>, vector<16xf32>,
        %get3A_2369 = vector.shape_cast %get3A_2368 : vector<16xf32> to vector<16xf32>
        %add3A_2370 = arith.constant 64 : i32
        %add3A_2371 = arith.addi %multiple_of3A_2303, %add3A_2370 : i32
        %get3A_2372 = arith.index_cast %add3A_2371 : i32 to index
        %get3A_2373 = tpu.vector_load %arg10[%get3A_2372] {strides = array<i32>} : memref<65536xf32, #tpu.memory_space<vmem>>, vector<16xf32>,
        %get3A_2374 = vector.shape_cast %get3A_2373 : vector<16xf32> to vector<16xf32>
        %add3A_2375 = arith.constant 80 : i32
        %add3A_2376 = arith.addi %multiple_of3A_2303, %add3A_2375 : i32
        %get3A_2377 = arith.index_cast %add3A_2376 : i32 to index
        %get3A_2378 = tpu.vector_load %arg10[%get3A_2377] {strides = array<i32>} : memref<65536xf32, #tpu.memory_space<vmem>>, vector<16xf32>,
        %get3A_2379 = vector.shape_cast %get3A_2378 : vector<16xf32> to vector<16xf32>
        %add3A_2380 = arith.constant 96 : i32
        %add3A_2381 = arith.addi %multiple_of3A_2303, %add3A_2380 : i32
        %get3A_2382 = arith.index_cast %add3A_2381 : i32 to index
        %get3A_2383 = tpu.vector_load %arg10[%get3A_2382] {strides = array<i32>} : memref<65536xf32, #tpu.memory_space<vmem>>, vector<16xf32>,
        %get3A_2384 = vector.shape_cast %get3A_2383 : vector<16xf32> to vector<16xf32>
        %add3A_2385 = arith.constant 112 : i32
        %add3A_2386 = arith.addi %multiple_of3A_2303, %add3A_2385 : i32
        %get3A_2387 = arith.index_cast %add3A_2386 : i32 to index
        %get3A_2388 = tpu.vector_load %arg10[%get3A_2387] {strides = array<i32>} : memref<65536xf32, #tpu.memory_space<vmem>>, vector<16xf32>,
        %get3A_2389 = vector.shape_cast %get3A_2388 : vector<16xf32> to vector<16xf32>
        %max3A_2390 = arith.maximumf %get3A_2354, %get3A_2314 : vector<16xf32>
        %add3A_2391 = arith.constant 0 : i32
        %add3A_2392 = arith.addi %multiple_of3A_2303, %add3A_2391 : i32
        %swap3A_2393 = arith.index_cast %add3A_2392 : i32 to index
        %swap3A_2394 = tpu.vector_load %arg10[%swap3A_2393] {strides = array<i32>} : memref<65536xf32, #tpu.memory_space<vmem>>, vector<16xf32>,
        %swap3A_2395 = vector.shape_cast %swap3A_2394 : vector<16xf32> to vector<16xf32>
        %swap3A_2396 = vector.shape_cast %max3A_2390 : vector<16xf32> to vector<16xf32>
        tpu.vector_store %arg10[%swap3A_2393], %swap3A_2396 {strides = array<i32>} : memref<65536xf32, #tpu.memory_space<vmem>>, vector<16xf32>,
        %max3A_2397 = arith.maximumf %get3A_2359, %get3A_2319 : vector<16xf32>
        %add3A_2398 = arith.constant 16 : i32
        %add3A_2399 = arith.addi %multiple_of3A_2303, %add3A_2398 : i32
        %swap3A_2400 = arith.index_cast %add3A_2399 : i32 to index
        %swap3A_2401 = tpu.vector_load %arg10[%swap3A_2400] {strides = array<i32>} : memref<65536xf32, #tpu.memory_space<vmem>>, vector<16xf32>,
        %swap3A_2402 = vector.shape_cast %swap3A_2401 : vector<16xf32> to vector<16xf32>
        %swap3A_2403 = vector.shape_cast %max3A_2397 : vector<16xf32> to vector<16xf32>
        tpu.vector_store %arg10[%swap3A_2400], %swap3A_2403 {strides = array<i32>} : memref<65536xf32, #tpu.memory_space<vmem>>, vector<16xf32>,
        %max3A_2404 = arith.maximumf %get3A_2364, %get3A_2324 : vector<16xf32>
        %add3A_2405 = arith.constant 32 : i32
        %add3A_2406 = arith.addi %multiple_of3A_2303, %add3A_2405 : i32
        %swap3A_2407 = arith.index_cast %add3A_2406 : i32 to index
        %swap3A_2408 = tpu.vector_load %arg10[%swap3A_2407] {strides = array<i32>} : memref<65536xf32, #tpu.memory_space<vmem>>, vector<16xf32>,
        %swap3A_2409 = vector.shape_cast %swap3A_2408 : vector<16xf32> to vector<16xf32>
        %swap3A_2410 = vector.shape_cast %max3A_2404 : vector<16xf32> to vector<16xf32>
        tpu.vector_store %arg10[%swap3A_2407], %swap3A_2410 {strides = array<i32>} : memref<65536xf32, #tpu.memory_space<vmem>>, vector<16xf32>,
        %max3A_2411 = arith.maximumf %get3A_2369, %get3A_2329 : vector<16xf32>
        %add3A_2412 = arith.constant 48 : i32
        %add3A_2413 = arith.addi %multiple_of3A_2303, %add3A_2412 : i32
        %swap3A_2414 = arith.index_cast %add3A_2413 : i32 to index
        %swap3A_2415 = tpu.vector_load %arg10[%swap3A_2414] {strides = array<i32>} : memref<65536xf32, #tpu.memory_space<vmem>>, vector<16xf32>,
        %swap3A_2416 = vector.shape_cast %swap3A_2415 : vector<16xf32> to vector<16xf32>
        %swap3A_2417 = vector.shape_cast %max3A_2411 : vector<16xf32> to vector<16xf32>
        tpu.vector_store %arg10[%swap3A_2414], %swap3A_2417 {strides = array<i32>} : memref<65536xf32, #tpu.memory_space<vmem>>, vector<16xf32>,
        %max3A_2418 = arith.maximumf %get3A_2374, %get3A_2334 : vector<16xf32>
        %add3A_2419 = arith.constant 64 : i32
        %add3A_2420 = arith.addi %multiple_of3A_2303, %add3A_2419 : i32
        %swap3A_2421 = arith.index_cast %add3A_2420 : i32 to index
        %swap3A_2422 = tpu.vector_load %arg10[%swap3A_2421] {strides = array<i32>} : memref<65536xf32, #tpu.memory_space<vmem>>, vector<16xf32>,
        %swap3A_2423 = vector.shape_cast %swap3A_2422 : vector<16xf32> to vector<16xf32>
        %swap3A_2424 = vector.shape_cast %max3A_2418 : vector<16xf32> to vector<16xf32>
        tpu.vector_store %arg10[%swap3A_2421], %swap3A_2424 {strides = array<i32>} : memref<65536xf32, #tpu.memory_space<vmem>>, vector<16xf32>,
        %max3A_2425 = arith.maximumf %get3A_2379, %get3A_2339 : vector<16xf32>
        %add3A_2426 = arith.constant 80 : i32
        %add3A_2427 = arith.addi %multiple_of3A_2303, %add3A_2426 : i32
        %swap3A_2428 = arith.index_cast %add3A_2427 : i32 to index
        %swap3A_2429 = tpu.vector_load %arg10[%swap3A_2428] {strides = array<i32>} : memref<65536xf32, #tpu.memory_space<vmem>>, vector<16xf32>,
        %swap3A_2430 = vector.shape_cast %swap3A_2429 : vector<16xf32> to vector<16xf32>
        %swap3A_2431 = vector.shape_cast %max3A_2425 : vector<16xf32> to vector<16xf32>
        tpu.vector_store %arg10[%swap3A_2428], %swap3A_2431 {strides = array<i32>} : memref<65536xf32, #tpu.memory_space<vmem>>, vector<16xf32>,
        %max3A_2432 = arith.maximumf %get3A_2384, %get3A_2344 : vector<16xf32>
        %add3A_2433 = arith.constant 96 : i32
        %add3A_2434 = arith.addi %multiple_of3A_2303, %add3A_2433 : i32
        %swap3A_2435 = arith.index_cast %add3A_2434 : i32 to index
        %swap3A_2436 = tpu.vector_load %arg10[%swap3A_2435] {strides = array<i32>} : memref<65536xf32, #tpu.memory_space<vmem>>, vector<16xf32>,
        %swap3A_2437 = vector.shape_cast %swap3A_2436 : vector<16xf32> to vector<16xf32>
        %swap3A_2438 = vector.shape_cast %max3A_2432 : vector<16xf32> to vector<16xf32>
        tpu.vector_store %arg10[%swap3A_2435], %swap3A_2438 {strides = array<i32>} : memref<65536xf32, #tpu.memory_space<vmem>>, vector<16xf32>,
        %max3A_2439 = arith.maximumf %get3A_2389, %get3A_2349 : vector<16xf32>
        %add3A_2440 = arith.constant 112 : i32
        %add3A_2441 = arith.addi %multiple_of3A_2303, %add3A_2440 : i32
        %swap3A_2442 = arith.index_cast %add3A_2441 : i32 to index
        %swap3A_2443 = tpu.vector_load %arg10[%swap3A_2442] {strides = array<i32>} : memref<65536xf32, #tpu.memory_space<vmem>>, vector<16xf32>,
        %swap3A_2444 = vector.shape_cast %swap3A_2443 : vector<16xf32> to vector<16xf32>
        %swap3A_2445 = vector.shape_cast %max3A_2439 : vector<16xf32> to vector<16xf32>
        tpu.vector_store %arg10[%swap3A_2442], %swap3A_2445 {strides = array<i32>} : memref<65536xf32, #tpu.memory_space<vmem>>, vector<16xf32>,
      }
      %scan3A_62 = arith.constant 8 : i32
      %add3A_63 = arith.constant 2 : i32
      %add3A_64 = arith.addi %add3A_53, %add3A_63 : i32
      %lt3A_65 = arith.constant 32 : i32
      %lt3A_66 = arith.cmpi slt, %add3A_64, %lt3A_65 : i32
      %convert_element_type3A_67 = arith.extui %lt3A_66 : i1 to i32
      %cond3A_68 = arith.constant 0 : i32
      %cond3A_69 = arith.cmpi ne, %convert_element_type3A_67, %cond3A_68 : i32
      scf.if %cond3A_69 {
        %add3A_70 = arith.constant 2 : i32
        %add3A_71 = arith.addi %add3A_53, %add3A_70 : i32
        %mul3A_72 = arith.constant 4096 : i32
        %mul3A_73 = arith.muli %add3A, %mul3A_72 : i32
        %mul3A_74 = arith.constant 128 : i32
        %mul3A_75 = arith.muli %add3A_71, %mul3A_74 : i32
        %add3A_76 = arith.addi %mul3A_73, %mul3A_75 : i32
        %mul3A_77 = arith.constant 128 : i32
        %mul3A_78 = arith.muli %add3A_76, %mul3A_77 : i32
        %multiple_of3A_79 = tpu.assume_multiple %mul3A_78, 16384 : i32
        %dma_start3A_80 = tpu.memref_slice %arg3[%multiple_of3A_79] : memref<16777216xf32, #tpu.memory_space<hbm>> -> memref<16384xf32, #tpu.memory_space<hbm>>
        %dma_start3A_81 = tpu.memref_slice %arg3[%multiple_of3A_79] : memref<16777216xf32, #tpu.memory_space<hbm>> -> memref<16384xf32, #tpu.memory_space<hbm>>
        tpu.enqueue_dma source(%dma_start3A_81 : memref<16384xf32, #tpu.memory_space<hbm>>) target(%arg7 : memref<16384xf32, #tpu.memory_space<vmem>>) target_semaphore(%arg9 : memref<!tpu.dma_semaphore, #tpu.memory_space<semaphore_mem>>)
      } else {
      }
    }
    %scan3A_32 = arith.constant 16 : i32
    "tpu.region"() ({
      %run_scoped3A = tpu.sem_alloc : memref<!tpu.dma_semaphore, #tpu.memory_space<semaphore_mem>>
      %dma_start3A_33 = arith.constant 0 : i32
      %dma_start3A_34 = tpu.memref_slice %arg4[%add3A, %dma_start3A_33] : memref<32x65536xf32, #tpu.memory_space<hbm>> -> memref<1x65536xf32, #tpu.memory_space<hbm>>
      %dma_start3A_35 = tpu.memref_squeeze %dma_start3A_34 : memref<1x65536xf32, #tpu.memory_space<hbm>> -> memref<65536xf32, #tpu.memory_space<hbm>>
      %dma_start3A_36 = arith.constant 0 : i32
      %dma_start3A_37 = tpu.memref_slice %arg4[%add3A, %dma_start3A_36] : memref<32x65536xf32, #tpu.memory_space<hbm>> -> memref<1x65536xf32, #tpu.memory_space<hbm>>
      %dma_start3A_38 = tpu.memref_squeeze %dma_start3A_37 : memref<1x65536xf32, #tpu.memory_space<hbm>> -> memref<65536xf32, #tpu.memory_space<hbm>>
      tpu.enqueue_dma source(%arg10 : memref<65536xf32, #tpu.memory_space<vmem>>) target(%dma_start3A_38 : memref<65536xf32, #tpu.memory_space<hbm>>) target_semaphore(%run_scoped3A : memref<!tpu.dma_semaphore, #tpu.memory_space<semaphore_mem>>)
      %dma_wait3A = arith.constant 0 : i32
      %dma_wait3A_39 = tpu.memref_slice %arg4[%add3A, %dma_wait3A] : memref<32x65536xf32, #tpu.memory_space<hbm>> -> memref<1x65536xf32, #tpu.memory_space<hbm>>
      %dma_wait3A_40 = tpu.memref_squeeze %dma_wait3A_39 : memref<1x65536xf32, #tpu.memory_space<hbm>> -> memref<65536xf32, #tpu.memory_space<hbm>>
      %dma_wait3A_41 = arith.constant 0 : i32
      %dma_wait3A_42 = tpu.memref_slice %arg4[%add3A, %dma_wait3A_41] : memref<32x65536xf32, #tpu.memory_space<hbm>> -> memref<1x65536xf32, #tpu.memory_space<hbm>>
      %dma_wait3A_43 = tpu.memref_squeeze %dma_wait3A_42 : memref<1x65536xf32, #tpu.memory_space<hbm>> -> memref<65536xf32, #tpu.memory_space<hbm>>
      tpu.wait_dma2 semaphore(%run_scoped3A : memref<!tpu.dma_semaphore, #tpu.memory_space<semaphore_mem>>) src(%arg10 : memref<65536xf32, #tpu.memory_space<vmem>>) dst(%dma_wait3A_43 : memref<65536xf32, #tpu.memory_space<hbm>>)
      tpu.yield
    }) : () -> ()
    return
  }
}

module attributes {stable_mosaic.version = 14 : i64} {
  func.func @_mlp_body(%arg0: i32, %arg1: memref<4096x3xf32, #tpu.memory_space<vmem>>, %arg2: memref<3x64xf32, #tpu.memory_space<vmem>>, %arg3: memref<1x64xf32, #tpu.memory_space<vmem>>, %arg4: memref<1x64xf32, #tpu.memory_space<vmem>>, %arg5: memref<1x64xf32, #tpu.memory_space<vmem>>, %arg6: memref<64x128xf32, #tpu.memory_space<vmem>>, %arg7: memref<1x128xf32, #tpu.memory_space<vmem>>, %arg8: memref<1x128xf32, #tpu.memory_space<vmem>>, %arg9: memref<1x128xf32, #tpu.memory_space<vmem>>, %arg10: memref<4096x128xf32, #tpu.memory_space<vmem>>) attributes {dimension_semantics = [#tpu.dimension_semantics<arbitrary>], iteration_bounds = array<i64: 32>, scalar_prefetch = 0 : i64, scratch_operands = 0 : i64, tpu.core_type = #tpu.core_type<tc>, window_params = [{transform_indices = @transform_0, window_bounds = array<i64: 4096, 3>}, {pipeline_mode = #tpu.pipeline_mode<synchronous>, transform_indices = @transform_1, window_bounds = array<i64: 3, 64>}, {pipeline_mode = #tpu.pipeline_mode<synchronous>, transform_indices = @transform_2, window_bounds = array<i64: 1, 64>}, {pipeline_mode = #tpu.pipeline_mode<synchronous>, transform_indices = @transform_3, window_bounds = array<i64: 1, 64>}, {pipeline_mode = #tpu.pipeline_mode<synchronous>, transform_indices = @transform_4, window_bounds = array<i64: 1, 64>}, {pipeline_mode = #tpu.pipeline_mode<synchronous>, transform_indices = @transform_5, window_bounds = array<i64: 64, 128>}, {pipeline_mode = #tpu.pipeline_mode<synchronous>, transform_indices = @transform_6, window_bounds = array<i64: 1, 128>}, {pipeline_mode = #tpu.pipeline_mode<synchronous>, transform_indices = @transform_7, window_bounds = array<i64: 1, 128>}, {pipeline_mode = #tpu.pipeline_mode<synchronous>, transform_indices = @transform_8, window_bounds = array<i64: 1, 128>}, {transform_indices = @transform_9, window_bounds = array<i64: 4096, 128>}]} {
    %rsqrt3A = arith.constant 1.000010e+00 : f32
    %rsqrt3A_0 = math.rsqrt %rsqrt3A : f32
    %mul3A = arith.constant 1.000000e+00 : f32
    %mul3A_1 = arith.mulf %mul3A, %rsqrt3A_0 : f32
    %get3A = arith.constant 0 : index
    %get3A_2 = arith.constant 0 : index
    %get3A_3 = vector.load %arg4[%get3A, %get3A_2] : memref<1x64xf32, #tpu.memory_space<vmem>>, vector<1x64xf32>
    %mul3A_4 = vector.broadcast %mul3A_1 : f32 to vector<1x64xf32>
    %mul3A_5 = arith.mulf %get3A_3, %mul3A_4 : vector<1x64xf32>
    %get3A_6 = arith.constant 0 : index
    %get3A_7 = arith.constant 0 : index
    %get3A_8 = vector.load %arg2[%get3A_6, %get3A_7] : memref<3x64xf32, #tpu.memory_space<vmem>>, vector<3x64xf32>
    %mul3A_9 = vector.broadcast %mul3A_5 : vector<1x64xf32> to vector<3x64xf32>
    %mul3A_10 = arith.mulf %get3A_8, %mul3A_9 : vector<3x64xf32>
    %get3A_11 = arith.constant 0 : index
    %get3A_12 = arith.constant 0 : index
    %get3A_13 = vector.load %arg3[%get3A_11, %get3A_12] : memref<1x64xf32, #tpu.memory_space<vmem>>, vector<1x64xf32>
    %mul3A_14 = arith.mulf %get3A_13, %mul3A_5 : vector<1x64xf32>
    %get3A_15 = arith.constant 0 : index
    %get3A_16 = arith.constant 0 : index
    %get3A_17 = vector.load %arg5[%get3A_15, %get3A_16] : memref<1x64xf32, #tpu.memory_space<vmem>>, vector<1x64xf32>
    %add3A = arith.addf %mul3A_14, %get3A_17 : vector<1x64xf32>
    %get3A_18 = arith.constant 0 : index
    %get3A_19 = arith.constant 0 : index
    %get3A_20 = vector.load %arg8[%get3A_18, %get3A_19] : memref<1x128xf32, #tpu.memory_space<vmem>>, vector<1x128xf32>
    %mul3A_21 = vector.broadcast %mul3A_1 : f32 to vector<1x128xf32>
    %mul3A_22 = arith.mulf %get3A_20, %mul3A_21 : vector<1x128xf32>
    %get3A_23 = arith.constant 0 : index
    %get3A_24 = arith.constant 0 : index
    %get3A_25 = vector.load %arg6[%get3A_23, %get3A_24] : memref<64x128xf32, #tpu.memory_space<vmem>>, vector<64x128xf32>
    %mul3A_26 = vector.broadcast %mul3A_22 : vector<1x128xf32> to vector<64x128xf32>
    %mul3A_27 = arith.mulf %get3A_25, %mul3A_26 : vector<64x128xf32>
    %get3A_28 = arith.constant 0 : index
    %get3A_29 = arith.constant 0 : index
    %get3A_30 = vector.load %arg7[%get3A_28, %get3A_29] : memref<1x128xf32, #tpu.memory_space<vmem>>, vector<1x128xf32>
    %mul3A_31 = arith.mulf %get3A_30, %mul3A_22 : vector<1x128xf32>
    %get3A_32 = arith.constant 0 : index
    %get3A_33 = arith.constant 0 : index
    %get3A_34 = vector.load %arg9[%get3A_32, %get3A_33] : memref<1x128xf32, #tpu.memory_space<vmem>>, vector<1x128xf32>
    %add3A_35 = arith.addf %mul3A_31, %get3A_34 : vector<1x128xf32>
    %get3A_36 = arith.constant 0 : index
    %get3A_37 = arith.constant 0 : index
    %get3A_38 = vector.load %arg1[%get3A_36, %get3A_37] : memref<4096x3xf32, #tpu.memory_space<vmem>>, vector<4096x3xf32>
    %dot_general3A = arith.constant dense<0.000000e+00> : vector<4096x64xf32>
    %dot_general3A_39 = tpu.matmul %get3A_38, %mul3A_10, %dot_general3A {dimension_numbers = #tpu.dot_dimension_numbers<[1], [0], [0], [1], [0, 0, 1, 1], [], []>, transpose_lhs_hint = false} : vector<4096x3xf32>, vector<3x64xf32>, vector<4096x64xf32> -> vector<4096x64xf32>
    %add3A_40 = vector.broadcast %add3A : vector<1x64xf32> to vector<4096x64xf32>
    %add3A_41 = arith.addf %dot_general3A_39, %add3A_40 : vector<4096x64xf32>
    %max3A = arith.constant 0.000000e+00 : f32
    %max3A_42 = vector.broadcast %max3A : f32 to vector<4096x64xf32>
    %max3A_43 = arith.maximumf %add3A_41, %max3A_42 : vector<4096x64xf32>
    %dot_general3A_44 = arith.constant dense<0.000000e+00> : vector<4096x128xf32>
    %dot_general3A_45 = tpu.matmul %max3A_43, %mul3A_27, %dot_general3A_44 {dimension_numbers = #tpu.dot_dimension_numbers<[1], [0], [0], [1], [0, 0, 1, 1], [], []>, transpose_lhs_hint = false} : vector<4096x64xf32>, vector<64x128xf32>, vector<4096x128xf32> -> vector<4096x128xf32>
    %add3A_46 = vector.broadcast %add3A_35 : vector<1x128xf32> to vector<4096x128xf32>
    %add3A_47 = arith.addf %dot_general3A_45, %add3A_46 : vector<4096x128xf32>
    %max3A_48 = arith.constant 0.000000e+00 : f32
    %max3A_49 = vector.broadcast %max3A_48 : f32 to vector<4096x128xf32>
    %max3A_50 = arith.maximumf %add3A_47, %max3A_49 : vector<4096x128xf32>
    %swap3A = arith.constant 0 : index
    %swap3A_51 = arith.constant 0 : index
    %swap3A_52 = vector.load %arg10[%swap3A, %swap3A_51] : memref<4096x128xf32, #tpu.memory_space<vmem>>, vector<4096x128xf32>
    tpu.vector_store %arg10[%swap3A, %swap3A_51], %max3A_50 {strides = array<i32>} : memref<4096x128xf32, #tpu.memory_space<vmem>>, vector<4096x128xf32>,
    return
  }
  func.func @transform_0(%arg0: i32) -> (i32, i32) {
    %c0_i32 = arith.constant 0 : i32
    %c0_i32_0 = arith.constant 0 : i32
    return %arg0, %c0_i32 : i32, i32
  }
  func.func @transform_1(%arg0: i32) -> (i32, i32) {
    %c0_i32 = arith.constant 0 : i32
    %c0_i32_0 = arith.constant 0 : i32
    %c0_i32_1 = arith.constant 0 : i32
    return %c0_i32, %c0_i32_0 : i32, i32
  }
  func.func @transform_2(%arg0: i32) -> (i32, i32) {
    %c0_i32 = arith.constant 0 : i32
    %c0_i32_0 = arith.constant 0 : i32
    %c0_i32_1 = arith.constant 0 : i32
    return %c0_i32, %c0_i32_0 : i32, i32
  }
  func.func @transform_3(%arg0: i32) -> (i32, i32) {
    %c0_i32 = arith.constant 0 : i32
    %c0_i32_0 = arith.constant 0 : i32
    %c0_i32_1 = arith.constant 0 : i32
    return %c0_i32, %c0_i32_0 : i32, i32
  }
  func.func @transform_4(%arg0: i32) -> (i32, i32) {
    %c0_i32 = arith.constant 0 : i32
    %c0_i32_0 = arith.constant 0 : i32
    %c0_i32_1 = arith.constant 0 : i32
    return %c0_i32, %c0_i32_0 : i32, i32
  }
  func.func @transform_5(%arg0: i32) -> (i32, i32) {
    %c0_i32 = arith.constant 0 : i32
    %c0_i32_0 = arith.constant 0 : i32
    %c0_i32_1 = arith.constant 0 : i32
    return %c0_i32, %c0_i32_0 : i32, i32
  }
  func.func @transform_6(%arg0: i32) -> (i32, i32) {
    %c0_i32 = arith.constant 0 : i32
    %c0_i32_0 = arith.constant 0 : i32
    %c0_i32_1 = arith.constant 0 : i32
    return %c0_i32, %c0_i32_0 : i32, i32
  }
  func.func @transform_7(%arg0: i32) -> (i32, i32) {
    %c0_i32 = arith.constant 0 : i32
    %c0_i32_0 = arith.constant 0 : i32
    %c0_i32_1 = arith.constant 0 : i32
    return %c0_i32, %c0_i32_0 : i32, i32
  }
  func.func @transform_8(%arg0: i32) -> (i32, i32) {
    %c0_i32 = arith.constant 0 : i32
    %c0_i32_0 = arith.constant 0 : i32
    %c0_i32_1 = arith.constant 0 : i32
    return %c0_i32, %c0_i32_0 : i32, i32
  }
  func.func @transform_9(%arg0: i32) -> (i32, i32) {
    %c0_i32 = arith.constant 0 : i32
    %c0_i32_0 = arith.constant 0 : i32
    return %arg0, %c0_i32 : i32, i32
  }
}

module attributes {stable_mosaic.version = 14 : i64} {
  func.func @_head_body(%arg0: i32, %arg1: memref<32x4096xf32, #tpu.memory_space<vmem>>, %arg2: memref<4096x512xf32, #tpu.memory_space<vmem>>, %arg3: memref<1x512xf32, #tpu.memory_space<vmem>>, %arg4: memref<1x512xf32, #tpu.memory_space<vmem>>, %arg5: memref<1x512xf32, #tpu.memory_space<vmem>>, %arg6: memref<512x256xf32, #tpu.memory_space<vmem>>, %arg7: memref<1x256xf32, #tpu.memory_space<vmem>>, %arg8: memref<1x256xf32, #tpu.memory_space<vmem>>, %arg9: memref<1x256xf32, #tpu.memory_space<vmem>>, %arg10: memref<256x40xf32, #tpu.memory_space<vmem>>, %arg11: memref<1x40xf32, #tpu.memory_space<vmem>>, %arg12: memref<32x40xf32, #tpu.memory_space<vmem>>, %arg13: memref<32x512xf32, #tpu.memory_space<vmem>>) attributes {dimension_semantics = [#tpu.dimension_semantics<arbitrary>], iteration_bounds = array<i64: 16>, scalar_prefetch = 0 : i64, scratch_operands = 1 : i64, tpu.core_type = #tpu.core_type<tc>, window_params = [{transform_indices = @transform_0, window_bounds = array<i64: 32, 4096>}, {transform_indices = @transform_1, window_bounds = array<i64: 4096, 512>}, {pipeline_mode = #tpu.pipeline_mode<synchronous>, transform_indices = @transform_2, window_bounds = array<i64: 1, 512>}, {pipeline_mode = #tpu.pipeline_mode<synchronous>, transform_indices = @transform_3, window_bounds = array<i64: 1, 512>}, {pipeline_mode = #tpu.pipeline_mode<synchronous>, transform_indices = @transform_4, window_bounds = array<i64: 1, 512>}, {pipeline_mode = #tpu.pipeline_mode<synchronous>, transform_indices = @transform_5, window_bounds = array<i64: 512, 256>}, {pipeline_mode = #tpu.pipeline_mode<synchronous>, transform_indices = @transform_6, window_bounds = array<i64: 1, 256>}, {pipeline_mode = #tpu.pipeline_mode<synchronous>, transform_indices = @transform_7, window_bounds = array<i64: 1, 256>}, {pipeline_mode = #tpu.pipeline_mode<synchronous>, transform_indices = @transform_8, window_bounds = array<i64: 1, 256>}, {pipeline_mode = #tpu.pipeline_mode<synchronous>, transform_indices = @transform_9, window_bounds = array<i64: 256, 40>}, {pipeline_mode = #tpu.pipeline_mode<synchronous>, transform_indices = @transform_10, window_bounds = array<i64: 1, 40>}, {pipeline_mode = #tpu.pipeline_mode<synchronous>, transform_indices = @transform_11, window_bounds = array<i64: 32, 40>}]} {
    %eq3A = arith.constant 0 : i32
    %eq3A_0 = arith.cmpi eq, %arg0, %eq3A : i32
    %convert_element_type3A = arith.extui %eq3A_0 : i1 to i32
    %cond3A = arith.constant 0 : i32
    %cond3A_1 = arith.cmpi ne, %convert_element_type3A, %cond3A : i32
    scf.if %cond3A_1 {
      %broadcast_in_dim3A = arith.constant 0.000000e+00 : f32
      %broadcast_in_dim3A_18 = vector.broadcast %broadcast_in_dim3A : f32 to vector<32x512xf32>
      %swap3A_19 = arith.constant 0 : index
      %swap3A_20 = arith.constant 0 : index
      %swap3A_21 = vector.load %arg13[%swap3A_19, %swap3A_20] : memref<32x512xf32, #tpu.memory_space<vmem>>, vector<32x512xf32>
      tpu.vector_store %arg13[%swap3A_19, %swap3A_20], %broadcast_in_dim3A_18 {strides = array<i32>} : memref<32x512xf32, #tpu.memory_space<vmem>>, vector<32x512xf32>,
    } else {
    }
    %get3A = arith.constant 0 : index
    %get3A_2 = arith.constant 0 : index
    %get3A_3 = vector.load %arg13[%get3A, %get3A_2] : memref<32x512xf32, #tpu.memory_space<vmem>>, vector<32x512xf32>
    %get3A_4 = arith.constant 0 : index
    %get3A_5 = arith.constant 0 : index
    %get3A_6 = vector.load %arg1[%get3A_4, %get3A_5] : memref<32x4096xf32, #tpu.memory_space<vmem>>, vector<32x4096xf32>
    %get3A_7 = arith.constant 0 : index
    %get3A_8 = arith.constant 0 : index
    %get3A_9 = vector.load %arg2[%get3A_7, %get3A_8] : memref<4096x512xf32, #tpu.memory_space<vmem>>, vector<4096x512xf32>
    %dot_general3A = arith.constant dense<0.000000e+00> : vector<32x512xf32>
    %dot_general3A_10 = tpu.matmul %get3A_6, %get3A_9, %dot_general3A {dimension_numbers = #tpu.dot_dimension_numbers<[1], [0], [0], [1], [0, 0, 1, 1], [], []>, transpose_lhs_hint = false} : vector<32x4096xf32>, vector<4096x512xf32>, vector<32x512xf32> -> vector<32x512xf32>
    %add3A = arith.addf %get3A_3, %dot_general3A_10 : vector<32x512xf32>
    %swap3A = arith.constant 0 : index
    %swap3A_11 = arith.constant 0 : index
    %swap3A_12 = vector.load %arg13[%swap3A, %swap3A_11] : memref<32x512xf32, #tpu.memory_space<vmem>>, vector<32x512xf32>
    tpu.vector_store %arg13[%swap3A, %swap3A_11], %add3A {strides = array<i32>} : memref<32x512xf32, #tpu.memory_space<vmem>>, vector<32x512xf32>,
    %eq3A_13 = arith.constant 15 : i32
    %eq3A_14 = arith.cmpi eq, %arg0, %eq3A_13 : i32
    %convert_element_type3A_15 = arith.extui %eq3A_14 : i1 to i32
    %cond3A_16 = arith.constant 0 : i32
    %cond3A_17 = arith.cmpi ne, %convert_element_type3A_15, %cond3A_16 : i32
    scf.if %cond3A_17 {
      %rsqrt3A = arith.constant 1.000010e+00 : f32
      %rsqrt3A_18 = math.rsqrt %rsqrt3A : f32
      %mul3A = arith.constant 1.000000e+00 : f32
      %mul3A_19 = arith.mulf %mul3A, %rsqrt3A_18 : f32
      %get3A_20 = arith.constant 0 : index
      %get3A_21 = arith.constant 0 : index
      %get3A_22 = vector.load %arg4[%get3A_20, %get3A_21] : memref<1x512xf32, #tpu.memory_space<vmem>>, vector<1x512xf32>
      %mul3A_23 = vector.broadcast %mul3A_19 : f32 to vector<1x512xf32>
      %mul3A_24 = arith.mulf %get3A_22, %mul3A_23 : vector<1x512xf32>
      %get3A_25 = arith.constant 0 : index
      %get3A_26 = arith.constant 0 : index
      %get3A_27 = vector.load %arg8[%get3A_25, %get3A_26] : memref<1x256xf32, #tpu.memory_space<vmem>>, vector<1x256xf32>
      %mul3A_28 = vector.broadcast %mul3A_19 : f32 to vector<1x256xf32>
      %mul3A_29 = arith.mulf %get3A_27, %mul3A_28 : vector<1x256xf32>
      %get3A_30 = arith.constant 0 : index
      %get3A_31 = arith.constant 0 : index
      %get3A_32 = vector.load %arg13[%get3A_30, %get3A_31] : memref<32x512xf32, #tpu.memory_space<vmem>>, vector<32x512xf32>
      %get3A_33 = arith.constant 0 : index
      %get3A_34 = arith.constant 0 : index
      %get3A_35 = vector.load %arg3[%get3A_33, %get3A_34] : memref<1x512xf32, #tpu.memory_space<vmem>>, vector<1x512xf32>
      %add3A_36 = vector.broadcast %get3A_35 : vector<1x512xf32> to vector<32x512xf32>
      %add3A_37 = arith.addf %get3A_32, %add3A_36 : vector<32x512xf32>
      %mul3A_38 = vector.broadcast %mul3A_24 : vector<1x512xf32> to vector<32x512xf32>
      %mul3A_39 = arith.mulf %add3A_37, %mul3A_38 : vector<32x512xf32>
      %get3A_40 = arith.constant 0 : index
      %get3A_41 = arith.constant 0 : index
      %get3A_42 = vector.load %arg5[%get3A_40, %get3A_41] : memref<1x512xf32, #tpu.memory_space<vmem>>, vector<1x512xf32>
      %add3A_43 = vector.broadcast %get3A_42 : vector<1x512xf32> to vector<32x512xf32>
      %add3A_44 = arith.addf %mul3A_39, %add3A_43 : vector<32x512xf32>
      %max3A = arith.constant 0.000000e+00 : f32
      %max3A_45 = vector.broadcast %max3A : f32 to vector<32x512xf32>
      %max3A_46 = arith.maximumf %add3A_44, %max3A_45 : vector<32x512xf32>
      %get3A_47 = arith.constant 0 : index
      %get3A_48 = arith.constant 0 : index
      %get3A_49 = vector.load %arg6[%get3A_47, %get3A_48] : memref<512x256xf32, #tpu.memory_space<vmem>>, vector<512x256xf32>
      %dot_general3A_50 = arith.constant dense<0.000000e+00> : vector<32x256xf32>
      %dot_general3A_51 = tpu.matmul %max3A_46, %get3A_49, %dot_general3A_50 {dimension_numbers = #tpu.dot_dimension_numbers<[1], [0], [0], [1], [0, 0, 1, 1], [], []>, transpose_lhs_hint = false} : vector<32x512xf32>, vector<512x256xf32>, vector<32x256xf32> -> vector<32x256xf32>
      %get3A_52 = arith.constant 0 : index
      %get3A_53 = arith.constant 0 : index
      %get3A_54 = vector.load %arg7[%get3A_52, %get3A_53] : memref<1x256xf32, #tpu.memory_space<vmem>>, vector<1x256xf32>
      %add3A_55 = vector.broadcast %get3A_54 : vector<1x256xf32> to vector<32x256xf32>
      %add3A_56 = arith.addf %dot_general3A_51, %add3A_55 : vector<32x256xf32>
      %mul3A_57 = vector.broadcast %mul3A_29 : vector<1x256xf32> to vector<32x256xf32>
      %mul3A_58 = arith.mulf %add3A_56, %mul3A_57 : vector<32x256xf32>
      %get3A_59 = arith.constant 0 : index
      %get3A_60 = arith.constant 0 : index
      %get3A_61 = vector.load %arg9[%get3A_59, %get3A_60] : memref<1x256xf32, #tpu.memory_space<vmem>>, vector<1x256xf32>
      %add3A_62 = vector.broadcast %get3A_61 : vector<1x256xf32> to vector<32x256xf32>
      %add3A_63 = arith.addf %mul3A_58, %add3A_62 : vector<32x256xf32>
      %max3A_64 = arith.constant 0.000000e+00 : f32
      %max3A_65 = vector.broadcast %max3A_64 : f32 to vector<32x256xf32>
      %max3A_66 = arith.maximumf %add3A_63, %max3A_65 : vector<32x256xf32>
      %get3A_67 = arith.constant 0 : index
      %get3A_68 = arith.constant 0 : index
      %get3A_69 = vector.load %arg10[%get3A_67, %get3A_68] : memref<256x40xf32, #tpu.memory_space<vmem>>, vector<256x40xf32>
      %dot_general3A_70 = arith.constant dense<0.000000e+00> : vector<32x40xf32>
      %dot_general3A_71 = tpu.matmul %max3A_66, %get3A_69, %dot_general3A_70 {dimension_numbers = #tpu.dot_dimension_numbers<[1], [0], [0], [1], [0, 0, 1, 1], [], []>, transpose_lhs_hint = false} : vector<32x256xf32>, vector<256x40xf32>, vector<32x40xf32> -> vector<32x40xf32>
      %get3A_72 = arith.constant 0 : index
      %get3A_73 = arith.constant 0 : index
      %get3A_74 = vector.load %arg11[%get3A_72, %get3A_73] : memref<1x40xf32, #tpu.memory_space<vmem>>, vector<1x40xf32>
      %add3A_75 = vector.broadcast %get3A_74 : vector<1x40xf32> to vector<32x40xf32>
      %add3A_76 = arith.addf %dot_general3A_71, %add3A_75 : vector<32x40xf32>
      %swap3A_77 = arith.constant 0 : index
      %swap3A_78 = arith.constant 0 : index
      %swap3A_79 = vector.load %arg12[%swap3A_77, %swap3A_78] : memref<32x40xf32, #tpu.memory_space<vmem>>, vector<32x40xf32>
      tpu.vector_store %arg12[%swap3A_77, %swap3A_78], %add3A_76 {strides = array<i32>} : memref<32x40xf32, #tpu.memory_space<vmem>>, vector<32x40xf32>,
    } else {
    }
    return
  }
  func.func @transform_0(%arg0: i32) -> (i32, i32) {
    %c0_i32 = arith.constant 0 : i32
    %c0_i32_0 = arith.constant 0 : i32
    return %c0_i32, %arg0 : i32, i32
  }
  func.func @transform_1(%arg0: i32) -> (i32, i32) {
    %c0_i32 = arith.constant 0 : i32
    %c0_i32_0 = arith.constant 0 : i32
    return %arg0, %c0_i32 : i32, i32
  }
  func.func @transform_2(%arg0: i32) -> (i32, i32) {
    %c0_i32 = arith.constant 0 : i32
    %c0_i32_0 = arith.constant 0 : i32
    %c0_i32_1 = arith.constant 0 : i32
    return %c0_i32, %c0_i32_0 : i32, i32
  }
  func.func @transform_3(%arg0: i32) -> (i32, i32) {
    %c0_i32 = arith.constant 0 : i32
    %c0_i32_0 = arith.constant 0 : i32
    %c0_i32_1 = arith.constant 0 : i32
    return %c0_i32, %c0_i32_0 : i32, i32
  }
  func.func @transform_4(%arg0: i32) -> (i32, i32) {
    %c0_i32 = arith.constant 0 : i32
    %c0_i32_0 = arith.constant 0 : i32
    %c0_i32_1 = arith.constant 0 : i32
    return %c0_i32, %c0_i32_0 : i32, i32
  }
  func.func @transform_5(%arg0: i32) -> (i32, i32) {
    %c0_i32 = arith.constant 0 : i32
    %c0_i32_0 = arith.constant 0 : i32
    %c0_i32_1 = arith.constant 0 : i32
    return %c0_i32, %c0_i32_0 : i32, i32
  }
  func.func @transform_6(%arg0: i32) -> (i32, i32) {
    %c0_i32 = arith.constant 0 : i32
    %c0_i32_0 = arith.constant 0 : i32
    %c0_i32_1 = arith.constant 0 : i32
    return %c0_i32, %c0_i32_0 : i32, i32
  }
  func.func @transform_7(%arg0: i32) -> (i32, i32) {
    %c0_i32 = arith.constant 0 : i32
    %c0_i32_0 = arith.constant 0 : i32
    %c0_i32_1 = arith.constant 0 : i32
    return %c0_i32, %c0_i32_0 : i32, i32
  }
  func.func @transform_8(%arg0: i32) -> (i32, i32) {
    %c0_i32 = arith.constant 0 : i32
    %c0_i32_0 = arith.constant 0 : i32
    %c0_i32_1 = arith.constant 0 : i32
    return %c0_i32, %c0_i32_0 : i32, i32
  }
  func.func @transform_9(%arg0: i32) -> (i32, i32) {
    %c0_i32 = arith.constant 0 : i32
    %c0_i32_0 = arith.constant 0 : i32
    %c0_i32_1 = arith.constant 0 : i32
    return %c0_i32, %c0_i32_0 : i32, i32
  }
  func.func @transform_10(%arg0: i32) -> (i32, i32) {
    %c0_i32 = arith.constant 0 : i32
    %c0_i32_0 = arith.constant 0 : i32
    %c0_i32_1 = arith.constant 0 : i32
    return %c0_i32, %c0_i32_0 : i32, i32
  }
  func.func @transform_11(%arg0: i32) -> (i32, i32) {
    %c0_i32 = arith.constant 0 : i32
    %c0_i32_0 = arith.constant 0 : i32
    %c0_i32_1 = arith.constant 0 : i32
    return %c0_i32, %c0_i32_0 : i32, i32
  }
}

</mosaic_0001>

<sc_bundles>
// kernel: kernel.5.cloned.1.call-start
scs
__scs_entry_jumppad:
0x0: {  	(pc) =	sbr.rel $0x88, $3  }
0x1: {  	(tag) =	ssettag $0x0;
	lr =	simm.s32 $0x1  }
0x2: {  	[smem:$0x3F8E] =	sst lr;
	_ =	strace $0xD0000000  }
0x3: {  	_ = 	snop  }
0x4: {  	_ = 	snop  }
0x5: {  	_ = 	snop  }
0x6: {  	_ = 	snop  }
0x7: {  	_ = 	snop  }
__scs_overlays_trampoline_lowered:
0x8: {  	[smem:$0x3F9D] =	sst s0  }
0x9: {  	[smem:$0x3F9E] =	sst s1  }
0xa: {  	[smem:$0x3F9F] =	sst s2  }
0xb: {  	[smem:$0x3FA0] =	sst s3  }
0xc: {  	[smem:$0x3FA1] =	sst s4  }
0xd: {  	[smem:$0x3FA2] =	sst s5  }
0xe: {  	[smem:$0x3FA3] =	sst s6  }
0xf: {  	[smem:$0x3FA4] =	sst s7  }
0x10: {  	[smem:$0x3FA5] =	sst s8  }
0x11: {  	[smem:$0x3FA6] =	sst s9;
	s0 =	simm.s32 @!p0 $0x0  }
0x12: {  	s1 =	sld [smem:$0x3F8C];
	s0 =	simm.s32 @p0 $0x1  }
0x13: {  	[smem:$0x3FA7] =	sst s0;
	s0 =	simm.s32 @!p1 $0x0  }
0x14: {  	s2 =	sld [smem:$0x3F8B];
	s0 =	simm.s32 @p1 $0x1  }
0x15: {  	[smem:$0x3FA8] =	sst s0;
	s0 =	simm.s32 @!p2 $0x0  }
0x16: {  	s3 =	sld [smem:$0x3FDB];
	s0 =	simm.s32 @p2 $0x1  }
0x17: {  	s4 =	simm.s32 $0x1BF5;
	[smem:$0x3FAA] =	sst s0  }
0x18: {  	s0 =	sld [smem:$0x3F8D];
	_ =	swait.ge [sflag:s4], $0x0  }
0x19: {  	s7 =	sld [smem:$0x3F8E]  }
0x1a: {  	s8 =	sadd.s32 $0xFFFFE003, lr  }
0x1b: {  	s9 =	sadd.s32 $0xFFFFFEF7, lr;
	s5 =	simm.s32 $0xFFFFFFFF;
	p2 =	slt.u32 s8, $0xFFFFF086  }
0x1c: {  	p1 =	slt.u32 s9, $0xF7A;
	s5 =	simm.s32 @!p2 $0x0  }
0x1d: {  	s5 =	simm.s32 @p1 $0x1;
	p0 =	seq.s32 s7, s2  }
0x1e: {  	s7 =	smul.u32 @!p0 $0xF7A, s2;
	p2 =	seq.s32 @!p0 s5, $0x0  }
0x1f: {  	s9 =	smul.u32 $0xF7A, s1;
	s8 =	simm.s32 @!p0 $0x1BF5;
	p2 =	por !p2, p0  }
0x20: {  	[sflag:s8] =	ssyncset.s32 @!p0 $0xFFFFF086;
	s6 =	sadd.s32 @!p0 s3, s7;
	s7 =	simm.s32 @!p0 $0x108  }
0x21: {  	s3 =	sadd.s32 s3, s9;
	s6 =	sadd.s32 @!p0 $0x88, s6;
	s7 =	simm.s32 @p2 $0x1082  }
0x22: {  	[simem:s7], [sflag:s8] =	dma.local @!p0 [hbm:s6], $0xF7A  }
0x23: {  	s9 =	sor.u32 $0xD0000000, s2;
	s6 =	simm.s32 $0x108;
	_ =	swait.ge @!p0 [sflag:s8], $0x0  }
0x24: {  	s3 =	sadd.s32 $0x88, s3;
	s6 =	simm.s32 @!p1 $0x1082;
	[sflag:s4] =	ssyncset.s32 $0xFFFFF086  }
0x25: {  	[simem:s6], [sflag:s4] =	dma.local [hbm:s3], $0xF7A  }
0x26: {  	[smem:$0x3F8E] =	sst s1;
	(tag) =	ssettag s2;
	_ =	strace s9  }
0x27: {  	s1 =	sld [smem:$0x3F9E]  }
0x28: {  	s2 =	sld [smem:$0x3F9F]  }
0x29: {  	s4 =	sld [smem:$0x3FA1]  }
0x2a: {  	p0 =	seq.s32 s5, $0x0;
	s5 =	sld [smem:$0x3FA2]  }
0x2b: {  	s6 =	sld [smem:$0x3FA3]  }
0x2c: {  	s7 =	sld [smem:$0x3FA4]  }
0x2d: {  	s3 =	simm.s32 $0x108;
	s8 =	sld [smem:$0x3FA5]  }
0x2e: {  	s3 =	simm.s32 @!p0 $0x1082;
	s9 =	sld [smem:$0x3FA6]  }
0x2f: {  	lr =	sadd.s32 s0, s3;
	s0 =	sld [smem:$0x3F9D]  }
0x30: {  	s3 =	sld [smem:$0x3FA0]  }
0x31: {  	[smem:$0x3FA9] =	sst s10  }
0x32: {  	s10 =	sld [smem:$0x3FA7];
	_ =	sdelay $0x3  }
0x33: {  	p0 =	seq.s32 s10, $0x1;
	s10 =	sld [smem:$0x3FA9];
	_ =	sdelay $0x3  }
0x34: {  	[smem:$0x3FA9] =	sst s10  }
0x35: {  	s10 =	sld [smem:$0x3FA8];
	_ =	sdelay $0x3  }
0x36: {  	p1 =	seq.s32 s10, $0x1;
	s10 =	sld [smem:$0x3FA9];
	_ =	sdelay $0x3  }
0x37: {  	[smem:$0x3FA9] =	sst s10  }
0x38: {  	s10 =	sld [smem:$0x3FAA]  }
0x39: {  	_ = 	snop;
	(pc) =	sbr.ind lr, $3  }
0x3a: {  	_ = 	snop  }
0x3b: {  	_ = 	snop  }
0x3c: {  	p2 =	seq.s32 s10, $0x1;
	s10 =	sld [smem:$0x3FA9]  }
0x3d: {  	_ =	shalt  }
0x3e: {  	_ =	shalt  }
0x3f: {  	_ =	shalt  }
0x40: {  	_ =	shalt  }
0x41: {  	_ =	shalt  }
0x42: {  	_ =	shalt  }
0x43: {  	_ =	shalt  }
0x44: {  	_ =	shalt  }
0x45: {  	_ =	shalt  }
0x46: {  	_ =	shalt  }
0x47: {  	_ =	shalt  }
0x48: {  	_ =	shalt  }
0x49: {  	_ =	shalt  }
0x4a: {  	_ =	shalt  }
0x4b: {  	_ =	shalt  }
0x4c: {  	_ =	shalt  }
0x4d: {  	_ =	shalt  }
0x4e: {  	_ =	shalt  }
0x4f: {  	_ =	shalt  }
0x50: {  	_ =	shalt  }
0x51: {  	_ =	shalt  }
0x52: {  	_ =	shalt  }
0x53: {  	_ =	shalt  }
0x54: {  	_ =	shalt  }
0x55: {  	_ =	shalt  }
0x56: {  	_ =	shalt  }
0x57: {  	_ =	shalt  }
0x58: {  	_ =	shalt  }
0x59: {  	_ =	shalt  }
0x5a: {  	_ =	shalt  }
0x5b: {  	_ =	shalt  }
0x5c: {  	_ =	shalt  }
0x5d: {  	_ =	shalt  }
0x5e: {  	_ =	shalt  }
0x5f: {  	_ =	shalt  }
0x60: {  	_ =	shalt  }
0x61: {  	_ =	shalt  }
0x62: {  	_ =	shalt  }
0x63: {  	_ =	shalt  }
0x64: {  	_ =	shalt  }
0x65: {  	_ =	shalt  }
0x66: {  	_ =	shalt  }
0x67: {  	_ =	shalt  }
0x68: {  	_ =	shalt  }
0x69: {  	_ =	shalt  }
0x6a: {  	_ =	shalt  }
0x6b: {  	_ =	shalt  }
0x6c: {  	_ =	shalt  }
0x6d: {  	_ =	shalt  }
0x6e: {  	_ =	shalt  }
0x6f: {  	_ =	shalt  }
0x70: {  	_ =	shalt  }
0x71: {  	_ =	shalt  }
0x72: {  	_ =	shalt  }
0x73: {  	_ =	shalt  }
0x74: {  	_ =	shalt  }
0x75: {  	_ =	shalt  }
0x76: {  	_ =	shalt  }
0x77: {  	_ =	shalt  }
0x78: {  	_ =	shalt  }
0x79: {  	_ =	shalt  }
0x7a: {  	_ =	shalt  }
0x7b: {  	_ =	shalt  }
0x7c: {  	_ =	shalt  }
0x7d: {  	_ =	shalt  }
0x7e: {  	_ =	shalt  }
0x7f: {  	_ =	shalt  }
0x80: {  	_ =	shalt  }
0x81: {  	_ =	shalt  }
0x82: {  	_ =	shalt  }
0x83: {  	_ =	shalt  }
0x84: {  	_ =	shalt  }
0x85: {  	_ =	shalt  }
0x86: {  	_ =	shalt  }
0x87: {  	_ =	shalt  }
.Lfunc_end0:
.L_simem_size_0:
called_computation_lowered:
.L_overlay_start_0:
0x88: {  	s2 =	sld [smem:$0x3FD9]  }
0x89: {  	s3 =	sld [smem:$0x3FFE];
	_ =	sdelay $0x1  }
0x8a: {  	s1 =	srdreg.scid  }
0x8b: {  	s0 =	sand.u32 $0x1, s1  }
0x8c: {  	s16 =	sshll.u32 s0, $0xA;
	s2 =	sadd.s32 s3, s2  }
0x8d: {  	s2 =	sadd.s32 s2, s16  }
0x8e: {  	[smem:$0x3FB5] =	sst s2  }
0x8f: {  	_ = 	snop  }
0x90: {  	(tm) =	ssettm $0x1  }
0x91: {  	s17 =	sld [smem:$0x3FFB];
	_ =	sdelay $0x3  }
0x92: {  	_ =	strace s17  }
0x93: {  	s2 =	sld [smem:$0x3FFC];
	_ =	sdelay $0x3  }
0x94: {  	_ =	strace s2  }
0x95: {  	s2 =	sld [smem:$0x3FFD];
	_ =	sdelay $0x3  }
0x96: {  	_ =	strace s2  }
0x97: {  	_ =	strace $0x8FFFFFFF  }
0x98: {  	s18 =	sld [smem:$0x3FDB];
	_ =	sdelay $0x1  }
0x99: {  	s19 =	simm.s32 $_scs_section_size  }
0x9a: {  	s4 =	simm.s32 $_size__tile_overlayer_lowered;
	s5 =	simm.s32 $_tile_overlayer_lowered  }
0x9b: {  	s22 =	simm.s32 $0x1BFF;
	s21 =	sshll.u32 s5, $0x1;
	s2 =	sadd.s32 s19, s18  }
0x9c: {  	s6 =	simm.s32 $0x0;
	s20 =	sshll.u32 s4, $0x1;
	s4 =	sadd.s32 s21, s2  }
0x9d: {  	[timem:s6], [sflag:s22] =	dma.local [hbm:s4], s20  }
0x9e: {  	_ =	swait.ge [sflag:s22], s20  }
0x9f: {  	s3 =	ssub.s32 $0x0, s20;
	[sflag:s22] =	ssyncset.done $0x0  }
0xa0: {  	[sflag:s22] =	ssyncadd.s32 s3;
	_ =	sdelay $0x1  }
0xa1: {  	s23 =	simm.s32 $0x1B8B  }
0xa2: {  	_ =	swait.ge [sflag:s23], $0x1  }
0xa3: {  	[sflag:s23] =	ssyncset.done $0x0  }
0xa4: {  	s25 =	simm.s32 $0x1B8E;
	s24 =	sld [smem:$0x3FFE];
	[sflag:s23] =	ssyncadd.s32 $0xFFFFFFFF  }
0xa5: {  	s26 =	simm.s32 $execute0_lowered;
	[smem:$0x3FD2] =	sst s25  }
0xa6: {  	s4 =	sshll.u32 s26, $0x1;
	_ =	strace $0x80000046;
	[dreg:$0x1] =	wrdreg $0xFFFFFFFF  }
0xa7: {  	s28 =	simm.s32 $_size_execute0_lowered;
	s2 =	sadd.s32 s2, s4;
	[dreg:$0x0] =	wrdreg $0x0  }
0xa8: {  	s4 =	sshll.u32 s28, $0x1;
	[dreg:$0x2] =	wrdreg s2  }
0xa9: {  	[dreg:$0x3] =	wrdreg s4  }
0xaa: {  	[dreg:$0x4] =	wrdreg $0xC0  }
0xab: {  	_ =	task [dreg:s6], $0x5FFFF  }
0xac: {  	[dreg:$0x1] =	wrdreg $0xFFFFFFFF  }
0xad: {  	[dreg:$0x0] =	wrdreg $0x60  }
0xae: {  	[dreg:$0x2] =	wrdreg s24  }
0xaf: {  	[dreg:$0x3] =	wrdreg $0x9  }
0xb0: {  	_ =	task.clear_ibuf [dreg:s6], $0x4FFFF;
	_ =	strace $0x90000046  }
0xb1: {  	s29 =	simm.s32 $0x9;
	_ =	strace $0x80000048  }
0xb2: {  	_ =	swait.ge [sflag:s29], $0x1  }
0xb3: {  	[sflag:s29] =	ssyncadd.s32 $0xFFFFFFFF  }
0xb4: {  	_ =	strace $0x90000048  }
0xb5: {  	_ =	sfence  }
0xb6: {  	s30 =	sld [smem:$0x0];
	_ =	sdelay $0x2  }
0xb7: {  	s31 =	sshll.u32 s1, $0xD;
	s1 =	sshrl.u32 s1, $0x2  }
0xb8: {  	s3 =	sand.u32 $0x4000, s31;
	s1 =	sadd.s32 s1, s30  }
0xb9: {  	s0 =	sor.u32 s3, s0;
	s1 =	sshll.u32 s1, $0x11  }
0xba: {  	s0 =	sor.u32 s1, s0  }
0xbb: {  	s0 =	sadd.s32 $0x8F2B, s0  }
0xbc: {  	[sflag:s0] =	ssyncadd.remote.s32 $0x1  }
0xbd: {  	_ =	sfence.sel $0xFFFF  }
0xbe: {  	[dreg:$0x0] =	wrdreg $0xFFFFFFFF;
	(pc) =	sbr.abs _section_cstart, $3  }
0xbf: {  	[dreg:$0x1] =	wrdreg $0xFFFFFFFF  }
0xc0: {  	_ =	task.clear_ibuf [dreg:s6], $0x2FFFF;
	_ =	strace $0x9FFFFFFF  }
0xc1: {  	(tm) =	ssettm $0x7FFFFFFF  }
tec
execute0_lowered:
.L_overlay_start_1:
0x0: {  	(tag) =	ssettag $0x1  }
0x1: {  	s1 =	srdreg.scid  }
0x2: {  	s0 =	stileid.u32;
	s6 =	rddreg [dreg:$0x0];
	s2 =	simm.s32 $0x0  }
0x3: {  	s11 =	simm.s32 $0x400;
	s12 =	simm.s32 $0x3;
	s13 =	simm.s32 $0x3000  }
0x4: {  	s14 =	simm.s32 $0x7000;
	s15 =	simm.s32 $0x1;
	s16 =	simm.s32 $0x2  }
0x5: {  	s17 =	simm.s32 $0xB000;
	s18 =	simm.s32 $0x0;
	s3 =	sand.u32 $0x1, s1  }
0x6: {  	s26 =	sshll.u32 s0, $0x1;
	s5 =	sshrl.u32 s0, $0x2;
	s1 =	rddreg [dreg:$0x1]  }
0x7: {  	[smem:$0x7FF] =	sst s2;
	s4 =	sor.u32 s3, s26;
	s8 =	smul.u32 $0x18000, s5  }
0x8: {  	s5 =	sshll.u32 s5, $0x13;
	_ =	strace $0x80000047;
	s7 =	sshll.u32 s4, $0x7  }
0x9: {  	s30 =	ssub.s32 $0x2, s3;
	s4 =	sshll.u32 s4, $0x10;
	s7 =	sand.u32 $0x380, s7  }
0xa: {  	s31 =	sshrl.u32 s30, $0x1;
	s29 =	sadd.s32 s4, s6;
	s8 =	sor.u32 s8, s7  }
.Ltmp0:
0xb: {  	s5 =	sor.u32 s5, s7;
	s4 =	sadd.s32 $0x20EA00, s29;
	(pc) =	sbr.rel .LBB2_1-.Ltmp0, $4  }
0xc: {  	s7 =	sadd.s32 $0x210200, s29;
	s8 =	sshrl.u32 s8, $0x3;
	s5 =	sshrl.u32 s5, $0x3  }
0xd: {  	s28 =	sadd.s32 s8, s6;
	s9 =	sadd.s32 s5, s6;
	s5 =	sadd.s32 $0x20F200, s29  }
0xe: {  	s10 =	ssub.s32 s30, s31;
	s6 =	sadd.s32 $0x20FA00, s29;
	s3 =	sadd.s32 $0x202A00, s28  }
0xf: {  	v0 =	vimm.f32 $0.0e+00;
	s8 =	sadd.s32 $0x2A00, s9;
	s9 =	smax.u32 s10, $0x1;
	s10 =	simm.s32 $0x80  }
.LBB2_10:
0x10: {  	s18 =	sadd.s32 $0x1, s18  }
0x11: {  	p0 =	sne.s32 s18, s9  }
.Ltmp1:
0x12: {  	_ = 	snop;
	(pc) =	sbr.rel @!p0 .LBB2_11-.Ltmp1, $4  }
0x13: {  	[hbm4b:s8+s10] =	stream.strided.scatter [tilespmem:s17], [sflag:$0x3], $0x10000, s11, s10, $0x38;
	[tilespmem:$0x1B000] =	vst v63  }
0x14: {  	_ =	swait.ge [sflag:s12], $0x10000  }
0x15: {  	[sflag:s12] =	ssyncset.done $0x0  }
0x16: {  	[sflag:s12] =	ssyncadd.s32 $0xFFFF0000  }
.LBB2_1:
0x17: {  	[tilespmem:s2], [sflag:$0x3] =	stream.strided.gather [hbm4b:s3+s10], $0x3000, s11, s10, $0x38;
	[tilespmem:$0x1B000] =	vst v63  }
0x18: {  	_ =	swait.ge [sflag:s12], $0x3000  }
0x19: {  	[sflag:s12] =	ssyncset.done $0x0  }
0x1a: {  	s19 =	simm.s32 $0x0;
	s20 =	simm.s32 $0x200;
	[sflag:s12] =	ssyncadd.s32 $0xFFFFD000  }
.LBB2_2:
0x1b: {  	p0 =	sne.s32 s20, $0x3FE00;
	[tilespmem:s19+$0xB070] =	vst v0  }
0x1c: {  	[tilespmem:s19+$0xB000] =	vst v0  }
0x1d: {  	[tilespmem:s19+$0xB010] =	vst v0  }
.Ltmp2:
0x1e: {  	[tilespmem:s19+$0xB020] =	vst v0;
	(pc) =	sbr.rel @p0 .LBB2_2-.Ltmp2, $4  }
0x1f: {  	[tilespmem:s19+$0xB030] =	vst v0  }
0x20: {  	[tilespmem:s19+$0xB040] =	vst v0  }
0x21: {  	[tilespmem:s19+$0xB050] =	vst v0  }
0x22: {  	[tilespmem:s19+$0xB060] =	vst v0;
	s19 =	sshra.s32 s20, $0x2;
	s20 =	sadd.s32 $0x200, s20  }
0x23: {  	[tilespmem:s19+$0xB070] =	vst v0  }
0x24: {  	[tilespmem:s19+$0xB000] =	vst v0  }
0x25: {  	[tilespmem:s19+$0xB010] =	vst v0  }
0x26: {  	[tilespmem:s19+$0xB020] =	vst v0  }
0x27: {  	[tilespmem:s19+$0xB030] =	vst v0  }
0x28: {  	[tilespmem:s19+$0xB040] =	vst v0  }
0x29: {  	[tilespmem:s19+$0xB050] =	vst v0  }
0x2a: {  	[tilespmem:s19+$0xB060] =	vst v0;
	s19 =	simm.s32 $0x0  }
0x2b: {  	[tilespmem:s13], [sflag:$0x1] =	stream.linear.gather [hbm4b:s4+s19], $0x4000, $0x38;
	[tilespmem:$0x1B000] =	vst v63  }
0x2c: {  	s20 =	simm.s32 $0x1080;
	s21 =	simm.s32 $0x0  }
0x2d: {  	[tilespmem:s14], [sflag:$0x2] =	stream.linear.gather [hbm4b:s5+s19], $0x4000, $0x38;
	[tilespmem:$0x1B000] =	vst v63  }
.LBB2_4:
0x2e: {  	v1 =	vmov s19  }
0x2f: {  	_ =	swait.ge [sflag:s15], $0x4000  }
0x30: {  	[sflag:s15] =	ssyncset.done $0x0  }
0x31: {  	s22 =	simm.s32 $0x3400;
	s23 =	simm.s32 $0x0;
	[sflag:s15] =	ssyncadd.s32 $0xFFFFC000  }
.LBB2_5:
0x32: {  	s24 =	sshra.s32 s23, $0x2  }
0x33: {  	v2 =	vld.idx.msk [tilespmem:v1+s24+$0x0 ss:$0x1], $0xffff  }
0x34: {  	v3 =	vld.idx.msk [tilespmem:v1+s24+$0x1000 ss:$0x1], $0xffff  }
0x35: {  	v4 =	vld.idx.msk [tilespmem:v1+s24+$0x2000 ss:$0x1], $0xffff;
	_ =	sdelay $0x3  }
0x36: {  	v2 =	vadd.f32 $1.000000000e+00, v2;
	v3 =	vadd.f32 $1.000000000e+00, v3  }
0x37: {  	v4 =	vadd.f32 $1.000000000e+00, v4  }
0x38: {  	v2 =	vmul.f32 $5.000000000e-01, v2;
	v3 =	vmul.f32 $5.000000000e-01, v3  }
0x39: {  	v4 =	vmul.f32 $5.000000000e-01, v4  }
0x3a: {  	v2 =	vmul.f32 $7.999989990e+00, v2;
	v3 =	vmul.f32 $7.999989990e+00, v3  }
0x3b: {  	v4 =	vmul.f32 $7.999989990e+00, v4  }
0x3c: {  	v2 =	vtrunc.f32 v2;
	v3 =	vtrunc.f32 v3  }
0x3d: {  	v2 =	vcvt.f32.s32 v2;
	v3 =	vcvt.f32.s32 v3  }
0x3e: {  	v4 =	vtrunc.f32 v4  }
0x3f: {  	v4 =	vcvt.f32.s32 v4;
	vm0 =	vgt.s32 v2, $0x0;
	vm1 =	vgt.s32 v3, $0x0  }
0x40: {  	v2 =	vnsel vm0, $0x0, v2;
	v3 =	vnsel vm1, $0x0, v3  }
0x41: {  	vm15 =	vgt.s32 v4, $0x0;
	v2 =	vmin.u32 v2, $0x7;
	v3 =	vmin.u32 v3, $0x7  }
0x42: {  	v4 =	vnsel vm15, $0x0, v4;
	v2 =	vshll.u32 v2, $0x6;
	v3 =	vshll.u32 v3, $0x3  }
0x43: {  	v2 =	vor.u32 v2, v3;
	v3 =	vmin.u32 v4, $0x7  }
0x44: {  	v2 =	vor.u32 v3, v2  }
0x45: {  	v2 =	vshll.u32 v2, $0x7  }
0x46: {  	(v2sf) =	vpush v2, $0x0;
	_ =	sdelay $0x7  }
0x47: {  	v63 =	vld [tilespmem:s22+$0xFFFFFC10]  }
0x48: {  	v5 =	vld [tilespmem:s22+$0xFFFFFC20]  }
0x49: {  	v6 =	vld [tilespmem:s22+$0xFFFFFC30]  }
0x4a: {  	v7 =	vld [tilespmem:s22+$0xFFFFFC40]  }
0x4b: {  	v8 =	vld [tilespmem:s22+$0xFFFFFC50]  }
0x4c: {  	v9 =	vld [tilespmem:s22+$0xFFFFFC60]  }
0x4d: {  	v10 =	vld [tilespmem:s22+$0xFFFFFC70]  }
0x4e: {  	v3 =	vld [tilespmem:s22+$0xFFFFFC00];
	s28 =	spop (v2sf)  }
0x4f: {  	v11 =	vld [tilespmem:s28+$0xB000]  }
0x50: {  	v12 =	vld [tilespmem:s28+$0xB010]  }
0x51: {  	v13 =	vld [tilespmem:s28+$0xB020]  }
0x52: {  	v14 =	vld [tilespmem:s28+$0xB030]  }
0x53: {  	v15 =	vld [tilespmem:s28+$0xB040]  }
0x54: {  	v16 =	vld [tilespmem:s28+$0xB050];
	v3 =	vmax.f32 v11, v3  }
0x55: {  	(v2sf) =	vpush v2, $0x1;
	v19 =	vld [tilespmem:s28+$0xB060];
	[tilespmem:s28+$0xB000] =	vst v3;
	v3 =	vmax.f32 v12, v63  }
0x56: {  	v20 =	vld [tilespmem:s28+$0xB070];
	[tilespmem:s28+$0xB010] =	vst v3;
	v3 =	vmax.f32 v13, v5  }
0x57: {  	[tilespmem:s28+$0xB020] =	vst v3;
	v3 =	vmax.f32 v14, v6  }
0x58: {  	[tilespmem:s28+$0xB030] =	vst v3;
	v3 =	vmax.f32 v15, v7  }
0x59: {  	[tilespmem:s28+$0xB040] =	vst v3;
	v3 =	vmax.f32 v16, v8  }
0x5a: {  	[tilespmem:s28+$0xB050] =	vst v3;
	v3 =	vmax.f32 v19, v9  }
0x5b: {  	[tilespmem:s28+$0xB060] =	vst v3;
	v3 =	vmax.f32 v20, v10  }
0x5c: {  	[tilespmem:s28+$0xB070] =	vst v3  }
0x5d: {  	v3 =	vld [tilespmem:s22+$0xFFFFFC80]  }
0x5e: {  	v21 =	vld [tilespmem:s22+$0xFFFFFC90]  }
0x5f: {  	v22 =	vld [tilespmem:s22+$0xFFFFFCA0]  }
0x60: {  	v23 =	vld [tilespmem:s22+$0xFFFFFCB0]  }
0x61: {  	v24 =	vld [tilespmem:s22+$0xFFFFFCC0]  }
0x62: {  	v25 =	vld [tilespmem:s22+$0xFFFFFCD0]  }
0x63: {  	v26 =	vld [tilespmem:s22+$0xFFFFFCE0]  }
0x64: {  	s29 =	spop (v2sf);
	v27 =	vld [tilespmem:s22+$0xFFFFFCF0]  }
0x65: {  	v28 =	vld [tilespmem:s29+$0xB000]  }
0x66: {  	v29 =	vld [tilespmem:s29+$0xB010]  }
0x67: {  	v30 =	vld [tilespmem:s29+$0xB020]  }
0x68: {  	v31 =	vld [tilespmem:s29+$0xB030]  }
0x69: {  	v32 =	vld [tilespmem:s29+$0xB040]  }
0x6a: {  	v33 =	vld [tilespmem:s29+$0xB050];
	v3 =	vmax.f32 v28, v3  }
0x6b: {  	(v2sf) =	vpush v2, $0x2;
	v34 =	vld [tilespmem:s29+$0xB060];
	[tilespmem:s29+$0xB000] =	vst v3;
	v3 =	vmax.f32 v29, v21  }
0x6c: {  	v35 =	vld [tilespmem:s29+$0xB070];
	[tilespmem:s29+$0xB010] =	vst v3;
	v3 =	vmax.f32 v30, v22  }
0x6d: {  	[tilespmem:s29+$0xB020] =	vst v3;
	v3 =	vmax.f32 v31, v23  }
0x6e: {  	[tilespmem:s29+$0xB030] =	vst v3;
	v3 =	vmax.f32 v32, v24  }
0x6f: {  	[tilespmem:s29+$0xB040] =	vst v3;
	v3 =	vmax.f32 v33, v25  }
0x70: {  	[tilespmem:s29+$0xB050] =	vst v3;
	v3 =	vmax.f32 v34, v26  }
0x71: {  	[tilespmem:s29+$0xB060] =	vst v3;
	v3 =	vmax.f32 v35, v27  }
0x72: {  	[tilespmem:s29+$0xB070] =	vst v3  }
0x73: {  	v3 =	vld [tilespmem:s22+$0xFFFFFD00]  }
0x74: {  	v36 =	vld [tilespmem:s22+$0xFFFFFD10]  }
0x75: {  	v37 =	vld [tilespmem:s22+$0xFFFFFD20]  }
0x76: {  	v38 =	vld [tilespmem:s22+$0xFFFFFD30]  }
0x77: {  	v39 =	vld [tilespmem:s22+$0xFFFFFD40]  }
0x78: {  	v40 =	vld [tilespmem:s22+$0xFFFFFD50]  }
0x79: {  	v41 =	vld [tilespmem:s22+$0xFFFFFD60]  }
0x7a: {  	s30 =	spop (v2sf);
	v42 =	vld [tilespmem:s22+$0xFFFFFD70]  }
0x7b: {  	v43 =	vld [tilespmem:s30+$0xB000]  }
0x7c: {  	v44 =	vld [tilespmem:s30+$0xB010]  }
0x7d: {  	v45 =	vld [tilespmem:s30+$0xB020]  }
0x7e: {  	v46 =	vld [tilespmem:s30+$0xB030]  }
0x7f: {  	v47 =	vld [tilespmem:s30+$0xB040]  }
0x80: {  	v48 =	vld [tilespmem:s30+$0xB050];
	v3 =	vmax.f32 v43, v3  }
0x81: {  	(v2sf) =	vpush v2, $0x3;
	v49 =	vld [tilespmem:s30+$0xB060];
	[tilespmem:s30+$0xB000] =	vst v3;
	v3 =	vmax.f32 v44, v36  }
0x82: {  	v50 =	vld [tilespmem:s30+$0xB070];
	[tilespmem:s30+$0xB010] =	vst v3;
	v3 =	vmax.f32 v45, v37  }
0x83: {  	[tilespmem:s30+$0xB020] =	vst v3;
	v3 =	vmax.f32 v46, v38  }
0x84: {  	[tilespmem:s30+$0xB030] =	vst v3;
	v3 =	vmax.f32 v47, v39  }
0x85: {  	[tilespmem:s30+$0xB040] =	vst v3;
	v3 =	vmax.f32 v48, v40  }
0x86: {  	[tilespmem:s30+$0xB050] =	vst v3;
	v3 =	vmax.f32 v49, v41  }
0x87: {  	[tilespmem:s30+$0xB060] =	vst v3;
	v3 =	vmax.f32 v50, v42  }
0x88: {  	[tilespmem:s30+$0xB070] =	vst v3  }
0x89: {  	v3 =	vld [tilespmem:s22+$0xFFFFFD80]  }
0x8a: {  	v51 =	vld [tilespmem:s22+$0xFFFFFD90]  }
0x8b: {  	v52 =	vld [tilespmem:s22+$0xFFFFFDA0]  }
0x8c: {  	v53 =	vld [tilespmem:s22+$0xFFFFFDB0]  }
0x8d: {  	v54 =	vld [tilespmem:s22+$0xFFFFFDC0]  }
0x8e: {  	v55 =	vld [tilespmem:s22+$0xFFFFFDD0]  }
0x8f: {  	v56 =	vld [tilespmem:s22+$0xFFFFFDE0]  }
0x90: {  	s31 =	spop (v2sf);
	v57 =	vld [tilespmem:s22+$0xFFFFFDF0]  }
0x91: {  	v58 =	vld [tilespmem:s31+$0xB000]  }
0x92: {  	v59 =	vld [tilespmem:s31+$0xB010]  }
0x93: {  	v60 =	vld [tilespmem:s31+$0xB020]  }
0x94: {  	v61 =	vld [tilespmem:s31+$0xB030]  }
0x95: {  	v62 =	vld [tilespmem:s31+$0xB040]  }
0x96: {  	v63 =	vld [tilespmem:s31+$0xB050];
	v3 =	vmax.f32 v58, v3  }
0x97: {  	(v2sf) =	vpush v2, $0x4;
	v19 =	vld [tilespmem:s31+$0xB060];
	[tilespmem:s31+$0xB000] =	vst v3;
	v3 =	vmax.f32 v59, v51  }
0x98: {  	v20 =	vld [tilespmem:s31+$0xB070];
	[tilespmem:s31+$0xB010] =	vst v3;
	v3 =	vmax.f32 v60, v52  }
0x99: {  	[tilespmem:s31+$0xB020] =	vst v3;
	v3 =	vmax.f32 v61, v53  }
0x9a: {  	[tilespmem:s31+$0xB030] =	vst v3;
	v3 =	vmax.f32 v62, v54  }
0x9b: {  	[tilespmem:s31+$0xB040] =	vst v3;
	v3 =	vmax.f32 v63, v55  }
0x9c: {  	[tilespmem:s31+$0xB050] =	vst v3;
	v3 =	vmax.f32 v19, v56  }
0x9d: {  	[tilespmem:s31+$0xB060] =	vst v3;
	v3 =	vmax.f32 v20, v57  }
0x9e: {  	[tilespmem:s31+$0xB070] =	vst v3  }
0x9f: {  	v3 =	vld [tilespmem:s22+$0xFFFFFE00]  }
0xa0: {  	v21 =	vld [tilespmem:s22+$0xFFFFFE10]  }
0xa1: {  	v22 =	vld [tilespmem:s22+$0xFFFFFE20]  }
0xa2: {  	v23 =	vld [tilespmem:s22+$0xFFFFFE30]  }
0xa3: {  	v24 =	vld [tilespmem:s22+$0xFFFFFE40]  }
0xa4: {  	v25 =	vld [tilespmem:s22+$0xFFFFFE50]  }
0xa5: {  	v26 =	vld [tilespmem:s22+$0xFFFFFE60]  }
0xa6: {  	s25 =	spop (v2sf);
	v27 =	vld [tilespmem:s22+$0xFFFFFE70]  }
0xa7: {  	v28 =	vld [tilespmem:s25+$0xB000]  }
0xa8: {  	v29 =	vld [tilespmem:s25+$0xB010]  }
0xa9: {  	v30 =	vld [tilespmem:s25+$0xB020]  }
0xaa: {  	v31 =	vld [tilespmem:s25+$0xB030]  }
0xab: {  	v32 =	vld [tilespmem:s25+$0xB040]  }
0xac: {  	v33 =	vld [tilespmem:s25+$0xB050];
	v3 =	vmax.f32 v28, v3  }
0xad: {  	(v2sf) =	vpush v2, $0x5;
	v34 =	vld [tilespmem:s25+$0xB060];
	[tilespmem:s25+$0xB000] =	vst v3;
	v3 =	vmax.f32 v29, v21  }
0xae: {  	v35 =	vld [tilespmem:s25+$0xB070];
	[tilespmem:s25+$0xB010] =	vst v3;
	v3 =	vmax.f32 v30, v22  }
0xaf: {  	[tilespmem:s25+$0xB020] =	vst v3;
	v3 =	vmax.f32 v31, v23  }
0xb0: {  	[tilespmem:s25+$0xB030] =	vst v3;
	v3 =	vmax.f32 v32, v24  }
0xb1: {  	[tilespmem:s25+$0xB040] =	vst v3;
	v3 =	vmax.f32 v33, v25  }
0xb2: {  	[tilespmem:s25+$0xB050] =	vst v3;
	v3 =	vmax.f32 v34, v26  }
0xb3: {  	[tilespmem:s25+$0xB060] =	vst v3;
	v3 =	vmax.f32 v35, v27  }
0xb4: {  	[tilespmem:s25+$0xB070] =	vst v3  }
0xb5: {  	v3 =	vld [tilespmem:s22+$0xFFFFFE80]  }
0xb6: {  	v36 =	vld [tilespmem:s22+$0xFFFFFE90]  }
0xb7: {  	v37 =	vld [tilespmem:s22+$0xFFFFFEA0]  }
0xb8: {  	v38 =	vld [tilespmem:s22+$0xFFFFFEB0]  }
0xb9: {  	v39 =	vld [tilespmem:s22+$0xFFFFFEC0]  }
0xba: {  	v40 =	vld [tilespmem:s22+$0xFFFFFED0]  }
0xbb: {  	v41 =	vld [tilespmem:s22+$0xFFFFFEE0]  }
0xbc: {  	s26 =	spop (v2sf);
	v42 =	vld [tilespmem:s22+$0xFFFFFEF0]  }
0xbd: {  	v43 =	vld [tilespmem:s26+$0xB000]  }
0xbe: {  	v44 =	vld [tilespmem:s26+$0xB010]  }
0xbf: {  	v45 =	vld [tilespmem:s26+$0xB020]  }
0xc0: {  	v46 =	vld [tilespmem:s26+$0xB030]  }
0xc1: {  	v47 =	vld [tilespmem:s26+$0xB040]  }
0xc2: {  	v48 =	vld [tilespmem:s26+$0xB050];
	v3 =	vmax.f32 v43, v3  }
0xc3: {  	(v2sf) =	vpush v2, $0x6;
	v49 =	vld [tilespmem:s26+$0xB060];
	[tilespmem:s26+$0xB000] =	vst v3;
	v3 =	vmax.f32 v44, v36  }
0xc4: {  	v50 =	vld [tilespmem:s26+$0xB070];
	[tilespmem:s26+$0xB010] =	vst v3;
	v3 =	vmax.f32 v45, v37  }
0xc5: {  	[tilespmem:s26+$0xB020] =	vst v3;
	v3 =	vmax.f32 v46, v38  }
0xc6: {  	[tilespmem:s26+$0xB030] =	vst v3;
	v3 =	vmax.f32 v47, v39  }
0xc7: {  	[tilespmem:s26+$0xB040] =	vst v3;
	v3 =	vmax.f32 v48, v40  }
0xc8: {  	[tilespmem:s26+$0xB050] =	vst v3;
	v3 =	vmax.f32 v49, v41  }
0xc9: {  	[tilespmem:s26+$0xB060] =	vst v3;
	v3 =	vmax.f32 v50, v42  }
0xca: {  	[tilespmem:s26+$0xB070] =	vst v3  }
0xcb: {  	v3 =	vld [tilespmem:s22+$0xFFFFFF00]  }
0xcc: {  	v51 =	vld [tilespmem:s22+$0xFFFFFF10]  }
0xcd: {  	v52 =	vld [tilespmem:s22+$0xFFFFFF20]  }
0xce: {  	v53 =	vld [tilespmem:s22+$0xFFFFFF30]  }
0xcf: {  	v54 =	vld [tilespmem:s22+$0xFFFFFF40]  }
0xd0: {  	v55 =	vld [tilespmem:s22+$0xFFFFFF50]  }
0xd1: {  	v56 =	vld [tilespmem:s22+$0xFFFFFF60]  }
0xd2: {  	s28 =	spop (v2sf);
	v57 =	vld [tilespmem:s22+$0xFFFFFF70]  }
0xd3: {  	v58 =	vld [tilespmem:s28+$0xB000]  }
0xd4: {  	v59 =	vld [tilespmem:s28+$0xB010]  }
0xd5: {  	v60 =	vld [tilespmem:s28+$0xB020]  }
0xd6: {  	v61 =	vld [tilespmem:s28+$0xB030]  }
0xd7: {  	v62 =	vld [tilespmem:s28+$0xB040]  }
0xd8: {  	v63 =	vld [tilespmem:s28+$0xB050];
	v3 =	vmax.f32 v58, v3  }
0xd9: {  	(v2sf) =	vpush v2, $0x7;
	v19 =	vld [tilespmem:s28+$0xB060];
	[tilespmem:s28+$0xB000] =	vst v3;
	v3 =	vmax.f32 v59, v51  }
0xda: {  	v20 =	vld [tilespmem:s28+$0xB070];
	[tilespmem:s28+$0xB010] =	vst v3;
	v3 =	vmax.f32 v60, v52  }
0xdb: {  	[tilespmem:s28+$0xB020] =	vst v3;
	v3 =	vmax.f32 v61, v53  }
0xdc: {  	[tilespmem:s28+$0xB030] =	vst v3;
	v3 =	vmax.f32 v62, v54  }
0xdd: {  	[tilespmem:s28+$0xB040] =	vst v3;
	v3 =	vmax.f32 v63, v55  }
0xde: {  	[tilespmem:s28+$0xB050] =	vst v3;
	v3 =	vmax.f32 v19, v56  }
0xdf: {  	[tilespmem:s28+$0xB060] =	vst v3;
	v3 =	vmax.f32 v20, v57  }
0xe0: {  	[tilespmem:s28+$0xB070] =	vst v3  }
0xe1: {  	v3 =	vld [tilespmem:s22+$0xFFFFFF80]  }
0xe2: {  	v21 =	vld [tilespmem:s22+$0xFFFFFF90]  }
0xe3: {  	v22 =	vld [tilespmem:s22+$0xFFFFFFA0]  }
0xe4: {  	v23 =	vld [tilespmem:s22+$0xFFFFFFB0]  }
0xe5: {  	v24 =	vld [tilespmem:s22+$0xFFFFFFC0]  }
0xe6: {  	v25 =	vld [tilespmem:s22+$0xFFFFFFD0]  }
0xe7: {  	v26 =	vld [tilespmem:s22+$0xFFFFFFE0]  }
0xe8: {  	s29 =	spop (v2sf);
	v27 =	vld [tilespmem:s22+$0xFFFFFFF0]  }
0xe9: {  	v28 =	vld [tilespmem:s29+$0xB000]  }
0xea: {  	v29 =	vld [tilespmem:s29+$0xB010]  }
0xeb: {  	v30 =	vld [tilespmem:s29+$0xB020]  }
0xec: {  	v31 =	vld [tilespmem:s29+$0xB030]  }
0xed: {  	v32 =	vld [tilespmem:s29+$0xB040]  }
0xee: {  	v33 =	vld [tilespmem:s29+$0xB050];
	v3 =	vmax.f32 v28, v3  }
0xef: {  	(v2sf) =	vpush v2, $0x8;
	v34 =	vld [tilespmem:s29+$0xB060];
	[tilespmem:s29+$0xB000] =	vst v3;
	v3 =	vmax.f32 v29, v21  }
0xf0: {  	v35 =	vld [tilespmem:s29+$0xB070];
	[tilespmem:s29+$0xB010] =	vst v3;
	v3 =	vmax.f32 v30, v22  }
0xf1: {  	[tilespmem:s29+$0xB020] =	vst v3;
	v3 =	vmax.f32 v31, v23  }
0xf2: {  	[tilespmem:s29+$0xB030] =	vst v3;
	v3 =	vmax.f32 v32, v24  }
0xf3: {  	[tilespmem:s29+$0xB040] =	vst v3;
	v3 =	vmax.f32 v33, v25  }
0xf4: {  	[tilespmem:s29+$0xB050] =	vst v3;
	v3 =	vmax.f32 v34, v26  }
0xf5: {  	[tilespmem:s29+$0xB060] =	vst v3;
	v3 =	vmax.f32 v35, v27  }
0xf6: {  	[tilespmem:s29+$0xB070] =	vst v3  }
0xf7: {  	v3 =	vld [tilespmem:s22+$0x0]  }
0xf8: {  	v36 =	vld [tilespmem:s22+$0x10]  }
0xf9: {  	v37 =	vld [tilespmem:s22+$0x20]  }
0xfa: {  	v38 =	vld [tilespmem:s22+$0x30]  }
0xfb: {  	v39 =	vld [tilespmem:s22+$0x40]  }
0xfc: {  	v40 =	vld [tilespmem:s22+$0x50]  }
0xfd: {  	v41 =	vld [tilespmem:s22+$0x60]  }
0xfe: {  	s30 =	spop (v2sf);
	v42 =	vld [tilespmem:s22+$0x70]  }
0xff: {  	v43 =	vld [tilespmem:s30+$0xB000]  }
0x100: {  	v44 =	vld [tilespmem:s30+$0xB010]  }
0x101: {  	v45 =	vld [tilespmem:s30+$0xB020]  }
0x102: {  	v46 =	vld [tilespmem:s30+$0xB030]  }
0x103: {  	v47 =	vld [tilespmem:s30+$0xB040]  }
0x104: {  	v48 =	vld [tilespmem:s30+$0xB050];
	v3 =	vmax.f32 v43, v3  }
0x105: {  	(v2sf) =	vpush v2, $0x9;
	v49 =	vld [tilespmem:s30+$0xB060];
	[tilespmem:s30+$0xB000] =	vst v3;
	v3 =	vmax.f32 v44, v36  }
0x106: {  	v50 =	vld [tilespmem:s30+$0xB070];
	[tilespmem:s30+$0xB010] =	vst v3;
	v3 =	vmax.f32 v45, v37  }
0x107: {  	[tilespmem:s30+$0xB020] =	vst v3;
	v3 =	vmax.f32 v46, v38  }
0x108: {  	[tilespmem:s30+$0xB030] =	vst v3;
	v3 =	vmax.f32 v47, v39  }
0x109: {  	[tilespmem:s30+$0xB040] =	vst v3;
	v3 =	vmax.f32 v48, v40  }
0x10a: {  	[tilespmem:s30+$0xB050] =	vst v3;
	v3 =	vmax.f32 v49, v41  }
0x10b: {  	[tilespmem:s30+$0xB060] =	vst v3;
	v3 =	vmax.f32 v50, v42  }
0x10c: {  	[tilespmem:s30+$0xB070] =	vst v3  }
0x10d: {  	v3 =	vld [tilespmem:s22+$0x80]  }
0x10e: {  	v51 =	vld [tilespmem:s22+$0x90]  }
0x10f: {  	v52 =	vld [tilespmem:s22+$0xA0]  }
0x110: {  	v53 =	vld [tilespmem:s22+$0xB0]  }
0x111: {  	v54 =	vld [tilespmem:s22+$0xC0]  }
0x112: {  	v55 =	vld [tilespmem:s22+$0xD0]  }
0x113: {  	v56 =	vld [tilespmem:s22+$0xE0]  }
0x114: {  	s31 =	spop (v2sf);
	v57 =	vld [tilespmem:s22+$0xF0]  }
0x115: {  	v58 =	vld [tilespmem:s31+$0xB000]  }
0x116: {  	v59 =	vld [tilespmem:s31+$0xB010]  }
0x117: {  	v60 =	vld [tilespmem:s31+$0xB020]  }
0x118: {  	v61 =	vld [tilespmem:s31+$0xB030]  }
0x119: {  	v62 =	vld [tilespmem:s31+$0xB040]  }
0x11a: {  	v63 =	vld [tilespmem:s31+$0xB050];
	v3 =	vmax.f32 v58, v3  }
0x11b: {  	(v2sf) =	vpush v2, $0xA;
	v19 =	vld [tilespmem:s31+$0xB060];
	[tilespmem:s31+$0xB000] =	vst v3;
	v3 =	vmax.f32 v59, v51  }
0x11c: {  	v20 =	vld [tilespmem:s31+$0xB070];
	[tilespmem:s31+$0xB010] =	vst v3;
	v3 =	vmax.f32 v60, v52  }
0x11d: {  	[tilespmem:s31+$0xB020] =	vst v3;
	v3 =	vmax.f32 v61, v53  }
0x11e: {  	[tilespmem:s31+$0xB030] =	vst v3;
	v3 =	vmax.f32 v62, v54  }
0x11f: {  	[tilespmem:s31+$0xB040] =	vst v3;
	v3 =	vmax.f32 v63, v55  }
0x120: {  	[tilespmem:s31+$0xB050] =	vst v3;
	v3 =	vmax.f32 v19, v56  }
0x121: {  	[tilespmem:s31+$0xB060] =	vst v3;
	v3 =	vmax.f32 v20, v57  }
0x122: {  	[tilespmem:s31+$0xB070] =	vst v3  }
0x123: {  	v3 =	vld [tilespmem:s22+$0x100]  }
0x124: {  	v21 =	vld [tilespmem:s22+$0x110]  }
0x125: {  	v22 =	vld [tilespmem:s22+$0x120]  }
0x126: {  	v23 =	vld [tilespmem:s22+$0x130]  }
0x127: {  	v24 =	vld [tilespmem:s22+$0x140]  }
0x128: {  	v25 =	vld [tilespmem:s22+$0x150]  }
0x129: {  	v26 =	vld [tilespmem:s22+$0x160]  }
0x12a: {  	s25 =	spop (v2sf);
	v27 =	vld [tilespmem:s22+$0x170]  }
0x12b: {  	v28 =	vld [tilespmem:s25+$0xB000]  }
0x12c: {  	v29 =	vld [tilespmem:s25+$0xB010]  }
0x12d: {  	v30 =	vld [tilespmem:s25+$0xB020]  }
0x12e: {  	v31 =	vld [tilespmem:s25+$0xB030]  }
0x12f: {  	v32 =	vld [tilespmem:s25+$0xB040]  }
0x130: {  	v33 =	vld [tilespmem:s25+$0xB050];
	v3 =	vmax.f32 v28, v3  }
0x131: {  	(v2sf) =	vpush v2, $0xB;
	v34 =	vld [tilespmem:s25+$0xB060];
	[tilespmem:s25+$0xB000] =	vst v3;
	v3 =	vmax.f32 v29, v21  }
0x132: {  	v35 =	vld [tilespmem:s25+$0xB070];
	[tilespmem:s25+$0xB010] =	vst v3;
	v3 =	vmax.f32 v30, v22  }
0x133: {  	[tilespmem:s25+$0xB020] =	vst v3;
	v3 =	vmax.f32 v31, v23  }
0x134: {  	[tilespmem:s25+$0xB030] =	vst v3;
	v3 =	vmax.f32 v32, v24  }
0x135: {  	[tilespmem:s25+$0xB040] =	vst v3;
	v3 =	vmax.f32 v33, v25  }
0x136: {  	[tilespmem:s25+$0xB050] =	vst v3;
	v3 =	vmax.f32 v34, v26  }
0x137: {  	[tilespmem:s25+$0xB060] =	vst v3;
	v3 =	vmax.f32 v35, v27  }
0x138: {  	[tilespmem:s25+$0xB070] =	vst v3  }
0x139: {  	v3 =	vld [tilespmem:s22+$0x180]  }
0x13a: {  	v36 =	vld [tilespmem:s22+$0x190]  }
0x13b: {  	v37 =	vld [tilespmem:s22+$0x1A0]  }
0x13c: {  	v38 =	vld [tilespmem:s22+$0x1B0]  }
0x13d: {  	v39 =	vld [tilespmem:s22+$0x1C0]  }
0x13e: {  	v40 =	vld [tilespmem:s22+$0x1D0]  }
0x13f: {  	v41 =	vld [tilespmem:s22+$0x1E0]  }
0x140: {  	s26 =	spop (v2sf);
	v42 =	vld [tilespmem:s22+$0x1F0]  }
0x141: {  	v43 =	vld [tilespmem:s26+$0xB000]  }
0x142: {  	v44 =	vld [tilespmem:s26+$0xB010]  }
0x143: {  	v45 =	vld [tilespmem:s26+$0xB020]  }
0x144: {  	v46 =	vld [tilespmem:s26+$0xB030]  }
0x145: {  	v47 =	vld [tilespmem:s26+$0xB040]  }
0x146: {  	v48 =	vld [tilespmem:s26+$0xB050];
	v3 =	vmax.f32 v43, v3  }
0x147: {  	(v2sf) =	vpush v2, $0xC;
	v49 =	vld [tilespmem:s26+$0xB060];
	[tilespmem:s26+$0xB000] =	vst v3;
	v3 =	vmax.f32 v44, v36  }
0x148: {  	v50 =	vld [tilespmem:s26+$0xB070];
	[tilespmem:s26+$0xB010] =	vst v3;
	v3 =	vmax.f32 v45, v37  }
0x149: {  	[tilespmem:s26+$0xB020] =	vst v3;
	v3 =	vmax.f32 v46, v38  }
0x14a: {  	[tilespmem:s26+$0xB030] =	vst v3;
	v3 =	vmax.f32 v47, v39  }
0x14b: {  	[tilespmem:s26+$0xB040] =	vst v3;
	v3 =	vmax.f32 v48, v40  }
0x14c: {  	[tilespmem:s26+$0xB050] =	vst v3;
	v3 =	vmax.f32 v49, v41  }
0x14d: {  	[tilespmem:s26+$0xB060] =	vst v3;
	v3 =	vmax.f32 v50, v42  }
0x14e: {  	[tilespmem:s26+$0xB070] =	vst v3  }
0x14f: {  	v3 =	vld [tilespmem:s22+$0x200]  }
0x150: {  	v51 =	vld [tilespmem:s22+$0x210]  }
0x151: {  	v52 =	vld [tilespmem:s22+$0x220]  }
0x152: {  	v53 =	vld [tilespmem:s22+$0x230]  }
0x153: {  	v54 =	vld [tilespmem:s22+$0x240]  }
0x154: {  	v55 =	vld [tilespmem:s22+$0x250]  }
0x155: {  	v56 =	vld [tilespmem:s22+$0x260]  }
0x156: {  	s28 =	spop (v2sf);
	v57 =	vld [tilespmem:s22+$0x270]  }
0x157: {  	v58 =	vld [tilespmem:s28+$0xB000]  }
0x158: {  	v59 =	vld [tilespmem:s28+$0xB010]  }
0x159: {  	v60 =	vld [tilespmem:s28+$0xB020]  }
0x15a: {  	v61 =	vld [tilespmem:s28+$0xB030]  }
0x15b: {  	v62 =	vld [tilespmem:s28+$0xB040]  }
0x15c: {  	v63 =	vld [tilespmem:s28+$0xB050];
	v3 =	vmax.f32 v58, v3  }
0x15d: {  	(v2sf) =	vpush v2, $0xD;
	v20 =	vld [tilespmem:s28+$0xB060];
	[tilespmem:s28+$0xB000] =	vst v3;
	v3 =	vmax.f32 v59, v51  }
0x15e: {  	v21 =	vld [tilespmem:s28+$0xB070];
	[tilespmem:s28+$0xB010] =	vst v3;
	v3 =	vmax.f32 v60, v52  }
0x15f: {  	[tilespmem:s28+$0xB020] =	vst v3;
	v3 =	vmax.f32 v61, v53  }
0x160: {  	[tilespmem:s28+$0xB030] =	vst v3;
	v3 =	vmax.f32 v62, v54  }
0x161: {  	[tilespmem:s28+$0xB040] =	vst v3;
	v3 =	vmax.f32 v63, v55  }
0x162: {  	[tilespmem:s28+$0xB050] =	vst v3;
	v3 =	vmax.f32 v20, v56  }
0x163: {  	[tilespmem:s28+$0xB060] =	vst v3;
	v3 =	vmax.f32 v21, v57  }
0x164: {  	[tilespmem:s28+$0xB070] =	vst v3  }
0x165: {  	v3 =	vld [tilespmem:s22+$0x280]  }
0x166: {  	v22 =	vld [tilespmem:s22+$0x290]  }
0x167: {  	v23 =	vld [tilespmem:s22+$0x2A0]  }
0x168: {  	v24 =	vld [tilespmem:s22+$0x2B0]  }
0x169: {  	v25 =	vld [tilespmem:s22+$0x2C0]  }
0x16a: {  	v26 =	vld [tilespmem:s22+$0x2D0]  }
0x16b: {  	v27 =	vld [tilespmem:s22+$0x2E0]  }
0x16c: {  	s29 =	spop (v2sf);
	v28 =	vld [tilespmem:s22+$0x2F0]  }
0x16d: {  	v29 =	vld [tilespmem:s29+$0xB000]  }
0x16e: {  	v30 =	vld [tilespmem:s29+$0xB010]  }
0x16f: {  	v31 =	vld [tilespmem:s29+$0xB020]  }
0x170: {  	v32 =	vld [tilespmem:s29+$0xB030]  }
0x171: {  	v33 =	vld [tilespmem:s29+$0xB040]  }
0x172: {  	v34 =	vld [tilespmem:s29+$0xB050];
	v3 =	vmax.f32 v29, v3  }
0x173: {  	(v2sf) =	vpush v2, $0xE;
	v35 =	vld [tilespmem:s29+$0xB060];
	[tilespmem:s29+$0xB000] =	vst v3;
	v3 =	vmax.f32 v30, v22  }
0x174: {  	v36 =	vld [tilespmem:s29+$0xB070];
	[tilespmem:s29+$0xB010] =	vst v3;
	v3 =	vmax.f32 v31, v23  }
0x175: {  	[tilespmem:s29+$0xB020] =	vst v3;
	v3 =	vmax.f32 v32, v24  }
0x176: {  	[tilespmem:s29+$0xB030] =	vst v3;
	v3 =	vmax.f32 v33, v25  }
0x177: {  	[tilespmem:s29+$0xB040] =	vst v3;
	v3 =	vmax.f32 v34, v26  }
0x178: {  	[tilespmem:s29+$0xB050] =	vst v3;
	v3 =	vmax.f32 v35, v27  }
0x179: {  	[tilespmem:s29+$0xB060] =	vst v3;
	v3 =	vmax.f32 v36, v28  }
0x17a: {  	[tilespmem:s29+$0xB070] =	vst v3  }
0x17b: {  	v3 =	vld [tilespmem:s22+$0x300]  }
0x17c: {  	v37 =	vld [tilespmem:s22+$0x310]  }
0x17d: {  	v38 =	vld [tilespmem:s22+$0x320]  }
0x17e: {  	v39 =	vld [tilespmem:s22+$0x330]  }
0x17f: {  	v40 =	vld [tilespmem:s22+$0x340]  }
0x180: {  	v41 =	vld [tilespmem:s22+$0x350]  }
0x181: {  	v42 =	vld [tilespmem:s22+$0x360]  }
0x182: {  	s30 =	spop (v2sf);
	v43 =	vld [tilespmem:s22+$0x370]  }
0x183: {  	v44 =	vld [tilespmem:s30+$0xB000]  }
0x184: {  	(v2sf) =	vpush v2, $0xF;
	v2 =	vld [tilespmem:s30+$0xB070]  }
0x185: {  	v45 =	vld [tilespmem:s30+$0xB010]  }
0x186: {  	v46 =	vld [tilespmem:s30+$0xB020]  }
0x187: {  	v47 =	vld [tilespmem:s30+$0xB030]  }
0x188: {  	v48 =	vld [tilespmem:s30+$0xB040];
	v3 =	vmax.f32 v44, v3  }
0x189: {  	v49 =	vld [tilespmem:s30+$0xB050];
	v2 =	vmax.f32 v2, v43;
	[tilespmem:s30+$0xB000] =	vst v3  }
0x18a: {  	v50 =	vld [tilespmem:s30+$0xB060];
	v3 =	vmax.f32 v45, v37;
	[tilespmem:s30+$0xB070] =	vst v2  }
0x18b: {  	[tilespmem:s30+$0xB010] =	vst v3;
	v3 =	vmax.f32 v46, v38  }
0x18c: {  	[tilespmem:s30+$0xB020] =	vst v3;
	v3 =	vmax.f32 v47, v39  }
0x18d: {  	[tilespmem:s30+$0xB030] =	vst v3;
	v3 =	vmax.f32 v48, v40  }
0x18e: {  	[tilespmem:s30+$0xB040] =	vst v3;
	v3 =	vmax.f32 v49, v41  }
0x18f: {  	[tilespmem:s30+$0xB050] =	vst v3;
	v3 =	vmax.f32 v50, v42  }
0x190: {  	[tilespmem:s30+$0xB060] =	vst v3  }
0x191: {  	v2 =	vld [tilespmem:s22+$0x380]  }
0x192: {  	v3 =	vld [tilespmem:s22+$0x390]  }
0x193: {  	v51 =	vld [tilespmem:s22+$0x3A0]  }
0x194: {  	v52 =	vld [tilespmem:s22+$0x3B0]  }
0x195: {  	v53 =	vld [tilespmem:s22+$0x3C0]  }
0x196: {  	v54 =	vld [tilespmem:s22+$0x3D0]  }
0x197: {  	v55 =	vld [tilespmem:s22+$0x3E0]  }
0x198: {  	v56 =	vld [tilespmem:s22+$0x3F0];
	s31 =	spop (v2sf)  }
0x199: {  	v57 =	vld [tilespmem:s31+$0xB000]  }
0x19a: {  	v58 =	vld [tilespmem:s31+$0xB010]  }
0x19b: {  	v59 =	vld [tilespmem:s31+$0xB020]  }
0x19c: {  	v60 =	vld [tilespmem:s31+$0xB030]  }
0x19d: {  	v61 =	vld [tilespmem:s31+$0xB040]  }
0x19e: {  	v62 =	vld [tilespmem:s31+$0xB050];
	v2 =	vmax.f32 v57, v2  }
0x19f: {  	v63 =	vld [tilespmem:s31+$0xB060];
	[tilespmem:s31+$0xB000] =	vst v2;
	v2 =	vmax.f32 v58, v3  }
0x1a0: {  	v3 =	vld [tilespmem:s31+$0xB070];
	[tilespmem:s31+$0xB010] =	vst v2;
	v2 =	vmax.f32 v59, v51  }
0x1a1: {  	p0 =	sne.s32 s23, $0x1C0;
	[tilespmem:s31+$0xB020] =	vst v2;
	v2 =	vmax.f32 v60, v52  }
.Ltmp3:
0x1a2: {  	[tilespmem:s31+$0xB030] =	vst v2;
	v2 =	vmax.f32 v61, v53;
	(pc) =	sbr.rel @p0 .LBB2_5-.Ltmp3, $4  }
0x1a3: {  	[tilespmem:s31+$0xB040] =	vst v2;
	v2 =	vmax.f32 v62, v54  }
0x1a4: {  	[tilespmem:s31+$0xB050] =	vst v2;
	v2 =	vmax.f32 v63, v55  }
0x1a5: {  	[tilespmem:s31+$0xB060] =	vst v2;
	v2 =	vmax.f32 v3, v56  }
0x1a6: {  	s23 =	sadd.s32 $0x40, s23;
	s22 =	sadd.s32 $0x800, s22;
	[tilespmem:s31+$0xB070] =	vst v2  }
0x1a7: {  	s22 =	sshll.u32 s21, $0xC;
	p0 =	seq.s32 s21, $0xF  }
0x1a8: {  	s23 =	sadd.s32 @!p0 s22, s6;
	s24 =	simm.s32 @!p0 $0x0;
	s25 =	simm.s32 @!p0 $0x3000  }
0x1a9: {  	v1 =	vmov s20;
	[tilespmem:s25], [sflag:$0x1] =	stream.linear.gather @!p0 [hbm4b:s23+s24], $0x4000, $0x38;
	[tilespmem:$0x1B000] =	vst v63  }
0x1aa: {  	_ =	swait.ge [sflag:s16], $0x4000  }
0x1ab: {  	[sflag:s16] =	ssyncset.done $0x0  }
0x1ac: {  	s23 =	simm.s32 $0x0;
	s24 =	simm.s32 $0x7400;
	[sflag:s16] =	ssyncadd.s32 $0xFFFFC000  }
.LBB2_7:
0x1ad: {  	s25 =	sshra.s32 s23, $0x2  }
0x1ae: {  	v2 =	vld.idx.msk [tilespmem:v1+s25+$0xFFFFF000 ss:$0x1], $0xffff  }
0x1af: {  	v3 =	vld.idx.msk [tilespmem:v1+s25+$0x0 ss:$0x1], $0xffff  }
0x1b0: {  	v4 =	vld.idx.msk [tilespmem:v1+s25+$0x1000 ss:$0x1], $0xffff;
	_ =	sdelay $0x3  }
0x1b1: {  	v2 =	vadd.f32 $1.000000000e+00, v2;
	v3 =	vadd.f32 $1.000000000e+00, v3  }
0x1b2: {  	v4 =	vadd.f32 $1.000000000e+00, v4  }
0x1b3: {  	v2 =	vmul.f32 $5.000000000e-01, v2;
	v3 =	vmul.f32 $5.000000000e-01, v3  }
0x1b4: {  	v4 =	vmul.f32 $5.000000000e-01, v4  }
0x1b5: {  	v2 =	vmul.f32 $7.999989990e+00, v2;
	v3 =	vmul.f32 $7.999989990e+00, v3  }
0x1b6: {  	v4 =	vmul.f32 $7.999989990e+00, v4  }
0x1b7: {  	v2 =	vtrunc.f32 v2;
	v3 =	vtrunc.f32 v3  }
0x1b8: {  	v2 =	vcvt.f32.s32 v2;
	v3 =	vcvt.f32.s32 v3  }
0x1b9: {  	v4 =	vtrunc.f32 v4  }
0x1ba: {  	v4 =	vcvt.f32.s32 v4;
	vm0 =	vgt.s32 v2, $0x0;
	vm1 =	vgt.s32 v3, $0x0  }
0x1bb: {  	v2 =	vnsel vm0, $0x0, v2;
	v3 =	vnsel vm1, $0x0, v3  }
0x1bc: {  	vm15 =	vgt.s32 v4, $0x0;
	v2 =	vmin.u32 v2, $0x7;
	v3 =	vmin.u32 v3, $0x7  }
0x1bd: {  	v4 =	vnsel vm15, $0x0, v4;
	v2 =	vshll.u32 v2, $0x6;
	v3 =	vshll.u32 v3, $0x3  }
0x1be: {  	v2 =	vor.u32 v2, v3;
	v3 =	vmin.u32 v4, $0x7  }
0x1bf: {  	v2 =	vor.u32 v3, v2  }
0x1c0: {  	v2 =	vshll.u32 v2, $0x7  }
0x1c1: {  	(v2sf) =	vpush v2, $0x0;
	_ =	sdelay $0x7  }
0x1c2: {  	v63 =	vld [tilespmem:s24+$0xFFFFFC10]  }
0x1c3: {  	v5 =	vld [tilespmem:s24+$0xFFFFFC20]  }
0x1c4: {  	v6 =	vld [tilespmem:s24+$0xFFFFFC30]  }
0x1c5: {  	v7 =	vld [tilespmem:s24+$0xFFFFFC40]  }
0x1c6: {  	v8 =	vld [tilespmem:s24+$0xFFFFFC50]  }
0x1c7: {  	v9 =	vld [tilespmem:s24+$0xFFFFFC60]  }
0x1c8: {  	v10 =	vld [tilespmem:s24+$0xFFFFFC70]  }
0x1c9: {  	v3 =	vld [tilespmem:s24+$0xFFFFFC00];
	s31 =	spop (v2sf)  }
0x1ca: {  	v11 =	vld [tilespmem:s31+$0xB000]  }
0x1cb: {  	v12 =	vld [tilespmem:s31+$0xB010]  }
0x1cc: {  	v13 =	vld [tilespmem:s31+$0xB020]  }
0x1cd: {  	v14 =	vld [tilespmem:s31+$0xB030]  }
0x1ce: {  	v15 =	vld [tilespmem:s31+$0xB040]  }
0x1cf: {  	v16 =	vld [tilespmem:s31+$0xB050];
	v3 =	vmax.f32 v11, v3  }
0x1d0: {  	(v2sf) =	vpush v2, $0x1;
	v19 =	vld [tilespmem:s31+$0xB060];
	[tilespmem:s31+$0xB000] =	vst v3;
	v3 =	vmax.f32 v12, v63  }
0x1d1: {  	v20 =	vld [tilespmem:s31+$0xB070];
	[tilespmem:s31+$0xB010] =	vst v3;
	v3 =	vmax.f32 v13, v5  }
0x1d2: {  	[tilespmem:s31+$0xB020] =	vst v3;
	v3 =	vmax.f32 v14, v6  }
0x1d3: {  	[tilespmem:s31+$0xB030] =	vst v3;
	v3 =	vmax.f32 v15, v7  }
0x1d4: {  	[tilespmem:s31+$0xB040] =	vst v3;
	v3 =	vmax.f32 v16, v8  }
0x1d5: {  	[tilespmem:s31+$0xB050] =	vst v3;
	v3 =	vmax.f32 v19, v9  }
0x1d6: {  	[tilespmem:s31+$0xB060] =	vst v3;
	v3 =	vmax.f32 v20, v10  }
0x1d7: {  	[tilespmem:s31+$0xB070] =	vst v3  }
0x1d8: {  	v3 =	vld [tilespmem:s24+$0xFFFFFC80]  }
0x1d9: {  	v21 =	vld [tilespmem:s24+$0xFFFFFC90]  }
0x1da: {  	v22 =	vld [tilespmem:s24+$0xFFFFFCA0]  }
0x1db: {  	v23 =	vld [tilespmem:s24+$0xFFFFFCB0]  }
0x1dc: {  	v24 =	vld [tilespmem:s24+$0xFFFFFCC0]  }
0x1dd: {  	v25 =	vld [tilespmem:s24+$0xFFFFFCD0]  }
0x1de: {  	v26 =	vld [tilespmem:s24+$0xFFFFFCE0]  }
0x1df: {  	s26 =	spop (v2sf);
	v27 =	vld [tilespmem:s24+$0xFFFFFCF0]  }
0x1e0: {  	v28 =	vld [tilespmem:s26+$0xB000]  }
0x1e1: {  	v29 =	vld [tilespmem:s26+$0xB010]  }
0x1e2: {  	v30 =	vld [tilespmem:s26+$0xB020]  }
0x1e3: {  	v31 =	vld [tilespmem:s26+$0xB030]  }
0x1e4: {  	v32 =	vld [tilespmem:s26+$0xB040]  }
0x1e5: {  	v33 =	vld [tilespmem:s26+$0xB050];
	v3 =	vmax.f32 v28, v3  }
0x1e6: {  	(v2sf) =	vpush v2, $0x2;
	v34 =	vld [tilespmem:s26+$0xB060];
	[tilespmem:s26+$0xB000] =	vst v3;
	v3 =	vmax.f32 v29, v21  }
0x1e7: {  	v35 =	vld [tilespmem:s26+$0xB070];
	[tilespmem:s26+$0xB010] =	vst v3;
	v3 =	vmax.f32 v30, v22  }
0x1e8: {  	[tilespmem:s26+$0xB020] =	vst v3;
	v3 =	vmax.f32 v31, v23  }
0x1e9: {  	[tilespmem:s26+$0xB030] =	vst v3;
	v3 =	vmax.f32 v32, v24  }
0x1ea: {  	[tilespmem:s26+$0xB040] =	vst v3;
	v3 =	vmax.f32 v33, v25  }
0x1eb: {  	[tilespmem:s26+$0xB050] =	vst v3;
	v3 =	vmax.f32 v34, v26  }
0x1ec: {  	[tilespmem:s26+$0xB060] =	vst v3;
	v3 =	vmax.f32 v35, v27  }
0x1ed: {  	[tilespmem:s26+$0xB070] =	vst v3  }
0x1ee: {  	v3 =	vld [tilespmem:s24+$0xFFFFFD00]  }
0x1ef: {  	v36 =	vld [tilespmem:s24+$0xFFFFFD10]  }
0x1f0: {  	v37 =	vld [tilespmem:s24+$0xFFFFFD20]  }
0x1f1: {  	v38 =	vld [tilespmem:s24+$0xFFFFFD30]  }
0x1f2: {  	v39 =	vld [tilespmem:s24+$0xFFFFFD40]  }
0x1f3: {  	v40 =	vld [tilespmem:s24+$0xFFFFFD50]  }
0x1f4: {  	v41 =	vld [tilespmem:s24+$0xFFFFFD60]  }
0x1f5: {  	s28 =	spop (v2sf);
	v42 =	vld [tilespmem:s24+$0xFFFFFD70]  }
0x1f6: {  	v43 =	vld [tilespmem:s28+$0xB000]  }
0x1f7: {  	v44 =	vld [tilespmem:s28+$0xB010]  }
0x1f8: {  	v45 =	vld [tilespmem:s28+$0xB020]  }
0x1f9: {  	v46 =	vld [tilespmem:s28+$0xB030]  }
0x1fa: {  	v47 =	vld [tilespmem:s28+$0xB040]  }
0x1fb: {  	v48 =	vld [tilespmem:s28+$0xB050];
	v3 =	vmax.f32 v43, v3  }
0x1fc: {  	(v2sf) =	vpush v2, $0x3;
	v49 =	vld [tilespmem:s28+$0xB060];
	[tilespmem:s28+$0xB000] =	vst v3;
	v3 =	vmax.f32 v44, v36  }
0x1fd: {  	v50 =	vld [tilespmem:s28+$0xB070];
	[tilespmem:s28+$0xB010] =	vst v3;
	v3 =	vmax.f32 v45, v37  }
0x1fe: {  	[tilespmem:s28+$0xB020] =	vst v3;
	v3 =	vmax.f32 v46, v38  }
0x1ff: {  	[tilespmem:s28+$0xB030] =	vst v3;
	v3 =	vmax.f32 v47, v39  }
0x200: {  	[tilespmem:s28+$0xB040] =	vst v3;
	v3 =	vmax.f32 v48, v40  }
0x201: {  	[tilespmem:s28+$0xB050] =	vst v3;
	v3 =	vmax.f32 v49, v41  }
0x202: {  	[tilespmem:s28+$0xB060] =	vst v3;
	v3 =	vmax.f32 v50, v42  }
0x203: {  	[tilespmem:s28+$0xB070] =	vst v3  }
0x204: {  	v3 =	vld [tilespmem:s24+$0xFFFFFD80]  }
0x205: {  	v51 =	vld [tilespmem:s24+$0xFFFFFD90]  }
0x206: {  	v52 =	vld [tilespmem:s24+$0xFFFFFDA0]  }
0x207: {  	v53 =	vld [tilespmem:s24+$0xFFFFFDB0]  }
0x208: {  	v54 =	vld [tilespmem:s24+$0xFFFFFDC0]  }
0x209: {  	v55 =	vld [tilespmem:s24+$0xFFFFFDD0]  }
0x20a: {  	v56 =	vld [tilespmem:s24+$0xFFFFFDE0]  }
0x20b: {  	s29 =	spop (v2sf);
	v57 =	vld [tilespmem:s24+$0xFFFFFDF0]  }
0x20c: {  	v58 =	vld [tilespmem:s29+$0xB000]  }
0x20d: {  	v59 =	vld [tilespmem:s29+$0xB010]  }
0x20e: {  	v60 =	vld [tilespmem:s29+$0xB020]  }
0x20f: {  	v61 =	vld [tilespmem:s29+$0xB030]  }
0x210: {  	v62 =	vld [tilespmem:s29+$0xB040]  }
0x211: {  	v63 =	vld [tilespmem:s29+$0xB050];
	v3 =	vmax.f32 v58, v3  }
0x212: {  	(v2sf) =	vpush v2, $0x4;
	v19 =	vld [tilespmem:s29+$0xB060];
	[tilespmem:s29+$0xB000] =	vst v3;
	v3 =	vmax.f32 v59, v51  }
0x213: {  	v20 =	vld [tilespmem:s29+$0xB070];
	[tilespmem:s29+$0xB010] =	vst v3;
	v3 =	vmax.f32 v60, v52  }
0x214: {  	[tilespmem:s29+$0xB020] =	vst v3;
	v3 =	vmax.f32 v61, v53  }
0x215: {  	[tilespmem:s29+$0xB030] =	vst v3;
	v3 =	vmax.f32 v62, v54  }
0x216: {  	[tilespmem:s29+$0xB040] =	vst v3;
	v3 =	vmax.f32 v63, v55  }
0x217: {  	[tilespmem:s29+$0xB050] =	vst v3;
	v3 =	vmax.f32 v19, v56  }
0x218: {  	[tilespmem:s29+$0xB060] =	vst v3;
	v3 =	vmax.f32 v20, v57  }
0x219: {  	[tilespmem:s29+$0xB070] =	vst v3  }
0x21a: {  	v3 =	vld [tilespmem:s24+$0xFFFFFE00]  }
0x21b: {  	v21 =	vld [tilespmem:s24+$0xFFFFFE10]  }
0x21c: {  	v22 =	vld [tilespmem:s24+$0xFFFFFE20]  }
0x21d: {  	v23 =	vld [tilespmem:s24+$0xFFFFFE30]  }
0x21e: {  	v24 =	vld [tilespmem:s24+$0xFFFFFE40]  }
0x21f: {  	v25 =	vld [tilespmem:s24+$0xFFFFFE50]  }
0x220: {  	v26 =	vld [tilespmem:s24+$0xFFFFFE60]  }
0x221: {  	s30 =	spop (v2sf);
	v27 =	vld [tilespmem:s24+$0xFFFFFE70]  }
0x222: {  	v28 =	vld [tilespmem:s30+$0xB000]  }
0x223: {  	v29 =	vld [tilespmem:s30+$0xB010]  }
0x224: {  	v30 =	vld [tilespmem:s30+$0xB020]  }
0x225: {  	v31 =	vld [tilespmem:s30+$0xB030]  }
0x226: {  	v32 =	vld [tilespmem:s30+$0xB040]  }
0x227: {  	v33 =	vld [tilespmem:s30+$0xB050];
	v3 =	vmax.f32 v28, v3  }
0x228: {  	(v2sf) =	vpush v2, $0x5;
	v34 =	vld [tilespmem:s30+$0xB060];
	[tilespmem:s30+$0xB000] =	vst v3;
	v3 =	vmax.f32 v29, v21  }
0x229: {  	v35 =	vld [tilespmem:s30+$0xB070];
	[tilespmem:s30+$0xB010] =	vst v3;
	v3 =	vmax.f32 v30, v22  }
0x22a: {  	[tilespmem:s30+$0xB020] =	vst v3;
	v3 =	vmax.f32 v31, v23  }
0x22b: {  	[tilespmem:s30+$0xB030] =	vst v3;
	v3 =	vmax.f32 v32, v24  }
0x22c: {  	[tilespmem:s30+$0xB040] =	vst v3;
	v3 =	vmax.f32 v33, v25  }
0x22d: {  	[tilespmem:s30+$0xB050] =	vst v3;
	v3 =	vmax.f32 v34, v26  }
0x22e: {  	[tilespmem:s30+$0xB060] =	vst v3;
	v3 =	vmax.f32 v35, v27  }
0x22f: {  	[tilespmem:s30+$0xB070] =	vst v3  }
0x230: {  	v3 =	vld [tilespmem:s24+$0xFFFFFE80]  }
0x231: {  	v36 =	vld [tilespmem:s24+$0xFFFFFE90]  }
0x232: {  	v37 =	vld [tilespmem:s24+$0xFFFFFEA0]  }
0x233: {  	v38 =	vld [tilespmem:s24+$0xFFFFFEB0]  }
0x234: {  	v39 =	vld [tilespmem:s24+$0xFFFFFEC0]  }
0x235: {  	v40 =	vld [tilespmem:s24+$0xFFFFFED0]  }
0x236: {  	v41 =	vld [tilespmem:s24+$0xFFFFFEE0]  }
0x237: {  	s31 =	spop (v2sf);
	v42 =	vld [tilespmem:s24+$0xFFFFFEF0]  }
0x238: {  	v43 =	vld [tilespmem:s31+$0xB000]  }
0x239: {  	v44 =	vld [tilespmem:s31+$0xB010]  }
0x23a: {  	v45 =	vld [tilespmem:s31+$0xB020]  }
0x23b: {  	v46 =	vld [tilespmem:s31+$0xB030]  }
0x23c: {  	v47 =	vld [tilespmem:s31+$0xB040]  }
0x23d: {  	v48 =	vld [tilespmem:s31+$0xB050];
	v3 =	vmax.f32 v43, v3  }
0x23e: {  	(v2sf) =	vpush v2, $0x6;
	v49 =	vld [tilespmem:s31+$0xB060];
	[tilespmem:s31+$0xB000] =	vst v3;
	v3 =	vmax.f32 v44, v36  }
0x23f: {  	v50 =	vld [tilespmem:s31+$0xB070];
	[tilespmem:s31+$0xB010] =	vst v3;
	v3 =	vmax.f32 v45, v37  }
0x240: {  	[tilespmem:s31+$0xB020] =	vst v3;
	v3 =	vmax.f32 v46, v38  }
0x241: {  	[tilespmem:s31+$0xB030] =	vst v3;
	v3 =	vmax.f32 v47, v39  }
0x242: {  	[tilespmem:s31+$0xB040] =	vst v3;
	v3 =	vmax.f32 v48, v40  }
0x243: {  	[tilespmem:s31+$0xB050] =	vst v3;
	v3 =	vmax.f32 v49, v41  }
0x244: {  	[tilespmem:s31+$0xB060] =	vst v3;
	v3 =	vmax.f32 v50, v42  }
0x245: {  	[tilespmem:s31+$0xB070] =	vst v3  }
0x246: {  	v3 =	vld [tilespmem:s24+$0xFFFFFF00]  }
0x247: {  	v51 =	vld [tilespmem:s24+$0xFFFFFF10]  }
0x248: {  	v52 =	vld [tilespmem:s24+$0xFFFFFF20]  }
0x249: {  	v53 =	vld [tilespmem:s24+$0xFFFFFF30]  }
0x24a: {  	v54 =	vld [tilespmem:s24+$0xFFFFFF40]  }
0x24b: {  	v55 =	vld [tilespmem:s24+$0xFFFFFF50]  }
0x24c: {  	v56 =	vld [tilespmem:s24+$0xFFFFFF60]  }
0x24d: {  	s26 =	spop (v2sf);
	v57 =	vld [tilespmem:s24+$0xFFFFFF70]  }
0x24e: {  	v58 =	vld [tilespmem:s26+$0xB000]  }
0x24f: {  	v59 =	vld [tilespmem:s26+$0xB010]  }
0x250: {  	v60 =	vld [tilespmem:s26+$0xB020]  }
0x251: {  	v61 =	vld [tilespmem:s26+$0xB030]  }
0x252: {  	v62 =	vld [tilespmem:s26+$0xB040]  }
0x253: {  	v63 =	vld [tilespmem:s26+$0xB050];
	v3 =	vmax.f32 v58, v3  }
0x254: {  	(v2sf) =	vpush v2, $0x7;
	v19 =	vld [tilespmem:s26+$0xB060];
	[tilespmem:s26+$0xB000] =	vst v3;
	v3 =	vmax.f32 v59, v51  }
0x255: {  	v20 =	vld [tilespmem:s26+$0xB070];
	[tilespmem:s26+$0xB010] =	vst v3;
	v3 =	vmax.f32 v60, v52  }
0x256: {  	[tilespmem:s26+$0xB020] =	vst v3;
	v3 =	vmax.f32 v61, v53  }
0x257: {  	[tilespmem:s26+$0xB030] =	vst v3;
	v3 =	vmax.f32 v62, v54  }
0x258: {  	[tilespmem:s26+$0xB040] =	vst v3;
	v3 =	vmax.f32 v63, v55  }
0x259: {  	[tilespmem:s26+$0xB050] =	vst v3;
	v3 =	vmax.f32 v19, v56  }
0x25a: {  	[tilespmem:s26+$0xB060] =	vst v3;
	v3 =	vmax.f32 v20, v57  }
0x25b: {  	[tilespmem:s26+$0xB070] =	vst v3  }
0x25c: {  	v3 =	vld [tilespmem:s24+$0xFFFFFF80]  }
0x25d: {  	v21 =	vld [tilespmem:s24+$0xFFFFFF90]  }
0x25e: {  	v22 =	vld [tilespmem:s24+$0xFFFFFFA0]  }
0x25f: {  	v23 =	vld [tilespmem:s24+$0xFFFFFFB0]  }
0x260: {  	v24 =	vld [tilespmem:s24+$0xFFFFFFC0]  }
0x261: {  	v25 =	vld [tilespmem:s24+$0xFFFFFFD0]  }
0x262: {  	v26 =	vld [tilespmem:s24+$0xFFFFFFE0]  }
0x263: {  	s28 =	spop (v2sf);
	v27 =	vld [tilespmem:s24+$0xFFFFFFF0]  }
0x264: {  	v28 =	vld [tilespmem:s28+$0xB000]  }
0x265: {  	v29 =	vld [tilespmem:s28+$0xB010]  }
0x266: {  	v30 =	vld [tilespmem:s28+$0xB020]  }
0x267: {  	v31 =	vld [tilespmem:s28+$0xB030]  }
0x268: {  	v32 =	vld [tilespmem:s28+$0xB040]  }
0x269: {  	v33 =	vld [tilespmem:s28+$0xB050];
	v3 =	vmax.f32 v28, v3  }
0x26a: {  	(v2sf) =	vpush v2, $0x8;
	v34 =	vld [tilespmem:s28+$0xB060];
	[tilespmem:s28+$0xB000] =	vst v3;
	v3 =	vmax.f32 v29, v21  }
0x26b: {  	v35 =	vld [tilespmem:s28+$0xB070];
	[tilespmem:s28+$0xB010] =	vst v3;
	v3 =	vmax.f32 v30, v22  }
0x26c: {  	[tilespmem:s28+$0xB020] =	vst v3;
	v3 =	vmax.f32 v31, v23  }
0x26d: {  	[tilespmem:s28+$0xB030] =	vst v3;
	v3 =	vmax.f32 v32, v24  }
0x26e: {  	[tilespmem:s28+$0xB040] =	vst v3;
	v3 =	vmax.f32 v33, v25  }
0x26f: {  	[tilespmem:s28+$0xB050] =	vst v3;
	v3 =	vmax.f32 v34, v26  }
0x270: {  	[tilespmem:s28+$0xB060] =	vst v3;
	v3 =	vmax.f32 v35, v27  }
0x271: {  	[tilespmem:s28+$0xB070] =	vst v3  }
0x272: {  	v3 =	vld [tilespmem:s24+$0x0]  }
0x273: {  	v36 =	vld [tilespmem:s24+$0x10]  }
0x274: {  	v37 =	vld [tilespmem:s24+$0x20]  }
0x275: {  	v38 =	vld [tilespmem:s24+$0x30]  }
0x276: {  	v39 =	vld [tilespmem:s24+$0x40]  }
0x277: {  	v40 =	vld [tilespmem:s24+$0x50]  }
0x278: {  	v41 =	vld [tilespmem:s24+$0x60]  }
0x279: {  	s29 =	spop (v2sf);
	v42 =	vld [tilespmem:s24+$0x70]  }
0x27a: {  	v43 =	vld [tilespmem:s29+$0xB000]  }
0x27b: {  	v44 =	vld [tilespmem:s29+$0xB010]  }
0x27c: {  	v45 =	vld [tilespmem:s29+$0xB020]  }
0x27d: {  	v46 =	vld [tilespmem:s29+$0xB030]  }
0x27e: {  	v47 =	vld [tilespmem:s29+$0xB040]  }
0x27f: {  	v48 =	vld [tilespmem:s29+$0xB050];
	v3 =	vmax.f32 v43, v3  }
0x280: {  	(v2sf) =	vpush v2, $0x9;
	v49 =	vld [tilespmem:s29+$0xB060];
	[tilespmem:s29+$0xB000] =	vst v3;
	v3 =	vmax.f32 v44, v36  }
0x281: {  	v50 =	vld [tilespmem:s29+$0xB070];
	[tilespmem:s29+$0xB010] =	vst v3;
	v3 =	vmax.f32 v45, v37  }
0x282: {  	[tilespmem:s29+$0xB020] =	vst v3;
	v3 =	vmax.f32 v46, v38  }
0x283: {  	[tilespmem:s29+$0xB030] =	vst v3;
	v3 =	vmax.f32 v47, v39  }
0x284: {  	[tilespmem:s29+$0xB040] =	vst v3;
	v3 =	vmax.f32 v48, v40  }
0x285: {  	[tilespmem:s29+$0xB050] =	vst v3;
	v3 =	vmax.f32 v49, v41  }
0x286: {  	[tilespmem:s29+$0xB060] =	vst v3;
	v3 =	vmax.f32 v50, v42  }
0x287: {  	[tilespmem:s29+$0xB070] =	vst v3  }
0x288: {  	v3 =	vld [tilespmem:s24+$0x80]  }
0x289: {  	v51 =	vld [tilespmem:s24+$0x90]  }
0x28a: {  	v52 =	vld [tilespmem:s24+$0xA0]  }
0x28b: {  	v53 =	vld [tilespmem:s24+$0xB0]  }
0x28c: {  	v54 =	vld [tilespmem:s24+$0xC0]  }
0x28d: {  	v55 =	vld [tilespmem:s24+$0xD0]  }
0x28e: {  	v56 =	vld [tilespmem:s24+$0xE0]  }
0x28f: {  	s30 =	spop (v2sf);
	v57 =	vld [tilespmem:s24+$0xF0]  }
0x290: {  	v58 =	vld [tilespmem:s30+$0xB000]  }
0x291: {  	v59 =	vld [tilespmem:s30+$0xB010]  }
0x292: {  	v60 =	vld [tilespmem:s30+$0xB020]  }
0x293: {  	v61 =	vld [tilespmem:s30+$0xB030]  }
0x294: {  	v62 =	vld [tilespmem:s30+$0xB040]  }
0x295: {  	v63 =	vld [tilespmem:s30+$0xB050];
	v3 =	vmax.f32 v58, v3  }
0x296: {  	(v2sf) =	vpush v2, $0xA;
	v19 =	vld [tilespmem:s30+$0xB060];
	[tilespmem:s30+$0xB000] =	vst v3;
	v3 =	vmax.f32 v59, v51  }
0x297: {  	v20 =	vld [tilespmem:s30+$0xB070];
	[tilespmem:s30+$0xB010] =	vst v3;
	v3 =	vmax.f32 v60, v52  }
0x298: {  	[tilespmem:s30+$0xB020] =	vst v3;
	v3 =	vmax.f32 v61, v53  }
0x299: {  	[tilespmem:s30+$0xB030] =	vst v3;
	v3 =	vmax.f32 v62, v54  }
0x29a: {  	[tilespmem:s30+$0xB040] =	vst v3;
	v3 =	vmax.f32 v63, v55  }
0x29b: {  	[tilespmem:s30+$0xB050] =	vst v3;
	v3 =	vmax.f32 v19, v56  }
0x29c: {  	[tilespmem:s30+$0xB060] =	vst v3;
	v3 =	vmax.f32 v20, v57  }
0x29d: {  	[tilespmem:s30+$0xB070] =	vst v3  }
0x29e: {  	v3 =	vld [tilespmem:s24+$0x100]  }
0x29f: {  	v21 =	vld [tilespmem:s24+$0x110]  }
0x2a0: {  	v22 =	vld [tilespmem:s24+$0x120]  }
0x2a1: {  	v23 =	vld [tilespmem:s24+$0x130]  }
0x2a2: {  	v24 =	vld [tilespmem:s24+$0x140]  }
0x2a3: {  	v25 =	vld [tilespmem:s24+$0x150]  }
0x2a4: {  	v26 =	vld [tilespmem:s24+$0x160]  }
0x2a5: {  	s31 =	spop (v2sf);
	v27 =	vld [tilespmem:s24+$0x170]  }
0x2a6: {  	v28 =	vld [tilespmem:s31+$0xB000]  }
0x2a7: {  	v29 =	vld [tilespmem:s31+$0xB010]  }
0x2a8: {  	v30 =	vld [tilespmem:s31+$0xB020]  }
0x2a9: {  	v31 =	vld [tilespmem:s31+$0xB030]  }
0x2aa: {  	v32 =	vld [tilespmem:s31+$0xB040]  }
0x2ab: {  	v33 =	vld [tilespmem:s31+$0xB050];
	v3 =	vmax.f32 v28, v3  }
0x2ac: {  	(v2sf) =	vpush v2, $0xB;
	v34 =	vld [tilespmem:s31+$0xB060];
	[tilespmem:s31+$0xB000] =	vst v3;
	v3 =	vmax.f32 v29, v21  }
0x2ad: {  	v35 =	vld [tilespmem:s31+$0xB070];
	[tilespmem:s31+$0xB010] =	vst v3;
	v3 =	vmax.f32 v30, v22  }
0x2ae: {  	[tilespmem:s31+$0xB020] =	vst v3;
	v3 =	vmax.f32 v31, v23  }
0x2af: {  	[tilespmem:s31+$0xB030] =	vst v3;
	v3 =	vmax.f32 v32, v24  }
0x2b0: {  	[tilespmem:s31+$0xB040] =	vst v3;
	v3 =	vmax.f32 v33, v25  }
0x2b1: {  	[tilespmem:s31+$0xB050] =	vst v3;
	v3 =	vmax.f32 v34, v26  }
0x2b2: {  	[tilespmem:s31+$0xB060] =	vst v3;
	v3 =	vmax.f32 v35, v27  }
0x2b3: {  	[tilespmem:s31+$0xB070] =	vst v3  }
0x2b4: {  	v3 =	vld [tilespmem:s24+$0x180]  }
0x2b5: {  	v36 =	vld [tilespmem:s24+$0x190]  }
0x2b6: {  	v37 =	vld [tilespmem:s24+$0x1A0]  }
0x2b7: {  	v38 =	vld [tilespmem:s24+$0x1B0]  }
0x2b8: {  	v39 =	vld [tilespmem:s24+$0x1C0]  }
0x2b9: {  	v40 =	vld [tilespmem:s24+$0x1D0]  }
0x2ba: {  	v41 =	vld [tilespmem:s24+$0x1E0]  }
0x2bb: {  	s26 =	spop (v2sf);
	v42 =	vld [tilespmem:s24+$0x1F0]  }
0x2bc: {  	v43 =	vld [tilespmem:s26+$0xB000]  }
0x2bd: {  	v44 =	vld [tilespmem:s26+$0xB010]  }
0x2be: {  	v45 =	vld [tilespmem:s26+$0xB020]  }
0x2bf: {  	v46 =	vld [tilespmem:s26+$0xB030]  }
0x2c0: {  	v47 =	vld [tilespmem:s26+$0xB040]  }
0x2c1: {  	v48 =	vld [tilespmem:s26+$0xB050];
	v3 =	vmax.f32 v43, v3  }
0x2c2: {  	(v2sf) =	vpush v2, $0xC;
	v49 =	vld [tilespmem:s26+$0xB060];
	[tilespmem:s26+$0xB000] =	vst v3;
	v3 =	vmax.f32 v44, v36  }
0x2c3: {  	v50 =	vld [tilespmem:s26+$0xB070];
	[tilespmem:s26+$0xB010] =	vst v3;
	v3 =	vmax.f32 v45, v37  }
0x2c4: {  	[tilespmem:s26+$0xB020] =	vst v3;
	v3 =	vmax.f32 v46, v38  }
0x2c5: {  	[tilespmem:s26+$0xB030] =	vst v3;
	v3 =	vmax.f32 v47, v39  }
0x2c6: {  	[tilespmem:s26+$0xB040] =	vst v3;
	v3 =	vmax.f32 v48, v40  }
0x2c7: {  	[tilespmem:s26+$0xB050] =	vst v3;
	v3 =	vmax.f32 v49, v41  }
0x2c8: {  	[tilespmem:s26+$0xB060] =	vst v3;
	v3 =	vmax.f32 v50, v42  }
0x2c9: {  	[tilespmem:s26+$0xB070] =	vst v3  }
0x2ca: {  	v3 =	vld [tilespmem:s24+$0x200]  }
0x2cb: {  	v51 =	vld [tilespmem:s24+$0x210]  }
0x2cc: {  	v52 =	vld [tilespmem:s24+$0x220]  }
0x2cd: {  	v53 =	vld [tilespmem:s24+$0x230]  }
0x2ce: {  	v54 =	vld [tilespmem:s24+$0x240]  }
0x2cf: {  	v55 =	vld [tilespmem:s24+$0x250]  }
0x2d0: {  	v56 =	vld [tilespmem:s24+$0x260]  }
0x2d1: {  	s28 =	spop (v2sf);
	v57 =	vld [tilespmem:s24+$0x270]  }
0x2d2: {  	v58 =	vld [tilespmem:s28+$0xB000]  }
0x2d3: {  	v59 =	vld [tilespmem:s28+$0xB010]  }
0x2d4: {  	v60 =	vld [tilespmem:s28+$0xB020]  }
0x2d5: {  	v61 =	vld [tilespmem:s28+$0xB030]  }
0x2d6: {  	v62 =	vld [tilespmem:s28+$0xB040]  }
0x2d7: {  	v63 =	vld [tilespmem:s28+$0xB050];
	v3 =	vmax.f32 v58, v3  }
0x2d8: {  	(v2sf) =	vpush v2, $0xD;
	v20 =	vld [tilespmem:s28+$0xB060];
	[tilespmem:s28+$0xB000] =	vst v3;
	v3 =	vmax.f32 v59, v51  }
0x2d9: {  	v21 =	vld [tilespmem:s28+$0xB070];
	[tilespmem:s28+$0xB010] =	vst v3;
	v3 =	vmax.f32 v60, v52  }
0x2da: {  	[tilespmem:s28+$0xB020] =	vst v3;
	v3 =	vmax.f32 v61, v53  }
0x2db: {  	[tilespmem:s28+$0xB030] =	vst v3;
	v3 =	vmax.f32 v62, v54  }
0x2dc: {  	[tilespmem:s28+$0xB040] =	vst v3;
	v3 =	vmax.f32 v63, v55  }
0x2dd: {  	[tilespmem:s28+$0xB050] =	vst v3;
	v3 =	vmax.f32 v20, v56  }
0x2de: {  	[tilespmem:s28+$0xB060] =	vst v3;
	v3 =	vmax.f32 v21, v57  }
0x2df: {  	[tilespmem:s28+$0xB070] =	vst v3  }
0x2e0: {  	v3 =	vld [tilespmem:s24+$0x280]  }
0x2e1: {  	v22 =	vld [tilespmem:s24+$0x290]  }
0x2e2: {  	v23 =	vld [tilespmem:s24+$0x2A0]  }
0x2e3: {  	v24 =	vld [tilespmem:s24+$0x2B0]  }
0x2e4: {  	v25 =	vld [tilespmem:s24+$0x2C0]  }
0x2e5: {  	v26 =	vld [tilespmem:s24+$0x2D0]  }
0x2e6: {  	v27 =	vld [tilespmem:s24+$0x2E0]  }
0x2e7: {  	s29 =	spop (v2sf);
	v28 =	vld [tilespmem:s24+$0x2F0]  }
0x2e8: {  	v29 =	vld [tilespmem:s29+$0xB000]  }
0x2e9: {  	v30 =	vld [tilespmem:s29+$0xB010]  }
0x2ea: {  	v31 =	vld [tilespmem:s29+$0xB020]  }
0x2eb: {  	v32 =	vld [tilespmem:s29+$0xB030]  }
0x2ec: {  	v33 =	vld [tilespmem:s29+$0xB040]  }
0x2ed: {  	v34 =	vld [tilespmem:s29+$0xB050];
	v3 =	vmax.f32 v29, v3  }
0x2ee: {  	(v2sf) =	vpush v2, $0xE;
	v35 =	vld [tilespmem:s29+$0xB060];
	[tilespmem:s29+$0xB000] =	vst v3;
	v3 =	vmax.f32 v30, v22  }
0x2ef: {  	v36 =	vld [tilespmem:s29+$0xB070];
	[tilespmem:s29+$0xB010] =	vst v3;
	v3 =	vmax.f32 v31, v23  }
0x2f0: {  	[tilespmem:s29+$0xB020] =	vst v3;
	v3 =	vmax.f32 v32, v24  }
0x2f1: {  	[tilespmem:s29+$0xB030] =	vst v3;
	v3 =	vmax.f32 v33, v25  }
0x2f2: {  	[tilespmem:s29+$0xB040] =	vst v3;
	v3 =	vmax.f32 v34, v26  }
0x2f3: {  	[tilespmem:s29+$0xB050] =	vst v3;
	v3 =	vmax.f32 v35, v27  }
0x2f4: {  	[tilespmem:s29+$0xB060] =	vst v3;
	v3 =	vmax.f32 v36, v28  }
0x2f5: {  	[tilespmem:s29+$0xB070] =	vst v3  }
0x2f6: {  	v3 =	vld [tilespmem:s24+$0x300]  }
0x2f7: {  	v37 =	vld [tilespmem:s24+$0x310]  }
0x2f8: {  	v38 =	vld [tilespmem:s24+$0x320]  }
0x2f9: {  	v39 =	vld [tilespmem:s24+$0x330]  }
0x2fa: {  	v40 =	vld [tilespmem:s24+$0x340]  }
0x2fb: {  	v41 =	vld [tilespmem:s24+$0x350]  }
0x2fc: {  	v42 =	vld [tilespmem:s24+$0x360]  }
0x2fd: {  	s30 =	spop (v2sf);
	v43 =	vld [tilespmem:s24+$0x370]  }
0x2fe: {  	v44 =	vld [tilespmem:s30+$0xB000]  }
0x2ff: {  	(v2sf) =	vpush v2, $0xF;
	v2 =	vld [tilespmem:s30+$0xB070]  }
0x300: {  	v45 =	vld [tilespmem:s30+$0xB010]  }
0x301: {  	v46 =	vld [tilespmem:s30+$0xB020]  }
0x302: {  	v47 =	vld [tilespmem:s30+$0xB030]  }
0x303: {  	v48 =	vld [tilespmem:s30+$0xB040];
	v3 =	vmax.f32 v44, v3  }
0x304: {  	v49 =	vld [tilespmem:s30+$0xB050];
	v2 =	vmax.f32 v2, v43;
	[tilespmem:s30+$0xB000] =	vst v3  }
0x305: {  	v50 =	vld [tilespmem:s30+$0xB060];
	v3 =	vmax.f32 v45, v37;
	[tilespmem:s30+$0xB070] =	vst v2  }
0x306: {  	[tilespmem:s30+$0xB010] =	vst v3;
	v3 =	vmax.f32 v46, v38  }
0x307: {  	[tilespmem:s30+$0xB020] =	vst v3;
	v3 =	vmax.f32 v47, v39  }
0x308: {  	[tilespmem:s30+$0xB030] =	vst v3;
	v3 =	vmax.f32 v48, v40  }
0x309: {  	[tilespmem:s30+$0xB040] =	vst v3;
	v3 =	vmax.f32 v49, v41  }
0x30a: {  	[tilespmem:s30+$0xB050] =	vst v3;
	v3 =	vmax.f32 v50, v42  }
0x30b: {  	[tilespmem:s30+$0xB060] =	vst v3  }
0x30c: {  	v2 =	vld [tilespmem:s24+$0x380]  }
0x30d: {  	v3 =	vld [tilespmem:s24+$0x390]  }
0x30e: {  	v51 =	vld [tilespmem:s24+$0x3A0]  }
0x30f: {  	v52 =	vld [tilespmem:s24+$0x3B0]  }
0x310: {  	v53 =	vld [tilespmem:s24+$0x3C0]  }
0x311: {  	v54 =	vld [tilespmem:s24+$0x3D0]  }
0x312: {  	v55 =	vld [tilespmem:s24+$0x3E0]  }
0x313: {  	v56 =	vld [tilespmem:s24+$0x3F0];
	s31 =	spop (v2sf)  }
0x314: {  	v57 =	vld [tilespmem:s31+$0xB000]  }
0x315: {  	v58 =	vld [tilespmem:s31+$0xB010]  }
0x316: {  	v59 =	vld [tilespmem:s31+$0xB020]  }
0x317: {  	v60 =	vld [tilespmem:s31+$0xB030]  }
0x318: {  	v61 =	vld [tilespmem:s31+$0xB040]  }
0x319: {  	v62 =	vld [tilespmem:s31+$0xB050];
	v2 =	vmax.f32 v57, v2  }
0x31a: {  	v63 =	vld [tilespmem:s31+$0xB060];
	[tilespmem:s31+$0xB000] =	vst v2;
	v2 =	vmax.f32 v58, v3  }
0x31b: {  	v3 =	vld [tilespmem:s31+$0xB070];
	[tilespmem:s31+$0xB010] =	vst v2;
	v2 =	vmax.f32 v59, v51  }
0x31c: {  	p1 =	sne.s32 s23, $0x1C0;
	[tilespmem:s31+$0xB020] =	vst v2;
	v2 =	vmax.f32 v60, v52  }
.Ltmp4:
0x31d: {  	[tilespmem:s31+$0xB030] =	vst v2;
	v2 =	vmax.f32 v61, v53;
	(pc) =	sbr.rel @p1 .LBB2_7-.Ltmp4, $4  }
0x31e: {  	[tilespmem:s31+$0xB040] =	vst v2;
	v2 =	vmax.f32 v62, v54  }
0x31f: {  	[tilespmem:s31+$0xB050] =	vst v2;
	v2 =	vmax.f32 v63, v55  }
0x320: {  	[tilespmem:s31+$0xB060] =	vst v2;
	v2 =	vmax.f32 v3, v56  }
0x321: {  	s23 =	sadd.s32 $0x40, s23;
	s24 =	sadd.s32 $0x800, s24;
	[tilespmem:s31+$0xB070] =	vst v2  }
.Ltmp5:
0x322: {  	(pc) =	sbr.rel @p0 .LBB2_10-.Ltmp5, $1  }
0x323: {  	_ =	sdelay $0x3  }
.Ltmp6:
0x324: {  	(pc) =	sbr.rel .LBB2_4-.Ltmp6, $4  }
0x325: {  	_ = 	snop  }
0x326: {  	s22 =	sadd.s32 s22, s7  }
0x327: {  	s21 =	sadd.s32 $0x1, s21;
	s19 =	sadd.s32 $0x100, s19;
	s20 =	sadd.s32 $0x100, s20  }
0x328: {  	[tilespmem:s14], [sflag:$0x2] =	stream.linear.gather [hbm4b:s22+s2], $0x4000, $0x38;
	[tilespmem:$0x1B000] =	vst v63  }
.LBB2_11:
0x329: {  	_ =	sfence.sel $0x180000  }
0x32a: {  	[bflag:$0x0] =	sbarrier.arrive $0xFFFF  }
0x32b: {  	p0 =	sne.s32 s0, $0x0;
	_ =	strace $0x90000047  }
0x32c: {  	s0 =	sadd.s32 @!p0 $0x100000, s1;
	[bflag:$0x2] =	sbarrier.arrive $0xFFFF  }
0x32d: {  	[sflag:s0] =	ssyncadd.tile.s32 @!p0 $0x1;
	_ =	shalt  }
.Lfunc_end2:
_tile_overlayer_lowered:
.L_overlay_start_2:
0x32e: {  	(tag) =	ssettag $0x2  }
0x32f: {  	s0 =	rddreg [dreg:$0x0];
	s2 =	stileid.u32  }
0x330: {  	s1 =	rddreg [dreg:$0x1];
	p0 =	sne.s32 s2, $0x0  }
0x331: {  	s3 =	rddreg [dreg:$0x2];
	[bflag:$0x3] =	sbarrier.arrive $0xFFFF;
	s2 =	simm.s32 @!p0 $0x1C03  }
0x332: {  	[timem:s3], [sflag:s2] =	dma.local @!p0 [hbm:s0], s1  }
0x333: {  	s0 =	simm.s32 @!p0 $0x3  }
0x334: {  	_ =	swait.ge @!p0 [sflag:s0], s1  }
0x335: {  	s1 =	ssub.s32 @!p0 $0x0, s1;
	[sflag:s0] =	ssyncset.done @!p0 $0x0  }
0x336: {  	[sflag:s0] =	ssyncadd.s32 @!p0 s1  }
0x337: {  	[bflag:$0x3] =	sbarrier.arrive $0xFFFF  }
0x338: {  	_ =	shalt  }

</sc_bundles>
